<compile_context>
chip_gen: v7x
topology: tpu7x:2x2x1
jax: 0.10.2.dev20260603
libtpu: 0.0.44.dev20260713+nightly
codegen_flags: <defaults>
</compile_context>

<pallas_src>
import functools

import jax
import jax.numpy as jnp
from jax import lax
from jax.experimental import pallas as pl
from jax.experimental.pallas import tpu as pltpu
from jax.experimental.pallas import tpu_sc as plsc

NC = 2
NS = 16
NW = NC * NS
C = 128
D = 64
TD = 128

NROW = 10240
ROWS_PER_TILE = NROW // NS
DUMMY = 10200


def _sc_mesh():
    return plsc.VectorSubcoreMesh(core_axis_name="c", subcore_axis_name="s",
                                  num_cores=NC, num_subcores=NS)


_SC_PARAMS = pltpu.CompilerParams(use_tc_tiling_on_sc=False)


def _deg_kernel(nch):

    @functools.partial(
        pl.kernel,
        out_type=jax.ShapeDtypeStruct((NC, NROW, 16), jnp.float32),
        mesh=_sc_mesh(),
        compiler_params=_SC_PARAMS,
        scratch_types=[
            pltpu.VMEM((nch, C), jnp.int32),
            pltpu.VMEM((C, 16), jnp.float32),
            pltpu.VMEM_SHARED((NROW, 16), jnp.float32),
        ],
    )
    def k(dst_hbm, ones_hbm, zeros_hbm, out_hbm, dst_v, ones_v, acc):
        c = lax.axis_index("c")
        s = lax.axis_index("s")
        wid = c * NS + s
        pltpu.sync_copy(dst_hbm.at[wid], dst_v)
        pltpu.sync_copy(ones_hbm, ones_v)
        r0 = s * ROWS_PER_TILE
        pltpu.sync_copy(zeros_hbm.at[pl.ds(r0, ROWS_PER_TILE)],
                        acc.at[pl.ds(r0, ROWS_PER_TILE)])
        plsc.subcore_barrier()

        def body(j):
            pltpu.sync_copy(ones_v, acc.at[dst_v.at[j]], add=True)

        pl.loop(0, nch)(body)
        plsc.subcore_barrier()
        pltpu.sync_copy(acc.at[pl.ds(r0, ROWS_PER_TILE)],
                        out_hbm.at[c, pl.ds(r0, ROWS_PER_TILE)])

    return k


def _ring_pipeline(nch, g_issue, g_wait, s_issue, s_wait):
    g_wait(0, 0); s_issue(0, 0); g_issue(2, 2)
    g_wait(1, 1); s_issue(1, 1); g_issue(3, 3)
    g_wait(2, 2); s_issue(2, 2); s_wait(0, 0); g_issue(4, 0)
    g_wait(3, 3); s_issue(3, 3); s_wait(1, 1); g_issue(5, 1)

    def body(j0):
        for b in range(4):
            j = j0 + b
            nb = (b + 2) % 4
            g_wait(j, b)
            s_issue(j, b)

            @pl.when(j + 2 < nch)
            def _():
                s_wait(j - 2, nb)
                g_issue(j + 2, nb)

    pl.loop(4, nch, step=4)(body)
    for b in range(4):
        s_wait(nch - 4 + b, b)


def _scatter_narrow(nch):

    @functools.partial(
        pl.kernel,
        out_type=jax.ShapeDtypeStruct((NC, NROW, D), jnp.float32),
        mesh=_sc_mesh(),
        compiler_params=_SC_PARAMS,
        scratch_types=[
            pltpu.VMEM((nch, C), jnp.int32),
            pltpu.VMEM((nch, C), jnp.int32),
            pltpu.VMEM((4, C, D), jnp.float32),
            pltpu.VMEM_SHARED((NROW, D), jnp.float32),
            [pltpu.SemaphoreType.DMA] * 4,
            [pltpu.SemaphoreType.DMA] * 4,
        ],
    )
    def k(hs_hbm, src_hbm, dst_hbm, zeros_hbm, out_hbm,
          src_v, dst_v, rows, acc, gsem, ssem):
        c = lax.axis_index("c")
        s = lax.axis_index("s")
        wid = c * NS + s
        pltpu.sync_copy(src_hbm.at[wid], src_v)
        pltpu.sync_copy(dst_hbm.at[wid], dst_v)

        def g_issue(j, b):
            pltpu.async_copy(hs_hbm.at[src_v.at[j]], rows.at[b], gsem[b])

        def g_wait(j, b):
            pltpu.make_async_copy(hs_hbm.at[src_v.at[j]], rows.at[b],
                                  gsem[b]).wait()

        def s_issue(j, b):
            pltpu.async_copy(rows.at[b], acc.at[dst_v.at[j]], ssem[b],
                             add=True)

        def s_wait(j, b):
            pltpu.make_async_copy(rows.at[b], acc.at[dst_v.at[j]],
                                  ssem[b]).wait()

        g_issue(0, 0)
        g_issue(1, 1)
        r0 = s * ROWS_PER_TILE
        pltpu.sync_copy(zeros_hbm.at[pl.ds(r0, ROWS_PER_TILE)],
                        acc.at[pl.ds(r0, ROWS_PER_TILE)])
        plsc.subcore_barrier()
        _ring_pipeline(nch, g_issue, g_wait, s_issue, s_wait)
        plsc.subcore_barrier()
        pltpu.sync_copy(acc.at[pl.ds(r0, ROWS_PER_TILE)],
                        out_hbm.at[c, pl.ds(r0, ROWS_PER_TILE)])

    return k


_BR = 1280
_GRID = (NROW // _BR,)
_row = lambda i: (i, 0)
_rep = lambda i: (0, 0)


def _tc_head(dp, x, w1):
    def body(dp0_r, dp1_r, x_r, w_r, dis_r, ha_r, hb_r):
        deg = dp0_r[:, :1] + dp1_r[:, :1] + 1.0
        dis = lax.rsqrt(deg)
        dis_r[...] = dis
        ha_r[...] = dis * jnp.dot(x_r[...], w_r[:, :D],
                                  preferred_element_type=jnp.float32)
        hb_r[...] = dis * jnp.dot(x_r[...], w_r[:, D:],
                                  preferred_element_type=jnp.float32)

    return pl.pallas_call(
        body,
        grid=_GRID,
        in_specs=[
            pl.BlockSpec((_BR, 16), _row),
            pl.BlockSpec((_BR, 16), _row),
            pl.BlockSpec((_BR, TD), _row),
            pl.BlockSpec(w1.shape, _rep),
        ],
        out_specs=[
            pl.BlockSpec((_BR, 1), _row),
            pl.BlockSpec((_BR, D), _row),
            pl.BlockSpec((_BR, D), _row),
        ],
        out_shape=[
            jax.ShapeDtypeStruct((NROW, 1), jnp.float32),
            jax.ShapeDtypeStruct((NROW, D), jnp.float32),
            jax.ShapeDtypeStruct((NROW, D), jnp.float32),
        ],
    )(dp[0], dp[1], x, w1)


def _tc_mid1(pa, pb, hsa, hsb, dis, b, w):
    def body(pa0_r, pa1_r, pb0_r, pb1_r, hsa_r, hsb_r, dis_r, b_r, w_r, o_r):
        dis = dis_r[...]
        ta = jnp.maximum(dis * (pa0_r[...] + pa1_r[...] + hsa_r[...])
                         + b_r[:, :D], 0.0)
        tb = jnp.maximum(dis * (pb0_r[...] + pb1_r[...] + hsb_r[...])
                         + b_r[:, D:], 0.0)
        o_r[...] = dis * (jnp.dot(ta, w_r[:D],
                                  preferred_element_type=jnp.float32)
                          + jnp.dot(tb, w_r[D:],
                                    preferred_element_type=jnp.float32))

    return pl.pallas_call(
        body,
        grid=_GRID,
        in_specs=[
            pl.BlockSpec((_BR, D), _row),
            pl.BlockSpec((_BR, D), _row),
            pl.BlockSpec((_BR, D), _row),
            pl.BlockSpec((_BR, D), _row),
            pl.BlockSpec((_BR, D), _row),
            pl.BlockSpec((_BR, D), _row),
            pl.BlockSpec((_BR, 1), _row),
            pl.BlockSpec((1, TD), _rep),
            pl.BlockSpec(w.shape, _rep),
        ],
        out_specs=pl.BlockSpec((_BR, D), _row),
        out_shape=jax.ShapeDtypeStruct((NROW, D), jnp.float32),
    )(pa[0], pa[1], pb[0], pb[1], hsa, hsb, dis, b, w)


def _tc_mid2(p, hs, dis, b, w):
    def body(p0_r, p1_r, hs_r, dis_r, b_r, w_r, oa_r, ob_r):
        dis = dis_r[...]
        t = dis * (p0_r[...] + p1_r[...] + hs_r[...]) + b_r[...]
        t = jnp.maximum(t, 0.0)
        oa_r[...] = dis * jnp.dot(t, w_r[:, :D],
                                  preferred_element_type=jnp.float32)
        ob_r[...] = dis * jnp.dot(t, w_r[:, D:],
                                  preferred_element_type=jnp.float32)

    return pl.pallas_call(
        body,
        grid=_GRID,
        in_specs=[
            pl.BlockSpec((_BR, D), _row),
            pl.BlockSpec((_BR, D), _row),
            pl.BlockSpec((_BR, D), _row),
            pl.BlockSpec((_BR, 1), _row),
            pl.BlockSpec((1, D), _rep),
            pl.BlockSpec(w.shape, _rep),
        ],
        out_specs=[
            pl.BlockSpec((_BR, D), _row),
            pl.BlockSpec((_BR, D), _row),
        ],
        out_shape=[
            jax.ShapeDtypeStruct((NROW, D), jnp.float32),
            jax.ShapeDtypeStruct((NROW, D), jnp.float32),
        ],
    )(p[0], p[1], hs, dis, b, w)


def _tc_tail(pa, pb, hsa, hsb, dis, b):
    def body(pa0_r, pa1_r, pb0_r, pb1_r, hsa_r, hsb_r, dis_r, b_r, o_r):
        dis = dis_r[...]
        o_r[:, :D] = dis * (pa0_r[...] + pa1_r[...] + hsa_r[...]) + b_r[:, :D]
        o_r[:, D:] = dis * (pb0_r[...] + pb1_r[...] + hsb_r[...]) + b_r[:, D:]

    return pl.pallas_call(
        body,
        grid=_GRID,
        in_specs=[
            pl.BlockSpec((_BR, D), _row),
            pl.BlockSpec((_BR, D), _row),
            pl.BlockSpec((_BR, D), _row),
            pl.BlockSpec((_BR, D), _row),
            pl.BlockSpec((_BR, D), _row),
            pl.BlockSpec((_BR, D), _row),
            pl.BlockSpec((_BR, 1), _row),
            pl.BlockSpec((1, TD), _rep),
        ],
        out_specs=pl.BlockSpec((_BR, TD), _row),
        out_shape=jax.ShapeDtypeStruct((NROW, TD), jnp.float32),
    )(pa[0], pa[1], pb[0], pb[1], hsa, hsb, dis, b)


def kernel(x, edge_index, W1, b1, W2, b2, W3, b3):
    n, _ = x.shape
    e = edge_index.shape[1]
    blk = NW * C * 4
    ep = max(-(-e // blk) * blk, blk * 2)
    nch = ep // (NW * C)

    pad = ep - e
    padv = jnp.full((pad,), DUMMY, jnp.int32)
    src_f = jnp.concatenate([edge_index[0], padv])
    dst_f = jnp.concatenate([edge_index[1], padv])
    src_n = src_f.reshape(NW, nch, C)
    dst_n = dst_f.reshape(NW, nch, C)

    x_p = jnp.pad(x, ((0, NROW - n), (0, 0)))
    ones16 = jnp.ones((C, 16), jnp.float32)
    zeros16 = jnp.zeros((NROW, 16), jnp.float32)
    zerosD = jnp.zeros((NROW, D), jnp.float32)

    scat = _scatter_narrow(nch)

    degp = _deg_kernel(nch)(dst_n, ones16, zeros16)
    dis, hs1a, hs1b = _tc_head(degp, x_p, W1)

    acc1a = scat(hs1a, src_n, dst_n, zerosD)
    acc1b = scat(hs1b, src_n, dst_n, zerosD)
    hs2 = _tc_mid1(acc1a, acc1b, hs1a, hs1b, dis, b1.reshape(1, -1), W2)

    acc2 = scat(hs2, src_n, dst_n, zerosD)
    hs3a, hs3b = _tc_mid2(acc2, hs2, dis, b2.reshape(1, -1), W3)

    acc3a = scat(hs3a, src_n, dst_n, zerosD)
    acc3b = scat(hs3b, src_n, dst_n, zerosD)
    out = _tc_tail(acc3a, acc3b, hs3a, hs3b, dis, b3.reshape(1, -1))
    return out[:n]

# --- scband reference (transcript-rebuilt; emitter-appended) ---
"""Pipeline reference for scband-gae-87806311399664 (READ-ONLY COPY).

The authoritative reference and input builder live on the scoring server;
editing this copy changes nothing except your own understanding.
"""

import jax, jax.numpy as jnp
import numpy as np

N = 10000
E = 320000
D_IN = 128
D_OUT = 64


def _glorot(key, fan_in, fan_out):
    scale = jnp.sqrt(2.0 / (fan_in + fan_out))
    return jax.random.normal(key, (fan_in, fan_out), dtype=jnp.float32) * scale


def setup_inputs(seed: int = 0) -> dict:
    key = jax.random.key(seed)
    ks = jax.random.split(key, 8)
    x = jax.random.normal(ks[0], (N, D_IN), dtype=jnp.float32)
    edge_index = jax.random.randint(ks[1], (2, E), 0, N).astype(jnp.int32)
    W1 = _glorot(ks[2], D_IN, 2 * D_OUT)
    b1 = jnp.zeros((2 * D_OUT,), dtype=jnp.float32)
    W2 = _glorot(ks[3], 2 * D_OUT, D_OUT)
    b2 = jnp.zeros((D_OUT,), dtype=jnp.float32)
    W3 = _glorot(ks[4], D_OUT, D_IN)
    b3 = jnp.zeros((D_IN,), dtype=jnp.float32)
    return {"x": x, "edge_index": edge_index, "W1": W1, "b1": b1, "W2": W2, "b2": b2, "W3": W3, "b3": b3}


def _gcn_conv(x, edge_index, W, b):
    # GCNConv: x' = D^{-1/2} (A + I) D^{-1/2} X W + b
    n = x.shape[0]
    src = edge_index[0]
    dst = edge_index[1]
    loop = jnp.arange(n, dtype=src.dtype)
    src = jnp.concatenate([src, loop])
    dst = jnp.concatenate([dst, loop])
    deg = jnp.zeros((n,), dtype=jnp.float32).at[dst].add(1.0)
    deg_inv_sqrt = jnp.where(deg > 0, 1.0 / jnp.sqrt(deg), 0.0)
    norm = deg_inv_sqrt[src] * deg_inv_sqrt[dst]
    h = x @ W
    msg = h[src] * norm[:, None]
    out = jnp.zeros((n, W.shape[1]), dtype=jnp.float32).at[dst].add(msg)
    return out + b


def reference(x, edge_index, W1, b1, W2, b2, W3, b3):
    h = _gcn_conv(x, edge_index, W1, b1)
    h = jax.nn.relu(h)
    h = _gcn_conv(h, edge_index, W2, b2)
    h = jax.nn.relu(h)
    out = _gcn_conv(h, edge_index, W3, b3)
    return out

if __name__ == "__main__":
    import jax
    _d = setup_inputs()
    print(jax.jit(kernel)(*tuple(_d.values())))

</pallas_src>

<mosaic_0001>
#map = affine_map<(d0, d1) -> (0, 0, 0)>
#map1 = affine_map<(d0, d1) -> (0, 0)>
module attributes {stable_mosaic.version = 14 : i64} {
  func.func @k(%arg0: i32, %arg1: i32, %arg2: memref<32x80x128xi32, #tpu.memory_space<hbm>>, %arg3: memref<128x16xf32, #tpu.memory_space<hbm>>, %arg4: memref<10240x16xf32, #tpu.memory_space<hbm>>, %arg5: memref<2x10240x16xf32, #tpu.memory_space<hbm>>, %arg6: memref<80x128xi32, #tpu.memory_space<vmem>>, %arg7: memref<128x16xf32, #tpu.memory_space<vmem>>, %arg8: memref<10240x16xf32, #tpu.memory_space<vmem_shared>>) attributes {dimension_semantics = [#tpu.dimension_semantics<core_parallel>, #tpu.dimension_semantics<subcore_parallel>], iteration_bounds = array<i64: 2, 16>, scalar_prefetch = 0 : i64, scratch_operands = 3 : i64, tpu.core_type = #tpu.core_type<sc_vector_subcore>, window_params = [{transform_indices = #map}, {transform_indices = #map1}, {transform_indices = #map1}, {transform_indices = #map}]} {
    %mul3A = arith.constant 16 : i32
    %mul3A_0 = arith.muli %arg0, %mul3A : i32
    %add3A = arith.addi %mul3A_0, %arg1 : i32
    "tpu.region"() ({
      %run_scoped3A = tpu.sem_alloc : memref<!tpu.dma_semaphore, #tpu.memory_space<semaphore_mem>>
      %dma_start3A = arith.constant 0 : i32
      %dma_start3A_8 = arith.constant 0 : i32
      %dma_start3A_9 = tpu.memref_slice %arg2[%add3A, %dma_start3A, %dma_start3A_8] : memref<32x80x128xi32, #tpu.memory_space<hbm>> -> memref<1x80x128xi32, #tpu.memory_space<hbm>>
      %dma_start3A_10 = tpu.memref_squeeze %dma_start3A_9 : memref<1x80x128xi32, #tpu.memory_space<hbm>> -> memref<80x128xi32, #tpu.memory_space<hbm>>
      %dma_start3A_11 = arith.constant 0 : i32
      %dma_start3A_12 = arith.constant 0 : i32
      %dma_start3A_13 = tpu.memref_slice %arg2[%add3A, %dma_start3A_11, %dma_start3A_12] : memref<32x80x128xi32, #tpu.memory_space<hbm>> -> memref<1x80x128xi32, #tpu.memory_space<hbm>>
      %dma_start3A_14 = tpu.memref_squeeze %dma_start3A_13 : memref<1x80x128xi32, #tpu.memory_space<hbm>> -> memref<80x128xi32, #tpu.memory_space<hbm>>
      tpu.enqueue_dma source(%dma_start3A_14 : memref<80x128xi32, #tpu.memory_space<hbm>>) target(%arg6 : memref<80x128xi32, #tpu.memory_space<vmem>>) target_semaphore(%run_scoped3A : memref<!tpu.dma_semaphore, #tpu.memory_space<semaphore_mem>>)
      %dma_wait3A = arith.constant 0 : i32
      %dma_wait3A_15 = arith.constant 0 : i32
      %dma_wait3A_16 = tpu.memref_slice %arg2[%add3A, %dma_wait3A, %dma_wait3A_15] : memref<32x80x128xi32, #tpu.memory_space<hbm>> -> memref<1x80x128xi32, #tpu.memory_space<hbm>>
      %dma_wait3A_17 = tpu.memref_squeeze %dma_wait3A_16 : memref<1x80x128xi32, #tpu.memory_space<hbm>> -> memref<80x128xi32, #tpu.memory_space<hbm>>
      %dma_wait3A_18 = arith.constant 0 : i32
      %dma_wait3A_19 = arith.constant 0 : i32
      %dma_wait3A_20 = tpu.memref_slice %arg2[%add3A, %dma_wait3A_18, %dma_wait3A_19] : memref<32x80x128xi32, #tpu.memory_space<hbm>> -> memref<1x80x128xi32, #tpu.memory_space<hbm>>
      %dma_wait3A_21 = tpu.memref_squeeze %dma_wait3A_20 : memref<1x80x128xi32, #tpu.memory_space<hbm>> -> memref<80x128xi32, #tpu.memory_space<hbm>>
      tpu.wait_dma2 semaphore(%run_scoped3A : memref<!tpu.dma_semaphore, #tpu.memory_space<semaphore_mem>>) src(%dma_wait3A_21 : memref<80x128xi32, #tpu.memory_space<hbm>>) dst(%arg6 : memref<80x128xi32, #tpu.memory_space<vmem>>)
      tpu.yield
    }) : () -> ()
    "tpu.region"() ({
      %run_scoped3A = tpu.sem_alloc : memref<!tpu.dma_semaphore, #tpu.memory_space<semaphore_mem>>
      tpu.enqueue_dma source(%arg3 : memref<128x16xf32, #tpu.memory_space<hbm>>) target(%arg7 : memref<128x16xf32, #tpu.memory_space<vmem>>) target_semaphore(%run_scoped3A : memref<!tpu.dma_semaphore, #tpu.memory_space<semaphore_mem>>)
      tpu.wait_dma2 semaphore(%run_scoped3A : memref<!tpu.dma_semaphore, #tpu.memory_space<semaphore_mem>>) src(%arg3 : memref<128x16xf32, #tpu.memory_space<hbm>>) dst(%arg7 : memref<128x16xf32, #tpu.memory_space<vmem>>)
      tpu.yield
    }) : () -> ()
    %mul3A_1 = arith.constant 640 : i32
    %mul3A_2 = arith.muli %arg1, %mul3A_1 : i32
    "tpu.region"() ({
      %run_scoped3A = tpu.sem_alloc : memref<!tpu.dma_semaphore, #tpu.memory_space<semaphore_mem>>
      %dma_start3A = arith.constant 0 : i32
      %dma_start3A_8 = tpu.memref_slice %arg8[%mul3A_2, %dma_start3A] : memref<10240x16xf32, #tpu.memory_space<vmem_shared>> -> memref<640x16xf32, #tpu.memory_space<vmem_shared>>
      %dma_start3A_9 = arith.constant 0 : i32
      %dma_start3A_10 = tpu.memref_slice %arg4[%mul3A_2, %dma_start3A_9] : memref<10240x16xf32, #tpu.memory_space<hbm>> -> memref<640x16xf32, #tpu.memory_space<hbm>>
      tpu.enqueue_dma source(%dma_start3A_10 : memref<640x16xf32, #tpu.memory_space<hbm>>) target(%dma_start3A_8 : memref<640x16xf32, #tpu.memory_space<vmem_shared>>) target_semaphore(%run_scoped3A : memref<!tpu.dma_semaphore, #tpu.memory_space<semaphore_mem>>)
      %dma_wait3A = arith.constant 0 : i32
      %dma_wait3A_11 = tpu.memref_slice %arg8[%mul3A_2, %dma_wait3A] : memref<10240x16xf32, #tpu.memory_space<vmem_shared>> -> memref<640x16xf32, #tpu.memory_space<vmem_shared>>
      %dma_wait3A_12 = arith.constant 0 : i32
      %dma_wait3A_13 = tpu.memref_slice %arg4[%mul3A_2, %dma_wait3A_12] : memref<10240x16xf32, #tpu.memory_space<hbm>> -> memref<640x16xf32, #tpu.memory_space<hbm>>
      tpu.wait_dma2 semaphore(%run_scoped3A : memref<!tpu.dma_semaphore, #tpu.memory_space<semaphore_mem>>) src(%dma_wait3A_13 : memref<640x16xf32, #tpu.memory_space<hbm>>) dst(%dma_wait3A_11 : memref<640x16xf32, #tpu.memory_space<vmem_shared>>)
      tpu.yield
    }) : () -> ()
    %barrier3A = arith.constant 0 : index
    tpu.barrier barrier_id(%barrier3A)
    %scan3A = arith.constant 0 : i32
    %scan3A_3 = arith.constant 80 : i32
    %scan3A_4 = arith.addi %scan3A, %scan3A_3 : i32
    %scan3A_5 = arith.constant 1 : i32
    scf.for %scan3A_8 = %scan3A to %scan3A_4 step %scan3A_5  : i32 {
      %mul3A_9 = arith.constant 1 : i32
      %mul3A_10 = arith.muli %scan3A_8, %mul3A_9 : i32
      %add3A_11 = arith.constant 0 : i32
      %add3A_12 = arith.addi %add3A_11, %mul3A_10 : i32
      "tpu.region"() ({
        %run_scoped3A = tpu.sem_alloc : memref<!tpu.dma_semaphore, #tpu.memory_space<semaphore_mem>>
        %dma_start3A = arith.constant 0 : i32
        %dma_start3A_13 = tpu.memref_slice %arg6[%add3A_12, %dma_start3A] : memref<80x128xi32, #tpu.memory_space<vmem>> -> memref<1x128xi32, #tpu.memory_space<vmem>>
        %dma_start3A_14 = tpu.memref_squeeze %dma_start3A_13 : memref<1x128xi32, #tpu.memory_space<vmem>> -> memref<128xi32, #tpu.memory_space<vmem>>
        %dma_start3A_15 = arith.constant 0 : i32
        %dma_start3A_16 = arith.constant 0 : i32
        %dma_start3A_17 = tpu.memref_slice %arg8[%dma_start3A_15, %dma_start3A_16] : memref<10240x16xf32, #tpu.memory_space<vmem_shared>> -> memref<10240x16xf32, #tpu.memory_space<vmem_shared>>
        tpu.enqueue_indirect_dma source(%arg7 : memref<128x16xf32, #tpu.memory_space<vmem>>) target(%dma_start3A_17 : memref<10240x16xf32, #tpu.memory_space<vmem_shared>>) offsets(%dma_start3A_14 : memref<128xi32, #tpu.memory_space<vmem>>) semaphore(%run_scoped3A : memref<!tpu.dma_semaphore, #tpu.memory_space<semaphore_mem>>) {add = true}
        %dma_wait3A = arith.constant 0 : i32
        %dma_wait3A_18 = tpu.memref_slice %arg6[%add3A_12, %dma_wait3A] : memref<80x128xi32, #tpu.memory_space<vmem>> -> memref<1x128xi32, #tpu.memory_space<vmem>>
        %dma_wait3A_19 = tpu.memref_squeeze %dma_wait3A_18 : memref<1x128xi32, #tpu.memory_space<vmem>> -> memref<128xi32, #tpu.memory_space<vmem>>
        %dma_wait3A_20 = arith.constant 0 : i32
        %dma_wait3A_21 = arith.constant 0 : i32
        %dma_wait3A_22 = tpu.memref_slice %arg8[%dma_wait3A_20, %dma_wait3A_21] : memref<10240x16xf32, #tpu.memory_space<vmem_shared>> -> memref<10240x16xf32, #tpu.memory_space<vmem_shared>>
        tpu.wait_indirect_dma semaphore(%run_scoped3A : memref<!tpu.dma_semaphore, #tpu.memory_space<semaphore_mem>>) src(%arg7 : memref<128x16xf32, #tpu.memory_space<vmem>>) dst(%dma_wait3A_22 : memref<10240x16xf32, #tpu.memory_space<vmem_shared>>)
        tpu.yield
      }) : () -> ()
    }
    %scan3A_6 = arith.constant 80 : i32
    %barrier3A_7 = arith.constant 0 : index
    tpu.barrier barrier_id(%barrier3A_7)
    "tpu.region"() ({
      %run_scoped3A = tpu.sem_alloc : memref<!tpu.dma_semaphore, #tpu.memory_space<semaphore_mem>>
      %dma_start3A = arith.constant 0 : i32
      %dma_start3A_8 = tpu.memref_slice %arg5[%arg0, %mul3A_2, %dma_start3A] : memref<2x10240x16xf32, #tpu.memory_space<hbm>> -> memref<1x640x16xf32, #tpu.memory_space<hbm>>
      %dma_start3A_9 = tpu.memref_squeeze %dma_start3A_8 : memref<1x640x16xf32, #tpu.memory_space<hbm>> -> memref<640x16xf32, #tpu.memory_space<hbm>>
      %dma_start3A_10 = arith.constant 0 : i32
      %dma_start3A_11 = tpu.memref_slice %arg8[%mul3A_2, %dma_start3A_10] : memref<10240x16xf32, #tpu.memory_space<vmem_shared>> -> memref<640x16xf32, #tpu.memory_space<vmem_shared>>
      tpu.enqueue_dma source(%dma_start3A_11 : memref<640x16xf32, #tpu.memory_space<vmem_shared>>) target(%dma_start3A_9 : memref<640x16xf32, #tpu.memory_space<hbm>>) target_semaphore(%run_scoped3A : memref<!tpu.dma_semaphore, #tpu.memory_space<semaphore_mem>>)
      %dma_wait3A = arith.constant 0 : i32
      %dma_wait3A_12 = tpu.memref_slice %arg5[%arg0, %mul3A_2, %dma_wait3A] : memref<2x10240x16xf32, #tpu.memory_space<hbm>> -> memref<1x640x16xf32, #tpu.memory_space<hbm>>
      %dma_wait3A_13 = tpu.memref_squeeze %dma_wait3A_12 : memref<1x640x16xf32, #tpu.memory_space<hbm>> -> memref<640x16xf32, #tpu.memory_space<hbm>>
      %dma_wait3A_14 = arith.constant 0 : i32
      %dma_wait3A_15 = tpu.memref_slice %arg8[%mul3A_2, %dma_wait3A_14] : memref<10240x16xf32, #tpu.memory_space<vmem_shared>> -> memref<640x16xf32, #tpu.memory_space<vmem_shared>>
      tpu.wait_dma2 semaphore(%run_scoped3A : memref<!tpu.dma_semaphore, #tpu.memory_space<semaphore_mem>>) src(%dma_wait3A_15 : memref<640x16xf32, #tpu.memory_space<vmem_shared>>) dst(%dma_wait3A_13 : memref<640x16xf32, #tpu.memory_space<hbm>>)
      tpu.yield
    }) : () -> ()
    return
  }
}

#map = affine_map<(d0, d1) -> (0, 0)>
#map1 = affine_map<(d0, d1) -> (0, 0, 0)>
module attributes {stable_mosaic.version = 14 : i64} {
  func.func @k(%arg0: i32, %arg1: i32, %arg2: memref<10240x64xf32, #tpu.memory_space<hbm>>, %arg3: memref<32x80x128xi32, #tpu.memory_space<hbm>>, %arg4: memref<32x80x128xi32, #tpu.memory_space<hbm>>, %arg5: memref<10240x64xf32, #tpu.memory_space<hbm>>, %arg6: memref<2x10240x64xf32, #tpu.memory_space<hbm>>, %arg7: memref<80x128xi32, #tpu.memory_space<vmem>>, %arg8: memref<80x128xi32, #tpu.memory_space<vmem>>, %arg9: memref<4x128x64xf32, #tpu.memory_space<vmem>>, %arg10: memref<10240x64xf32, #tpu.memory_space<vmem_shared>>, %arg11: memref<!tpu.dma_semaphore, #tpu.memory_space<semaphore_mem>>, %arg12: memref<!tpu.dma_semaphore, #tpu.memory_space<semaphore_mem>>, %arg13: memref<!tpu.dma_semaphore, #tpu.memory_space<semaphore_mem>>, %arg14: memref<!tpu.dma_semaphore, #tpu.memory_space<semaphore_mem>>, %arg15: memref<!tpu.dma_semaphore, #tpu.memory_space<semaphore_mem>>, %arg16: memref<!tpu.dma_semaphore, #tpu.memory_space<semaphore_mem>>, %arg17: memref<!tpu.dma_semaphore, #tpu.memory_space<semaphore_mem>>, %arg18: memref<!tpu.dma_semaphore, #tpu.memory_space<semaphore_mem>>) attributes {dimension_semantics = [#tpu.dimension_semantics<core_parallel>, #tpu.dimension_semantics<subcore_parallel>], iteration_bounds = array<i64: 2, 16>, scalar_prefetch = 0 : i64, scratch_operands = 12 : i64, tpu.core_type = #tpu.core_type<sc_vector_subcore>, window_params = [{transform_indices = #map}, {transform_indices = #map1}, {transform_indices = #map1}, {transform_indices = #map}, {transform_indices = #map1}]} {
    %mul3A = arith.constant 16 : i32
    %mul3A_0 = arith.muli %arg0, %mul3A : i32
    %add3A = arith.addi %mul3A_0, %arg1 : i32
    "tpu.region"() ({
      %run_scoped3A = tpu.sem_alloc : memref<!tpu.dma_semaphore, #tpu.memory_space<semaphore_mem>>
      %dma_start3A_246 = arith.constant 0 : i32
      %dma_start3A_247 = arith.constant 0 : i32
      %dma_start3A_248 = tpu.memref_slice %arg3[%add3A, %dma_start3A_246, %dma_start3A_247] : memref<32x80x128xi32, #tpu.memory_space<hbm>> -> memref<1x80x128xi32, #tpu.memory_space<hbm>>
      %dma_start3A_249 = tpu.memref_squeeze %dma_start3A_248 : memref<1x80x128xi32, #tpu.memory_space<hbm>> -> memref<80x128xi32, #tpu.memory_space<hbm>>
      %dma_start3A_250 = arith.constant 0 : i32
      %dma_start3A_251 = arith.constant 0 : i32
      %dma_start3A_252 = tpu.memref_slice %arg3[%add3A, %dma_start3A_250, %dma_start3A_251] : memref<32x80x128xi32, #tpu.memory_space<hbm>> -> memref<1x80x128xi32, #tpu.memory_space<hbm>>
      %dma_start3A_253 = tpu.memref_squeeze %dma_start3A_252 : memref<1x80x128xi32, #tpu.memory_space<hbm>> -> memref<80x128xi32, #tpu.memory_space<hbm>>
      tpu.enqueue_dma source(%dma_start3A_253 : memref<80x128xi32, #tpu.memory_space<hbm>>) target(%arg7 : memref<80x128xi32, #tpu.memory_space<vmem>>) target_semaphore(%run_scoped3A : memref<!tpu.dma_semaphore, #tpu.memory_space<semaphore_mem>>)
      %dma_wait3A_254 = arith.constant 0 : i32
      %dma_wait3A_255 = arith.constant 0 : i32
      %dma_wait3A_256 = tpu.memref_slice %arg3[%add3A, %dma_wait3A_254, %dma_wait3A_255] : memref<32x80x128xi32, #tpu.memory_space<hbm>> -> memref<1x80x128xi32, #tpu.memory_space<hbm>>
      %dma_wait3A_257 = tpu.memref_squeeze %dma_wait3A_256 : memref<1x80x128xi32, #tpu.memory_space<hbm>> -> memref<80x128xi32, #tpu.memory_space<hbm>>
      %dma_wait3A_258 = arith.constant 0 : i32
      %dma_wait3A_259 = arith.constant 0 : i32
      %dma_wait3A_260 = tpu.memref_slice %arg3[%add3A, %dma_wait3A_258, %dma_wait3A_259] : memref<32x80x128xi32, #tpu.memory_space<hbm>> -> memref<1x80x128xi32, #tpu.memory_space<hbm>>
      %dma_wait3A_261 = tpu.memref_squeeze %dma_wait3A_260 : memref<1x80x128xi32, #tpu.memory_space<hbm>> -> memref<80x128xi32, #tpu.memory_space<hbm>>
      tpu.wait_dma2 semaphore(%run_scoped3A : memref<!tpu.dma_semaphore, #tpu.memory_space<semaphore_mem>>) src(%dma_wait3A_261 : memref<80x128xi32, #tpu.memory_space<hbm>>) dst(%arg7 : memref<80x128xi32, #tpu.memory_space<vmem>>)
      tpu.yield
    }) : () -> ()
    "tpu.region"() ({
      %run_scoped3A = tpu.sem_alloc : memref<!tpu.dma_semaphore, #tpu.memory_space<semaphore_mem>>
      %dma_start3A_246 = arith.constant 0 : i32
      %dma_start3A_247 = arith.constant 0 : i32
      %dma_start3A_248 = tpu.memref_slice %arg4[%add3A, %dma_start3A_246, %dma_start3A_247] : memref<32x80x128xi32, #tpu.memory_space<hbm>> -> memref<1x80x128xi32, #tpu.memory_space<hbm>>
      %dma_start3A_249 = tpu.memref_squeeze %dma_start3A_248 : memref<1x80x128xi32, #tpu.memory_space<hbm>> -> memref<80x128xi32, #tpu.memory_space<hbm>>
      %dma_start3A_250 = arith.constant 0 : i32
      %dma_start3A_251 = arith.constant 0 : i32
      %dma_start3A_252 = tpu.memref_slice %arg4[%add3A, %dma_start3A_250, %dma_start3A_251] : memref<32x80x128xi32, #tpu.memory_space<hbm>> -> memref<1x80x128xi32, #tpu.memory_space<hbm>>
      %dma_start3A_253 = tpu.memref_squeeze %dma_start3A_252 : memref<1x80x128xi32, #tpu.memory_space<hbm>> -> memref<80x128xi32, #tpu.memory_space<hbm>>
      tpu.enqueue_dma source(%dma_start3A_253 : memref<80x128xi32, #tpu.memory_space<hbm>>) target(%arg8 : memref<80x128xi32, #tpu.memory_space<vmem>>) target_semaphore(%run_scoped3A : memref<!tpu.dma_semaphore, #tpu.memory_space<semaphore_mem>>)
      %dma_wait3A_254 = arith.constant 0 : i32
      %dma_wait3A_255 = arith.constant 0 : i32
      %dma_wait3A_256 = tpu.memref_slice %arg4[%add3A, %dma_wait3A_254, %dma_wait3A_255] : memref<32x80x128xi32, #tpu.memory_space<hbm>> -> memref<1x80x128xi32, #tpu.memory_space<hbm>>
      %dma_wait3A_257 = tpu.memref_squeeze %dma_wait3A_256 : memref<1x80x128xi32, #tpu.memory_space<hbm>> -> memref<80x128xi32, #tpu.memory_space<hbm>>
      %dma_wait3A_258 = arith.constant 0 : i32
      %dma_wait3A_259 = arith.constant 0 : i32
      %dma_wait3A_260 = tpu.memref_slice %arg4[%add3A, %dma_wait3A_258, %dma_wait3A_259] : memref<32x80x128xi32, #tpu.memory_space<hbm>> -> memref<1x80x128xi32, #tpu.memory_space<hbm>>
      %dma_wait3A_261 = tpu.memref_squeeze %dma_wait3A_260 : memref<1x80x128xi32, #tpu.memory_space<hbm>> -> memref<80x128xi32, #tpu.memory_space<hbm>>
      tpu.wait_dma2 semaphore(%run_scoped3A : memref<!tpu.dma_semaphore, #tpu.memory_space<semaphore_mem>>) src(%dma_wait3A_261 : memref<80x128xi32, #tpu.memory_space<hbm>>) dst(%arg8 : memref<80x128xi32, #tpu.memory_space<vmem>>)
      tpu.yield
    }) : () -> ()
    %dma_start3A = arith.constant 0 : i32
    %dma_start3A_1 = arith.constant 0 : i32
    %dma_start3A_2 = arith.constant 0 : i32
    %dma_start3A_3 = arith.constant 0 : i32
    %dma_start3A_4 = tpu.memref_slice %arg9[%dma_start3A_1, %dma_start3A_2, %dma_start3A_3] : memref<4x128x64xf32, #tpu.memory_space<vmem>> -> memref<1x128x64xf32, #tpu.memory_space<vmem>>
    %dma_start3A_5 = tpu.memref_squeeze %dma_start3A_4 : memref<1x128x64xf32, #tpu.memory_space<vmem>> -> memref<128x64xf32, #tpu.memory_space<vmem>>
    %dma_start3A_6 = arith.constant 0 : i32
    %dma_start3A_7 = tpu.memref_slice %arg7[%dma_start3A, %dma_start3A_6] : memref<80x128xi32, #tpu.memory_space<vmem>> -> memref<1x128xi32, #tpu.memory_space<vmem>>
    %dma_start3A_8 = tpu.memref_squeeze %dma_start3A_7 : memref<1x128xi32, #tpu.memory_space<vmem>> -> memref<128xi32, #tpu.memory_space<vmem>>
    %dma_start3A_9 = arith.constant 0 : i32
    %dma_start3A_10 = arith.constant 0 : i32
    %dma_start3A_11 = tpu.memref_slice %arg2[%dma_start3A_9, %dma_start3A_10] : memref<10240x64xf32, #tpu.memory_space<hbm>> -> memref<10240x64xf32, #tpu.memory_space<hbm>>
    tpu.enqueue_indirect_dma source(%dma_start3A_11 : memref<10240x64xf32, #tpu.memory_space<hbm>>) target(%dma_start3A_5 : memref<128x64xf32, #tpu.memory_space<vmem>>) offsets(%dma_start3A_8 : memref<128xi32, #tpu.memory_space<vmem>>) semaphore(%arg11 : memref<!tpu.dma_semaphore, #tpu.memory_space<semaphore_mem>>)
    %dma_start3A_12 = arith.constant 1 : i32
    %dma_start3A_13 = arith.constant 1 : i32
    %dma_start3A_14 = arith.constant 0 : i32
    %dma_start3A_15 = arith.constant 0 : i32
    %dma_start3A_16 = tpu.memref_slice %arg9[%dma_start3A_13, %dma_start3A_14, %dma_start3A_15] : memref<4x128x64xf32, #tpu.memory_space<vmem>> -> memref<1x128x64xf32, #tpu.memory_space<vmem>>
    %dma_start3A_17 = tpu.memref_squeeze %dma_start3A_16 : memref<1x128x64xf32, #tpu.memory_space<vmem>> -> memref<128x64xf32, #tpu.memory_space<vmem>>
    %dma_start3A_18 = arith.constant 0 : i32
    %dma_start3A_19 = tpu.memref_slice %arg7[%dma_start3A_12, %dma_start3A_18] : memref<80x128xi32, #tpu.memory_space<vmem>> -> memref<1x128xi32, #tpu.memory_space<vmem>>
    %dma_start3A_20 = tpu.memref_squeeze %dma_start3A_19 : memref<1x128xi32, #tpu.memory_space<vmem>> -> memref<128xi32, #tpu.memory_space<vmem>>
    %dma_start3A_21 = arith.constant 0 : i32
    %dma_start3A_22 = arith.constant 0 : i32
    %dma_start3A_23 = tpu.memref_slice %arg2[%dma_start3A_21, %dma_start3A_22] : memref<10240x64xf32, #tpu.memory_space<hbm>> -> memref<10240x64xf32, #tpu.memory_space<hbm>>
    tpu.enqueue_indirect_dma source(%dma_start3A_23 : memref<10240x64xf32, #tpu.memory_space<hbm>>) target(%dma_start3A_17 : memref<128x64xf32, #tpu.memory_space<vmem>>) offsets(%dma_start3A_20 : memref<128xi32, #tpu.memory_space<vmem>>) semaphore(%arg12 : memref<!tpu.dma_semaphore, #tpu.memory_space<semaphore_mem>>)
    %mul3A_24 = arith.constant 640 : i32
    %mul3A_25 = arith.muli %arg1, %mul3A_24 : i32
    "tpu.region"() ({
      %run_scoped3A = tpu.sem_alloc : memref<!tpu.dma_semaphore, #tpu.memory_space<semaphore_mem>>
      %dma_start3A_246 = arith.constant 0 : i32
      %dma_start3A_247 = tpu.memref_slice %arg10[%mul3A_25, %dma_start3A_246] : memref<10240x64xf32, #tpu.memory_space<vmem_shared>> -> memref<640x64xf32, #tpu.memory_space<vmem_shared>>
      %dma_start3A_248 = arith.constant 0 : i32
      %dma_start3A_249 = tpu.memref_slice %arg5[%mul3A_25, %dma_start3A_248] : memref<10240x64xf32, #tpu.memory_space<hbm>> -> memref<640x64xf32, #tpu.memory_space<hbm>>
      tpu.enqueue_dma source(%dma_start3A_249 : memref<640x64xf32, #tpu.memory_space<hbm>>) target(%dma_start3A_247 : memref<640x64xf32, #tpu.memory_space<vmem_shared>>) target_semaphore(%run_scoped3A : memref<!tpu.dma_semaphore, #tpu.memory_space<semaphore_mem>>)
      %dma_wait3A_250 = arith.constant 0 : i32
      %dma_wait3A_251 = tpu.memref_slice %arg10[%mul3A_25, %dma_wait3A_250] : memref<10240x64xf32, #tpu.memory_space<vmem_shared>> -> memref<640x64xf32, #tpu.memory_space<vmem_shared>>
      %dma_wait3A_252 = arith.constant 0 : i32
      %dma_wait3A_253 = tpu.memref_slice %arg5[%mul3A_25, %dma_wait3A_252] : memref<10240x64xf32, #tpu.memory_space<hbm>> -> memref<640x64xf32, #tpu.memory_space<hbm>>
      tpu.wait_dma2 semaphore(%run_scoped3A : memref<!tpu.dma_semaphore, #tpu.memory_space<semaphore_mem>>) src(%dma_wait3A_253 : memref<640x64xf32, #tpu.memory_space<hbm>>) dst(%dma_wait3A_251 : memref<640x64xf32, #tpu.memory_space<vmem_shared>>)
      tpu.yield
    }) : () -> ()
    %barrier3A = arith.constant 0 : index
    tpu.barrier barrier_id(%barrier3A)
    %dma_wait3A = arith.constant 0 : i32
    %dma_wait3A_26 = arith.constant 0 : i32
    %dma_wait3A_27 = arith.constant 0 : i32
    %dma_wait3A_28 = arith.constant 0 : i32
    %dma_wait3A_29 = tpu.memref_slice %arg9[%dma_wait3A_26, %dma_wait3A_27, %dma_wait3A_28] : memref<4x128x64xf32, #tpu.memory_space<vmem>> -> memref<1x128x64xf32, #tpu.memory_space<vmem>>
    %dma_wait3A_30 = tpu.memref_squeeze %dma_wait3A_29 : memref<1x128x64xf32, #tpu.memory_space<vmem>> -> memref<128x64xf32, #tpu.memory_space<vmem>>
    %dma_wait3A_31 = arith.constant 0 : i32
    %dma_wait3A_32 = tpu.memref_slice %arg7[%dma_wait3A, %dma_wait3A_31] : memref<80x128xi32, #tpu.memory_space<vmem>> -> memref<1x128xi32, #tpu.memory_space<vmem>>
    %dma_wait3A_33 = tpu.memref_squeeze %dma_wait3A_32 : memref<1x128xi32, #tpu.memory_space<vmem>> -> memref<128xi32, #tpu.memory_space<vmem>>
    %dma_wait3A_34 = arith.constant 0 : i32
    %dma_wait3A_35 = arith.constant 0 : i32
    %dma_wait3A_36 = tpu.memref_slice %arg2[%dma_wait3A_34, %dma_wait3A_35] : memref<10240x64xf32, #tpu.memory_space<hbm>> -> memref<10240x64xf32, #tpu.memory_space<hbm>>
    tpu.wait_indirect_dma semaphore(%arg11 : memref<!tpu.dma_semaphore, #tpu.memory_space<semaphore_mem>>) src(%dma_wait3A_36 : memref<10240x64xf32, #tpu.memory_space<hbm>>) dst(%dma_wait3A_30 : memref<128x64xf32, #tpu.memory_space<vmem>>)
    %dma_start3A_37 = arith.constant 0 : i32
    %dma_start3A_38 = arith.constant 0 : i32
    %dma_start3A_39 = arith.constant 0 : i32
    %dma_start3A_40 = arith.constant 0 : i32
    %dma_start3A_41 = tpu.memref_slice %arg9[%dma_start3A_37, %dma_start3A_39, %dma_start3A_40] : memref<4x128x64xf32, #tpu.memory_space<vmem>> -> memref<1x128x64xf32, #tpu.memory_space<vmem>>
    %dma_start3A_42 = tpu.memref_squeeze %dma_start3A_41 : memref<1x128x64xf32, #tpu.memory_space<vmem>> -> memref<128x64xf32, #tpu.memory_space<vmem>>
    %dma_start3A_43 = arith.constant 0 : i32
    %dma_start3A_44 = tpu.memref_slice %arg8[%dma_start3A_38, %dma_start3A_43] : memref<80x128xi32, #tpu.memory_space<vmem>> -> memref<1x128xi32, #tpu.memory_space<vmem>>
    %dma_start3A_45 = tpu.memref_squeeze %dma_start3A_44 : memref<1x128xi32, #tpu.memory_space<vmem>> -> memref<128xi32, #tpu.memory_space<vmem>>
    %dma_start3A_46 = arith.constant 0 : i32
    %dma_start3A_47 = arith.constant 0 : i32
    %dma_start3A_48 = tpu.memref_slice %arg10[%dma_start3A_46, %dma_start3A_47] : memref<10240x64xf32, #tpu.memory_space<vmem_shared>> -> memref<10240x64xf32, #tpu.memory_space<vmem_shared>>
    tpu.enqueue_indirect_dma source(%dma_start3A_42 : memref<128x64xf32, #tpu.memory_space<vmem>>) target(%dma_start3A_48 : memref<10240x64xf32, #tpu.memory_space<vmem_shared>>) offsets(%dma_start3A_45 : memref<128xi32, #tpu.memory_space<vmem>>) semaphore(%arg15 : memref<!tpu.dma_semaphore, #tpu.memory_space<semaphore_mem>>) {add = true}
    %dma_start3A_49 = arith.constant 2 : i32
    %dma_start3A_50 = arith.constant 2 : i32
    %dma_start3A_51 = arith.constant 0 : i32
    %dma_start3A_52 = arith.constant 0 : i32
    %dma_start3A_53 = tpu.memref_slice %arg9[%dma_start3A_50, %dma_start3A_51, %dma_start3A_52] : memref<4x128x64xf32, #tpu.memory_space<vmem>> -> memref<1x128x64xf32, #tpu.memory_space<vmem>>
    %dma_start3A_54 = tpu.memref_squeeze %dma_start3A_53 : memref<1x128x64xf32, #tpu.memory_space<vmem>> -> memref<128x64xf32, #tpu.memory_space<vmem>>
    %dma_start3A_55 = arith.constant 0 : i32
    %dma_start3A_56 = tpu.memref_slice %arg7[%dma_start3A_49, %dma_start3A_55] : memref<80x128xi32, #tpu.memory_space<vmem>> -> memref<1x128xi32, #tpu.memory_space<vmem>>
    %dma_start3A_57 = tpu.memref_squeeze %dma_start3A_56 : memref<1x128xi32, #tpu.memory_space<vmem>> -> memref<128xi32, #tpu.memory_space<vmem>>
    %dma_start3A_58 = arith.constant 0 : i32
    %dma_start3A_59 = arith.constant 0 : i32
    %dma_start3A_60 = tpu.memref_slice %arg2[%dma_start3A_58, %dma_start3A_59] : memref<10240x64xf32, #tpu.memory_space<hbm>> -> memref<10240x64xf32, #tpu.memory_space<hbm>>
    tpu.enqueue_indirect_dma source(%dma_start3A_60 : memref<10240x64xf32, #tpu.memory_space<hbm>>) target(%dma_start3A_54 : memref<128x64xf32, #tpu.memory_space<vmem>>) offsets(%dma_start3A_57 : memref<128xi32, #tpu.memory_space<vmem>>) semaphore(%arg13 : memref<!tpu.dma_semaphore, #tpu.memory_space<semaphore_mem>>)
    %dma_wait3A_61 = arith.constant 1 : i32
    %dma_wait3A_62 = arith.constant 1 : i32
    %dma_wait3A_63 = arith.constant 0 : i32
    %dma_wait3A_64 = arith.constant 0 : i32
    %dma_wait3A_65 = tpu.memref_slice %arg9[%dma_wait3A_62, %dma_wait3A_63, %dma_wait3A_64] : memref<4x128x64xf32, #tpu.memory_space<vmem>> -> memref<1x128x64xf32, #tpu.memory_space<vmem>>
    %dma_wait3A_66 = tpu.memref_squeeze %dma_wait3A_65 : memref<1x128x64xf32, #tpu.memory_space<vmem>> -> memref<128x64xf32, #tpu.memory_space<vmem>>
    %dma_wait3A_67 = arith.constant 0 : i32
    %dma_wait3A_68 = tpu.memref_slice %arg7[%dma_wait3A_61, %dma_wait3A_67] : memref<80x128xi32, #tpu.memory_space<vmem>> -> memref<1x128xi32, #tpu.memory_space<vmem>>
    %dma_wait3A_69 = tpu.memref_squeeze %dma_wait3A_68 : memref<1x128xi32, #tpu.memory_space<vmem>> -> memref<128xi32, #tpu.memory_space<vmem>>
    %dma_wait3A_70 = arith.constant 0 : i32
    %dma_wait3A_71 = arith.constant 0 : i32
    %dma_wait3A_72 = tpu.memref_slice %arg2[%dma_wait3A_70, %dma_wait3A_71] : memref<10240x64xf32, #tpu.memory_space<hbm>> -> memref<10240x64xf32, #tpu.memory_space<hbm>>
    tpu.wait_indirect_dma semaphore(%arg12 : memref<!tpu.dma_semaphore, #tpu.memory_space<semaphore_mem>>) src(%dma_wait3A_72 : memref<10240x64xf32, #tpu.memory_space<hbm>>) dst(%dma_wait3A_66 : memref<128x64xf32, #tpu.memory_space<vmem>>)
    %dma_start3A_73 = arith.constant 1 : i32
    %dma_start3A_74 = arith.constant 1 : i32
    %dma_start3A_75 = arith.constant 0 : i32
    %dma_start3A_76 = arith.constant 0 : i32
    %dma_start3A_77 = tpu.memref_slice %arg9[%dma_start3A_73, %dma_start3A_75, %dma_start3A_76] : memref<4x128x64xf32, #tpu.memory_space<vmem>> -> memref<1x128x64xf32, #tpu.memory_space<vmem>>
    %dma_start3A_78 = tpu.memref_squeeze %dma_start3A_77 : memref<1x128x64xf32, #tpu.memory_space<vmem>> -> memref<128x64xf32, #tpu.memory_space<vmem>>
    %dma_start3A_79 = arith.constant 0 : i32
    %dma_start3A_80 = tpu.memref_slice %arg8[%dma_start3A_74, %dma_start3A_79] : memref<80x128xi32, #tpu.memory_space<vmem>> -> memref<1x128xi32, #tpu.memory_space<vmem>>
    %dma_start3A_81 = tpu.memref_squeeze %dma_start3A_80 : memref<1x128xi32, #tpu.memory_space<vmem>> -> memref<128xi32, #tpu.memory_space<vmem>>
    %dma_start3A_82 = arith.constant 0 : i32
    %dma_start3A_83 = arith.constant 0 : i32
    %dma_start3A_84 = tpu.memref_slice %arg10[%dma_start3A_82, %dma_start3A_83] : memref<10240x64xf32, #tpu.memory_space<vmem_shared>> -> memref<10240x64xf32, #tpu.memory_space<vmem_shared>>
    tpu.enqueue_indirect_dma source(%dma_start3A_78 : memref<128x64xf32, #tpu.memory_space<vmem>>) target(%dma_start3A_84 : memref<10240x64xf32, #tpu.memory_space<vmem_shared>>) offsets(%dma_start3A_81 : memref<128xi32, #tpu.memory_space<vmem>>) semaphore(%arg16 : memref<!tpu.dma_semaphore, #tpu.memory_space<semaphore_mem>>) {add = true}
    %dma_start3A_85 = arith.constant 3 : i32
    %dma_start3A_86 = arith.constant 3 : i32
    %dma_start3A_87 = arith.constant 0 : i32
    %dma_start3A_88 = arith.constant 0 : i32
    %dma_start3A_89 = tpu.memref_slice %arg9[%dma_start3A_86, %dma_start3A_87, %dma_start3A_88] : memref<4x128x64xf32, #tpu.memory_space<vmem>> -> memref<1x128x64xf32, #tpu.memory_space<vmem>>
    %dma_start3A_90 = tpu.memref_squeeze %dma_start3A_89 : memref<1x128x64xf32, #tpu.memory_space<vmem>> -> memref<128x64xf32, #tpu.memory_space<vmem>>
    %dma_start3A_91 = arith.constant 0 : i32
    %dma_start3A_92 = tpu.memref_slice %arg7[%dma_start3A_85, %dma_start3A_91] : memref<80x128xi32, #tpu.memory_space<vmem>> -> memref<1x128xi32, #tpu.memory_space<vmem>>
    %dma_start3A_93 = tpu.memref_squeeze %dma_start3A_92 : memref<1x128xi32, #tpu.memory_space<vmem>> -> memref<128xi32, #tpu.memory_space<vmem>>
    %dma_start3A_94 = arith.constant 0 : i32
    %dma_start3A_95 = arith.constant 0 : i32
    %dma_start3A_96 = tpu.memref_slice %arg2[%dma_start3A_94, %dma_start3A_95] : memref<10240x64xf32, #tpu.memory_space<hbm>> -> memref<10240x64xf32, #tpu.memory_space<hbm>>
    tpu.enqueue_indirect_dma source(%dma_start3A_96 : memref<10240x64xf32, #tpu.memory_space<hbm>>) target(%dma_start3A_90 : memref<128x64xf32, #tpu.memory_space<vmem>>) offsets(%dma_start3A_93 : memref<128xi32, #tpu.memory_space<vmem>>) semaphore(%arg14 : memref<!tpu.dma_semaphore, #tpu.memory_space<semaphore_mem>>)
    %dma_wait3A_97 = arith.constant 2 : i32
    %dma_wait3A_98 = arith.constant 2 : i32
    %dma_wait3A_99 = arith.constant 0 : i32
    %dma_wait3A_100 = arith.constant 0 : i32
    %dma_wait3A_101 = tpu.memref_slice %arg9[%dma_wait3A_98, %dma_wait3A_99, %dma_wait3A_100] : memref<4x128x64xf32, #tpu.memory_space<vmem>> -> memref<1x128x64xf32, #tpu.memory_space<vmem>>
    %dma_wait3A_102 = tpu.memref_squeeze %dma_wait3A_101 : memref<1x128x64xf32, #tpu.memory_space<vmem>> -> memref<128x64xf32, #tpu.memory_space<vmem>>
    %dma_wait3A_103 = arith.constant 0 : i32
    %dma_wait3A_104 = tpu.memref_slice %arg7[%dma_wait3A_97, %dma_wait3A_103] : memref<80x128xi32, #tpu.memory_space<vmem>> -> memref<1x128xi32, #tpu.memory_space<vmem>>
    %dma_wait3A_105 = tpu.memref_squeeze %dma_wait3A_104 : memref<1x128xi32, #tpu.memory_space<vmem>> -> memref<128xi32, #tpu.memory_space<vmem>>
    %dma_wait3A_106 = arith.constant 0 : i32
    %dma_wait3A_107 = arith.constant 0 : i32
    %dma_wait3A_108 = tpu.memref_slice %arg2[%dma_wait3A_106, %dma_wait3A_107] : memref<10240x64xf32, #tpu.memory_space<hbm>> -> memref<10240x64xf32, #tpu.memory_space<hbm>>
    tpu.wait_indirect_dma semaphore(%arg13 : memref<!tpu.dma_semaphore, #tpu.memory_space<semaphore_mem>>) src(%dma_wait3A_108 : memref<10240x64xf32, #tpu.memory_space<hbm>>) dst(%dma_wait3A_102 : memref<128x64xf32, #tpu.memory_space<vmem>>)
    %dma_start3A_109 = arith.constant 2 : i32
    %dma_start3A_110 = arith.constant 2 : i32
    %dma_start3A_111 = arith.constant 0 : i32
    %dma_start3A_112 = arith.constant 0 : i32
    %dma_start3A_113 = tpu.memref_slice %arg9[%dma_start3A_109, %dma_start3A_111, %dma_start3A_112] : memref<4x128x64xf32, #tpu.memory_space<vmem>> -> memref<1x128x64xf32, #tpu.memory_space<vmem>>
    %dma_start3A_114 = tpu.memref_squeeze %dma_start3A_113 : memref<1x128x64xf32, #tpu.memory_space<vmem>> -> memref<128x64xf32, #tpu.memory_space<vmem>>
    %dma_start3A_115 = arith.constant 0 : i32
    %dma_start3A_116 = tpu.memref_slice %arg8[%dma_start3A_110, %dma_start3A_115] : memref<80x128xi32, #tpu.memory_space<vmem>> -> memref<1x128xi32, #tpu.memory_space<vmem>>
    %dma_start3A_117 = tpu.memref_squeeze %dma_start3A_116 : memref<1x128xi32, #tpu.memory_space<vmem>> -> memref<128xi32, #tpu.memory_space<vmem>>
    %dma_start3A_118 = arith.constant 0 : i32
    %dma_start3A_119 = arith.constant 0 : i32
    %dma_start3A_120 = tpu.memref_slice %arg10[%dma_start3A_118, %dma_start3A_119] : memref<10240x64xf32, #tpu.memory_space<vmem_shared>> -> memref<10240x64xf32, #tpu.memory_space<vmem_shared>>
    tpu.enqueue_indirect_dma source(%dma_start3A_114 : memref<128x64xf32, #tpu.memory_space<vmem>>) target(%dma_start3A_120 : memref<10240x64xf32, #tpu.memory_space<vmem_shared>>) offsets(%dma_start3A_117 : memref<128xi32, #tpu.memory_space<vmem>>) semaphore(%arg17 : memref<!tpu.dma_semaphore, #tpu.memory_space<semaphore_mem>>) {add = true}
    %dma_wait3A_121 = arith.constant 0 : i32
    %dma_wait3A_122 = arith.constant 0 : i32
    %dma_wait3A_123 = arith.constant 0 : i32
    %dma_wait3A_124 = arith.constant 0 : i32
    %dma_wait3A_125 = tpu.memref_slice %arg9[%dma_wait3A_121, %dma_wait3A_123, %dma_wait3A_124] : memref<4x128x64xf32, #tpu.memory_space<vmem>> -> memref<1x128x64xf32, #tpu.memory_space<vmem>>
    %dma_wait3A_126 = tpu.memref_squeeze %dma_wait3A_125 : memref<1x128x64xf32, #tpu.memory_space<vmem>> -> memref<128x64xf32, #tpu.memory_space<vmem>>
    %dma_wait3A_127 = arith.constant 0 : i32
    %dma_wait3A_128 = tpu.memref_slice %arg8[%dma_wait3A_122, %dma_wait3A_127] : memref<80x128xi32, #tpu.memory_space<vmem>> -> memref<1x128xi32, #tpu.memory_space<vmem>>
    %dma_wait3A_129 = tpu.memref_squeeze %dma_wait3A_128 : memref<1x128xi32, #tpu.memory_space<vmem>> -> memref<128xi32, #tpu.memory_space<vmem>>
    %dma_wait3A_130 = arith.constant 0 : i32
    %dma_wait3A_131 = arith.constant 0 : i32
    %dma_wait3A_132 = tpu.memref_slice %arg10[%dma_wait3A_130, %dma_wait3A_131] : memref<10240x64xf32, #tpu.memory_space<vmem_shared>> -> memref<10240x64xf32, #tpu.memory_space<vmem_shared>>
    tpu.wait_indirect_dma semaphore(%arg15 : memref<!tpu.dma_semaphore, #tpu.memory_space<semaphore_mem>>) src(%dma_wait3A_126 : memref<128x64xf32, #tpu.memory_space<vmem>>) dst(%dma_wait3A_132 : memref<10240x64xf32, #tpu.memory_space<vmem_shared>>)
    %dma_start3A_133 = arith.constant 4 : i32
    %dma_start3A_134 = arith.constant 0 : i32
    %dma_start3A_135 = arith.constant 0 : i32
    %dma_start3A_136 = arith.constant 0 : i32
    %dma_start3A_137 = tpu.memref_slice %arg9[%dma_start3A_134, %dma_start3A_135, %dma_start3A_136] : memref<4x128x64xf32, #tpu.memory_space<vmem>> -> memref<1x128x64xf32, #tpu.memory_space<vmem>>
    %dma_start3A_138 = tpu.memref_squeeze %dma_start3A_137 : memref<1x128x64xf32, #tpu.memory_space<vmem>> -> memref<128x64xf32, #tpu.memory_space<vmem>>
    %dma_start3A_139 = arith.constant 0 : i32
    %dma_start3A_140 = tpu.memref_slice %arg7[%dma_start3A_133, %dma_start3A_139] : memref<80x128xi32, #tpu.memory_space<vmem>> -> memref<1x128xi32, #tpu.memory_space<vmem>>
    %dma_start3A_141 = tpu.memref_squeeze %dma_start3A_140 : memref<1x128xi32, #tpu.memory_space<vmem>> -> memref<128xi32, #tpu.memory_space<vmem>>
    %dma_start3A_142 = arith.constant 0 : i32
    %dma_start3A_143 = arith.constant 0 : i32
    %dma_start3A_144 = tpu.memref_slice %arg2[%dma_start3A_142, %dma_start3A_143] : memref<10240x64xf32, #tpu.memory_space<hbm>> -> memref<10240x64xf32, #tpu.memory_space<hbm>>
    tpu.enqueue_indirect_dma source(%dma_start3A_144 : memref<10240x64xf32, #tpu.memory_space<hbm>>) target(%dma_start3A_138 : memref<128x64xf32, #tpu.memory_space<vmem>>) offsets(%dma_start3A_141 : memref<128xi32, #tpu.memory_space<vmem>>) semaphore(%arg11 : memref<!tpu.dma_semaphore, #tpu.memory_space<semaphore_mem>>)
    %dma_wait3A_145 = arith.constant 3 : i32
    %dma_wait3A_146 = arith.constant 3 : i32
    %dma_wait3A_147 = arith.constant 0 : i32
    %dma_wait3A_148 = arith.constant 0 : i32
    %dma_wait3A_149 = tpu.memref_slice %arg9[%dma_wait3A_146, %dma_wait3A_147, %dma_wait3A_148] : memref<4x128x64xf32, #tpu.memory_space<vmem>> -> memref<1x128x64xf32, #tpu.memory_space<vmem>>
    %dma_wait3A_150 = tpu.memref_squeeze %dma_wait3A_149 : memref<1x128x64xf32, #tpu.memory_space<vmem>> -> memref<128x64xf32, #tpu.memory_space<vmem>>
    %dma_wait3A_151 = arith.constant 0 : i32
    %dma_wait3A_152 = tpu.memref_slice %arg7[%dma_wait3A_145, %dma_wait3A_151] : memref<80x128xi32, #tpu.memory_space<vmem>> -> memref<1x128xi32, #tpu.memory_space<vmem>>
    %dma_wait3A_153 = tpu.memref_squeeze %dma_wait3A_152 : memref<1x128xi32, #tpu.memory_space<vmem>> -> memref<128xi32, #tpu.memory_space<vmem>>
    %dma_wait3A_154 = arith.constant 0 : i32
    %dma_wait3A_155 = arith.constant 0 : i32
    %dma_wait3A_156 = tpu.memref_slice %arg2[%dma_wait3A_154, %dma_wait3A_155] : memref<10240x64xf32, #tpu.memory_space<hbm>> -> memref<10240x64xf32, #tpu.memory_space<hbm>>
    tpu.wait_indirect_dma semaphore(%arg14 : memref<!tpu.dma_semaphore, #tpu.memory_space<semaphore_mem>>) src(%dma_wait3A_156 : memref<10240x64xf32, #tpu.memory_space<hbm>>) dst(%dma_wait3A_150 : memref<128x64xf32, #tpu.memory_space<vmem>>)
    %dma_start3A_157 = arith.constant 3 : i32
    %dma_start3A_158 = arith.constant 3 : i32
    %dma_start3A_159 = arith.constant 0 : i32
    %dma_start3A_160 = arith.constant 0 : i32
    %dma_start3A_161 = tpu.memref_slice %arg9[%dma_start3A_157, %dma_start3A_159, %dma_start3A_160] : memref<4x128x64xf32, #tpu.memory_space<vmem>> -> memref<1x128x64xf32, #tpu.memory_space<vmem>>
    %dma_start3A_162 = tpu.memref_squeeze %dma_start3A_161 : memref<1x128x64xf32, #tpu.memory_space<vmem>> -> memref<128x64xf32, #tpu.memory_space<vmem>>
    %dma_start3A_163 = arith.constant 0 : i32
    %dma_start3A_164 = tpu.memref_slice %arg8[%dma_start3A_158, %dma_start3A_163] : memref<80x128xi32, #tpu.memory_space<vmem>> -> memref<1x128xi32, #tpu.memory_space<vmem>>
    %dma_start3A_165 = tpu.memref_squeeze %dma_start3A_164 : memref<1x128xi32, #tpu.memory_space<vmem>> -> memref<128xi32, #tpu.memory_space<vmem>>
    %dma_start3A_166 = arith.constant 0 : i32
    %dma_start3A_167 = arith.constant 0 : i32
    %dma_start3A_168 = tpu.memref_slice %arg10[%dma_start3A_166, %dma_start3A_167] : memref<10240x64xf32, #tpu.memory_space<vmem_shared>> -> memref<10240x64xf32, #tpu.memory_space<vmem_shared>>
    tpu.enqueue_indirect_dma source(%dma_start3A_162 : memref<128x64xf32, #tpu.memory_space<vmem>>) target(%dma_start3A_168 : memref<10240x64xf32, #tpu.memory_space<vmem_shared>>) offsets(%dma_start3A_165 : memref<128xi32, #tpu.memory_space<vmem>>) semaphore(%arg18 : memref<!tpu.dma_semaphore, #tpu.memory_space<semaphore_mem>>) {add = true}
    %dma_wait3A_169 = arith.constant 1 : i32
    %dma_wait3A_170 = arith.constant 1 : i32
    %dma_wait3A_171 = arith.constant 0 : i32
    %dma_wait3A_172 = arith.constant 0 : i32
    %dma_wait3A_173 = tpu.memref_slice %arg9[%dma_wait3A_169, %dma_wait3A_171, %dma_wait3A_172] : memref<4x128x64xf32, #tpu.memory_space<vmem>> -> memref<1x128x64xf32, #tpu.memory_space<vmem>>
    %dma_wait3A_174 = tpu.memref_squeeze %dma_wait3A_173 : memref<1x128x64xf32, #tpu.memory_space<vmem>> -> memref<128x64xf32, #tpu.memory_space<vmem>>
    %dma_wait3A_175 = arith.constant 0 : i32
    %dma_wait3A_176 = tpu.memref_slice %arg8[%dma_wait3A_170, %dma_wait3A_175] : memref<80x128xi32, #tpu.memory_space<vmem>> -> memref<1x128xi32, #tpu.memory_space<vmem>>
    %dma_wait3A_177 = tpu.memref_squeeze %dma_wait3A_176 : memref<1x128xi32, #tpu.memory_space<vmem>> -> memref<128xi32, #tpu.memory_space<vmem>>
    %dma_wait3A_178 = arith.constant 0 : i32
    %dma_wait3A_179 = arith.constant 0 : i32
    %dma_wait3A_180 = tpu.memref_slice %arg10[%dma_wait3A_178, %dma_wait3A_179] : memref<10240x64xf32, #tpu.memory_space<vmem_shared>> -> memref<10240x64xf32, #tpu.memory_space<vmem_shared>>
    tpu.wait_indirect_dma semaphore(%arg16 : memref<!tpu.dma_semaphore, #tpu.memory_space<semaphore_mem>>) src(%dma_wait3A_174 : memref<128x64xf32, #tpu.memory_space<vmem>>) dst(%dma_wait3A_180 : memref<10240x64xf32, #tpu.memory_space<vmem_shared>>)
    %dma_start3A_181 = arith.constant 5 : i32
    %dma_start3A_182 = arith.constant 1 : i32
    %dma_start3A_183 = arith.constant 0 : i32
    %dma_start3A_184 = arith.constant 0 : i32
    %dma_start3A_185 = tpu.memref_slice %arg9[%dma_start3A_182, %dma_start3A_183, %dma_start3A_184] : memref<4x128x64xf32, #tpu.memory_space<vmem>> -> memref<1x128x64xf32, #tpu.memory_space<vmem>>
    %dma_start3A_186 = tpu.memref_squeeze %dma_start3A_185 : memref<1x128x64xf32, #tpu.memory_space<vmem>> -> memref<128x64xf32, #tpu.memory_space<vmem>>
    %dma_start3A_187 = arith.constant 0 : i32
    %dma_start3A_188 = tpu.memref_slice %arg7[%dma_start3A_181, %dma_start3A_187] : memref<80x128xi32, #tpu.memory_space<vmem>> -> memref<1x128xi32, #tpu.memory_space<vmem>>
    %dma_start3A_189 = tpu.memref_squeeze %dma_start3A_188 : memref<1x128xi32, #tpu.memory_space<vmem>> -> memref<128xi32, #tpu.memory_space<vmem>>
    %dma_start3A_190 = arith.constant 0 : i32
    %dma_start3A_191 = arith.constant 0 : i32
    %dma_start3A_192 = tpu.memref_slice %arg2[%dma_start3A_190, %dma_start3A_191] : memref<10240x64xf32, #tpu.memory_space<hbm>> -> memref<10240x64xf32, #tpu.memory_space<hbm>>
    tpu.enqueue_indirect_dma source(%dma_start3A_192 : memref<10240x64xf32, #tpu.memory_space<hbm>>) target(%dma_start3A_186 : memref<128x64xf32, #tpu.memory_space<vmem>>) offsets(%dma_start3A_189 : memref<128xi32, #tpu.memory_space<vmem>>) semaphore(%arg12 : memref<!tpu.dma_semaphore, #tpu.memory_space<semaphore_mem>>)
    %scan3A = arith.constant 0 : i32
    %scan3A_193 = arith.constant 19 : i32
    %scan3A_194 = arith.addi %scan3A, %scan3A_193 : i32
    %scan3A_195 = arith.constant 1 : i32
    scf.for %scan3A_246 = %scan3A to %scan3A_194 step %scan3A_195  : i32 {
      %mul3A_247 = arith.constant 4 : i32
      %mul3A_248 = arith.muli %scan3A_246, %mul3A_247 : i32
      %add3A_249 = arith.constant 4 : i32
      %add3A_250 = arith.addi %add3A_249, %mul3A_248 : i32
      %add3A_251 = arith.constant 0 : i32
      %add3A_252 = arith.addi %add3A_250, %add3A_251 : i32
      %dma_wait3A_253 = arith.constant 0 : i32
      %dma_wait3A_254 = arith.constant 0 : i32
      %dma_wait3A_255 = arith.constant 0 : i32
      %dma_wait3A_256 = tpu.memref_slice %arg9[%dma_wait3A_253, %dma_wait3A_254, %dma_wait3A_255] : memref<4x128x64xf32, #tpu.memory_space<vmem>> -> memref<1x128x64xf32, #tpu.memory_space<vmem>>
      %dma_wait3A_257 = tpu.memref_squeeze %dma_wait3A_256 : memref<1x128x64xf32, #tpu.memory_space<vmem>> -> memref<128x64xf32, #tpu.memory_space<vmem>>
      %dma_wait3A_258 = arith.constant 0 : i32
      %dma_wait3A_259 = tpu.memref_slice %arg7[%add3A_252, %dma_wait3A_258] : memref<80x128xi32, #tpu.memory_space<vmem>> -> memref<1x128xi32, #tpu.memory_space<vmem>>
      %dma_wait3A_260 = tpu.memref_squeeze %dma_wait3A_259 : memref<1x128xi32, #tpu.memory_space<vmem>> -> memref<128xi32, #tpu.memory_space<vmem>>
      %dma_wait3A_261 = arith.constant 0 : i32
      %dma_wait3A_262 = arith.constant 0 : i32
      %dma_wait3A_263 = tpu.memref_slice %arg2[%dma_wait3A_261, %dma_wait3A_262] : memref<10240x64xf32, #tpu.memory_space<hbm>> -> memref<10240x64xf32, #tpu.memory_space<hbm>>
      tpu.wait_indirect_dma semaphore(%arg11 : memref<!tpu.dma_semaphore, #tpu.memory_space<semaphore_mem>>) src(%dma_wait3A_263 : memref<10240x64xf32, #tpu.memory_space<hbm>>) dst(%dma_wait3A_257 : memref<128x64xf32, #tpu.memory_space<vmem>>)
      %dma_start3A_264 = arith.constant 0 : i32
      %dma_start3A_265 = arith.constant 0 : i32
      %dma_start3A_266 = arith.constant 0 : i32
      %dma_start3A_267 = tpu.memref_slice %arg9[%dma_start3A_264, %dma_start3A_265, %dma_start3A_266] : memref<4x128x64xf32, #tpu.memory_space<vmem>> -> memref<1x128x64xf32, #tpu.memory_space<vmem>>
      %dma_start3A_268 = tpu.memref_squeeze %dma_start3A_267 : memref<1x128x64xf32, #tpu.memory_space<vmem>> -> memref<128x64xf32, #tpu.memory_space<vmem>>
      %dma_start3A_269 = arith.constant 0 : i32
      %dma_start3A_270 = tpu.memref_slice %arg8[%add3A_252, %dma_start3A_269] : memref<80x128xi32, #tpu.memory_space<vmem>> -> memref<1x128xi32, #tpu.memory_space<vmem>>
      %dma_start3A_271 = tpu.memref_squeeze %dma_start3A_270 : memref<1x128xi32, #tpu.memory_space<vmem>> -> memref<128xi32, #tpu.memory_space<vmem>>
      %dma_start3A_272 = arith.constant 0 : i32
      %dma_start3A_273 = arith.constant 0 : i32
      %dma_start3A_274 = tpu.memref_slice %arg10[%dma_start3A_272, %dma_start3A_273] : memref<10240x64xf32, #tpu.memory_space<vmem_shared>> -> memref<10240x64xf32, #tpu.memory_space<vmem_shared>>
      tpu.enqueue_indirect_dma source(%dma_start3A_268 : memref<128x64xf32, #tpu.memory_space<vmem>>) target(%dma_start3A_274 : memref<10240x64xf32, #tpu.memory_space<vmem_shared>>) offsets(%dma_start3A_271 : memref<128xi32, #tpu.memory_space<vmem>>) semaphore(%arg15 : memref<!tpu.dma_semaphore, #tpu.memory_space<semaphore_mem>>) {add = true}
      %add3A_275 = arith.constant 2 : i32
      %add3A_276 = arith.addi %add3A_252, %add3A_275 : i32
      %lt3A = arith.constant 80 : i32
      %lt3A_277 = arith.cmpi slt, %add3A_276, %lt3A : i32
      %convert_element_type3A = arith.extui %lt3A_277 : i1 to i32
      %cond3A = arith.constant 0 : i32
      %cond3A_278 = arith.cmpi ne, %convert_element_type3A, %cond3A : i32
      scf.if %cond3A_278 {
        %sub3A = arith.constant 2 : i32
        %sub3A_372 = arith.subi %add3A_252, %sub3A : i32
        %dma_wait3A_373 = arith.constant 2 : i32
        %dma_wait3A_374 = arith.constant 0 : i32
        %dma_wait3A_375 = arith.constant 0 : i32
        %dma_wait3A_376 = tpu.memref_slice %arg9[%dma_wait3A_373, %dma_wait3A_374, %dma_wait3A_375] : memref<4x128x64xf32, #tpu.memory_space<vmem>> -> memref<1x128x64xf32, #tpu.memory_space<vmem>>
        %dma_wait3A_377 = tpu.memref_squeeze %dma_wait3A_376 : memref<1x128x64xf32, #tpu.memory_space<vmem>> -> memref<128x64xf32, #tpu.memory_space<vmem>>
        %dma_wait3A_378 = arith.constant 0 : i32
        %dma_wait3A_379 = tpu.memref_slice %arg8[%sub3A_372, %dma_wait3A_378] : memref<80x128xi32, #tpu.memory_space<vmem>> -> memref<1x128xi32, #tpu.memory_space<vmem>>
        %dma_wait3A_380 = tpu.memref_squeeze %dma_wait3A_379 : memref<1x128xi32, #tpu.memory_space<vmem>> -> memref<128xi32, #tpu.memory_space<vmem>>
        %dma_wait3A_381 = arith.constant 0 : i32
        %dma_wait3A_382 = arith.constant 0 : i32
        %dma_wait3A_383 = tpu.memref_slice %arg10[%dma_wait3A_381, %dma_wait3A_382] : memref<10240x64xf32, #tpu.memory_space<vmem_shared>> -> memref<10240x64xf32, #tpu.memory_space<vmem_shared>>
        tpu.wait_indirect_dma semaphore(%arg17 : memref<!tpu.dma_semaphore, #tpu.memory_space<semaphore_mem>>) src(%dma_wait3A_377 : memref<128x64xf32, #tpu.memory_space<vmem>>) dst(%dma_wait3A_383 : memref<10240x64xf32, #tpu.memory_space<vmem_shared>>)
        %add3A_384 = arith.constant 2 : i32
        %add3A_385 = arith.addi %add3A_252, %add3A_384 : i32
        %dma_start3A_386 = arith.constant 2 : i32
        %dma_start3A_387 = arith.constant 0 : i32
        %dma_start3A_388 = arith.constant 0 : i32
        %dma_start3A_389 = tpu.memref_slice %arg9[%dma_start3A_386, %dma_start3A_387, %dma_start3A_388] : memref<4x128x64xf32, #tpu.memory_space<vmem>> -> memref<1x128x64xf32, #tpu.memory_space<vmem>>
        %dma_start3A_390 = tpu.memref_squeeze %dma_start3A_389 : memref<1x128x64xf32, #tpu.memory_space<vmem>> -> memref<128x64xf32, #tpu.memory_space<vmem>>
        %dma_start3A_391 = arith.constant 0 : i32
        %dma_start3A_392 = tpu.memref_slice %arg7[%add3A_385, %dma_start3A_391] : memref<80x128xi32, #tpu.memory_space<vmem>> -> memref<1x128xi32, #tpu.memory_space<vmem>>
        %dma_start3A_393 = tpu.memref_squeeze %dma_start3A_392 : memref<1x128xi32, #tpu.memory_space<vmem>> -> memref<128xi32, #tpu.memory_space<vmem>>
        %dma_start3A_394 = arith.constant 0 : i32
        %dma_start3A_395 = arith.constant 0 : i32
        %dma_start3A_396 = tpu.memref_slice %arg2[%dma_start3A_394, %dma_start3A_395] : memref<10240x64xf32, #tpu.memory_space<hbm>> -> memref<10240x64xf32, #tpu.memory_space<hbm>>
        tpu.enqueue_indirect_dma source(%dma_start3A_396 : memref<10240x64xf32, #tpu.memory_space<hbm>>) target(%dma_start3A_390 : memref<128x64xf32, #tpu.memory_space<vmem>>) offsets(%dma_start3A_393 : memref<128xi32, #tpu.memory_space<vmem>>) semaphore(%arg13 : memref<!tpu.dma_semaphore, #tpu.memory_space<semaphore_mem>>)
      } else {
      }
      %add3A_279 = arith.constant 1 : i32
      %add3A_280 = arith.addi %add3A_250, %add3A_279 : i32
      %dma_wait3A_281 = arith.constant 1 : i32
      %dma_wait3A_282 = arith.constant 0 : i32
      %dma_wait3A_283 = arith.constant 0 : i32
      %dma_wait3A_284 = tpu.memref_slice %arg9[%dma_wait3A_281, %dma_wait3A_282, %dma_wait3A_283] : memref<4x128x64xf32, #tpu.memory_space<vmem>> -> memref<1x128x64xf32, #tpu.memory_space<vmem>>
      %dma_wait3A_285 = tpu.memref_squeeze %dma_wait3A_284 : memref<1x128x64xf32, #tpu.memory_space<vmem>> -> memref<128x64xf32, #tpu.memory_space<vmem>>
      %dma_wait3A_286 = arith.constant 0 : i32
      %dma_wait3A_287 = tpu.memref_slice %arg7[%add3A_280, %dma_wait3A_286] : memref<80x128xi32, #tpu.memory_space<vmem>> -> memref<1x128xi32, #tpu.memory_space<vmem>>
      %dma_wait3A_288 = tpu.memref_squeeze %dma_wait3A_287 : memref<1x128xi32, #tpu.memory_space<vmem>> -> memref<128xi32, #tpu.memory_space<vmem>>
      %dma_wait3A_289 = arith.constant 0 : i32
      %dma_wait3A_290 = arith.constant 0 : i32
      %dma_wait3A_291 = tpu.memref_slice %arg2[%dma_wait3A_289, %dma_wait3A_290] : memref<10240x64xf32, #tpu.memory_space<hbm>> -> memref<10240x64xf32, #tpu.memory_space<hbm>>
      tpu.wait_indirect_dma semaphore(%arg12 : memref<!tpu.dma_semaphore, #tpu.memory_space<semaphore_mem>>) src(%dma_wait3A_291 : memref<10240x64xf32, #tpu.memory_space<hbm>>) dst(%dma_wait3A_285 : memref<128x64xf32, #tpu.memory_space<vmem>>)
      %dma_start3A_292 = arith.constant 1 : i32
      %dma_start3A_293 = arith.constant 0 : i32
      %dma_start3A_294 = arith.constant 0 : i32
      %dma_start3A_295 = tpu.memref_slice %arg9[%dma_start3A_292, %dma_start3A_293, %dma_start3A_294] : memref<4x128x64xf32, #tpu.memory_space<vmem>> -> memref<1x128x64xf32, #tpu.memory_space<vmem>>
      %dma_start3A_296 = tpu.memref_squeeze %dma_start3A_295 : memref<1x128x64xf32, #tpu.memory_space<vmem>> -> memref<128x64xf32, #tpu.memory_space<vmem>>
      %dma_start3A_297 = arith.constant 0 : i32
      %dma_start3A_298 = tpu.memref_slice %arg8[%add3A_280, %dma_start3A_297] : memref<80x128xi32, #tpu.memory_space<vmem>> -> memref<1x128xi32, #tpu.memory_space<vmem>>
      %dma_start3A_299 = tpu.memref_squeeze %dma_start3A_298 : memref<1x128xi32, #tpu.memory_space<vmem>> -> memref<128xi32, #tpu.memory_space<vmem>>
      %dma_start3A_300 = arith.constant 0 : i32
      %dma_start3A_301 = arith.constant 0 : i32
      %dma_start3A_302 = tpu.memref_slice %arg10[%dma_start3A_300, %dma_start3A_301] : memref<10240x64xf32, #tpu.memory_space<vmem_shared>> -> memref<10240x64xf32, #tpu.memory_space<vmem_shared>>
      tpu.enqueue_indirect_dma source(%dma_start3A_296 : memref<128x64xf32, #tpu.memory_space<vmem>>) target(%dma_start3A_302 : memref<10240x64xf32, #tpu.memory_space<vmem_shared>>) offsets(%dma_start3A_299 : memref<128xi32, #tpu.memory_space<vmem>>) semaphore(%arg16 : memref<!tpu.dma_semaphore, #tpu.memory_space<semaphore_mem>>) {add = true}
      %add3A_303 = arith.constant 2 : i32
      %add3A_304 = arith.addi %add3A_280, %add3A_303 : i32
      %lt3A_305 = arith.constant 80 : i32
      %lt3A_306 = arith.cmpi slt, %add3A_304, %lt3A_305 : i32
      %convert_element_type3A_307 = arith.extui %lt3A_306 : i1 to i32
      %cond3A_308 = arith.constant 0 : i32
      %cond3A_309 = arith.cmpi ne, %convert_element_type3A_307, %cond3A_308 : i32
      scf.if %cond3A_309 {
        %sub3A = arith.constant 2 : i32
        %sub3A_372 = arith.subi %add3A_280, %sub3A : i32
        %dma_wait3A_373 = arith.constant 3 : i32
        %dma_wait3A_374 = arith.constant 0 : i32
        %dma_wait3A_375 = arith.constant 0 : i32
        %dma_wait3A_376 = tpu.memref_slice %arg9[%dma_wait3A_373, %dma_wait3A_374, %dma_wait3A_375] : memref<4x128x64xf32, #tpu.memory_space<vmem>> -> memref<1x128x64xf32, #tpu.memory_space<vmem>>
        %dma_wait3A_377 = tpu.memref_squeeze %dma_wait3A_376 : memref<1x128x64xf32, #tpu.memory_space<vmem>> -> memref<128x64xf32, #tpu.memory_space<vmem>>
        %dma_wait3A_378 = arith.constant 0 : i32
        %dma_wait3A_379 = tpu.memref_slice %arg8[%sub3A_372, %dma_wait3A_378] : memref<80x128xi32, #tpu.memory_space<vmem>> -> memref<1x128xi32, #tpu.memory_space<vmem>>
        %dma_wait3A_380 = tpu.memref_squeeze %dma_wait3A_379 : memref<1x128xi32, #tpu.memory_space<vmem>> -> memref<128xi32, #tpu.memory_space<vmem>>
        %dma_wait3A_381 = arith.constant 0 : i32
        %dma_wait3A_382 = arith.constant 0 : i32
        %dma_wait3A_383 = tpu.memref_slice %arg10[%dma_wait3A_381, %dma_wait3A_382] : memref<10240x64xf32, #tpu.memory_space<vmem_shared>> -> memref<10240x64xf32, #tpu.memory_space<vmem_shared>>
        tpu.wait_indirect_dma semaphore(%arg18 : memref<!tpu.dma_semaphore, #tpu.memory_space<semaphore_mem>>) src(%dma_wait3A_377 : memref<128x64xf32, #tpu.memory_space<vmem>>) dst(%dma_wait3A_383 : memref<10240x64xf32, #tpu.memory_space<vmem_shared>>)
        %add3A_384 = arith.constant 2 : i32
        %add3A_385 = arith.addi %add3A_280, %add3A_384 : i32
        %dma_start3A_386 = arith.constant 3 : i32
        %dma_start3A_387 = arith.constant 0 : i32
        %dma_start3A_388 = arith.constant 0 : i32
        %dma_start3A_389 = tpu.memref_slice %arg9[%dma_start3A_386, %dma_start3A_387, %dma_start3A_388] : memref<4x128x64xf32, #tpu.memory_space<vmem>> -> memref<1x128x64xf32, #tpu.memory_space<vmem>>
        %dma_start3A_390 = tpu.memref_squeeze %dma_start3A_389 : memref<1x128x64xf32, #tpu.memory_space<vmem>> -> memref<128x64xf32, #tpu.memory_space<vmem>>
        %dma_start3A_391 = arith.constant 0 : i32
        %dma_start3A_392 = tpu.memref_slice %arg7[%add3A_385, %dma_start3A_391] : memref<80x128xi32, #tpu.memory_space<vmem>> -> memref<1x128xi32, #tpu.memory_space<vmem>>
        %dma_start3A_393 = tpu.memref_squeeze %dma_start3A_392 : memref<1x128xi32, #tpu.memory_space<vmem>> -> memref<128xi32, #tpu.memory_space<vmem>>
        %dma_start3A_394 = arith.constant 0 : i32
        %dma_start3A_395 = arith.constant 0 : i32
        %dma_start3A_396 = tpu.memref_slice %arg2[%dma_start3A_394, %dma_start3A_395] : memref<10240x64xf32, #tpu.memory_space<hbm>> -> memref<10240x64xf32, #tpu.memory_space<hbm>>
        tpu.enqueue_indirect_dma source(%dma_start3A_396 : memref<10240x64xf32, #tpu.memory_space<hbm>>) target(%dma_start3A_390 : memref<128x64xf32, #tpu.memory_space<vmem>>) offsets(%dma_start3A_393 : memref<128xi32, #tpu.memory_space<vmem>>) semaphore(%arg14 : memref<!tpu.dma_semaphore, #tpu.memory_space<semaphore_mem>>)
      } else {
      }
      %add3A_310 = arith.constant 2 : i32
      %add3A_311 = arith.addi %add3A_250, %add3A_310 : i32
      %dma_wait3A_312 = arith.constant 2 : i32
      %dma_wait3A_313 = arith.constant 0 : i32
      %dma_wait3A_314 = arith.constant 0 : i32
      %dma_wait3A_315 = tpu.memref_slice %arg9[%dma_wait3A_312, %dma_wait3A_313, %dma_wait3A_314] : memref<4x128x64xf32, #tpu.memory_space<vmem>> -> memref<1x128x64xf32, #tpu.memory_space<vmem>>
      %dma_wait3A_316 = tpu.memref_squeeze %dma_wait3A_315 : memref<1x128x64xf32, #tpu.memory_space<vmem>> -> memref<128x64xf32, #tpu.memory_space<vmem>>
      %dma_wait3A_317 = arith.constant 0 : i32
      %dma_wait3A_318 = tpu.memref_slice %arg7[%add3A_311, %dma_wait3A_317] : memref<80x128xi32, #tpu.memory_space<vmem>> -> memref<1x128xi32, #tpu.memory_space<vmem>>
      %dma_wait3A_319 = tpu.memref_squeeze %dma_wait3A_318 : memref<1x128xi32, #tpu.memory_space<vmem>> -> memref<128xi32, #tpu.memory_space<vmem>>
      %dma_wait3A_320 = arith.constant 0 : i32
      %dma_wait3A_321 = arith.constant 0 : i32
      %dma_wait3A_322 = tpu.memref_slice %arg2[%dma_wait3A_320, %dma_wait3A_321] : memref<10240x64xf32, #tpu.memory_space<hbm>> -> memref<10240x64xf32, #tpu.memory_space<hbm>>
      tpu.wait_indirect_dma semaphore(%arg13 : memref<!tpu.dma_semaphore, #tpu.memory_space<semaphore_mem>>) src(%dma_wait3A_322 : memref<10240x64xf32, #tpu.memory_space<hbm>>) dst(%dma_wait3A_316 : memref<128x64xf32, #tpu.memory_space<vmem>>)
      %dma_start3A_323 = arith.constant 2 : i32
      %dma_start3A_324 = arith.constant 0 : i32
      %dma_start3A_325 = arith.constant 0 : i32
      %dma_start3A_326 = tpu.memref_slice %arg9[%dma_start3A_323, %dma_start3A_324, %dma_start3A_325] : memref<4x128x64xf32, #tpu.memory_space<vmem>> -> memref<1x128x64xf32, #tpu.memory_space<vmem>>
      %dma_start3A_327 = tpu.memref_squeeze %dma_start3A_326 : memref<1x128x64xf32, #tpu.memory_space<vmem>> -> memref<128x64xf32, #tpu.memory_space<vmem>>
      %dma_start3A_328 = arith.constant 0 : i32
      %dma_start3A_329 = tpu.memref_slice %arg8[%add3A_311, %dma_start3A_328] : memref<80x128xi32, #tpu.memory_space<vmem>> -> memref<1x128xi32, #tpu.memory_space<vmem>>
      %dma_start3A_330 = tpu.memref_squeeze %dma_start3A_329 : memref<1x128xi32, #tpu.memory_space<vmem>> -> memref<128xi32, #tpu.memory_space<vmem>>
      %dma_start3A_331 = arith.constant 0 : i32
      %dma_start3A_332 = arith.constant 0 : i32
      %dma_start3A_333 = tpu.memref_slice %arg10[%dma_start3A_331, %dma_start3A_332] : memref<10240x64xf32, #tpu.memory_space<vmem_shared>> -> memref<10240x64xf32, #tpu.memory_space<vmem_shared>>
      tpu.enqueue_indirect_dma source(%dma_start3A_327 : memref<128x64xf32, #tpu.memory_space<vmem>>) target(%dma_start3A_333 : memref<10240x64xf32, #tpu.memory_space<vmem_shared>>) offsets(%dma_start3A_330 : memref<128xi32, #tpu.memory_space<vmem>>) semaphore(%arg17 : memref<!tpu.dma_semaphore, #tpu.memory_space<semaphore_mem>>) {add = true}
      %add3A_334 = arith.constant 2 : i32
      %add3A_335 = arith.addi %add3A_311, %add3A_334 : i32
      %lt3A_336 = arith.constant 80 : i32
      %lt3A_337 = arith.cmpi slt, %add3A_335, %lt3A_336 : i32
      %convert_element_type3A_338 = arith.extui %lt3A_337 : i1 to i32
      %cond3A_339 = arith.constant 0 : i32
      %cond3A_340 = arith.cmpi ne, %convert_element_type3A_338, %cond3A_339 : i32
      scf.if %cond3A_340 {
        %sub3A = arith.constant 2 : i32
        %sub3A_372 = arith.subi %add3A_311, %sub3A : i32
        %dma_wait3A_373 = arith.constant 0 : i32
        %dma_wait3A_374 = arith.constant 0 : i32
        %dma_wait3A_375 = arith.constant 0 : i32
        %dma_wait3A_376 = tpu.memref_slice %arg9[%dma_wait3A_373, %dma_wait3A_374, %dma_wait3A_375] : memref<4x128x64xf32, #tpu.memory_space<vmem>> -> memref<1x128x64xf32, #tpu.memory_space<vmem>>
        %dma_wait3A_377 = tpu.memref_squeeze %dma_wait3A_376 : memref<1x128x64xf32, #tpu.memory_space<vmem>> -> memref<128x64xf32, #tpu.memory_space<vmem>>
        %dma_wait3A_378 = arith.constant 0 : i32
        %dma_wait3A_379 = tpu.memref_slice %arg8[%sub3A_372, %dma_wait3A_378] : memref<80x128xi32, #tpu.memory_space<vmem>> -> memref<1x128xi32, #tpu.memory_space<vmem>>
        %dma_wait3A_380 = tpu.memref_squeeze %dma_wait3A_379 : memref<1x128xi32, #tpu.memory_space<vmem>> -> memref<128xi32, #tpu.memory_space<vmem>>
        %dma_wait3A_381 = arith.constant 0 : i32
        %dma_wait3A_382 = arith.constant 0 : i32
        %dma_wait3A_383 = tpu.memref_slice %arg10[%dma_wait3A_381, %dma_wait3A_382] : memref<10240x64xf32, #tpu.memory_space<vmem_shared>> -> memref<10240x64xf32, #tpu.memory_space<vmem_shared>>
        tpu.wait_indirect_dma semaphore(%arg15 : memref<!tpu.dma_semaphore, #tpu.memory_space<semaphore_mem>>) src(%dma_wait3A_377 : memref<128x64xf32, #tpu.memory_space<vmem>>) dst(%dma_wait3A_383 : memref<10240x64xf32, #tpu.memory_space<vmem_shared>>)
        %add3A_384 = arith.constant 2 : i32
        %add3A_385 = arith.addi %add3A_311, %add3A_384 : i32
        %dma_start3A_386 = arith.constant 0 : i32
        %dma_start3A_387 = arith.constant 0 : i32
        %dma_start3A_388 = arith.constant 0 : i32
        %dma_start3A_389 = tpu.memref_slice %arg9[%dma_start3A_386, %dma_start3A_387, %dma_start3A_388] : memref<4x128x64xf32, #tpu.memory_space<vmem>> -> memref<1x128x64xf32, #tpu.memory_space<vmem>>
        %dma_start3A_390 = tpu.memref_squeeze %dma_start3A_389 : memref<1x128x64xf32, #tpu.memory_space<vmem>> -> memref<128x64xf32, #tpu.memory_space<vmem>>
        %dma_start3A_391 = arith.constant 0 : i32
        %dma_start3A_392 = tpu.memref_slice %arg7[%add3A_385, %dma_start3A_391] : memref<80x128xi32, #tpu.memory_space<vmem>> -> memref<1x128xi32, #tpu.memory_space<vmem>>
        %dma_start3A_393 = tpu.memref_squeeze %dma_start3A_392 : memref<1x128xi32, #tpu.memory_space<vmem>> -> memref<128xi32, #tpu.memory_space<vmem>>
        %dma_start3A_394 = arith.constant 0 : i32
        %dma_start3A_395 = arith.constant 0 : i32
        %dma_start3A_396 = tpu.memref_slice %arg2[%dma_start3A_394, %dma_start3A_395] : memref<10240x64xf32, #tpu.memory_space<hbm>> -> memref<10240x64xf32, #tpu.memory_space<hbm>>
        tpu.enqueue_indirect_dma source(%dma_start3A_396 : memref<10240x64xf32, #tpu.memory_space<hbm>>) target(%dma_start3A_390 : memref<128x64xf32, #tpu.memory_space<vmem>>) offsets(%dma_start3A_393 : memref<128xi32, #tpu.memory_space<vmem>>) semaphore(%arg11 : memref<!tpu.dma_semaphore, #tpu.memory_space<semaphore_mem>>)
      } else {
      }
      %add3A_341 = arith.constant 3 : i32
      %add3A_342 = arith.addi %add3A_250, %add3A_341 : i32
      %dma_wait3A_343 = arith.constant 3 : i32
      %dma_wait3A_344 = arith.constant 0 : i32
      %dma_wait3A_345 = arith.constant 0 : i32
      %dma_wait3A_346 = tpu.memref_slice %arg9[%dma_wait3A_343, %dma_wait3A_344, %dma_wait3A_345] : memref<4x128x64xf32, #tpu.memory_space<vmem>> -> memref<1x128x64xf32, #tpu.memory_space<vmem>>
      %dma_wait3A_347 = tpu.memref_squeeze %dma_wait3A_346 : memref<1x128x64xf32, #tpu.memory_space<vmem>> -> memref<128x64xf32, #tpu.memory_space<vmem>>
      %dma_wait3A_348 = arith.constant 0 : i32
      %dma_wait3A_349 = tpu.memref_slice %arg7[%add3A_342, %dma_wait3A_348] : memref<80x128xi32, #tpu.memory_space<vmem>> -> memref<1x128xi32, #tpu.memory_space<vmem>>
      %dma_wait3A_350 = tpu.memref_squeeze %dma_wait3A_349 : memref<1x128xi32, #tpu.memory_space<vmem>> -> memref<128xi32, #tpu.memory_space<vmem>>
      %dma_wait3A_351 = arith.constant 0 : i32
      %dma_wait3A_352 = arith.constant 0 : i32
      %dma_wait3A_353 = tpu.memref_slice %arg2[%dma_wait3A_351, %dma_wait3A_352] : memref<10240x64xf32, #tpu.memory_space<hbm>> -> memref<10240x64xf32, #tpu.memory_space<hbm>>
      tpu.wait_indirect_dma semaphore(%arg14 : memref<!tpu.dma_semaphore, #tpu.memory_space<semaphore_mem>>) src(%dma_wait3A_353 : memref<10240x64xf32, #tpu.memory_space<hbm>>) dst(%dma_wait3A_347 : memref<128x64xf32, #tpu.memory_space<vmem>>)
      %dma_start3A_354 = arith.constant 3 : i32
      %dma_start3A_355 = arith.constant 0 : i32
      %dma_start3A_356 = arith.constant 0 : i32
      %dma_start3A_357 = tpu.memref_slice %arg9[%dma_start3A_354, %dma_start3A_355, %dma_start3A_356] : memref<4x128x64xf32, #tpu.memory_space<vmem>> -> memref<1x128x64xf32, #tpu.memory_space<vmem>>
      %dma_start3A_358 = tpu.memref_squeeze %dma_start3A_357 : memref<1x128x64xf32, #tpu.memory_space<vmem>> -> memref<128x64xf32, #tpu.memory_space<vmem>>
      %dma_start3A_359 = arith.constant 0 : i32
      %dma_start3A_360 = tpu.memref_slice %arg8[%add3A_342, %dma_start3A_359] : memref<80x128xi32, #tpu.memory_space<vmem>> -> memref<1x128xi32, #tpu.memory_space<vmem>>
      %dma_start3A_361 = tpu.memref_squeeze %dma_start3A_360 : memref<1x128xi32, #tpu.memory_space<vmem>> -> memref<128xi32, #tpu.memory_space<vmem>>
      %dma_start3A_362 = arith.constant 0 : i32
      %dma_start3A_363 = arith.constant 0 : i32
      %dma_start3A_364 = tpu.memref_slice %arg10[%dma_start3A_362, %dma_start3A_363] : memref<10240x64xf32, #tpu.memory_space<vmem_shared>> -> memref<10240x64xf32, #tpu.memory_space<vmem_shared>>
      tpu.enqueue_indirect_dma source(%dma_start3A_358 : memref<128x64xf32, #tpu.memory_space<vmem>>) target(%dma_start3A_364 : memref<10240x64xf32, #tpu.memory_space<vmem_shared>>) offsets(%dma_start3A_361 : memref<128xi32, #tpu.memory_space<vmem>>) semaphore(%arg18 : memref<!tpu.dma_semaphore, #tpu.memory_space<semaphore_mem>>) {add = true}
      %add3A_365 = arith.constant 2 : i32
      %add3A_366 = arith.addi %add3A_342, %add3A_365 : i32
      %lt3A_367 = arith.constant 80 : i32
      %lt3A_368 = arith.cmpi slt, %add3A_366, %lt3A_367 : i32
      %convert_element_type3A_369 = arith.extui %lt3A_368 : i1 to i32
      %cond3A_370 = arith.constant 0 : i32
      %cond3A_371 = arith.cmpi ne, %convert_element_type3A_369, %cond3A_370 : i32
      scf.if %cond3A_371 {
        %sub3A = arith.constant 2 : i32
        %sub3A_372 = arith.subi %add3A_342, %sub3A : i32
        %dma_wait3A_373 = arith.constant 1 : i32
        %dma_wait3A_374 = arith.constant 0 : i32
        %dma_wait3A_375 = arith.constant 0 : i32
        %dma_wait3A_376 = tpu.memref_slice %arg9[%dma_wait3A_373, %dma_wait3A_374, %dma_wait3A_375] : memref<4x128x64xf32, #tpu.memory_space<vmem>> -> memref<1x128x64xf32, #tpu.memory_space<vmem>>
        %dma_wait3A_377 = tpu.memref_squeeze %dma_wait3A_376 : memref<1x128x64xf32, #tpu.memory_space<vmem>> -> memref<128x64xf32, #tpu.memory_space<vmem>>
        %dma_wait3A_378 = arith.constant 0 : i32
        %dma_wait3A_379 = tpu.memref_slice %arg8[%sub3A_372, %dma_wait3A_378] : memref<80x128xi32, #tpu.memory_space<vmem>> -> memref<1x128xi32, #tpu.memory_space<vmem>>
        %dma_wait3A_380 = tpu.memref_squeeze %dma_wait3A_379 : memref<1x128xi32, #tpu.memory_space<vmem>> -> memref<128xi32, #tpu.memory_space<vmem>>
        %dma_wait3A_381 = arith.constant 0 : i32
        %dma_wait3A_382 = arith.constant 0 : i32
        %dma_wait3A_383 = tpu.memref_slice %arg10[%dma_wait3A_381, %dma_wait3A_382] : memref<10240x64xf32, #tpu.memory_space<vmem_shared>> -> memref<10240x64xf32, #tpu.memory_space<vmem_shared>>
        tpu.wait_indirect_dma semaphore(%arg16 : memref<!tpu.dma_semaphore, #tpu.memory_space<semaphore_mem>>) src(%dma_wait3A_377 : memref<128x64xf32, #tpu.memory_space<vmem>>) dst(%dma_wait3A_383 : memref<10240x64xf32, #tpu.memory_space<vmem_shared>>)
        %add3A_384 = arith.constant 2 : i32
        %add3A_385 = arith.addi %add3A_342, %add3A_384 : i32
        %dma_start3A_386 = arith.constant 1 : i32
        %dma_start3A_387 = arith.constant 0 : i32
        %dma_start3A_388 = arith.constant 0 : i32
        %dma_start3A_389 = tpu.memref_slice %arg9[%dma_start3A_386, %dma_start3A_387, %dma_start3A_388] : memref<4x128x64xf32, #tpu.memory_space<vmem>> -> memref<1x128x64xf32, #tpu.memory_space<vmem>>
        %dma_start3A_390 = tpu.memref_squeeze %dma_start3A_389 : memref<1x128x64xf32, #tpu.memory_space<vmem>> -> memref<128x64xf32, #tpu.memory_space<vmem>>
        %dma_start3A_391 = arith.constant 0 : i32
        %dma_start3A_392 = tpu.memref_slice %arg7[%add3A_385, %dma_start3A_391] : memref<80x128xi32, #tpu.memory_space<vmem>> -> memref<1x128xi32, #tpu.memory_space<vmem>>
        %dma_start3A_393 = tpu.memref_squeeze %dma_start3A_392 : memref<1x128xi32, #tpu.memory_space<vmem>> -> memref<128xi32, #tpu.memory_space<vmem>>
        %dma_start3A_394 = arith.constant 0 : i32
        %dma_start3A_395 = arith.constant 0 : i32
        %dma_start3A_396 = tpu.memref_slice %arg2[%dma_start3A_394, %dma_start3A_395] : memref<10240x64xf32, #tpu.memory_space<hbm>> -> memref<10240x64xf32, #tpu.memory_space<hbm>>
        tpu.enqueue_indirect_dma source(%dma_start3A_396 : memref<10240x64xf32, #tpu.memory_space<hbm>>) target(%dma_start3A_390 : memref<128x64xf32, #tpu.memory_space<vmem>>) offsets(%dma_start3A_393 : memref<128xi32, #tpu.memory_space<vmem>>) semaphore(%arg12 : memref<!tpu.dma_semaphore, #tpu.memory_space<semaphore_mem>>)
      } else {
      }
    }
    %scan3A_196 = arith.constant 19 : i32
    %dma_wait3A_197 = arith.constant 0 : i32
    %dma_wait3A_198 = arith.constant 76 : i32
    %dma_wait3A_199 = arith.constant 0 : i32
    %dma_wait3A_200 = arith.constant 0 : i32
    %dma_wait3A_201 = tpu.memref_slice %arg9[%dma_wait3A_197, %dma_wait3A_199, %dma_wait3A_200] : memref<4x128x64xf32, #tpu.memory_space<vmem>> -> memref<1x128x64xf32, #tpu.memory_space<vmem>>
    %dma_wait3A_202 = tpu.memref_squeeze %dma_wait3A_201 : memref<1x128x64xf32, #tpu.memory_space<vmem>> -> memref<128x64xf32, #tpu.memory_space<vmem>>
    %dma_wait3A_203 = arith.constant 0 : i32
    %dma_wait3A_204 = tpu.memref_slice %arg8[%dma_wait3A_198, %dma_wait3A_203] : memref<80x128xi32, #tpu.memory_space<vmem>> -> memref<1x128xi32, #tpu.memory_space<vmem>>
    %dma_wait3A_205 = tpu.memref_squeeze %dma_wait3A_204 : memref<1x128xi32, #tpu.memory_space<vmem>> -> memref<128xi32, #tpu.memory_space<vmem>>
    %dma_wait3A_206 = arith.constant 0 : i32
    %dma_wait3A_207 = arith.constant 0 : i32
    %dma_wait3A_208 = tpu.memref_slice %arg10[%dma_wait3A_206, %dma_wait3A_207] : memref<10240x64xf32, #tpu.memory_space<vmem_shared>> -> memref<10240x64xf32, #tpu.memory_space<vmem_shared>>
    tpu.wait_indirect_dma semaphore(%arg15 : memref<!tpu.dma_semaphore, #tpu.memory_space<semaphore_mem>>) src(%dma_wait3A_202 : memref<128x64xf32, #tpu.memory_space<vmem>>) dst(%dma_wait3A_208 : memref<10240x64xf32, #tpu.memory_space<vmem_shared>>)
    %dma_wait3A_209 = arith.constant 1 : i32
    %dma_wait3A_210 = arith.constant 77 : i32
    %dma_wait3A_211 = arith.constant 0 : i32
    %dma_wait3A_212 = arith.constant 0 : i32
    %dma_wait3A_213 = tpu.memref_slice %arg9[%dma_wait3A_209, %dma_wait3A_211, %dma_wait3A_212] : memref<4x128x64xf32, #tpu.memory_space<vmem>> -> memref<1x128x64xf32, #tpu.memory_space<vmem>>
    %dma_wait3A_214 = tpu.memref_squeeze %dma_wait3A_213 : memref<1x128x64xf32, #tpu.memory_space<vmem>> -> memref<128x64xf32, #tpu.memory_space<vmem>>
    %dma_wait3A_215 = arith.constant 0 : i32
    %dma_wait3A_216 = tpu.memref_slice %arg8[%dma_wait3A_210, %dma_wait3A_215] : memref<80x128xi32, #tpu.memory_space<vmem>> -> memref<1x128xi32, #tpu.memory_space<vmem>>
    %dma_wait3A_217 = tpu.memref_squeeze %dma_wait3A_216 : memref<1x128xi32, #tpu.memory_space<vmem>> -> memref<128xi32, #tpu.memory_space<vmem>>
    %dma_wait3A_218 = arith.constant 0 : i32
    %dma_wait3A_219 = arith.constant 0 : i32
    %dma_wait3A_220 = tpu.memref_slice %arg10[%dma_wait3A_218, %dma_wait3A_219] : memref<10240x64xf32, #tpu.memory_space<vmem_shared>> -> memref<10240x64xf32, #tpu.memory_space<vmem_shared>>
    tpu.wait_indirect_dma semaphore(%arg16 : memref<!tpu.dma_semaphore, #tpu.memory_space<semaphore_mem>>) src(%dma_wait3A_214 : memref<128x64xf32, #tpu.memory_space<vmem>>) dst(%dma_wait3A_220 : memref<10240x64xf32, #tpu.memory_space<vmem_shared>>)
    %dma_wait3A_221 = arith.constant 2 : i32
    %dma_wait3A_222 = arith.constant 78 : i32
    %dma_wait3A_223 = arith.constant 0 : i32
    %dma_wait3A_224 = arith.constant 0 : i32
    %dma_wait3A_225 = tpu.memref_slice %arg9[%dma_wait3A_221, %dma_wait3A_223, %dma_wait3A_224] : memref<4x128x64xf32, #tpu.memory_space<vmem>> -> memref<1x128x64xf32, #tpu.memory_space<vmem>>
    %dma_wait3A_226 = tpu.memref_squeeze %dma_wait3A_225 : memref<1x128x64xf32, #tpu.memory_space<vmem>> -> memref<128x64xf32, #tpu.memory_space<vmem>>
    %dma_wait3A_227 = arith.constant 0 : i32
    %dma_wait3A_228 = tpu.memref_slice %arg8[%dma_wait3A_222, %dma_wait3A_227] : memref<80x128xi32, #tpu.memory_space<vmem>> -> memref<1x128xi32, #tpu.memory_space<vmem>>
    %dma_wait3A_229 = tpu.memref_squeeze %dma_wait3A_228 : memref<1x128xi32, #tpu.memory_space<vmem>> -> memref<128xi32, #tpu.memory_space<vmem>>
    %dma_wait3A_230 = arith.constant 0 : i32
    %dma_wait3A_231 = arith.constant 0 : i32
    %dma_wait3A_232 = tpu.memref_slice %arg10[%dma_wait3A_230, %dma_wait3A_231] : memref<10240x64xf32, #tpu.memory_space<vmem_shared>> -> memref<10240x64xf32, #tpu.memory_space<vmem_shared>>
    tpu.wait_indirect_dma semaphore(%arg17 : memref<!tpu.dma_semaphore, #tpu.memory_space<semaphore_mem>>) src(%dma_wait3A_226 : memref<128x64xf32, #tpu.memory_space<vmem>>) dst(%dma_wait3A_232 : memref<10240x64xf32, #tpu.memory_space<vmem_shared>>)
    %dma_wait3A_233 = arith.constant 3 : i32
    %dma_wait3A_234 = arith.constant 79 : i32
    %dma_wait3A_235 = arith.constant 0 : i32
    %dma_wait3A_236 = arith.constant 0 : i32
    %dma_wait3A_237 = tpu.memref_slice %arg9[%dma_wait3A_233, %dma_wait3A_235, %dma_wait3A_236] : memref<4x128x64xf32, #tpu.memory_space<vmem>> -> memref<1x128x64xf32, #tpu.memory_space<vmem>>
    %dma_wait3A_238 = tpu.memref_squeeze %dma_wait3A_237 : memref<1x128x64xf32, #tpu.memory_space<vmem>> -> memref<128x64xf32, #tpu.memory_space<vmem>>
    %dma_wait3A_239 = arith.constant 0 : i32
    %dma_wait3A_240 = tpu.memref_slice %arg8[%dma_wait3A_234, %dma_wait3A_239] : memref<80x128xi32, #tpu.memory_space<vmem>> -> memref<1x128xi32, #tpu.memory_space<vmem>>
    %dma_wait3A_241 = tpu.memref_squeeze %dma_wait3A_240 : memref<1x128xi32, #tpu.memory_space<vmem>> -> memref<128xi32, #tpu.memory_space<vmem>>
    %dma_wait3A_242 = arith.constant 0 : i32
    %dma_wait3A_243 = arith.constant 0 : i32
    %dma_wait3A_244 = tpu.memref_slice %arg10[%dma_wait3A_242, %dma_wait3A_243] : memref<10240x64xf32, #tpu.memory_space<vmem_shared>> -> memref<10240x64xf32, #tpu.memory_space<vmem_shared>>
    tpu.wait_indirect_dma semaphore(%arg18 : memref<!tpu.dma_semaphore, #tpu.memory_space<semaphore_mem>>) src(%dma_wait3A_238 : memref<128x64xf32, #tpu.memory_space<vmem>>) dst(%dma_wait3A_244 : memref<10240x64xf32, #tpu.memory_space<vmem_shared>>)
    %barrier3A_245 = arith.constant 0 : index
    tpu.barrier barrier_id(%barrier3A_245)
    "tpu.region"() ({
      %run_scoped3A = tpu.sem_alloc : memref<!tpu.dma_semaphore, #tpu.memory_space<semaphore_mem>>
      %dma_start3A_246 = arith.constant 0 : i32
      %dma_start3A_247 = tpu.memref_slice %arg6[%arg0, %mul3A_25, %dma_start3A_246] : memref<2x10240x64xf32, #tpu.memory_space<hbm>> -> memref<1x640x64xf32, #tpu.memory_space<hbm>>
      %dma_start3A_248 = tpu.memref_squeeze %dma_start3A_247 : memref<1x640x64xf32, #tpu.memory_space<hbm>> -> memref<640x64xf32, #tpu.memory_space<hbm>>
      %dma_start3A_249 = arith.constant 0 : i32
      %dma_start3A_250 = tpu.memref_slice %arg10[%mul3A_25, %dma_start3A_249] : memref<10240x64xf32, #tpu.memory_space<vmem_shared>> -> memref<640x64xf32, #tpu.memory_space<vmem_shared>>
      tpu.enqueue_dma source(%dma_start3A_250 : memref<640x64xf32, #tpu.memory_space<vmem_shared>>) target(%dma_start3A_248 : memref<640x64xf32, #tpu.memory_space<hbm>>) target_semaphore(%run_scoped3A : memref<!tpu.dma_semaphore, #tpu.memory_space<semaphore_mem>>)
      %dma_wait3A_251 = arith.constant 0 : i32
      %dma_wait3A_252 = tpu.memref_slice %arg6[%arg0, %mul3A_25, %dma_wait3A_251] : memref<2x10240x64xf32, #tpu.memory_space<hbm>> -> memref<1x640x64xf32, #tpu.memory_space<hbm>>
      %dma_wait3A_253 = tpu.memref_squeeze %dma_wait3A_252 : memref<1x640x64xf32, #tpu.memory_space<hbm>> -> memref<640x64xf32, #tpu.memory_space<hbm>>
      %dma_wait3A_254 = arith.constant 0 : i32
      %dma_wait3A_255 = tpu.memref_slice %arg10[%mul3A_25, %dma_wait3A_254] : memref<10240x64xf32, #tpu.memory_space<vmem_shared>> -> memref<640x64xf32, #tpu.memory_space<vmem_shared>>
      tpu.wait_dma2 semaphore(%run_scoped3A : memref<!tpu.dma_semaphore, #tpu.memory_space<semaphore_mem>>) src(%dma_wait3A_255 : memref<640x64xf32, #tpu.memory_space<vmem_shared>>) dst(%dma_wait3A_253 : memref<640x64xf32, #tpu.memory_space<hbm>>)
      tpu.yield
    }) : () -> ()
    return
  }
}

#map = affine_map<(d0, d1) -> (0, 0)>
#map1 = affine_map<(d0, d1) -> (0, 0, 0)>
module attributes {stable_mosaic.version = 14 : i64} {
  func.func @k(%arg0: i32, %arg1: i32, %arg2: memref<10240x64xf32, #tpu.memory_space<hbm>>, %arg3: memref<32x80x128xi32, #tpu.memory_space<hbm>>, %arg4: memref<32x80x128xi32, #tpu.memory_space<hbm>>, %arg5: memref<10240x64xf32, #tpu.memory_space<hbm>>, %arg6: memref<2x10240x64xf32, #tpu.memory_space<hbm>>, %arg7: memref<80x128xi32, #tpu.memory_space<vmem>>, %arg8: memref<80x128xi32, #tpu.memory_space<vmem>>, %arg9: memref<4x128x64xf32, #tpu.memory_space<vmem>>, %arg10: memref<10240x64xf32, #tpu.memory_space<vmem_shared>>, %arg11: memref<!tpu.dma_semaphore, #tpu.memory_space<semaphore_mem>>, %arg12: memref<!tpu.dma_semaphore, #tpu.memory_space<semaphore_mem>>, %arg13: memref<!tpu.dma_semaphore, #tpu.memory_space<semaphore_mem>>, %arg14: memref<!tpu.dma_semaphore, #tpu.memory_space<semaphore_mem>>, %arg15: memref<!tpu.dma_semaphore, #tpu.memory_space<semaphore_mem>>, %arg16: memref<!tpu.dma_semaphore, #tpu.memory_space<semaphore_mem>>, %arg17: memref<!tpu.dma_semaphore, #tpu.memory_space<semaphore_mem>>, %arg18: memref<!tpu.dma_semaphore, #tpu.memory_space<semaphore_mem>>) attributes {dimension_semantics = [#tpu.dimension_semantics<core_parallel>, #tpu.dimension_semantics<subcore_parallel>], iteration_bounds = array<i64: 2, 16>, scalar_prefetch = 0 : i64, scratch_operands = 12 : i64, tpu.core_type = #tpu.core_type<sc_vector_subcore>, window_params = [{transform_indices = #map}, {transform_indices = #map1}, {transform_indices = #map1}, {transform_indices = #map}, {transform_indices = #map1}]} {
    %mul3A = arith.constant 16 : i32
    %mul3A_0 = arith.muli %arg0, %mul3A : i32
    %add3A = arith.addi %mul3A_0, %arg1 : i32
    "tpu.region"() ({
      %run_scoped3A = tpu.sem_alloc : memref<!tpu.dma_semaphore, #tpu.memory_space<semaphore_mem>>
      %dma_start3A_246 = arith.constant 0 : i32
      %dma_start3A_247 = arith.constant 0 : i32
      %dma_start3A_248 = tpu.memref_slice %arg3[%add3A, %dma_start3A_246, %dma_start3A_247] : memref<32x80x128xi32, #tpu.memory_space<hbm>> -> memref<1x80x128xi32, #tpu.memory_space<hbm>>
      %dma_start3A_249 = tpu.memref_squeeze %dma_start3A_248 : memref<1x80x128xi32, #tpu.memory_space<hbm>> -> memref<80x128xi32, #tpu.memory_space<hbm>>
      %dma_start3A_250 = arith.constant 0 : i32
      %dma_start3A_251 = arith.constant 0 : i32
      %dma_start3A_252 = tpu.memref_slice %arg3[%add3A, %dma_start3A_250, %dma_start3A_251] : memref<32x80x128xi32, #tpu.memory_space<hbm>> -> memref<1x80x128xi32, #tpu.memory_space<hbm>>
      %dma_start3A_253 = tpu.memref_squeeze %dma_start3A_252 : memref<1x80x128xi32, #tpu.memory_space<hbm>> -> memref<80x128xi32, #tpu.memory_space<hbm>>
      tpu.enqueue_dma source(%dma_start3A_253 : memref<80x128xi32, #tpu.memory_space<hbm>>) target(%arg7 : memref<80x128xi32, #tpu.memory_space<vmem>>) target_semaphore(%run_scoped3A : memref<!tpu.dma_semaphore, #tpu.memory_space<semaphore_mem>>)
      %dma_wait3A_254 = arith.constant 0 : i32
      %dma_wait3A_255 = arith.constant 0 : i32
      %dma_wait3A_256 = tpu.memref_slice %arg3[%add3A, %dma_wait3A_254, %dma_wait3A_255] : memref<32x80x128xi32, #tpu.memory_space<hbm>> -> memref<1x80x128xi32, #tpu.memory_space<hbm>>
      %dma_wait3A_257 = tpu.memref_squeeze %dma_wait3A_256 : memref<1x80x128xi32, #tpu.memory_space<hbm>> -> memref<80x128xi32, #tpu.memory_space<hbm>>
      %dma_wait3A_258 = arith.constant 0 : i32
      %dma_wait3A_259 = arith.constant 0 : i32
      %dma_wait3A_260 = tpu.memref_slice %arg3[%add3A, %dma_wait3A_258, %dma_wait3A_259] : memref<32x80x128xi32, #tpu.memory_space<hbm>> -> memref<1x80x128xi32, #tpu.memory_space<hbm>>
      %dma_wait3A_261 = tpu.memref_squeeze %dma_wait3A_260 : memref<1x80x128xi32, #tpu.memory_space<hbm>> -> memref<80x128xi32, #tpu.memory_space<hbm>>
      tpu.wait_dma2 semaphore(%run_scoped3A : memref<!tpu.dma_semaphore, #tpu.memory_space<semaphore_mem>>) src(%dma_wait3A_261 : memref<80x128xi32, #tpu.memory_space<hbm>>) dst(%arg7 : memref<80x128xi32, #tpu.memory_space<vmem>>)
      tpu.yield
    }) : () -> ()
    "tpu.region"() ({
      %run_scoped3A = tpu.sem_alloc : memref<!tpu.dma_semaphore, #tpu.memory_space<semaphore_mem>>
      %dma_start3A_246 = arith.constant 0 : i32
      %dma_start3A_247 = arith.constant 0 : i32
      %dma_start3A_248 = tpu.memref_slice %arg4[%add3A, %dma_start3A_246, %dma_start3A_247] : memref<32x80x128xi32, #tpu.memory_space<hbm>> -> memref<1x80x128xi32, #tpu.memory_space<hbm>>
      %dma_start3A_249 = tpu.memref_squeeze %dma_start3A_248 : memref<1x80x128xi32, #tpu.memory_space<hbm>> -> memref<80x128xi32, #tpu.memory_space<hbm>>
      %dma_start3A_250 = arith.constant 0 : i32
      %dma_start3A_251 = arith.constant 0 : i32
      %dma_start3A_252 = tpu.memref_slice %arg4[%add3A, %dma_start3A_250, %dma_start3A_251] : memref<32x80x128xi32, #tpu.memory_space<hbm>> -> memref<1x80x128xi32, #tpu.memory_space<hbm>>
      %dma_start3A_253 = tpu.memref_squeeze %dma_start3A_252 : memref<1x80x128xi32, #tpu.memory_space<hbm>> -> memref<80x128xi32, #tpu.memory_space<hbm>>
      tpu.enqueue_dma source(%dma_start3A_253 : memref<80x128xi32, #tpu.memory_space<hbm>>) target(%arg8 : memref<80x128xi32, #tpu.memory_space<vmem>>) target_semaphore(%run_scoped3A : memref<!tpu.dma_semaphore, #tpu.memory_space<semaphore_mem>>)
      %dma_wait3A_254 = arith.constant 0 : i32
      %dma_wait3A_255 = arith.constant 0 : i32
      %dma_wait3A_256 = tpu.memref_slice %arg4[%add3A, %dma_wait3A_254, %dma_wait3A_255] : memref<32x80x128xi32, #tpu.memory_space<hbm>> -> memref<1x80x128xi32, #tpu.memory_space<hbm>>
      %dma_wait3A_257 = tpu.memref_squeeze %dma_wait3A_256 : memref<1x80x128xi32, #tpu.memory_space<hbm>> -> memref<80x128xi32, #tpu.memory_space<hbm>>
      %dma_wait3A_258 = arith.constant 0 : i32
      %dma_wait3A_259 = arith.constant 0 : i32
      %dma_wait3A_260 = tpu.memref_slice %arg4[%add3A, %dma_wait3A_258, %dma_wait3A_259] : memref<32x80x128xi32, #tpu.memory_space<hbm>> -> memref<1x80x128xi32, #tpu.memory_space<hbm>>
      %dma_wait3A_261 = tpu.memref_squeeze %dma_wait3A_260 : memref<1x80x128xi32, #tpu.memory_space<hbm>> -> memref<80x128xi32, #tpu.memory_space<hbm>>
      tpu.wait_dma2 semaphore(%run_scoped3A : memref<!tpu.dma_semaphore, #tpu.memory_space<semaphore_mem>>) src(%dma_wait3A_261 : memref<80x128xi32, #tpu.memory_space<hbm>>) dst(%arg8 : memref<80x128xi32, #tpu.memory_space<vmem>>)
      tpu.yield
    }) : () -> ()
    %dma_start3A = arith.constant 0 : i32
    %dma_start3A_1 = arith.constant 0 : i32
    %dma_start3A_2 = arith.constant 0 : i32
    %dma_start3A_3 = arith.constant 0 : i32
    %dma_start3A_4 = tpu.memref_slice %arg9[%dma_start3A_1, %dma_start3A_2, %dma_start3A_3] : memref<4x128x64xf32, #tpu.memory_space<vmem>> -> memref<1x128x64xf32, #tpu.memory_space<vmem>>
    %dma_start3A_5 = tpu.memref_squeeze %dma_start3A_4 : memref<1x128x64xf32, #tpu.memory_space<vmem>> -> memref<128x64xf32, #tpu.memory_space<vmem>>
    %dma_start3A_6 = arith.constant 0 : i32
    %dma_start3A_7 = tpu.memref_slice %arg7[%dma_start3A, %dma_start3A_6] : memref<80x128xi32, #tpu.memory_space<vmem>> -> memref<1x128xi32, #tpu.memory_space<vmem>>
    %dma_start3A_8 = tpu.memref_squeeze %dma_start3A_7 : memref<1x128xi32, #tpu.memory_space<vmem>> -> memref<128xi32, #tpu.memory_space<vmem>>
    %dma_start3A_9 = arith.constant 0 : i32
    %dma_start3A_10 = arith.constant 0 : i32
    %dma_start3A_11 = tpu.memref_slice %arg2[%dma_start3A_9, %dma_start3A_10] : memref<10240x64xf32, #tpu.memory_space<hbm>> -> memref<10240x64xf32, #tpu.memory_space<hbm>>
    tpu.enqueue_indirect_dma source(%dma_start3A_11 : memref<10240x64xf32, #tpu.memory_space<hbm>>) target(%dma_start3A_5 : memref<128x64xf32, #tpu.memory_space<vmem>>) offsets(%dma_start3A_8 : memref<128xi32, #tpu.memory_space<vmem>>) semaphore(%arg11 : memref<!tpu.dma_semaphore, #tpu.memory_space<semaphore_mem>>)
    %dma_start3A_12 = arith.constant 1 : i32
    %dma_start3A_13 = arith.constant 1 : i32
    %dma_start3A_14 = arith.constant 0 : i32
    %dma_start3A_15 = arith.constant 0 : i32
    %dma_start3A_16 = tpu.memref_slice %arg9[%dma_start3A_13, %dma_start3A_14, %dma_start3A_15] : memref<4x128x64xf32, #tpu.memory_space<vmem>> -> memref<1x128x64xf32, #tpu.memory_space<vmem>>
    %dma_start3A_17 = tpu.memref_squeeze %dma_start3A_16 : memref<1x128x64xf32, #tpu.memory_space<vmem>> -> memref<128x64xf32, #tpu.memory_space<vmem>>
    %dma_start3A_18 = arith.constant 0 : i32
    %dma_start3A_19 = tpu.memref_slice %arg7[%dma_start3A_12, %dma_start3A_18] : memref<80x128xi32, #tpu.memory_space<vmem>> -> memref<1x128xi32, #tpu.memory_space<vmem>>
    %dma_start3A_20 = tpu.memref_squeeze %dma_start3A_19 : memref<1x128xi32, #tpu.memory_space<vmem>> -> memref<128xi32, #tpu.memory_space<vmem>>
    %dma_start3A_21 = arith.constant 0 : i32
    %dma_start3A_22 = arith.constant 0 : i32
    %dma_start3A_23 = tpu.memref_slice %arg2[%dma_start3A_21, %dma_start3A_22] : memref<10240x64xf32, #tpu.memory_space<hbm>> -> memref<10240x64xf32, #tpu.memory_space<hbm>>
    tpu.enqueue_indirect_dma source(%dma_start3A_23 : memref<10240x64xf32, #tpu.memory_space<hbm>>) target(%dma_start3A_17 : memref<128x64xf32, #tpu.memory_space<vmem>>) offsets(%dma_start3A_20 : memref<128xi32, #tpu.memory_space<vmem>>) semaphore(%arg12 : memref<!tpu.dma_semaphore, #tpu.memory_space<semaphore_mem>>)
    %mul3A_24 = arith.constant 640 : i32
    %mul3A_25 = arith.muli %arg1, %mul3A_24 : i32
    "tpu.region"() ({
      %run_scoped3A = tpu.sem_alloc : memref<!tpu.dma_semaphore, #tpu.memory_space<semaphore_mem>>
      %dma_start3A_246 = arith.constant 0 : i32
      %dma_start3A_247 = tpu.memref_slice %arg10[%mul3A_25, %dma_start3A_246] : memref<10240x64xf32, #tpu.memory_space<vmem_shared>> -> memref<640x64xf32, #tpu.memory_space<vmem_shared>>
      %dma_start3A_248 = arith.constant 0 : i32
      %dma_start3A_249 = tpu.memref_slice %arg5[%mul3A_25, %dma_start3A_248] : memref<10240x64xf32, #tpu.memory_space<hbm>> -> memref<640x64xf32, #tpu.memory_space<hbm>>
      tpu.enqueue_dma source(%dma_start3A_249 : memref<640x64xf32, #tpu.memory_space<hbm>>) target(%dma_start3A_247 : memref<640x64xf32, #tpu.memory_space<vmem_shared>>) target_semaphore(%run_scoped3A : memref<!tpu.dma_semaphore, #tpu.memory_space<semaphore_mem>>)
      %dma_wait3A_250 = arith.constant 0 : i32
      %dma_wait3A_251 = tpu.memref_slice %arg10[%mul3A_25, %dma_wait3A_250] : memref<10240x64xf32, #tpu.memory_space<vmem_shared>> -> memref<640x64xf32, #tpu.memory_space<vmem_shared>>
      %dma_wait3A_252 = arith.constant 0 : i32
      %dma_wait3A_253 = tpu.memref_slice %arg5[%mul3A_25, %dma_wait3A_252] : memref<10240x64xf32, #tpu.memory_space<hbm>> -> memref<640x64xf32, #tpu.memory_space<hbm>>
      tpu.wait_dma2 semaphore(%run_scoped3A : memref<!tpu.dma_semaphore, #tpu.memory_space<semaphore_mem>>) src(%dma_wait3A_253 : memref<640x64xf32, #tpu.memory_space<hbm>>) dst(%dma_wait3A_251 : memref<640x64xf32, #tpu.memory_space<vmem_shared>>)
      tpu.yield
    }) : () -> ()
    %barrier3A = arith.constant 0 : index
    tpu.barrier barrier_id(%barrier3A)
    %dma_wait3A = arith.constant 0 : i32
    %dma_wait3A_26 = arith.constant 0 : i32
    %dma_wait3A_27 = arith.constant 0 : i32
    %dma_wait3A_28 = arith.constant 0 : i32
    %dma_wait3A_29 = tpu.memref_slice %arg9[%dma_wait3A_26, %dma_wait3A_27, %dma_wait3A_28] : memref<4x128x64xf32, #tpu.memory_space<vmem>> -> memref<1x128x64xf32, #tpu.memory_space<vmem>>
    %dma_wait3A_30 = tpu.memref_squeeze %dma_wait3A_29 : memref<1x128x64xf32, #tpu.memory_space<vmem>> -> memref<128x64xf32, #tpu.memory_space<vmem>>
    %dma_wait3A_31 = arith.constant 0 : i32
    %dma_wait3A_32 = tpu.memref_slice %arg7[%dma_wait3A, %dma_wait3A_31] : memref<80x128xi32, #tpu.memory_space<vmem>> -> memref<1x128xi32, #tpu.memory_space<vmem>>
    %dma_wait3A_33 = tpu.memref_squeeze %dma_wait3A_32 : memref<1x128xi32, #tpu.memory_space<vmem>> -> memref<128xi32, #tpu.memory_space<vmem>>
    %dma_wait3A_34 = arith.constant 0 : i32
    %dma_wait3A_35 = arith.constant 0 : i32
    %dma_wait3A_36 = tpu.memref_slice %arg2[%dma_wait3A_34, %dma_wait3A_35] : memref<10240x64xf32, #tpu.memory_space<hbm>> -> memref<10240x64xf32, #tpu.memory_space<hbm>>
    tpu.wait_indirect_dma semaphore(%arg11 : memref<!tpu.dma_semaphore, #tpu.memory_space<semaphore_mem>>) src(%dma_wait3A_36 : memref<10240x64xf32, #tpu.memory_space<hbm>>) dst(%dma_wait3A_30 : memref<128x64xf32, #tpu.memory_space<vmem>>)
    %dma_start3A_37 = arith.constant 0 : i32
    %dma_start3A_38 = arith.constant 0 : i32
    %dma_start3A_39 = arith.constant 0 : i32
    %dma_start3A_40 = arith.constant 0 : i32
    %dma_start3A_41 = tpu.memref_slice %arg9[%dma_start3A_37, %dma_start3A_39, %dma_start3A_40] : memref<4x128x64xf32, #tpu.memory_space<vmem>> -> memref<1x128x64xf32, #tpu.memory_space<vmem>>
    %dma_start3A_42 = tpu.memref_squeeze %dma_start3A_41 : memref<1x128x64xf32, #tpu.memory_space<vmem>> -> memref<128x64xf32, #tpu.memory_space<vmem>>
    %dma_start3A_43 = arith.constant 0 : i32
    %dma_start3A_44 = tpu.memref_slice %arg8[%dma_start3A_38, %dma_start3A_43] : memref<80x128xi32, #tpu.memory_space<vmem>> -> memref<1x128xi32, #tpu.memory_space<vmem>>
    %dma_start3A_45 = tpu.memref_squeeze %dma_start3A_44 : memref<1x128xi32, #tpu.memory_space<vmem>> -> memref<128xi32, #tpu.memory_space<vmem>>
    %dma_start3A_46 = arith.constant 0 : i32
    %dma_start3A_47 = arith.constant 0 : i32
    %dma_start3A_48 = tpu.memref_slice %arg10[%dma_start3A_46, %dma_start3A_47] : memref<10240x64xf32, #tpu.memory_space<vmem_shared>> -> memref<10240x64xf32, #tpu.memory_space<vmem_shared>>
    tpu.enqueue_indirect_dma source(%dma_start3A_42 : memref<128x64xf32, #tpu.memory_space<vmem>>) target(%dma_start3A_48 : memref<10240x64xf32, #tpu.memory_space<vmem_shared>>) offsets(%dma_start3A_45 : memref<128xi32, #tpu.memory_space<vmem>>) semaphore(%arg15 : memref<!tpu.dma_semaphore, #tpu.memory_space<semaphore_mem>>) {add = true}
    %dma_start3A_49 = arith.constant 2 : i32
    %dma_start3A_50 = arith.constant 2 : i32
    %dma_start3A_51 = arith.constant 0 : i32
    %dma_start3A_52 = arith.constant 0 : i32
    %dma_start3A_53 = tpu.memref_slice %arg9[%dma_start3A_50, %dma_start3A_51, %dma_start3A_52] : memref<4x128x64xf32, #tpu.memory_space<vmem>> -> memref<1x128x64xf32, #tpu.memory_space<vmem>>
    %dma_start3A_54 = tpu.memref_squeeze %dma_start3A_53 : memref<1x128x64xf32, #tpu.memory_space<vmem>> -> memref<128x64xf32, #tpu.memory_space<vmem>>
    %dma_start3A_55 = arith.constant 0 : i32
    %dma_start3A_56 = tpu.memref_slice %arg7[%dma_start3A_49, %dma_start3A_55] : memref<80x128xi32, #tpu.memory_space<vmem>> -> memref<1x128xi32, #tpu.memory_space<vmem>>
    %dma_start3A_57 = tpu.memref_squeeze %dma_start3A_56 : memref<1x128xi32, #tpu.memory_space<vmem>> -> memref<128xi32, #tpu.memory_space<vmem>>
    %dma_start3A_58 = arith.constant 0 : i32
    %dma_start3A_59 = arith.constant 0 : i32
    %dma_start3A_60 = tpu.memref_slice %arg2[%dma_start3A_58, %dma_start3A_59] : memref<10240x64xf32, #tpu.memory_space<hbm>> -> memref<10240x64xf32, #tpu.memory_space<hbm>>
    tpu.enqueue_indirect_dma source(%dma_start3A_60 : memref<10240x64xf32, #tpu.memory_space<hbm>>) target(%dma_start3A_54 : memref<128x64xf32, #tpu.memory_space<vmem>>) offsets(%dma_start3A_57 : memref<128xi32, #tpu.memory_space<vmem>>) semaphore(%arg13 : memref<!tpu.dma_semaphore, #tpu.memory_space<semaphore_mem>>)
    %dma_wait3A_61 = arith.constant 1 : i32
    %dma_wait3A_62 = arith.constant 1 : i32
    %dma_wait3A_63 = arith.constant 0 : i32
    %dma_wait3A_64 = arith.constant 0 : i32
    %dma_wait3A_65 = tpu.memref_slice %arg9[%dma_wait3A_62, %dma_wait3A_63, %dma_wait3A_64] : memref<4x128x64xf32, #tpu.memory_space<vmem>> -> memref<1x128x64xf32, #tpu.memory_space<vmem>>
    %dma_wait3A_66 = tpu.memref_squeeze %dma_wait3A_65 : memref<1x128x64xf32, #tpu.memory_space<vmem>> -> memref<128x64xf32, #tpu.memory_space<vmem>>
    %dma_wait3A_67 = arith.constant 0 : i32
    %dma_wait3A_68 = tpu.memref_slice %arg7[%dma_wait3A_61, %dma_wait3A_67] : memref<80x128xi32, #tpu.memory_space<vmem>> -> memref<1x128xi32, #tpu.memory_space<vmem>>
    %dma_wait3A_69 = tpu.memref_squeeze %dma_wait3A_68 : memref<1x128xi32, #tpu.memory_space<vmem>> -> memref<128xi32, #tpu.memory_space<vmem>>
    %dma_wait3A_70 = arith.constant 0 : i32
    %dma_wait3A_71 = arith.constant 0 : i32
    %dma_wait3A_72 = tpu.memref_slice %arg2[%dma_wait3A_70, %dma_wait3A_71] : memref<10240x64xf32, #tpu.memory_space<hbm>> -> memref<10240x64xf32, #tpu.memory_space<hbm>>
    tpu.wait_indirect_dma semaphore(%arg12 : memref<!tpu.dma_semaphore, #tpu.memory_space<semaphore_mem>>) src(%dma_wait3A_72 : memref<10240x64xf32, #tpu.memory_space<hbm>>) dst(%dma_wait3A_66 : memref<128x64xf32, #tpu.memory_space<vmem>>)
    %dma_start3A_73 = arith.constant 1 : i32
    %dma_start3A_74 = arith.constant 1 : i32
    %dma_start3A_75 = arith.constant 0 : i32
    %dma_start3A_76 = arith.constant 0 : i32
    %dma_start3A_77 = tpu.memref_slice %arg9[%dma_start3A_73, %dma_start3A_75, %dma_start3A_76] : memref<4x128x64xf32, #tpu.memory_space<vmem>> -> memref<1x128x64xf32, #tpu.memory_space<vmem>>
    %dma_start3A_78 = tpu.memref_squeeze %dma_start3A_77 : memref<1x128x64xf32, #tpu.memory_space<vmem>> -> memref<128x64xf32, #tpu.memory_space<vmem>>
    %dma_start3A_79 = arith.constant 0 : i32
    %dma_start3A_80 = tpu.memref_slice %arg8[%dma_start3A_74, %dma_start3A_79] : memref<80x128xi32, #tpu.memory_space<vmem>> -> memref<1x128xi32, #tpu.memory_space<vmem>>
    %dma_start3A_81 = tpu.memref_squeeze %dma_start3A_80 : memref<1x128xi32, #tpu.memory_space<vmem>> -> memref<128xi32, #tpu.memory_space<vmem>>
    %dma_start3A_82 = arith.constant 0 : i32
    %dma_start3A_83 = arith.constant 0 : i32
    %dma_start3A_84 = tpu.memref_slice %arg10[%dma_start3A_82, %dma_start3A_83] : memref<10240x64xf32, #tpu.memory_space<vmem_shared>> -> memref<10240x64xf32, #tpu.memory_space<vmem_shared>>
    tpu.enqueue_indirect_dma source(%dma_start3A_78 : memref<128x64xf32, #tpu.memory_space<vmem>>) target(%dma_start3A_84 : memref<10240x64xf32, #tpu.memory_space<vmem_shared>>) offsets(%dma_start3A_81 : memref<128xi32, #tpu.memory_space<vmem>>) semaphore(%arg16 : memref<!tpu.dma_semaphore, #tpu.memory_space<semaphore_mem>>) {add = true}
    %dma_start3A_85 = arith.constant 3 : i32
    %dma_start3A_86 = arith.constant 3 : i32
    %dma_start3A_87 = arith.constant 0 : i32
    %dma_start3A_88 = arith.constant 0 : i32
    %dma_start3A_89 = tpu.memref_slice %arg9[%dma_start3A_86, %dma_start3A_87, %dma_start3A_88] : memref<4x128x64xf32, #tpu.memory_space<vmem>> -> memref<1x128x64xf32, #tpu.memory_space<vmem>>
    %dma_start3A_90 = tpu.memref_squeeze %dma_start3A_89 : memref<1x128x64xf32, #tpu.memory_space<vmem>> -> memref<128x64xf32, #tpu.memory_space<vmem>>
    %dma_start3A_91 = arith.constant 0 : i32
    %dma_start3A_92 = tpu.memref_slice %arg7[%dma_start3A_85, %dma_start3A_91] : memref<80x128xi32, #tpu.memory_space<vmem>> -> memref<1x128xi32, #tpu.memory_space<vmem>>
    %dma_start3A_93 = tpu.memref_squeeze %dma_start3A_92 : memref<1x128xi32, #tpu.memory_space<vmem>> -> memref<128xi32, #tpu.memory_space<vmem>>
    %dma_start3A_94 = arith.constant 0 : i32
    %dma_start3A_95 = arith.constant 0 : i32
    %dma_start3A_96 = tpu.memref_slice %arg2[%dma_start3A_94, %dma_start3A_95] : memref<10240x64xf32, #tpu.memory_space<hbm>> -> memref<10240x64xf32, #tpu.memory_space<hbm>>
    tpu.enqueue_indirect_dma source(%dma_start3A_96 : memref<10240x64xf32, #tpu.memory_space<hbm>>) target(%dma_start3A_90 : memref<128x64xf32, #tpu.memory_space<vmem>>) offsets(%dma_start3A_93 : memref<128xi32, #tpu.memory_space<vmem>>) semaphore(%arg14 : memref<!tpu.dma_semaphore, #tpu.memory_space<semaphore_mem>>)
    %dma_wait3A_97 = arith.constant 2 : i32
    %dma_wait3A_98 = arith.constant 2 : i32
    %dma_wait3A_99 = arith.constant 0 : i32
    %dma_wait3A_100 = arith.constant 0 : i32
    %dma_wait3A_101 = tpu.memref_slice %arg9[%dma_wait3A_98, %dma_wait3A_99, %dma_wait3A_100] : memref<4x128x64xf32, #tpu.memory_space<vmem>> -> memref<1x128x64xf32, #tpu.memory_space<vmem>>
    %dma_wait3A_102 = tpu.memref_squeeze %dma_wait3A_101 : memref<1x128x64xf32, #tpu.memory_space<vmem>> -> memref<128x64xf32, #tpu.memory_space<vmem>>
    %dma_wait3A_103 = arith.constant 0 : i32
    %dma_wait3A_104 = tpu.memref_slice %arg7[%dma_wait3A_97, %dma_wait3A_103] : memref<80x128xi32, #tpu.memory_space<vmem>> -> memref<1x128xi32, #tpu.memory_space<vmem>>
    %dma_wait3A_105 = tpu.memref_squeeze %dma_wait3A_104 : memref<1x128xi32, #tpu.memory_space<vmem>> -> memref<128xi32, #tpu.memory_space<vmem>>
    %dma_wait3A_106 = arith.constant 0 : i32
    %dma_wait3A_107 = arith.constant 0 : i32
    %dma_wait3A_108 = tpu.memref_slice %arg2[%dma_wait3A_106, %dma_wait3A_107] : memref<10240x64xf32, #tpu.memory_space<hbm>> -> memref<10240x64xf32, #tpu.memory_space<hbm>>
    tpu.wait_indirect_dma semaphore(%arg13 : memref<!tpu.dma_semaphore, #tpu.memory_space<semaphore_mem>>) src(%dma_wait3A_108 : memref<10240x64xf32, #tpu.memory_space<hbm>>) dst(%dma_wait3A_102 : memref<128x64xf32, #tpu.memory_space<vmem>>)
    %dma_start3A_109 = arith.constant 2 : i32
    %dma_start3A_110 = arith.constant 2 : i32
    %dma_start3A_111 = arith.constant 0 : i32
    %dma_start3A_112 = arith.constant 0 : i32
    %dma_start3A_113 = tpu.memref_slice %arg9[%dma_start3A_109, %dma_start3A_111, %dma_start3A_112] : memref<4x128x64xf32, #tpu.memory_space<vmem>> -> memref<1x128x64xf32, #tpu.memory_space<vmem>>
    %dma_start3A_114 = tpu.memref_squeeze %dma_start3A_113 : memref<1x128x64xf32, #tpu.memory_space<vmem>> -> memref<128x64xf32, #tpu.memory_space<vmem>>
    %dma_start3A_115 = arith.constant 0 : i32
    %dma_start3A_116 = tpu.memref_slice %arg8[%dma_start3A_110, %dma_start3A_115] : memref<80x128xi32, #tpu.memory_space<vmem>> -> memref<1x128xi32, #tpu.memory_space<vmem>>
    %dma_start3A_117 = tpu.memref_squeeze %dma_start3A_116 : memref<1x128xi32, #tpu.memory_space<vmem>> -> memref<128xi32, #tpu.memory_space<vmem>>
    %dma_start3A_118 = arith.constant 0 : i32
    %dma_start3A_119 = arith.constant 0 : i32
    %dma_start3A_120 = tpu.memref_slice %arg10[%dma_start3A_118, %dma_start3A_119] : memref<10240x64xf32, #tpu.memory_space<vmem_shared>> -> memref<10240x64xf32, #tpu.memory_space<vmem_shared>>
    tpu.enqueue_indirect_dma source(%dma_start3A_114 : memref<128x64xf32, #tpu.memory_space<vmem>>) target(%dma_start3A_120 : memref<10240x64xf32, #tpu.memory_space<vmem_shared>>) offsets(%dma_start3A_117 : memref<128xi32, #tpu.memory_space<vmem>>) semaphore(%arg17 : memref<!tpu.dma_semaphore, #tpu.memory_space<semaphore_mem>>) {add = true}
    %dma_wait3A_121 = arith.constant 0 : i32
    %dma_wait3A_122 = arith.constant 0 : i32
    %dma_wait3A_123 = arith.constant 0 : i32
    %dma_wait3A_124 = arith.constant 0 : i32
    %dma_wait3A_125 = tpu.memref_slice %arg9[%dma_wait3A_121, %dma_wait3A_123, %dma_wait3A_124] : memref<4x128x64xf32, #tpu.memory_space<vmem>> -> memref<1x128x64xf32, #tpu.memory_space<vmem>>
    %dma_wait3A_126 = tpu.memref_squeeze %dma_wait3A_125 : memref<1x128x64xf32, #tpu.memory_space<vmem>> -> memref<128x64xf32, #tpu.memory_space<vmem>>
    %dma_wait3A_127 = arith.constant 0 : i32
    %dma_wait3A_128 = tpu.memref_slice %arg8[%dma_wait3A_122, %dma_wait3A_127] : memref<80x128xi32, #tpu.memory_space<vmem>> -> memref<1x128xi32, #tpu.memory_space<vmem>>
    %dma_wait3A_129 = tpu.memref_squeeze %dma_wait3A_128 : memref<1x128xi32, #tpu.memory_space<vmem>> -> memref<128xi32, #tpu.memory_space<vmem>>
    %dma_wait3A_130 = arith.constant 0 : i32
    %dma_wait3A_131 = arith.constant 0 : i32
    %dma_wait3A_132 = tpu.memref_slice %arg10[%dma_wait3A_130, %dma_wait3A_131] : memref<10240x64xf32, #tpu.memory_space<vmem_shared>> -> memref<10240x64xf32, #tpu.memory_space<vmem_shared>>
    tpu.wait_indirect_dma semaphore(%arg15 : memref<!tpu.dma_semaphore, #tpu.memory_space<semaphore_mem>>) src(%dma_wait3A_126 : memref<128x64xf32, #tpu.memory_space<vmem>>) dst(%dma_wait3A_132 : memref<10240x64xf32, #tpu.memory_space<vmem_shared>>)
    %dma_start3A_133 = arith.constant 4 : i32
    %dma_start3A_134 = arith.constant 0 : i32
    %dma_start3A_135 = arith.constant 0 : i32
    %dma_start3A_136 = arith.constant 0 : i32
    %dma_start3A_137 = tpu.memref_slice %arg9[%dma_start3A_134, %dma_start3A_135, %dma_start3A_136] : memref<4x128x64xf32, #tpu.memory_space<vmem>> -> memref<1x128x64xf32, #tpu.memory_space<vmem>>
    %dma_start3A_138 = tpu.memref_squeeze %dma_start3A_137 : memref<1x128x64xf32, #tpu.memory_space<vmem>> -> memref<128x64xf32, #tpu.memory_space<vmem>>
    %dma_start3A_139 = arith.constant 0 : i32
    %dma_start3A_140 = tpu.memref_slice %arg7[%dma_start3A_133, %dma_start3A_139] : memref<80x128xi32, #tpu.memory_space<vmem>> -> memref<1x128xi32, #tpu.memory_space<vmem>>
    %dma_start3A_141 = tpu.memref_squeeze %dma_start3A_140 : memref<1x128xi32, #tpu.memory_space<vmem>> -> memref<128xi32, #tpu.memory_space<vmem>>
    %dma_start3A_142 = arith.constant 0 : i32
    %dma_start3A_143 = arith.constant 0 : i32
    %dma_start3A_144 = tpu.memref_slice %arg2[%dma_start3A_142, %dma_start3A_143] : memref<10240x64xf32, #tpu.memory_space<hbm>> -> memref<10240x64xf32, #tpu.memory_space<hbm>>
    tpu.enqueue_indirect_dma source(%dma_start3A_144 : memref<10240x64xf32, #tpu.memory_space<hbm>>) target(%dma_start3A_138 : memref<128x64xf32, #tpu.memory_space<vmem>>) offsets(%dma_start3A_141 : memref<128xi32, #tpu.memory_space<vmem>>) semaphore(%arg11 : memref<!tpu.dma_semaphore, #tpu.memory_space<semaphore_mem>>)
    %dma_wait3A_145 = arith.constant 3 : i32
    %dma_wait3A_146 = arith.constant 3 : i32
    %dma_wait3A_147 = arith.constant 0 : i32
    %dma_wait3A_148 = arith.constant 0 : i32
    %dma_wait3A_149 = tpu.memref_slice %arg9[%dma_wait3A_146, %dma_wait3A_147, %dma_wait3A_148] : memref<4x128x64xf32, #tpu.memory_space<vmem>> -> memref<1x128x64xf32, #tpu.memory_space<vmem>>
    %dma_wait3A_150 = tpu.memref_squeeze %dma_wait3A_149 : memref<1x128x64xf32, #tpu.memory_space<vmem>> -> memref<128x64xf32, #tpu.memory_space<vmem>>
    %dma_wait3A_151 = arith.constant 0 : i32
    %dma_wait3A_152 = tpu.memref_slice %arg7[%dma_wait3A_145, %dma_wait3A_151] : memref<80x128xi32, #tpu.memory_space<vmem>> -> memref<1x128xi32, #tpu.memory_space<vmem>>
    %dma_wait3A_153 = tpu.memref_squeeze %dma_wait3A_152 : memref<1x128xi32, #tpu.memory_space<vmem>> -> memref<128xi32, #tpu.memory_space<vmem>>
    %dma_wait3A_154 = arith.constant 0 : i32
    %dma_wait3A_155 = arith.constant 0 : i32
    %dma_wait3A_156 = tpu.memref_slice %arg2[%dma_wait3A_154, %dma_wait3A_155] : memref<10240x64xf32, #tpu.memory_space<hbm>> -> memref<10240x64xf32, #tpu.memory_space<hbm>>
    tpu.wait_indirect_dma semaphore(%arg14 : memref<!tpu.dma_semaphore, #tpu.memory_space<semaphore_mem>>) src(%dma_wait3A_156 : memref<10240x64xf32, #tpu.memory_space<hbm>>) dst(%dma_wait3A_150 : memref<128x64xf32, #tpu.memory_space<vmem>>)
    %dma_start3A_157 = arith.constant 3 : i32
    %dma_start3A_158 = arith.constant 3 : i32
    %dma_start3A_159 = arith.constant 0 : i32
    %dma_start3A_160 = arith.constant 0 : i32
    %dma_start3A_161 = tpu.memref_slice %arg9[%dma_start3A_157, %dma_start3A_159, %dma_start3A_160] : memref<4x128x64xf32, #tpu.memory_space<vmem>> -> memref<1x128x64xf32, #tpu.memory_space<vmem>>
    %dma_start3A_162 = tpu.memref_squeeze %dma_start3A_161 : memref<1x128x64xf32, #tpu.memory_space<vmem>> -> memref<128x64xf32, #tpu.memory_space<vmem>>
    %dma_start3A_163 = arith.constant 0 : i32
    %dma_start3A_164 = tpu.memref_slice %arg8[%dma_start3A_158, %dma_start3A_163] : memref<80x128xi32, #tpu.memory_space<vmem>> -> memref<1x128xi32, #tpu.memory_space<vmem>>
    %dma_start3A_165 = tpu.memref_squeeze %dma_start3A_164 : memref<1x128xi32, #tpu.memory_space<vmem>> -> memref<128xi32, #tpu.memory_space<vmem>>
    %dma_start3A_166 = arith.constant 0 : i32
    %dma_start3A_167 = arith.constant 0 : i32
    %dma_start3A_168 = tpu.memref_slice %arg10[%dma_start3A_166, %dma_start3A_167] : memref<10240x64xf32, #tpu.memory_space<vmem_shared>> -> memref<10240x64xf32, #tpu.memory_space<vmem_shared>>
    tpu.enqueue_indirect_dma source(%dma_start3A_162 : memref<128x64xf32, #tpu.memory_space<vmem>>) target(%dma_start3A_168 : memref<10240x64xf32, #tpu.memory_space<vmem_shared>>) offsets(%dma_start3A_165 : memref<128xi32, #tpu.memory_space<vmem>>) semaphore(%arg18 : memref<!tpu.dma_semaphore, #tpu.memory_space<semaphore_mem>>) {add = true}
    %dma_wait3A_169 = arith.constant 1 : i32
    %dma_wait3A_170 = arith.constant 1 : i32
    %dma_wait3A_171 = arith.constant 0 : i32
    %dma_wait3A_172 = arith.constant 0 : i32
    %dma_wait3A_173 = tpu.memref_slice %arg9[%dma_wait3A_169, %dma_wait3A_171, %dma_wait3A_172] : memref<4x128x64xf32, #tpu.memory_space<vmem>> -> memref<1x128x64xf32, #tpu.memory_space<vmem>>
    %dma_wait3A_174 = tpu.memref_squeeze %dma_wait3A_173 : memref<1x128x64xf32, #tpu.memory_space<vmem>> -> memref<128x64xf32, #tpu.memory_space<vmem>>
    %dma_wait3A_175 = arith.constant 0 : i32
    %dma_wait3A_176 = tpu.memref_slice %arg8[%dma_wait3A_170, %dma_wait3A_175] : memref<80x128xi32, #tpu.memory_space<vmem>> -> memref<1x128xi32, #tpu.memory_space<vmem>>
    %dma_wait3A_177 = tpu.memref_squeeze %dma_wait3A_176 : memref<1x128xi32, #tpu.memory_space<vmem>> -> memref<128xi32, #tpu.memory_space<vmem>>
    %dma_wait3A_178 = arith.constant 0 : i32
    %dma_wait3A_179 = arith.constant 0 : i32
    %dma_wait3A_180 = tpu.memref_slice %arg10[%dma_wait3A_178, %dma_wait3A_179] : memref<10240x64xf32, #tpu.memory_space<vmem_shared>> -> memref<10240x64xf32, #tpu.memory_space<vmem_shared>>
    tpu.wait_indirect_dma semaphore(%arg16 : memref<!tpu.dma_semaphore, #tpu.memory_space<semaphore_mem>>) src(%dma_wait3A_174 : memref<128x64xf32, #tpu.memory_space<vmem>>) dst(%dma_wait3A_180 : memref<10240x64xf32, #tpu.memory_space<vmem_shared>>)
    %dma_start3A_181 = arith.constant 5 : i32
    %dma_start3A_182 = arith.constant 1 : i32
    %dma_start3A_183 = arith.constant 0 : i32
    %dma_start3A_184 = arith.constant 0 : i32
    %dma_start3A_185 = tpu.memref_slice %arg9[%dma_start3A_182, %dma_start3A_183, %dma_start3A_184] : memref<4x128x64xf32, #tpu.memory_space<vmem>> -> memref<1x128x64xf32, #tpu.memory_space<vmem>>
    %dma_start3A_186 = tpu.memref_squeeze %dma_start3A_185 : memref<1x128x64xf32, #tpu.memory_space<vmem>> -> memref<128x64xf32, #tpu.memory_space<vmem>>
    %dma_start3A_187 = arith.constant 0 : i32
    %dma_start3A_188 = tpu.memref_slice %arg7[%dma_start3A_181, %dma_start3A_187] : memref<80x128xi32, #tpu.memory_space<vmem>> -> memref<1x128xi32, #tpu.memory_space<vmem>>
    %dma_start3A_189 = tpu.memref_squeeze %dma_start3A_188 : memref<1x128xi32, #tpu.memory_space<vmem>> -> memref<128xi32, #tpu.memory_space<vmem>>
    %dma_start3A_190 = arith.constant 0 : i32
    %dma_start3A_191 = arith.constant 0 : i32
    %dma_start3A_192 = tpu.memref_slice %arg2[%dma_start3A_190, %dma_start3A_191] : memref<10240x64xf32, #tpu.memory_space<hbm>> -> memref<10240x64xf32, #tpu.memory_space<hbm>>
    tpu.enqueue_indirect_dma source(%dma_start3A_192 : memref<10240x64xf32, #tpu.memory_space<hbm>>) target(%dma_start3A_186 : memref<128x64xf32, #tpu.memory_space<vmem>>) offsets(%dma_start3A_189 : memref<128xi32, #tpu.memory_space<vmem>>) semaphore(%arg12 : memref<!tpu.dma_semaphore, #tpu.memory_space<semaphore_mem>>)
    %scan3A = arith.constant 0 : i32
    %scan3A_193 = arith.constant 19 : i32
    %scan3A_194 = arith.addi %scan3A, %scan3A_193 : i32
    %scan3A_195 = arith.constant 1 : i32
    scf.for %scan3A_246 = %scan3A to %scan3A_194 step %scan3A_195  : i32 {
      %mul3A_247 = arith.constant 4 : i32
      %mul3A_248 = arith.muli %scan3A_246, %mul3A_247 : i32
      %add3A_249 = arith.constant 4 : i32
      %add3A_250 = arith.addi %add3A_249, %mul3A_248 : i32
      %add3A_251 = arith.constant 0 : i32
      %add3A_252 = arith.addi %add3A_250, %add3A_251 : i32
      %dma_wait3A_253 = arith.constant 0 : i32
      %dma_wait3A_254 = arith.constant 0 : i32
      %dma_wait3A_255 = arith.constant 0 : i32
      %dma_wait3A_256 = tpu.memref_slice %arg9[%dma_wait3A_253, %dma_wait3A_254, %dma_wait3A_255] : memref<4x128x64xf32, #tpu.memory_space<vmem>> -> memref<1x128x64xf32, #tpu.memory_space<vmem>>
      %dma_wait3A_257 = tpu.memref_squeeze %dma_wait3A_256 : memref<1x128x64xf32, #tpu.memory_space<vmem>> -> memref<128x64xf32, #tpu.memory_space<vmem>>
      %dma_wait3A_258 = arith.constant 0 : i32
      %dma_wait3A_259 = tpu.memref_slice %arg7[%add3A_252, %dma_wait3A_258] : memref<80x128xi32, #tpu.memory_space<vmem>> -> memref<1x128xi32, #tpu.memory_space<vmem>>
      %dma_wait3A_260 = tpu.memref_squeeze %dma_wait3A_259 : memref<1x128xi32, #tpu.memory_space<vmem>> -> memref<128xi32, #tpu.memory_space<vmem>>
      %dma_wait3A_261 = arith.constant 0 : i32
      %dma_wait3A_262 = arith.constant 0 : i32
      %dma_wait3A_263 = tpu.memref_slice %arg2[%dma_wait3A_261, %dma_wait3A_262] : memref<10240x64xf32, #tpu.memory_space<hbm>> -> memref<10240x64xf32, #tpu.memory_space<hbm>>
      tpu.wait_indirect_dma semaphore(%arg11 : memref<!tpu.dma_semaphore, #tpu.memory_space<semaphore_mem>>) src(%dma_wait3A_263 : memref<10240x64xf32, #tpu.memory_space<hbm>>) dst(%dma_wait3A_257 : memref<128x64xf32, #tpu.memory_space<vmem>>)
      %dma_start3A_264 = arith.constant 0 : i32
      %dma_start3A_265 = arith.constant 0 : i32
      %dma_start3A_266 = arith.constant 0 : i32
      %dma_start3A_267 = tpu.memref_slice %arg9[%dma_start3A_264, %dma_start3A_265, %dma_start3A_266] : memref<4x128x64xf32, #tpu.memory_space<vmem>> -> memref<1x128x64xf32, #tpu.memory_space<vmem>>
      %dma_start3A_268 = tpu.memref_squeeze %dma_start3A_267 : memref<1x128x64xf32, #tpu.memory_space<vmem>> -> memref<128x64xf32, #tpu.memory_space<vmem>>
      %dma_start3A_269 = arith.constant 0 : i32
      %dma_start3A_270 = tpu.memref_slice %arg8[%add3A_252, %dma_start3A_269] : memref<80x128xi32, #tpu.memory_space<vmem>> -> memref<1x128xi32, #tpu.memory_space<vmem>>
      %dma_start3A_271 = tpu.memref_squeeze %dma_start3A_270 : memref<1x128xi32, #tpu.memory_space<vmem>> -> memref<128xi32, #tpu.memory_space<vmem>>
      %dma_start3A_272 = arith.constant 0 : i32
      %dma_start3A_273 = arith.constant 0 : i32
      %dma_start3A_274 = tpu.memref_slice %arg10[%dma_start3A_272, %dma_start3A_273] : memref<10240x64xf32, #tpu.memory_space<vmem_shared>> -> memref<10240x64xf32, #tpu.memory_space<vmem_shared>>
      tpu.enqueue_indirect_dma source(%dma_start3A_268 : memref<128x64xf32, #tpu.memory_space<vmem>>) target(%dma_start3A_274 : memref<10240x64xf32, #tpu.memory_space<vmem_shared>>) offsets(%dma_start3A_271 : memref<128xi32, #tpu.memory_space<vmem>>) semaphore(%arg15 : memref<!tpu.dma_semaphore, #tpu.memory_space<semaphore_mem>>) {add = true}
      %add3A_275 = arith.constant 2 : i32
      %add3A_276 = arith.addi %add3A_252, %add3A_275 : i32
      %lt3A = arith.constant 80 : i32
      %lt3A_277 = arith.cmpi slt, %add3A_276, %lt3A : i32
      %convert_element_type3A = arith.extui %lt3A_277 : i1 to i32
      %cond3A = arith.constant 0 : i32
      %cond3A_278 = arith.cmpi ne, %convert_element_type3A, %cond3A : i32
      scf.if %cond3A_278 {
        %sub3A = arith.constant 2 : i32
        %sub3A_372 = arith.subi %add3A_252, %sub3A : i32
        %dma_wait3A_373 = arith.constant 2 : i32
        %dma_wait3A_374 = arith.constant 0 : i32
        %dma_wait3A_375 = arith.constant 0 : i32
        %dma_wait3A_376 = tpu.memref_slice %arg9[%dma_wait3A_373, %dma_wait3A_374, %dma_wait3A_375] : memref<4x128x64xf32, #tpu.memory_space<vmem>> -> memref<1x128x64xf32, #tpu.memory_space<vmem>>
        %dma_wait3A_377 = tpu.memref_squeeze %dma_wait3A_376 : memref<1x128x64xf32, #tpu.memory_space<vmem>> -> memref<128x64xf32, #tpu.memory_space<vmem>>
        %dma_wait3A_378 = arith.constant 0 : i32
        %dma_wait3A_379 = tpu.memref_slice %arg8[%sub3A_372, %dma_wait3A_378] : memref<80x128xi32, #tpu.memory_space<vmem>> -> memref<1x128xi32, #tpu.memory_space<vmem>>
        %dma_wait3A_380 = tpu.memref_squeeze %dma_wait3A_379 : memref<1x128xi32, #tpu.memory_space<vmem>> -> memref<128xi32, #tpu.memory_space<vmem>>
        %dma_wait3A_381 = arith.constant 0 : i32
        %dma_wait3A_382 = arith.constant 0 : i32
        %dma_wait3A_383 = tpu.memref_slice %arg10[%dma_wait3A_381, %dma_wait3A_382] : memref<10240x64xf32, #tpu.memory_space<vmem_shared>> -> memref<10240x64xf32, #tpu.memory_space<vmem_shared>>
        tpu.wait_indirect_dma semaphore(%arg17 : memref<!tpu.dma_semaphore, #tpu.memory_space<semaphore_mem>>) src(%dma_wait3A_377 : memref<128x64xf32, #tpu.memory_space<vmem>>) dst(%dma_wait3A_383 : memref<10240x64xf32, #tpu.memory_space<vmem_shared>>)
        %add3A_384 = arith.constant 2 : i32
        %add3A_385 = arith.addi %add3A_252, %add3A_384 : i32
        %dma_start3A_386 = arith.constant 2 : i32
        %dma_start3A_387 = arith.constant 0 : i32
        %dma_start3A_388 = arith.constant 0 : i32
        %dma_start3A_389 = tpu.memref_slice %arg9[%dma_start3A_386, %dma_start3A_387, %dma_start3A_388] : memref<4x128x64xf32, #tpu.memory_space<vmem>> -> memref<1x128x64xf32, #tpu.memory_space<vmem>>
        %dma_start3A_390 = tpu.memref_squeeze %dma_start3A_389 : memref<1x128x64xf32, #tpu.memory_space<vmem>> -> memref<128x64xf32, #tpu.memory_space<vmem>>
        %dma_start3A_391 = arith.constant 0 : i32
        %dma_start3A_392 = tpu.memref_slice %arg7[%add3A_385, %dma_start3A_391] : memref<80x128xi32, #tpu.memory_space<vmem>> -> memref<1x128xi32, #tpu.memory_space<vmem>>
        %dma_start3A_393 = tpu.memref_squeeze %dma_start3A_392 : memref<1x128xi32, #tpu.memory_space<vmem>> -> memref<128xi32, #tpu.memory_space<vmem>>
        %dma_start3A_394 = arith.constant 0 : i32
        %dma_start3A_395 = arith.constant 0 : i32
        %dma_start3A_396 = tpu.memref_slice %arg2[%dma_start3A_394, %dma_start3A_395] : memref<10240x64xf32, #tpu.memory_space<hbm>> -> memref<10240x64xf32, #tpu.memory_space<hbm>>
        tpu.enqueue_indirect_dma source(%dma_start3A_396 : memref<10240x64xf32, #tpu.memory_space<hbm>>) target(%dma_start3A_390 : memref<128x64xf32, #tpu.memory_space<vmem>>) offsets(%dma_start3A_393 : memref<128xi32, #tpu.memory_space<vmem>>) semaphore(%arg13 : memref<!tpu.dma_semaphore, #tpu.memory_space<semaphore_mem>>)
      } else {
      }
      %add3A_279 = arith.constant 1 : i32
      %add3A_280 = arith.addi %add3A_250, %add3A_279 : i32
      %dma_wait3A_281 = arith.constant 1 : i32
      %dma_wait3A_282 = arith.constant 0 : i32
      %dma_wait3A_283 = arith.constant 0 : i32
      %dma_wait3A_284 = tpu.memref_slice %arg9[%dma_wait3A_281, %dma_wait3A_282, %dma_wait3A_283] : memref<4x128x64xf32, #tpu.memory_space<vmem>> -> memref<1x128x64xf32, #tpu.memory_space<vmem>>
      %dma_wait3A_285 = tpu.memref_squeeze %dma_wait3A_284 : memref<1x128x64xf32, #tpu.memory_space<vmem>> -> memref<128x64xf32, #tpu.memory_space<vmem>>
      %dma_wait3A_286 = arith.constant 0 : i32
      %dma_wait3A_287 = tpu.memref_slice %arg7[%add3A_280, %dma_wait3A_286] : memref<80x128xi32, #tpu.memory_space<vmem>> -> memref<1x128xi32, #tpu.memory_space<vmem>>
      %dma_wait3A_288 = tpu.memref_squeeze %dma_wait3A_287 : memref<1x128xi32, #tpu.memory_space<vmem>> -> memref<128xi32, #tpu.memory_space<vmem>>
      %dma_wait3A_289 = arith.constant 0 : i32
      %dma_wait3A_290 = arith.constant 0 : i32
      %dma_wait3A_291 = tpu.memref_slice %arg2[%dma_wait3A_289, %dma_wait3A_290] : memref<10240x64xf32, #tpu.memory_space<hbm>> -> memref<10240x64xf32, #tpu.memory_space<hbm>>
      tpu.wait_indirect_dma semaphore(%arg12 : memref<!tpu.dma_semaphore, #tpu.memory_space<semaphore_mem>>) src(%dma_wait3A_291 : memref<10240x64xf32, #tpu.memory_space<hbm>>) dst(%dma_wait3A_285 : memref<128x64xf32, #tpu.memory_space<vmem>>)
      %dma_start3A_292 = arith.constant 1 : i32
      %dma_start3A_293 = arith.constant 0 : i32
      %dma_start3A_294 = arith.constant 0 : i32
      %dma_start3A_295 = tpu.memref_slice %arg9[%dma_start3A_292, %dma_start3A_293, %dma_start3A_294] : memref<4x128x64xf32, #tpu.memory_space<vmem>> -> memref<1x128x64xf32, #tpu.memory_space<vmem>>
      %dma_start3A_296 = tpu.memref_squeeze %dma_start3A_295 : memref<1x128x64xf32, #tpu.memory_space<vmem>> -> memref<128x64xf32, #tpu.memory_space<vmem>>
      %dma_start3A_297 = arith.constant 0 : i32
      %dma_start3A_298 = tpu.memref_slice %arg8[%add3A_280, %dma_start3A_297] : memref<80x128xi32, #tpu.memory_space<vmem>> -> memref<1x128xi32, #tpu.memory_space<vmem>>
      %dma_start3A_299 = tpu.memref_squeeze %dma_start3A_298 : memref<1x128xi32, #tpu.memory_space<vmem>> -> memref<128xi32, #tpu.memory_space<vmem>>
      %dma_start3A_300 = arith.constant 0 : i32
      %dma_start3A_301 = arith.constant 0 : i32
      %dma_start3A_302 = tpu.memref_slice %arg10[%dma_start3A_300, %dma_start3A_301] : memref<10240x64xf32, #tpu.memory_space<vmem_shared>> -> memref<10240x64xf32, #tpu.memory_space<vmem_shared>>
      tpu.enqueue_indirect_dma source(%dma_start3A_296 : memref<128x64xf32, #tpu.memory_space<vmem>>) target(%dma_start3A_302 : memref<10240x64xf32, #tpu.memory_space<vmem_shared>>) offsets(%dma_start3A_299 : memref<128xi32, #tpu.memory_space<vmem>>) semaphore(%arg16 : memref<!tpu.dma_semaphore, #tpu.memory_space<semaphore_mem>>) {add = true}
      %add3A_303 = arith.constant 2 : i32
      %add3A_304 = arith.addi %add3A_280, %add3A_303 : i32
      %lt3A_305 = arith.constant 80 : i32
      %lt3A_306 = arith.cmpi slt, %add3A_304, %lt3A_305 : i32
      %convert_element_type3A_307 = arith.extui %lt3A_306 : i1 to i32
      %cond3A_308 = arith.constant 0 : i32
      %cond3A_309 = arith.cmpi ne, %convert_element_type3A_307, %cond3A_308 : i32
      scf.if %cond3A_309 {
        %sub3A = arith.constant 2 : i32
        %sub3A_372 = arith.subi %add3A_280, %sub3A : i32
        %dma_wait3A_373 = arith.constant 3 : i32
        %dma_wait3A_374 = arith.constant 0 : i32
        %dma_wait3A_375 = arith.constant 0 : i32
        %dma_wait3A_376 = tpu.memref_slice %arg9[%dma_wait3A_373, %dma_wait3A_374, %dma_wait3A_375] : memref<4x128x64xf32, #tpu.memory_space<vmem>> -> memref<1x128x64xf32, #tpu.memory_space<vmem>>
        %dma_wait3A_377 = tpu.memref_squeeze %dma_wait3A_376 : memref<1x128x64xf32, #tpu.memory_space<vmem>> -> memref<128x64xf32, #tpu.memory_space<vmem>>
        %dma_wait3A_378 = arith.constant 0 : i32
        %dma_wait3A_379 = tpu.memref_slice %arg8[%sub3A_372, %dma_wait3A_378] : memref<80x128xi32, #tpu.memory_space<vmem>> -> memref<1x128xi32, #tpu.memory_space<vmem>>
        %dma_wait3A_380 = tpu.memref_squeeze %dma_wait3A_379 : memref<1x128xi32, #tpu.memory_space<vmem>> -> memref<128xi32, #tpu.memory_space<vmem>>
        %dma_wait3A_381 = arith.constant 0 : i32
        %dma_wait3A_382 = arith.constant 0 : i32
        %dma_wait3A_383 = tpu.memref_slice %arg10[%dma_wait3A_381, %dma_wait3A_382] : memref<10240x64xf32, #tpu.memory_space<vmem_shared>> -> memref<10240x64xf32, #tpu.memory_space<vmem_shared>>
        tpu.wait_indirect_dma semaphore(%arg18 : memref<!tpu.dma_semaphore, #tpu.memory_space<semaphore_mem>>) src(%dma_wait3A_377 : memref<128x64xf32, #tpu.memory_space<vmem>>) dst(%dma_wait3A_383 : memref<10240x64xf32, #tpu.memory_space<vmem_shared>>)
        %add3A_384 = arith.constant 2 : i32
        %add3A_385 = arith.addi %add3A_280, %add3A_384 : i32
        %dma_start3A_386 = arith.constant 3 : i32
        %dma_start3A_387 = arith.constant 0 : i32
        %dma_start3A_388 = arith.constant 0 : i32
        %dma_start3A_389 = tpu.memref_slice %arg9[%dma_start3A_386, %dma_start3A_387, %dma_start3A_388] : memref<4x128x64xf32, #tpu.memory_space<vmem>> -> memref<1x128x64xf32, #tpu.memory_space<vmem>>
        %dma_start3A_390 = tpu.memref_squeeze %dma_start3A_389 : memref<1x128x64xf32, #tpu.memory_space<vmem>> -> memref<128x64xf32, #tpu.memory_space<vmem>>
        %dma_start3A_391 = arith.constant 0 : i32
        %dma_start3A_392 = tpu.memref_slice %arg7[%add3A_385, %dma_start3A_391] : memref<80x128xi32, #tpu.memory_space<vmem>> -> memref<1x128xi32, #tpu.memory_space<vmem>>
        %dma_start3A_393 = tpu.memref_squeeze %dma_start3A_392 : memref<1x128xi32, #tpu.memory_space<vmem>> -> memref<128xi32, #tpu.memory_space<vmem>>
        %dma_start3A_394 = arith.constant 0 : i32
        %dma_start3A_395 = arith.constant 0 : i32
        %dma_start3A_396 = tpu.memref_slice %arg2[%dma_start3A_394, %dma_start3A_395] : memref<10240x64xf32, #tpu.memory_space<hbm>> -> memref<10240x64xf32, #tpu.memory_space<hbm>>
        tpu.enqueue_indirect_dma source(%dma_start3A_396 : memref<10240x64xf32, #tpu.memory_space<hbm>>) target(%dma_start3A_390 : memref<128x64xf32, #tpu.memory_space<vmem>>) offsets(%dma_start3A_393 : memref<128xi32, #tpu.memory_space<vmem>>) semaphore(%arg14 : memref<!tpu.dma_semaphore, #tpu.memory_space<semaphore_mem>>)
      } else {
      }
      %add3A_310 = arith.constant 2 : i32
      %add3A_311 = arith.addi %add3A_250, %add3A_310 : i32
      %dma_wait3A_312 = arith.constant 2 : i32
      %dma_wait3A_313 = arith.constant 0 : i32
      %dma_wait3A_314 = arith.constant 0 : i32
      %dma_wait3A_315 = tpu.memref_slice %arg9[%dma_wait3A_312, %dma_wait3A_313, %dma_wait3A_314] : memref<4x128x64xf32, #tpu.memory_space<vmem>> -> memref<1x128x64xf32, #tpu.memory_space<vmem>>
      %dma_wait3A_316 = tpu.memref_squeeze %dma_wait3A_315 : memref<1x128x64xf32, #tpu.memory_space<vmem>> -> memref<128x64xf32, #tpu.memory_space<vmem>>
      %dma_wait3A_317 = arith.constant 0 : i32
      %dma_wait3A_318 = tpu.memref_slice %arg7[%add3A_311, %dma_wait3A_317] : memref<80x128xi32, #tpu.memory_space<vmem>> -> memref<1x128xi32, #tpu.memory_space<vmem>>
      %dma_wait3A_319 = tpu.memref_squeeze %dma_wait3A_318 : memref<1x128xi32, #tpu.memory_space<vmem>> -> memref<128xi32, #tpu.memory_space<vmem>>
      %dma_wait3A_320 = arith.constant 0 : i32
      %dma_wait3A_321 = arith.constant 0 : i32
      %dma_wait3A_322 = tpu.memref_slice %arg2[%dma_wait3A_320, %dma_wait3A_321] : memref<10240x64xf32, #tpu.memory_space<hbm>> -> memref<10240x64xf32, #tpu.memory_space<hbm>>
      tpu.wait_indirect_dma semaphore(%arg13 : memref<!tpu.dma_semaphore, #tpu.memory_space<semaphore_mem>>) src(%dma_wait3A_322 : memref<10240x64xf32, #tpu.memory_space<hbm>>) dst(%dma_wait3A_316 : memref<128x64xf32, #tpu.memory_space<vmem>>)
      %dma_start3A_323 = arith.constant 2 : i32
      %dma_start3A_324 = arith.constant 0 : i32
      %dma_start3A_325 = arith.constant 0 : i32
      %dma_start3A_326 = tpu.memref_slice %arg9[%dma_start3A_323, %dma_start3A_324, %dma_start3A_325] : memref<4x128x64xf32, #tpu.memory_space<vmem>> -> memref<1x128x64xf32, #tpu.memory_space<vmem>>
      %dma_start3A_327 = tpu.memref_squeeze %dma_start3A_326 : memref<1x128x64xf32, #tpu.memory_space<vmem>> -> memref<128x64xf32, #tpu.memory_space<vmem>>
      %dma_start3A_328 = arith.constant 0 : i32
      %dma_start3A_329 = tpu.memref_slice %arg8[%add3A_311, %dma_start3A_328] : memref<80x128xi32, #tpu.memory_space<vmem>> -> memref<1x128xi32, #tpu.memory_space<vmem>>
      %dma_start3A_330 = tpu.memref_squeeze %dma_start3A_329 : memref<1x128xi32, #tpu.memory_space<vmem>> -> memref<128xi32, #tpu.memory_space<vmem>>
      %dma_start3A_331 = arith.constant 0 : i32
      %dma_start3A_332 = arith.constant 0 : i32
      %dma_start3A_333 = tpu.memref_slice %arg10[%dma_start3A_331, %dma_start3A_332] : memref<10240x64xf32, #tpu.memory_space<vmem_shared>> -> memref<10240x64xf32, #tpu.memory_space<vmem_shared>>
      tpu.enqueue_indirect_dma source(%dma_start3A_327 : memref<128x64xf32, #tpu.memory_space<vmem>>) target(%dma_start3A_333 : memref<10240x64xf32, #tpu.memory_space<vmem_shared>>) offsets(%dma_start3A_330 : memref<128xi32, #tpu.memory_space<vmem>>) semaphore(%arg17 : memref<!tpu.dma_semaphore, #tpu.memory_space<semaphore_mem>>) {add = true}
      %add3A_334 = arith.constant 2 : i32
      %add3A_335 = arith.addi %add3A_311, %add3A_334 : i32
      %lt3A_336 = arith.constant 80 : i32
      %lt3A_337 = arith.cmpi slt, %add3A_335, %lt3A_336 : i32
      %convert_element_type3A_338 = arith.extui %lt3A_337 : i1 to i32
      %cond3A_339 = arith.constant 0 : i32
      %cond3A_340 = arith.cmpi ne, %convert_element_type3A_338, %cond3A_339 : i32
      scf.if %cond3A_340 {
        %sub3A = arith.constant 2 : i32
        %sub3A_372 = arith.subi %add3A_311, %sub3A : i32
        %dma_wait3A_373 = arith.constant 0 : i32
        %dma_wait3A_374 = arith.constant 0 : i32
        %dma_wait3A_375 = arith.constant 0 : i32
        %dma_wait3A_376 = tpu.memref_slice %arg9[%dma_wait3A_373, %dma_wait3A_374, %dma_wait3A_375] : memref<4x128x64xf32, #tpu.memory_space<vmem>> -> memref<1x128x64xf32, #tpu.memory_space<vmem>>
        %dma_wait3A_377 = tpu.memref_squeeze %dma_wait3A_376 : memref<1x128x64xf32, #tpu.memory_space<vmem>> -> memref<128x64xf32, #tpu.memory_space<vmem>>
        %dma_wait3A_378 = arith.constant 0 : i32
        %dma_wait3A_379 = tpu.memref_slice %arg8[%sub3A_372, %dma_wait3A_378] : memref<80x128xi32, #tpu.memory_space<vmem>> -> memref<1x128xi32, #tpu.memory_space<vmem>>
        %dma_wait3A_380 = tpu.memref_squeeze %dma_wait3A_379 : memref<1x128xi32, #tpu.memory_space<vmem>> -> memref<128xi32, #tpu.memory_space<vmem>>
        %dma_wait3A_381 = arith.constant 0 : i32
        %dma_wait3A_382 = arith.constant 0 : i32
        %dma_wait3A_383 = tpu.memref_slice %arg10[%dma_wait3A_381, %dma_wait3A_382] : memref<10240x64xf32, #tpu.memory_space<vmem_shared>> -> memref<10240x64xf32, #tpu.memory_space<vmem_shared>>
        tpu.wait_indirect_dma semaphore(%arg15 : memref<!tpu.dma_semaphore, #tpu.memory_space<semaphore_mem>>) src(%dma_wait3A_377 : memref<128x64xf32, #tpu.memory_space<vmem>>) dst(%dma_wait3A_383 : memref<10240x64xf32, #tpu.memory_space<vmem_shared>>)
        %add3A_384 = arith.constant 2 : i32
        %add3A_385 = arith.addi %add3A_311, %add3A_384 : i32
        %dma_start3A_386 = arith.constant 0 : i32
        %dma_start3A_387 = arith.constant 0 : i32
        %dma_start3A_388 = arith.constant 0 : i32
        %dma_start3A_389 = tpu.memref_slice %arg9[%dma_start3A_386, %dma_start3A_387, %dma_start3A_388] : memref<4x128x64xf32, #tpu.memory_space<vmem>> -> memref<1x128x64xf32, #tpu.memory_space<vmem>>
        %dma_start3A_390 = tpu.memref_squeeze %dma_start3A_389 : memref<1x128x64xf32, #tpu.memory_space<vmem>> -> memref<128x64xf32, #tpu.memory_space<vmem>>
        %dma_start3A_391 = arith.constant 0 : i32
        %dma_start3A_392 = tpu.memref_slice %arg7[%add3A_385, %dma_start3A_391] : memref<80x128xi32, #tpu.memory_space<vmem>> -> memref<1x128xi32, #tpu.memory_space<vmem>>
        %dma_start3A_393 = tpu.memref_squeeze %dma_start3A_392 : memref<1x128xi32, #tpu.memory_space<vmem>> -> memref<128xi32, #tpu.memory_space<vmem>>
        %dma_start3A_394 = arith.constant 0 : i32
        %dma_start3A_395 = arith.constant 0 : i32
        %dma_start3A_396 = tpu.memref_slice %arg2[%dma_start3A_394, %dma_start3A_395] : memref<10240x64xf32, #tpu.memory_space<hbm>> -> memref<10240x64xf32, #tpu.memory_space<hbm>>
        tpu.enqueue_indirect_dma source(%dma_start3A_396 : memref<10240x64xf32, #tpu.memory_space<hbm>>) target(%dma_start3A_390 : memref<128x64xf32, #tpu.memory_space<vmem>>) offsets(%dma_start3A_393 : memref<128xi32, #tpu.memory_space<vmem>>) semaphore(%arg11 : memref<!tpu.dma_semaphore, #tpu.memory_space<semaphore_mem>>)
      } else {
      }
      %add3A_341 = arith.constant 3 : i32
      %add3A_342 = arith.addi %add3A_250, %add3A_341 : i32
      %dma_wait3A_343 = arith.constant 3 : i32
      %dma_wait3A_344 = arith.constant 0 : i32
      %dma_wait3A_345 = arith.constant 0 : i32
      %dma_wait3A_346 = tpu.memref_slice %arg9[%dma_wait3A_343, %dma_wait3A_344, %dma_wait3A_345] : memref<4x128x64xf32, #tpu.memory_space<vmem>> -> memref<1x128x64xf32, #tpu.memory_space<vmem>>
      %dma_wait3A_347 = tpu.memref_squeeze %dma_wait3A_346 : memref<1x128x64xf32, #tpu.memory_space<vmem>> -> memref<128x64xf32, #tpu.memory_space<vmem>>
      %dma_wait3A_348 = arith.constant 0 : i32
      %dma_wait3A_349 = tpu.memref_slice %arg7[%add3A_342, %dma_wait3A_348] : memref<80x128xi32, #tpu.memory_space<vmem>> -> memref<1x128xi32, #tpu.memory_space<vmem>>
      %dma_wait3A_350 = tpu.memref_squeeze %dma_wait3A_349 : memref<1x128xi32, #tpu.memory_space<vmem>> -> memref<128xi32, #tpu.memory_space<vmem>>
      %dma_wait3A_351 = arith.constant 0 : i32
      %dma_wait3A_352 = arith.constant 0 : i32
      %dma_wait3A_353 = tpu.memref_slice %arg2[%dma_wait3A_351, %dma_wait3A_352] : memref<10240x64xf32, #tpu.memory_space<hbm>> -> memref<10240x64xf32, #tpu.memory_space<hbm>>
      tpu.wait_indirect_dma semaphore(%arg14 : memref<!tpu.dma_semaphore, #tpu.memory_space<semaphore_mem>>) src(%dma_wait3A_353 : memref<10240x64xf32, #tpu.memory_space<hbm>>) dst(%dma_wait3A_347 : memref<128x64xf32, #tpu.memory_space<vmem>>)
      %dma_start3A_354 = arith.constant 3 : i32
      %dma_start3A_355 = arith.constant 0 : i32
      %dma_start3A_356 = arith.constant 0 : i32
      %dma_start3A_357 = tpu.memref_slice %arg9[%dma_start3A_354, %dma_start3A_355, %dma_start3A_356] : memref<4x128x64xf32, #tpu.memory_space<vmem>> -> memref<1x128x64xf32, #tpu.memory_space<vmem>>
      %dma_start3A_358 = tpu.memref_squeeze %dma_start3A_357 : memref<1x128x64xf32, #tpu.memory_space<vmem>> -> memref<128x64xf32, #tpu.memory_space<vmem>>
      %dma_start3A_359 = arith.constant 0 : i32
      %dma_start3A_360 = tpu.memref_slice %arg8[%add3A_342, %dma_start3A_359] : memref<80x128xi32, #tpu.memory_space<vmem>> -> memref<1x128xi32, #tpu.memory_space<vmem>>
      %dma_start3A_361 = tpu.memref_squeeze %dma_start3A_360 : memref<1x128xi32, #tpu.memory_space<vmem>> -> memref<128xi32, #tpu.memory_space<vmem>>
      %dma_start3A_362 = arith.constant 0 : i32
      %dma_start3A_363 = arith.constant 0 : i32
      %dma_start3A_364 = tpu.memref_slice %arg10[%dma_start3A_362, %dma_start3A_363] : memref<10240x64xf32, #tpu.memory_space<vmem_shared>> -> memref<10240x64xf32, #tpu.memory_space<vmem_shared>>
      tpu.enqueue_indirect_dma source(%dma_start3A_358 : memref<128x64xf32, #tpu.memory_space<vmem>>) target(%dma_start3A_364 : memref<10240x64xf32, #tpu.memory_space<vmem_shared>>) offsets(%dma_start3A_361 : memref<128xi32, #tpu.memory_space<vmem>>) semaphore(%arg18 : memref<!tpu.dma_semaphore, #tpu.memory_space<semaphore_mem>>) {add = true}
      %add3A_365 = arith.constant 2 : i32
      %add3A_366 = arith.addi %add3A_342, %add3A_365 : i32
      %lt3A_367 = arith.constant 80 : i32
      %lt3A_368 = arith.cmpi slt, %add3A_366, %lt3A_367 : i32
      %convert_element_type3A_369 = arith.extui %lt3A_368 : i1 to i32
      %cond3A_370 = arith.constant 0 : i32
      %cond3A_371 = arith.cmpi ne, %convert_element_type3A_369, %cond3A_370 : i32
      scf.if %cond3A_371 {
        %sub3A = arith.constant 2 : i32
        %sub3A_372 = arith.subi %add3A_342, %sub3A : i32
        %dma_wait3A_373 = arith.constant 1 : i32
        %dma_wait3A_374 = arith.constant 0 : i32
        %dma_wait3A_375 = arith.constant 0 : i32
        %dma_wait3A_376 = tpu.memref_slice %arg9[%dma_wait3A_373, %dma_wait3A_374, %dma_wait3A_375] : memref<4x128x64xf32, #tpu.memory_space<vmem>> -> memref<1x128x64xf32, #tpu.memory_space<vmem>>
        %dma_wait3A_377 = tpu.memref_squeeze %dma_wait3A_376 : memref<1x128x64xf32, #tpu.memory_space<vmem>> -> memref<128x64xf32, #tpu.memory_space<vmem>>
        %dma_wait3A_378 = arith.constant 0 : i32
        %dma_wait3A_379 = tpu.memref_slice %arg8[%sub3A_372, %dma_wait3A_378] : memref<80x128xi32, #tpu.memory_space<vmem>> -> memref<1x128xi32, #tpu.memory_space<vmem>>
        %dma_wait3A_380 = tpu.memref_squeeze %dma_wait3A_379 : memref<1x128xi32, #tpu.memory_space<vmem>> -> memref<128xi32, #tpu.memory_space<vmem>>
        %dma_wait3A_381 = arith.constant 0 : i32
        %dma_wait3A_382 = arith.constant 0 : i32
        %dma_wait3A_383 = tpu.memref_slice %arg10[%dma_wait3A_381, %dma_wait3A_382] : memref<10240x64xf32, #tpu.memory_space<vmem_shared>> -> memref<10240x64xf32, #tpu.memory_space<vmem_shared>>
        tpu.wait_indirect_dma semaphore(%arg16 : memref<!tpu.dma_semaphore, #tpu.memory_space<semaphore_mem>>) src(%dma_wait3A_377 : memref<128x64xf32, #tpu.memory_space<vmem>>) dst(%dma_wait3A_383 : memref<10240x64xf32, #tpu.memory_space<vmem_shared>>)
        %add3A_384 = arith.constant 2 : i32
        %add3A_385 = arith.addi %add3A_342, %add3A_384 : i32
        %dma_start3A_386 = arith.constant 1 : i32
        %dma_start3A_387 = arith.constant 0 : i32
        %dma_start3A_388 = arith.constant 0 : i32
        %dma_start3A_389 = tpu.memref_slice %arg9[%dma_start3A_386, %dma_start3A_387, %dma_start3A_388] : memref<4x128x64xf32, #tpu.memory_space<vmem>> -> memref<1x128x64xf32, #tpu.memory_space<vmem>>
        %dma_start3A_390 = tpu.memref_squeeze %dma_start3A_389 : memref<1x128x64xf32, #tpu.memory_space<vmem>> -> memref<128x64xf32, #tpu.memory_space<vmem>>
        %dma_start3A_391 = arith.constant 0 : i32
        %dma_start3A_392 = tpu.memref_slice %arg7[%add3A_385, %dma_start3A_391] : memref<80x128xi32, #tpu.memory_space<vmem>> -> memref<1x128xi32, #tpu.memory_space<vmem>>
        %dma_start3A_393 = tpu.memref_squeeze %dma_start3A_392 : memref<1x128xi32, #tpu.memory_space<vmem>> -> memref<128xi32, #tpu.memory_space<vmem>>
        %dma_start3A_394 = arith.constant 0 : i32
        %dma_start3A_395 = arith.constant 0 : i32
        %dma_start3A_396 = tpu.memref_slice %arg2[%dma_start3A_394, %dma_start3A_395] : memref<10240x64xf32, #tpu.memory_space<hbm>> -> memref<10240x64xf32, #tpu.memory_space<hbm>>
        tpu.enqueue_indirect_dma source(%dma_start3A_396 : memref<10240x64xf32, #tpu.memory_space<hbm>>) target(%dma_start3A_390 : memref<128x64xf32, #tpu.memory_space<vmem>>) offsets(%dma_start3A_393 : memref<128xi32, #tpu.memory_space<vmem>>) semaphore(%arg12 : memref<!tpu.dma_semaphore, #tpu.memory_space<semaphore_mem>>)
      } else {
      }
    }
    %scan3A_196 = arith.constant 19 : i32
    %dma_wait3A_197 = arith.constant 0 : i32
    %dma_wait3A_198 = arith.constant 76 : i32
    %dma_wait3A_199 = arith.constant 0 : i32
    %dma_wait3A_200 = arith.constant 0 : i32
    %dma_wait3A_201 = tpu.memref_slice %arg9[%dma_wait3A_197, %dma_wait3A_199, %dma_wait3A_200] : memref<4x128x64xf32, #tpu.memory_space<vmem>> -> memref<1x128x64xf32, #tpu.memory_space<vmem>>
    %dma_wait3A_202 = tpu.memref_squeeze %dma_wait3A_201 : memref<1x128x64xf32, #tpu.memory_space<vmem>> -> memref<128x64xf32, #tpu.memory_space<vmem>>
    %dma_wait3A_203 = arith.constant 0 : i32
    %dma_wait3A_204 = tpu.memref_slice %arg8[%dma_wait3A_198, %dma_wait3A_203] : memref<80x128xi32, #tpu.memory_space<vmem>> -> memref<1x128xi32, #tpu.memory_space<vmem>>
    %dma_wait3A_205 = tpu.memref_squeeze %dma_wait3A_204 : memref<1x128xi32, #tpu.memory_space<vmem>> -> memref<128xi32, #tpu.memory_space<vmem>>
    %dma_wait3A_206 = arith.constant 0 : i32
    %dma_wait3A_207 = arith.constant 0 : i32
    %dma_wait3A_208 = tpu.memref_slice %arg10[%dma_wait3A_206, %dma_wait3A_207] : memref<10240x64xf32, #tpu.memory_space<vmem_shared>> -> memref<10240x64xf32, #tpu.memory_space<vmem_shared>>
    tpu.wait_indirect_dma semaphore(%arg15 : memref<!tpu.dma_semaphore, #tpu.memory_space<semaphore_mem>>) src(%dma_wait3A_202 : memref<128x64xf32, #tpu.memory_space<vmem>>) dst(%dma_wait3A_208 : memref<10240x64xf32, #tpu.memory_space<vmem_shared>>)
    %dma_wait3A_209 = arith.constant 1 : i32
    %dma_wait3A_210 = arith.constant 77 : i32
    %dma_wait3A_211 = arith.constant 0 : i32
    %dma_wait3A_212 = arith.constant 0 : i32
    %dma_wait3A_213 = tpu.memref_slice %arg9[%dma_wait3A_209, %dma_wait3A_211, %dma_wait3A_212] : memref<4x128x64xf32, #tpu.memory_space<vmem>> -> memref<1x128x64xf32, #tpu.memory_space<vmem>>
    %dma_wait3A_214 = tpu.memref_squeeze %dma_wait3A_213 : memref<1x128x64xf32, #tpu.memory_space<vmem>> -> memref<128x64xf32, #tpu.memory_space<vmem>>
    %dma_wait3A_215 = arith.constant 0 : i32
    %dma_wait3A_216 = tpu.memref_slice %arg8[%dma_wait3A_210, %dma_wait3A_215] : memref<80x128xi32, #tpu.memory_space<vmem>> -> memref<1x128xi32, #tpu.memory_space<vmem>>
    %dma_wait3A_217 = tpu.memref_squeeze %dma_wait3A_216 : memref<1x128xi32, #tpu.memory_space<vmem>> -> memref<128xi32, #tpu.memory_space<vmem>>
    %dma_wait3A_218 = arith.constant 0 : i32
    %dma_wait3A_219 = arith.constant 0 : i32
    %dma_wait3A_220 = tpu.memref_slice %arg10[%dma_wait3A_218, %dma_wait3A_219] : memref<10240x64xf32, #tpu.memory_space<vmem_shared>> -> memref<10240x64xf32, #tpu.memory_space<vmem_shared>>
    tpu.wait_indirect_dma semaphore(%arg16 : memref<!tpu.dma_semaphore, #tpu.memory_space<semaphore_mem>>) src(%dma_wait3A_214 : memref<128x64xf32, #tpu.memory_space<vmem>>) dst(%dma_wait3A_220 : memref<10240x64xf32, #tpu.memory_space<vmem_shared>>)
    %dma_wait3A_221 = arith.constant 2 : i32
    %dma_wait3A_222 = arith.constant 78 : i32
    %dma_wait3A_223 = arith.constant 0 : i32
    %dma_wait3A_224 = arith.constant 0 : i32
    %dma_wait3A_225 = tpu.memref_slice %arg9[%dma_wait3A_221, %dma_wait3A_223, %dma_wait3A_224] : memref<4x128x64xf32, #tpu.memory_space<vmem>> -> memref<1x128x64xf32, #tpu.memory_space<vmem>>
    %dma_wait3A_226 = tpu.memref_squeeze %dma_wait3A_225 : memref<1x128x64xf32, #tpu.memory_space<vmem>> -> memref<128x64xf32, #tpu.memory_space<vmem>>
    %dma_wait3A_227 = arith.constant 0 : i32
    %dma_wait3A_228 = tpu.memref_slice %arg8[%dma_wait3A_222, %dma_wait3A_227] : memref<80x128xi32, #tpu.memory_space<vmem>> -> memref<1x128xi32, #tpu.memory_space<vmem>>
    %dma_wait3A_229 = tpu.memref_squeeze %dma_wait3A_228 : memref<1x128xi32, #tpu.memory_space<vmem>> -> memref<128xi32, #tpu.memory_space<vmem>>
    %dma_wait3A_230 = arith.constant 0 : i32
    %dma_wait3A_231 = arith.constant 0 : i32
    %dma_wait3A_232 = tpu.memref_slice %arg10[%dma_wait3A_230, %dma_wait3A_231] : memref<10240x64xf32, #tpu.memory_space<vmem_shared>> -> memref<10240x64xf32, #tpu.memory_space<vmem_shared>>
    tpu.wait_indirect_dma semaphore(%arg17 : memref<!tpu.dma_semaphore, #tpu.memory_space<semaphore_mem>>) src(%dma_wait3A_226 : memref<128x64xf32, #tpu.memory_space<vmem>>) dst(%dma_wait3A_232 : memref<10240x64xf32, #tpu.memory_space<vmem_shared>>)
    %dma_wait3A_233 = arith.constant 3 : i32
    %dma_wait3A_234 = arith.constant 79 : i32
    %dma_wait3A_235 = arith.constant 0 : i32
    %dma_wait3A_236 = arith.constant 0 : i32
    %dma_wait3A_237 = tpu.memref_slice %arg9[%dma_wait3A_233, %dma_wait3A_235, %dma_wait3A_236] : memref<4x128x64xf32, #tpu.memory_space<vmem>> -> memref<1x128x64xf32, #tpu.memory_space<vmem>>
    %dma_wait3A_238 = tpu.memref_squeeze %dma_wait3A_237 : memref<1x128x64xf32, #tpu.memory_space<vmem>> -> memref<128x64xf32, #tpu.memory_space<vmem>>
    %dma_wait3A_239 = arith.constant 0 : i32
    %dma_wait3A_240 = tpu.memref_slice %arg8[%dma_wait3A_234, %dma_wait3A_239] : memref<80x128xi32, #tpu.memory_space<vmem>> -> memref<1x128xi32, #tpu.memory_space<vmem>>
    %dma_wait3A_241 = tpu.memref_squeeze %dma_wait3A_240 : memref<1x128xi32, #tpu.memory_space<vmem>> -> memref<128xi32, #tpu.memory_space<vmem>>
    %dma_wait3A_242 = arith.constant 0 : i32
    %dma_wait3A_243 = arith.constant 0 : i32
    %dma_wait3A_244 = tpu.memref_slice %arg10[%dma_wait3A_242, %dma_wait3A_243] : memref<10240x64xf32, #tpu.memory_space<vmem_shared>> -> memref<10240x64xf32, #tpu.memory_space<vmem_shared>>
    tpu.wait_indirect_dma semaphore(%arg18 : memref<!tpu.dma_semaphore, #tpu.memory_space<semaphore_mem>>) src(%dma_wait3A_238 : memref<128x64xf32, #tpu.memory_space<vmem>>) dst(%dma_wait3A_244 : memref<10240x64xf32, #tpu.memory_space<vmem_shared>>)
    %barrier3A_245 = arith.constant 0 : index
    tpu.barrier barrier_id(%barrier3A_245)
    "tpu.region"() ({
      %run_scoped3A = tpu.sem_alloc : memref<!tpu.dma_semaphore, #tpu.memory_space<semaphore_mem>>
      %dma_start3A_246 = arith.constant 0 : i32
      %dma_start3A_247 = tpu.memref_slice %arg6[%arg0, %mul3A_25, %dma_start3A_246] : memref<2x10240x64xf32, #tpu.memory_space<hbm>> -> memref<1x640x64xf32, #tpu.memory_space<hbm>>
      %dma_start3A_248 = tpu.memref_squeeze %dma_start3A_247 : memref<1x640x64xf32, #tpu.memory_space<hbm>> -> memref<640x64xf32, #tpu.memory_space<hbm>>
      %dma_start3A_249 = arith.constant 0 : i32
      %dma_start3A_250 = tpu.memref_slice %arg10[%mul3A_25, %dma_start3A_249] : memref<10240x64xf32, #tpu.memory_space<vmem_shared>> -> memref<640x64xf32, #tpu.memory_space<vmem_shared>>
      tpu.enqueue_dma source(%dma_start3A_250 : memref<640x64xf32, #tpu.memory_space<vmem_shared>>) target(%dma_start3A_248 : memref<640x64xf32, #tpu.memory_space<hbm>>) target_semaphore(%run_scoped3A : memref<!tpu.dma_semaphore, #tpu.memory_space<semaphore_mem>>)
      %dma_wait3A_251 = arith.constant 0 : i32
      %dma_wait3A_252 = tpu.memref_slice %arg6[%arg0, %mul3A_25, %dma_wait3A_251] : memref<2x10240x64xf32, #tpu.memory_space<hbm>> -> memref<1x640x64xf32, #tpu.memory_space<hbm>>
      %dma_wait3A_253 = tpu.memref_squeeze %dma_wait3A_252 : memref<1x640x64xf32, #tpu.memory_space<hbm>> -> memref<640x64xf32, #tpu.memory_space<hbm>>
      %dma_wait3A_254 = arith.constant 0 : i32
      %dma_wait3A_255 = tpu.memref_slice %arg10[%mul3A_25, %dma_wait3A_254] : memref<10240x64xf32, #tpu.memory_space<vmem_shared>> -> memref<640x64xf32, #tpu.memory_space<vmem_shared>>
      tpu.wait_dma2 semaphore(%run_scoped3A : memref<!tpu.dma_semaphore, #tpu.memory_space<semaphore_mem>>) src(%dma_wait3A_255 : memref<640x64xf32, #tpu.memory_space<vmem_shared>>) dst(%dma_wait3A_253 : memref<640x64xf32, #tpu.memory_space<hbm>>)
      tpu.yield
    }) : () -> ()
    return
  }
}

#map = affine_map<(d0, d1) -> (0, 0)>
#map1 = affine_map<(d0, d1) -> (0, 0, 0)>
module attributes {stable_mosaic.version = 14 : i64} {
  func.func @k(%arg0: i32, %arg1: i32, %arg2: memref<10240x64xf32, #tpu.memory_space<hbm>>, %arg3: memref<32x80x128xi32, #tpu.memory_space<hbm>>, %arg4: memref<32x80x128xi32, #tpu.memory_space<hbm>>, %arg5: memref<10240x64xf32, #tpu.memory_space<hbm>>, %arg6: memref<2x10240x64xf32, #tpu.memory_space<hbm>>, %arg7: memref<80x128xi32, #tpu.memory_space<vmem>>, %arg8: memref<80x128xi32, #tpu.memory_space<vmem>>, %arg9: memref<4x128x64xf32, #tpu.memory_space<vmem>>, %arg10: memref<10240x64xf32, #tpu.memory_space<vmem_shared>>, %arg11: memref<!tpu.dma_semaphore, #tpu.memory_space<semaphore_mem>>, %arg12: memref<!tpu.dma_semaphore, #tpu.memory_space<semaphore_mem>>, %arg13: memref<!tpu.dma_semaphore, #tpu.memory_space<semaphore_mem>>, %arg14: memref<!tpu.dma_semaphore, #tpu.memory_space<semaphore_mem>>, %arg15: memref<!tpu.dma_semaphore, #tpu.memory_space<semaphore_mem>>, %arg16: memref<!tpu.dma_semaphore, #tpu.memory_space<semaphore_mem>>, %arg17: memref<!tpu.dma_semaphore, #tpu.memory_space<semaphore_mem>>, %arg18: memref<!tpu.dma_semaphore, #tpu.memory_space<semaphore_mem>>) attributes {dimension_semantics = [#tpu.dimension_semantics<core_parallel>, #tpu.dimension_semantics<subcore_parallel>], iteration_bounds = array<i64: 2, 16>, scalar_prefetch = 0 : i64, scratch_operands = 12 : i64, tpu.core_type = #tpu.core_type<sc_vector_subcore>, window_params = [{transform_indices = #map}, {transform_indices = #map1}, {transform_indices = #map1}, {transform_indices = #map}, {transform_indices = #map1}]} {
    %mul3A = arith.constant 16 : i32
    %mul3A_0 = arith.muli %arg0, %mul3A : i32
    %add3A = arith.addi %mul3A_0, %arg1 : i32
    "tpu.region"() ({
      %run_scoped3A = tpu.sem_alloc : memref<!tpu.dma_semaphore, #tpu.memory_space<semaphore_mem>>
      %dma_start3A_246 = arith.constant 0 : i32
      %dma_start3A_247 = arith.constant 0 : i32
      %dma_start3A_248 = tpu.memref_slice %arg3[%add3A, %dma_start3A_246, %dma_start3A_247] : memref<32x80x128xi32, #tpu.memory_space<hbm>> -> memref<1x80x128xi32, #tpu.memory_space<hbm>>
      %dma_start3A_249 = tpu.memref_squeeze %dma_start3A_248 : memref<1x80x128xi32, #tpu.memory_space<hbm>> -> memref<80x128xi32, #tpu.memory_space<hbm>>
      %dma_start3A_250 = arith.constant 0 : i32
      %dma_start3A_251 = arith.constant 0 : i32
      %dma_start3A_252 = tpu.memref_slice %arg3[%add3A, %dma_start3A_250, %dma_start3A_251] : memref<32x80x128xi32, #tpu.memory_space<hbm>> -> memref<1x80x128xi32, #tpu.memory_space<hbm>>
      %dma_start3A_253 = tpu.memref_squeeze %dma_start3A_252 : memref<1x80x128xi32, #tpu.memory_space<hbm>> -> memref<80x128xi32, #tpu.memory_space<hbm>>
      tpu.enqueue_dma source(%dma_start3A_253 : memref<80x128xi32, #tpu.memory_space<hbm>>) target(%arg7 : memref<80x128xi32, #tpu.memory_space<vmem>>) target_semaphore(%run_scoped3A : memref<!tpu.dma_semaphore, #tpu.memory_space<semaphore_mem>>)
      %dma_wait3A_254 = arith.constant 0 : i32
      %dma_wait3A_255 = arith.constant 0 : i32
      %dma_wait3A_256 = tpu.memref_slice %arg3[%add3A, %dma_wait3A_254, %dma_wait3A_255] : memref<32x80x128xi32, #tpu.memory_space<hbm>> -> memref<1x80x128xi32, #tpu.memory_space<hbm>>
      %dma_wait3A_257 = tpu.memref_squeeze %dma_wait3A_256 : memref<1x80x128xi32, #tpu.memory_space<hbm>> -> memref<80x128xi32, #tpu.memory_space<hbm>>
      %dma_wait3A_258 = arith.constant 0 : i32
      %dma_wait3A_259 = arith.constant 0 : i32
      %dma_wait3A_260 = tpu.memref_slice %arg3[%add3A, %dma_wait3A_258, %dma_wait3A_259] : memref<32x80x128xi32, #tpu.memory_space<hbm>> -> memref<1x80x128xi32, #tpu.memory_space<hbm>>
      %dma_wait3A_261 = tpu.memref_squeeze %dma_wait3A_260 : memref<1x80x128xi32, #tpu.memory_space<hbm>> -> memref<80x128xi32, #tpu.memory_space<hbm>>
      tpu.wait_dma2 semaphore(%run_scoped3A : memref<!tpu.dma_semaphore, #tpu.memory_space<semaphore_mem>>) src(%dma_wait3A_261 : memref<80x128xi32, #tpu.memory_space<hbm>>) dst(%arg7 : memref<80x128xi32, #tpu.memory_space<vmem>>)
      tpu.yield
    }) : () -> ()
    "tpu.region"() ({
      %run_scoped3A = tpu.sem_alloc : memref<!tpu.dma_semaphore, #tpu.memory_space<semaphore_mem>>
      %dma_start3A_246 = arith.constant 0 : i32
      %dma_start3A_247 = arith.constant 0 : i32
      %dma_start3A_248 = tpu.memref_slice %arg4[%add3A, %dma_start3A_246, %dma_start3A_247] : memref<32x80x128xi32, #tpu.memory_space<hbm>> -> memref<1x80x128xi32, #tpu.memory_space<hbm>>
      %dma_start3A_249 = tpu.memref_squeeze %dma_start3A_248 : memref<1x80x128xi32, #tpu.memory_space<hbm>> -> memref<80x128xi32, #tpu.memory_space<hbm>>
      %dma_start3A_250 = arith.constant 0 : i32
      %dma_start3A_251 = arith.constant 0 : i32
      %dma_start3A_252 = tpu.memref_slice %arg4[%add3A, %dma_start3A_250, %dma_start3A_251] : memref<32x80x128xi32, #tpu.memory_space<hbm>> -> memref<1x80x128xi32, #tpu.memory_space<hbm>>
      %dma_start3A_253 = tpu.memref_squeeze %dma_start3A_252 : memref<1x80x128xi32, #tpu.memory_space<hbm>> -> memref<80x128xi32, #tpu.memory_space<hbm>>
      tpu.enqueue_dma source(%dma_start3A_253 : memref<80x128xi32, #tpu.memory_space<hbm>>) target(%arg8 : memref<80x128xi32, #tpu.memory_space<vmem>>) target_semaphore(%run_scoped3A : memref<!tpu.dma_semaphore, #tpu.memory_space<semaphore_mem>>)
      %dma_wait3A_254 = arith.constant 0 : i32
      %dma_wait3A_255 = arith.constant 0 : i32
      %dma_wait3A_256 = tpu.memref_slice %arg4[%add3A, %dma_wait3A_254, %dma_wait3A_255] : memref<32x80x128xi32, #tpu.memory_space<hbm>> -> memref<1x80x128xi32, #tpu.memory_space<hbm>>
      %dma_wait3A_257 = tpu.memref_squeeze %dma_wait3A_256 : memref<1x80x128xi32, #tpu.memory_space<hbm>> -> memref<80x128xi32, #tpu.memory_space<hbm>>
      %dma_wait3A_258 = arith.constant 0 : i32
      %dma_wait3A_259 = arith.constant 0 : i32
      %dma_wait3A_260 = tpu.memref_slice %arg4[%add3A, %dma_wait3A_258, %dma_wait3A_259] : memref<32x80x128xi32, #tpu.memory_space<hbm>> -> memref<1x80x128xi32, #tpu.memory_space<hbm>>
      %dma_wait3A_261 = tpu.memref_squeeze %dma_wait3A_260 : memref<1x80x128xi32, #tpu.memory_space<hbm>> -> memref<80x128xi32, #tpu.memory_space<hbm>>
      tpu.wait_dma2 semaphore(%run_scoped3A : memref<!tpu.dma_semaphore, #tpu.memory_space<semaphore_mem>>) src(%dma_wait3A_261 : memref<80x128xi32, #tpu.memory_space<hbm>>) dst(%arg8 : memref<80x128xi32, #tpu.memory_space<vmem>>)
      tpu.yield
    }) : () -> ()
    %dma_start3A = arith.constant 0 : i32
    %dma_start3A_1 = arith.constant 0 : i32
    %dma_start3A_2 = arith.constant 0 : i32
    %dma_start3A_3 = arith.constant 0 : i32
    %dma_start3A_4 = tpu.memref_slice %arg9[%dma_start3A_1, %dma_start3A_2, %dma_start3A_3] : memref<4x128x64xf32, #tpu.memory_space<vmem>> -> memref<1x128x64xf32, #tpu.memory_space<vmem>>
    %dma_start3A_5 = tpu.memref_squeeze %dma_start3A_4 : memref<1x128x64xf32, #tpu.memory_space<vmem>> -> memref<128x64xf32, #tpu.memory_space<vmem>>
    %dma_start3A_6 = arith.constant 0 : i32
    %dma_start3A_7 = tpu.memref_slice %arg7[%dma_start3A, %dma_start3A_6] : memref<80x128xi32, #tpu.memory_space<vmem>> -> memref<1x128xi32, #tpu.memory_space<vmem>>
    %dma_start3A_8 = tpu.memref_squeeze %dma_start3A_7 : memref<1x128xi32, #tpu.memory_space<vmem>> -> memref<128xi32, #tpu.memory_space<vmem>>
    %dma_start3A_9 = arith.constant 0 : i32
    %dma_start3A_10 = arith.constant 0 : i32
    %dma_start3A_11 = tpu.memref_slice %arg2[%dma_start3A_9, %dma_start3A_10] : memref<10240x64xf32, #tpu.memory_space<hbm>> -> memref<10240x64xf32, #tpu.memory_space<hbm>>
    tpu.enqueue_indirect_dma source(%dma_start3A_11 : memref<10240x64xf32, #tpu.memory_space<hbm>>) target(%dma_start3A_5 : memref<128x64xf32, #tpu.memory_space<vmem>>) offsets(%dma_start3A_8 : memref<128xi32, #tpu.memory_space<vmem>>) semaphore(%arg11 : memref<!tpu.dma_semaphore, #tpu.memory_space<semaphore_mem>>)
    %dma_start3A_12 = arith.constant 1 : i32
    %dma_start3A_13 = arith.constant 1 : i32
    %dma_start3A_14 = arith.constant 0 : i32
    %dma_start3A_15 = arith.constant 0 : i32
    %dma_start3A_16 = tpu.memref_slice %arg9[%dma_start3A_13, %dma_start3A_14, %dma_start3A_15] : memref<4x128x64xf32, #tpu.memory_space<vmem>> -> memref<1x128x64xf32, #tpu.memory_space<vmem>>
    %dma_start3A_17 = tpu.memref_squeeze %dma_start3A_16 : memref<1x128x64xf32, #tpu.memory_space<vmem>> -> memref<128x64xf32, #tpu.memory_space<vmem>>
    %dma_start3A_18 = arith.constant 0 : i32
    %dma_start3A_19 = tpu.memref_slice %arg7[%dma_start3A_12, %dma_start3A_18] : memref<80x128xi32, #tpu.memory_space<vmem>> -> memref<1x128xi32, #tpu.memory_space<vmem>>
    %dma_start3A_20 = tpu.memref_squeeze %dma_start3A_19 : memref<1x128xi32, #tpu.memory_space<vmem>> -> memref<128xi32, #tpu.memory_space<vmem>>
    %dma_start3A_21 = arith.constant 0 : i32
    %dma_start3A_22 = arith.constant 0 : i32
    %dma_start3A_23 = tpu.memref_slice %arg2[%dma_start3A_21, %dma_start3A_22] : memref<10240x64xf32, #tpu.memory_space<hbm>> -> memref<10240x64xf32, #tpu.memory_space<hbm>>
    tpu.enqueue_indirect_dma source(%dma_start3A_23 : memref<10240x64xf32, #tpu.memory_space<hbm>>) target(%dma_start3A_17 : memref<128x64xf32, #tpu.memory_space<vmem>>) offsets(%dma_start3A_20 : memref<128xi32, #tpu.memory_space<vmem>>) semaphore(%arg12 : memref<!tpu.dma_semaphore, #tpu.memory_space<semaphore_mem>>)
    %mul3A_24 = arith.constant 640 : i32
    %mul3A_25 = arith.muli %arg1, %mul3A_24 : i32
    "tpu.region"() ({
      %run_scoped3A = tpu.sem_alloc : memref<!tpu.dma_semaphore, #tpu.memory_space<semaphore_mem>>
      %dma_start3A_246 = arith.constant 0 : i32
      %dma_start3A_247 = tpu.memref_slice %arg10[%mul3A_25, %dma_start3A_246] : memref<10240x64xf32, #tpu.memory_space<vmem_shared>> -> memref<640x64xf32, #tpu.memory_space<vmem_shared>>
      %dma_start3A_248 = arith.constant 0 : i32
      %dma_start3A_249 = tpu.memref_slice %arg5[%mul3A_25, %dma_start3A_248] : memref<10240x64xf32, #tpu.memory_space<hbm>> -> memref<640x64xf32, #tpu.memory_space<hbm>>
      tpu.enqueue_dma source(%dma_start3A_249 : memref<640x64xf32, #tpu.memory_space<hbm>>) target(%dma_start3A_247 : memref<640x64xf32, #tpu.memory_space<vmem_shared>>) target_semaphore(%run_scoped3A : memref<!tpu.dma_semaphore, #tpu.memory_space<semaphore_mem>>)
      %dma_wait3A_250 = arith.constant 0 : i32
      %dma_wait3A_251 = tpu.memref_slice %arg10[%mul3A_25, %dma_wait3A_250] : memref<10240x64xf32, #tpu.memory_space<vmem_shared>> -> memref<640x64xf32, #tpu.memory_space<vmem_shared>>
      %dma_wait3A_252 = arith.constant 0 : i32
      %dma_wait3A_253 = tpu.memref_slice %arg5[%mul3A_25, %dma_wait3A_252] : memref<10240x64xf32, #tpu.memory_space<hbm>> -> memref<640x64xf32, #tpu.memory_space<hbm>>
      tpu.wait_dma2 semaphore(%run_scoped3A : memref<!tpu.dma_semaphore, #tpu.memory_space<semaphore_mem>>) src(%dma_wait3A_253 : memref<640x64xf32, #tpu.memory_space<hbm>>) dst(%dma_wait3A_251 : memref<640x64xf32, #tpu.memory_space<vmem_shared>>)
      tpu.yield
    }) : () -> ()
    %barrier3A = arith.constant 0 : index
    tpu.barrier barrier_id(%barrier3A)
    %dma_wait3A = arith.constant 0 : i32
    %dma_wait3A_26 = arith.constant 0 : i32
    %dma_wait3A_27 = arith.constant 0 : i32
    %dma_wait3A_28 = arith.constant 0 : i32
    %dma_wait3A_29 = tpu.memref_slice %arg9[%dma_wait3A_26, %dma_wait3A_27, %dma_wait3A_28] : memref<4x128x64xf32, #tpu.memory_space<vmem>> -> memref<1x128x64xf32, #tpu.memory_space<vmem>>
    %dma_wait3A_30 = tpu.memref_squeeze %dma_wait3A_29 : memref<1x128x64xf32, #tpu.memory_space<vmem>> -> memref<128x64xf32, #tpu.memory_space<vmem>>
    %dma_wait3A_31 = arith.constant 0 : i32
    %dma_wait3A_32 = tpu.memref_slice %arg7[%dma_wait3A, %dma_wait3A_31] : memref<80x128xi32, #tpu.memory_space<vmem>> -> memref<1x128xi32, #tpu.memory_space<vmem>>
    %dma_wait3A_33 = tpu.memref_squeeze %dma_wait3A_32 : memref<1x128xi32, #tpu.memory_space<vmem>> -> memref<128xi32, #tpu.memory_space<vmem>>
    %dma_wait3A_34 = arith.constant 0 : i32
    %dma_wait3A_35 = arith.constant 0 : i32
    %dma_wait3A_36 = tpu.memref_slice %arg2[%dma_wait3A_34, %dma_wait3A_35] : memref<10240x64xf32, #tpu.memory_space<hbm>> -> memref<10240x64xf32, #tpu.memory_space<hbm>>
    tpu.wait_indirect_dma semaphore(%arg11 : memref<!tpu.dma_semaphore, #tpu.memory_space<semaphore_mem>>) src(%dma_wait3A_36 : memref<10240x64xf32, #tpu.memory_space<hbm>>) dst(%dma_wait3A_30 : memref<128x64xf32, #tpu.memory_space<vmem>>)
    %dma_start3A_37 = arith.constant 0 : i32
    %dma_start3A_38 = arith.constant 0 : i32
    %dma_start3A_39 = arith.constant 0 : i32
    %dma_start3A_40 = arith.constant 0 : i32
    %dma_start3A_41 = tpu.memref_slice %arg9[%dma_start3A_37, %dma_start3A_39, %dma_start3A_40] : memref<4x128x64xf32, #tpu.memory_space<vmem>> -> memref<1x128x64xf32, #tpu.memory_space<vmem>>
    %dma_start3A_42 = tpu.memref_squeeze %dma_start3A_41 : memref<1x128x64xf32, #tpu.memory_space<vmem>> -> memref<128x64xf32, #tpu.memory_space<vmem>>
    %dma_start3A_43 = arith.constant 0 : i32
    %dma_start3A_44 = tpu.memref_slice %arg8[%dma_start3A_38, %dma_start3A_43] : memref<80x128xi32, #tpu.memory_space<vmem>> -> memref<1x128xi32, #tpu.memory_space<vmem>>
    %dma_start3A_45 = tpu.memref_squeeze %dma_start3A_44 : memref<1x128xi32, #tpu.memory_space<vmem>> -> memref<128xi32, #tpu.memory_space<vmem>>
    %dma_start3A_46 = arith.constant 0 : i32
    %dma_start3A_47 = arith.constant 0 : i32
    %dma_start3A_48 = tpu.memref_slice %arg10[%dma_start3A_46, %dma_start3A_47] : memref<10240x64xf32, #tpu.memory_space<vmem_shared>> -> memref<10240x64xf32, #tpu.memory_space<vmem_shared>>
    tpu.enqueue_indirect_dma source(%dma_start3A_42 : memref<128x64xf32, #tpu.memory_space<vmem>>) target(%dma_start3A_48 : memref<10240x64xf32, #tpu.memory_space<vmem_shared>>) offsets(%dma_start3A_45 : memref<128xi32, #tpu.memory_space<vmem>>) semaphore(%arg15 : memref<!tpu.dma_semaphore, #tpu.memory_space<semaphore_mem>>) {add = true}
    %dma_start3A_49 = arith.constant 2 : i32
    %dma_start3A_50 = arith.constant 2 : i32
    %dma_start3A_51 = arith.constant 0 : i32
    %dma_start3A_52 = arith.constant 0 : i32
    %dma_start3A_53 = tpu.memref_slice %arg9[%dma_start3A_50, %dma_start3A_51, %dma_start3A_52] : memref<4x128x64xf32, #tpu.memory_space<vmem>> -> memref<1x128x64xf32, #tpu.memory_space<vmem>>
    %dma_start3A_54 = tpu.memref_squeeze %dma_start3A_53 : memref<1x128x64xf32, #tpu.memory_space<vmem>> -> memref<128x64xf32, #tpu.memory_space<vmem>>
    %dma_start3A_55 = arith.constant 0 : i32
    %dma_start3A_56 = tpu.memref_slice %arg7[%dma_start3A_49, %dma_start3A_55] : memref<80x128xi32, #tpu.memory_space<vmem>> -> memref<1x128xi32, #tpu.memory_space<vmem>>
    %dma_start3A_57 = tpu.memref_squeeze %dma_start3A_56 : memref<1x128xi32, #tpu.memory_space<vmem>> -> memref<128xi32, #tpu.memory_space<vmem>>
    %dma_start3A_58 = arith.constant 0 : i32
    %dma_start3A_59 = arith.constant 0 : i32
    %dma_start3A_60 = tpu.memref_slice %arg2[%dma_start3A_58, %dma_start3A_59] : memref<10240x64xf32, #tpu.memory_space<hbm>> -> memref<10240x64xf32, #tpu.memory_space<hbm>>
    tpu.enqueue_indirect_dma source(%dma_start3A_60 : memref<10240x64xf32, #tpu.memory_space<hbm>>) target(%dma_start3A_54 : memref<128x64xf32, #tpu.memory_space<vmem>>) offsets(%dma_start3A_57 : memref<128xi32, #tpu.memory_space<vmem>>) semaphore(%arg13 : memref<!tpu.dma_semaphore, #tpu.memory_space<semaphore_mem>>)
    %dma_wait3A_61 = arith.constant 1 : i32
    %dma_wait3A_62 = arith.constant 1 : i32
    %dma_wait3A_63 = arith.constant 0 : i32
    %dma_wait3A_64 = arith.constant 0 : i32
    %dma_wait3A_65 = tpu.memref_slice %arg9[%dma_wait3A_62, %dma_wait3A_63, %dma_wait3A_64] : memref<4x128x64xf32, #tpu.memory_space<vmem>> -> memref<1x128x64xf32, #tpu.memory_space<vmem>>
    %dma_wait3A_66 = tpu.memref_squeeze %dma_wait3A_65 : memref<1x128x64xf32, #tpu.memory_space<vmem>> -> memref<128x64xf32, #tpu.memory_space<vmem>>
    %dma_wait3A_67 = arith.constant 0 : i32
    %dma_wait3A_68 = tpu.memref_slice %arg7[%dma_wait3A_61, %dma_wait3A_67] : memref<80x128xi32, #tpu.memory_space<vmem>> -> memref<1x128xi32, #tpu.memory_space<vmem>>
    %dma_wait3A_69 = tpu.memref_squeeze %dma_wait3A_68 : memref<1x128xi32, #tpu.memory_space<vmem>> -> memref<128xi32, #tpu.memory_space<vmem>>
    %dma_wait3A_70 = arith.constant 0 : i32
    %dma_wait3A_71 = arith.constant 0 : i32
    %dma_wait3A_72 = tpu.memref_slice %arg2[%dma_wait3A_70, %dma_wait3A_71] : memref<10240x64xf32, #tpu.memory_space<hbm>> -> memref<10240x64xf32, #tpu.memory_space<hbm>>
    tpu.wait_indirect_dma semaphore(%arg12 : memref<!tpu.dma_semaphore, #tpu.memory_space<semaphore_mem>>) src(%dma_wait3A_72 : memref<10240x64xf32, #tpu.memory_space<hbm>>) dst(%dma_wait3A_66 : memref<128x64xf32, #tpu.memory_space<vmem>>)
    %dma_start3A_73 = arith.constant 1 : i32
    %dma_start3A_74 = arith.constant 1 : i32
    %dma_start3A_75 = arith.constant 0 : i32
    %dma_start3A_76 = arith.constant 0 : i32
    %dma_start3A_77 = tpu.memref_slice %arg9[%dma_start3A_73, %dma_start3A_75, %dma_start3A_76] : memref<4x128x64xf32, #tpu.memory_space<vmem>> -> memref<1x128x64xf32, #tpu.memory_space<vmem>>
    %dma_start3A_78 = tpu.memref_squeeze %dma_start3A_77 : memref<1x128x64xf32, #tpu.memory_space<vmem>> -> memref<128x64xf32, #tpu.memory_space<vmem>>
    %dma_start3A_79 = arith.constant 0 : i32
    %dma_start3A_80 = tpu.memref_slice %arg8[%dma_start3A_74, %dma_start3A_79] : memref<80x128xi32, #tpu.memory_space<vmem>> -> memref<1x128xi32, #tpu.memory_space<vmem>>
    %dma_start3A_81 = tpu.memref_squeeze %dma_start3A_80 : memref<1x128xi32, #tpu.memory_space<vmem>> -> memref<128xi32, #tpu.memory_space<vmem>>
    %dma_start3A_82 = arith.constant 0 : i32
    %dma_start3A_83 = arith.constant 0 : i32
    %dma_start3A_84 = tpu.memref_slice %arg10[%dma_start3A_82, %dma_start3A_83] : memref<10240x64xf32, #tpu.memory_space<vmem_shared>> -> memref<10240x64xf32, #tpu.memory_space<vmem_shared>>
    tpu.enqueue_indirect_dma source(%dma_start3A_78 : memref<128x64xf32, #tpu.memory_space<vmem>>) target(%dma_start3A_84 : memref<10240x64xf32, #tpu.memory_space<vmem_shared>>) offsets(%dma_start3A_81 : memref<128xi32, #tpu.memory_space<vmem>>) semaphore(%arg16 : memref<!tpu.dma_semaphore, #tpu.memory_space<semaphore_mem>>) {add = true}
    %dma_start3A_85 = arith.constant 3 : i32
    %dma_start3A_86 = arith.constant 3 : i32
    %dma_start3A_87 = arith.constant 0 : i32
    %dma_start3A_88 = arith.constant 0 : i32
    %dma_start3A_89 = tpu.memref_slice %arg9[%dma_start3A_86, %dma_start3A_87, %dma_start3A_88] : memref<4x128x64xf32, #tpu.memory_space<vmem>> -> memref<1x128x64xf32, #tpu.memory_space<vmem>>
    %dma_start3A_90 = tpu.memref_squeeze %dma_start3A_89 : memref<1x128x64xf32, #tpu.memory_space<vmem>> -> memref<128x64xf32, #tpu.memory_space<vmem>>
    %dma_start3A_91 = arith.constant 0 : i32
    %dma_start3A_92 = tpu.memref_slice %arg7[%dma_start3A_85, %dma_start3A_91] : memref<80x128xi32, #tpu.memory_space<vmem>> -> memref<1x128xi32, #tpu.memory_space<vmem>>
    %dma_start3A_93 = tpu.memref_squeeze %dma_start3A_92 : memref<1x128xi32, #tpu.memory_space<vmem>> -> memref<128xi32, #tpu.memory_space<vmem>>
    %dma_start3A_94 = arith.constant 0 : i32
    %dma_start3A_95 = arith.constant 0 : i32
    %dma_start3A_96 = tpu.memref_slice %arg2[%dma_start3A_94, %dma_start3A_95] : memref<10240x64xf32, #tpu.memory_space<hbm>> -> memref<10240x64xf32, #tpu.memory_space<hbm>>
    tpu.enqueue_indirect_dma source(%dma_start3A_96 : memref<10240x64xf32, #tpu.memory_space<hbm>>) target(%dma_start3A_90 : memref<128x64xf32, #tpu.memory_space<vmem>>) offsets(%dma_start3A_93 : memref<128xi32, #tpu.memory_space<vmem>>) semaphore(%arg14 : memref<!tpu.dma_semaphore, #tpu.memory_space<semaphore_mem>>)
    %dma_wait3A_97 = arith.constant 2 : i32
    %dma_wait3A_98 = arith.constant 2 : i32
    %dma_wait3A_99 = arith.constant 0 : i32
    %dma_wait3A_100 = arith.constant 0 : i32
    %dma_wait3A_101 = tpu.memref_slice %arg9[%dma_wait3A_98, %dma_wait3A_99, %dma_wait3A_100] : memref<4x128x64xf32, #tpu.memory_space<vmem>> -> memref<1x128x64xf32, #tpu.memory_space<vmem>>
    %dma_wait3A_102 = tpu.memref_squeeze %dma_wait3A_101 : memref<1x128x64xf32, #tpu.memory_space<vmem>> -> memref<128x64xf32, #tpu.memory_space<vmem>>
    %dma_wait3A_103 = arith.constant 0 : i32
    %dma_wait3A_104 = tpu.memref_slice %arg7[%dma_wait3A_97, %dma_wait3A_103] : memref<80x128xi32, #tpu.memory_space<vmem>> -> memref<1x128xi32, #tpu.memory_space<vmem>>
    %dma_wait3A_105 = tpu.memref_squeeze %dma_wait3A_104 : memref<1x128xi32, #tpu.memory_space<vmem>> -> memref<128xi32, #tpu.memory_space<vmem>>
    %dma_wait3A_106 = arith.constant 0 : i32
    %dma_wait3A_107 = arith.constant 0 : i32
    %dma_wait3A_108 = tpu.memref_slice %arg2[%dma_wait3A_106, %dma_wait3A_107] : memref<10240x64xf32, #tpu.memory_space<hbm>> -> memref<10240x64xf32, #tpu.memory_space<hbm>>
    tpu.wait_indirect_dma semaphore(%arg13 : memref<!tpu.dma_semaphore, #tpu.memory_space<semaphore_mem>>) src(%dma_wait3A_108 : memref<10240x64xf32, #tpu.memory_space<hbm>>) dst(%dma_wait3A_102 : memref<128x64xf32, #tpu.memory_space<vmem>>)
    %dma_start3A_109 = arith.constant 2 : i32
    %dma_start3A_110 = arith.constant 2 : i32
    %dma_start3A_111 = arith.constant 0 : i32
    %dma_start3A_112 = arith.constant 0 : i32
    %dma_start3A_113 = tpu.memref_slice %arg9[%dma_start3A_109, %dma_start3A_111, %dma_start3A_112] : memref<4x128x64xf32, #tpu.memory_space<vmem>> -> memref<1x128x64xf32, #tpu.memory_space<vmem>>
    %dma_start3A_114 = tpu.memref_squeeze %dma_start3A_113 : memref<1x128x64xf32, #tpu.memory_space<vmem>> -> memref<128x64xf32, #tpu.memory_space<vmem>>
    %dma_start3A_115 = arith.constant 0 : i32
    %dma_start3A_116 = tpu.memref_slice %arg8[%dma_start3A_110, %dma_start3A_115] : memref<80x128xi32, #tpu.memory_space<vmem>> -> memref<1x128xi32, #tpu.memory_space<vmem>>
    %dma_start3A_117 = tpu.memref_squeeze %dma_start3A_116 : memref<1x128xi32, #tpu.memory_space<vmem>> -> memref<128xi32, #tpu.memory_space<vmem>>
    %dma_start3A_118 = arith.constant 0 : i32
    %dma_start3A_119 = arith.constant 0 : i32
    %dma_start3A_120 = tpu.memref_slice %arg10[%dma_start3A_118, %dma_start3A_119] : memref<10240x64xf32, #tpu.memory_space<vmem_shared>> -> memref<10240x64xf32, #tpu.memory_space<vmem_shared>>
    tpu.enqueue_indirect_dma source(%dma_start3A_114 : memref<128x64xf32, #tpu.memory_space<vmem>>) target(%dma_start3A_120 : memref<10240x64xf32, #tpu.memory_space<vmem_shared>>) offsets(%dma_start3A_117 : memref<128xi32, #tpu.memory_space<vmem>>) semaphore(%arg17 : memref<!tpu.dma_semaphore, #tpu.memory_space<semaphore_mem>>) {add = true}
    %dma_wait3A_121 = arith.constant 0 : i32
    %dma_wait3A_122 = arith.constant 0 : i32
    %dma_wait3A_123 = arith.constant 0 : i32
    %dma_wait3A_124 = arith.constant 0 : i32
    %dma_wait3A_125 = tpu.memref_slice %arg9[%dma_wait3A_121, %dma_wait3A_123, %dma_wait3A_124] : memref<4x128x64xf32, #tpu.memory_space<vmem>> -> memref<1x128x64xf32, #tpu.memory_space<vmem>>
    %dma_wait3A_126 = tpu.memref_squeeze %dma_wait3A_125 : memref<1x128x64xf32, #tpu.memory_space<vmem>> -> memref<128x64xf32, #tpu.memory_space<vmem>>
    %dma_wait3A_127 = arith.constant 0 : i32
    %dma_wait3A_128 = tpu.memref_slice %arg8[%dma_wait3A_122, %dma_wait3A_127] : memref<80x128xi32, #tpu.memory_space<vmem>> -> memref<1x128xi32, #tpu.memory_space<vmem>>
    %dma_wait3A_129 = tpu.memref_squeeze %dma_wait3A_128 : memref<1x128xi32, #tpu.memory_space<vmem>> -> memref<128xi32, #tpu.memory_space<vmem>>
    %dma_wait3A_130 = arith.constant 0 : i32
    %dma_wait3A_131 = arith.constant 0 : i32
    %dma_wait3A_132 = tpu.memref_slice %arg10[%dma_wait3A_130, %dma_wait3A_131] : memref<10240x64xf32, #tpu.memory_space<vmem_shared>> -> memref<10240x64xf32, #tpu.memory_space<vmem_shared>>
    tpu.wait_indirect_dma semaphore(%arg15 : memref<!tpu.dma_semaphore, #tpu.memory_space<semaphore_mem>>) src(%dma_wait3A_126 : memref<128x64xf32, #tpu.memory_space<vmem>>) dst(%dma_wait3A_132 : memref<10240x64xf32, #tpu.memory_space<vmem_shared>>)
    %dma_start3A_133 = arith.constant 4 : i32
    %dma_start3A_134 = arith.constant 0 : i32
    %dma_start3A_135 = arith.constant 0 : i32
    %dma_start3A_136 = arith.constant 0 : i32
    %dma_start3A_137 = tpu.memref_slice %arg9[%dma_start3A_134, %dma_start3A_135, %dma_start3A_136] : memref<4x128x64xf32, #tpu.memory_space<vmem>> -> memref<1x128x64xf32, #tpu.memory_space<vmem>>
    %dma_start3A_138 = tpu.memref_squeeze %dma_start3A_137 : memref<1x128x64xf32, #tpu.memory_space<vmem>> -> memref<128x64xf32, #tpu.memory_space<vmem>>
    %dma_start3A_139 = arith.constant 0 : i32
    %dma_start3A_140 = tpu.memref_slice %arg7[%dma_start3A_133, %dma_start3A_139] : memref<80x128xi32, #tpu.memory_space<vmem>> -> memref<1x128xi32, #tpu.memory_space<vmem>>
    %dma_start3A_141 = tpu.memref_squeeze %dma_start3A_140 : memref<1x128xi32, #tpu.memory_space<vmem>> -> memref<128xi32, #tpu.memory_space<vmem>>
    %dma_start3A_142 = arith.constant 0 : i32
    %dma_start3A_143 = arith.constant 0 : i32
    %dma_start3A_144 = tpu.memref_slice %arg2[%dma_start3A_142, %dma_start3A_143] : memref<10240x64xf32, #tpu.memory_space<hbm>> -> memref<10240x64xf32, #tpu.memory_space<hbm>>
    tpu.enqueue_indirect_dma source(%dma_start3A_144 : memref<10240x64xf32, #tpu.memory_space<hbm>>) target(%dma_start3A_138 : memref<128x64xf32, #tpu.memory_space<vmem>>) offsets(%dma_start3A_141 : memref<128xi32, #tpu.memory_space<vmem>>) semaphore(%arg11 : memref<!tpu.dma_semaphore, #tpu.memory_space<semaphore_mem>>)
    %dma_wait3A_145 = arith.constant 3 : i32
    %dma_wait3A_146 = arith.constant 3 : i32
    %dma_wait3A_147 = arith.constant 0 : i32
    %dma_wait3A_148 = arith.constant 0 : i32
    %dma_wait3A_149 = tpu.memref_slice %arg9[%dma_wait3A_146, %dma_wait3A_147, %dma_wait3A_148] : memref<4x128x64xf32, #tpu.memory_space<vmem>> -> memref<1x128x64xf32, #tpu.memory_space<vmem>>
    %dma_wait3A_150 = tpu.memref_squeeze %dma_wait3A_149 : memref<1x128x64xf32, #tpu.memory_space<vmem>> -> memref<128x64xf32, #tpu.memory_space<vmem>>
    %dma_wait3A_151 = arith.constant 0 : i32
    %dma_wait3A_152 = tpu.memref_slice %arg7[%dma_wait3A_145, %dma_wait3A_151] : memref<80x128xi32, #tpu.memory_space<vmem>> -> memref<1x128xi32, #tpu.memory_space<vmem>>
    %dma_wait3A_153 = tpu.memref_squeeze %dma_wait3A_152 : memref<1x128xi32, #tpu.memory_space<vmem>> -> memref<128xi32, #tpu.memory_space<vmem>>
    %dma_wait3A_154 = arith.constant 0 : i32
    %dma_wait3A_155 = arith.constant 0 : i32
    %dma_wait3A_156 = tpu.memref_slice %arg2[%dma_wait3A_154, %dma_wait3A_155] : memref<10240x64xf32, #tpu.memory_space<hbm>> -> memref<10240x64xf32, #tpu.memory_space<hbm>>
    tpu.wait_indirect_dma semaphore(%arg14 : memref<!tpu.dma_semaphore, #tpu.memory_space<semaphore_mem>>) src(%dma_wait3A_156 : memref<10240x64xf32, #tpu.memory_space<hbm>>) dst(%dma_wait3A_150 : memref<128x64xf32, #tpu.memory_space<vmem>>)
    %dma_start3A_157 = arith.constant 3 : i32
    %dma_start3A_158 = arith.constant 3 : i32
    %dma_start3A_159 = arith.constant 0 : i32
    %dma_start3A_160 = arith.constant 0 : i32
    %dma_start3A_161 = tpu.memref_slice %arg9[%dma_start3A_157, %dma_start3A_159, %dma_start3A_160] : memref<4x128x64xf32, #tpu.memory_space<vmem>> -> memref<1x128x64xf32, #tpu.memory_space<vmem>>
    %dma_start3A_162 = tpu.memref_squeeze %dma_start3A_161 : memref<1x128x64xf32, #tpu.memory_space<vmem>> -> memref<128x64xf32, #tpu.memory_space<vmem>>
    %dma_start3A_163 = arith.constant 0 : i32
    %dma_start3A_164 = tpu.memref_slice %arg8[%dma_start3A_158, %dma_start3A_163] : memref<80x128xi32, #tpu.memory_space<vmem>> -> memref<1x128xi32, #tpu.memory_space<vmem>>
    %dma_start3A_165 = tpu.memref_squeeze %dma_start3A_164 : memref<1x128xi32, #tpu.memory_space<vmem>> -> memref<128xi32, #tpu.memory_space<vmem>>
    %dma_start3A_166 = arith.constant 0 : i32
    %dma_start3A_167 = arith.constant 0 : i32
    %dma_start3A_168 = tpu.memref_slice %arg10[%dma_start3A_166, %dma_start3A_167] : memref<10240x64xf32, #tpu.memory_space<vmem_shared>> -> memref<10240x64xf32, #tpu.memory_space<vmem_shared>>
    tpu.enqueue_indirect_dma source(%dma_start3A_162 : memref<128x64xf32, #tpu.memory_space<vmem>>) target(%dma_start3A_168 : memref<10240x64xf32, #tpu.memory_space<vmem_shared>>) offsets(%dma_start3A_165 : memref<128xi32, #tpu.memory_space<vmem>>) semaphore(%arg18 : memref<!tpu.dma_semaphore, #tpu.memory_space<semaphore_mem>>) {add = true}
    %dma_wait3A_169 = arith.constant 1 : i32
    %dma_wait3A_170 = arith.constant 1 : i32
    %dma_wait3A_171 = arith.constant 0 : i32
    %dma_wait3A_172 = arith.constant 0 : i32
    %dma_wait3A_173 = tpu.memref_slice %arg9[%dma_wait3A_169, %dma_wait3A_171, %dma_wait3A_172] : memref<4x128x64xf32, #tpu.memory_space<vmem>> -> memref<1x128x64xf32, #tpu.memory_space<vmem>>
    %dma_wait3A_174 = tpu.memref_squeeze %dma_wait3A_173 : memref<1x128x64xf32, #tpu.memory_space<vmem>> -> memref<128x64xf32, #tpu.memory_space<vmem>>
    %dma_wait3A_175 = arith.constant 0 : i32
    %dma_wait3A_176 = tpu.memref_slice %arg8[%dma_wait3A_170, %dma_wait3A_175] : memref<80x128xi32, #tpu.memory_space<vmem>> -> memref<1x128xi32, #tpu.memory_space<vmem>>
    %dma_wait3A_177 = tpu.memref_squeeze %dma_wait3A_176 : memref<1x128xi32, #tpu.memory_space<vmem>> -> memref<128xi32, #tpu.memory_space<vmem>>
    %dma_wait3A_178 = arith.constant 0 : i32
    %dma_wait3A_179 = arith.constant 0 : i32
    %dma_wait3A_180 = tpu.memref_slice %arg10[%dma_wait3A_178, %dma_wait3A_179] : memref<10240x64xf32, #tpu.memory_space<vmem_shared>> -> memref<10240x64xf32, #tpu.memory_space<vmem_shared>>
    tpu.wait_indirect_dma semaphore(%arg16 : memref<!tpu.dma_semaphore, #tpu.memory_space<semaphore_mem>>) src(%dma_wait3A_174 : memref<128x64xf32, #tpu.memory_space<vmem>>) dst(%dma_wait3A_180 : memref<10240x64xf32, #tpu.memory_space<vmem_shared>>)
    %dma_start3A_181 = arith.constant 5 : i32
    %dma_start3A_182 = arith.constant 1 : i32
    %dma_start3A_183 = arith.constant 0 : i32
    %dma_start3A_184 = arith.constant 0 : i32
    %dma_start3A_185 = tpu.memref_slice %arg9[%dma_start3A_182, %dma_start3A_183, %dma_start3A_184] : memref<4x128x64xf32, #tpu.memory_space<vmem>> -> memref<1x128x64xf32, #tpu.memory_space<vmem>>
    %dma_start3A_186 = tpu.memref_squeeze %dma_start3A_185 : memref<1x128x64xf32, #tpu.memory_space<vmem>> -> memref<128x64xf32, #tpu.memory_space<vmem>>
    %dma_start3A_187 = arith.constant 0 : i32
    %dma_start3A_188 = tpu.memref_slice %arg7[%dma_start3A_181, %dma_start3A_187] : memref<80x128xi32, #tpu.memory_space<vmem>> -> memref<1x128xi32, #tpu.memory_space<vmem>>
    %dma_start3A_189 = tpu.memref_squeeze %dma_start3A_188 : memref<1x128xi32, #tpu.memory_space<vmem>> -> memref<128xi32, #tpu.memory_space<vmem>>
    %dma_start3A_190 = arith.constant 0 : i32
    %dma_start3A_191 = arith.constant 0 : i32
    %dma_start3A_192 = tpu.memref_slice %arg2[%dma_start3A_190, %dma_start3A_191] : memref<10240x64xf32, #tpu.memory_space<hbm>> -> memref<10240x64xf32, #tpu.memory_space<hbm>>
    tpu.enqueue_indirect_dma source(%dma_start3A_192 : memref<10240x64xf32, #tpu.memory_space<hbm>>) target(%dma_start3A_186 : memref<128x64xf32, #tpu.memory_space<vmem>>) offsets(%dma_start3A_189 : memref<128xi32, #tpu.memory_space<vmem>>) semaphore(%arg12 : memref<!tpu.dma_semaphore, #tpu.memory_space<semaphore_mem>>)
    %scan3A = arith.constant 0 : i32
    %scan3A_193 = arith.constant 19 : i32
    %scan3A_194 = arith.addi %scan3A, %scan3A_193 : i32
    %scan3A_195 = arith.constant 1 : i32
    scf.for %scan3A_246 = %scan3A to %scan3A_194 step %scan3A_195  : i32 {
      %mul3A_247 = arith.constant 4 : i32
      %mul3A_248 = arith.muli %scan3A_246, %mul3A_247 : i32
      %add3A_249 = arith.constant 4 : i32
      %add3A_250 = arith.addi %add3A_249, %mul3A_248 : i32
      %add3A_251 = arith.constant 0 : i32
      %add3A_252 = arith.addi %add3A_250, %add3A_251 : i32
      %dma_wait3A_253 = arith.constant 0 : i32
      %dma_wait3A_254 = arith.constant 0 : i32
      %dma_wait3A_255 = arith.constant 0 : i32
      %dma_wait3A_256 = tpu.memref_slice %arg9[%dma_wait3A_253, %dma_wait3A_254, %dma_wait3A_255] : memref<4x128x64xf32, #tpu.memory_space<vmem>> -> memref<1x128x64xf32, #tpu.memory_space<vmem>>
      %dma_wait3A_257 = tpu.memref_squeeze %dma_wait3A_256 : memref<1x128x64xf32, #tpu.memory_space<vmem>> -> memref<128x64xf32, #tpu.memory_space<vmem>>
      %dma_wait3A_258 = arith.constant 0 : i32
      %dma_wait3A_259 = tpu.memref_slice %arg7[%add3A_252, %dma_wait3A_258] : memref<80x128xi32, #tpu.memory_space<vmem>> -> memref<1x128xi32, #tpu.memory_space<vmem>>
      %dma_wait3A_260 = tpu.memref_squeeze %dma_wait3A_259 : memref<1x128xi32, #tpu.memory_space<vmem>> -> memref<128xi32, #tpu.memory_space<vmem>>
      %dma_wait3A_261 = arith.constant 0 : i32
      %dma_wait3A_262 = arith.constant 0 : i32
      %dma_wait3A_263 = tpu.memref_slice %arg2[%dma_wait3A_261, %dma_wait3A_262] : memref<10240x64xf32, #tpu.memory_space<hbm>> -> memref<10240x64xf32, #tpu.memory_space<hbm>>
      tpu.wait_indirect_dma semaphore(%arg11 : memref<!tpu.dma_semaphore, #tpu.memory_space<semaphore_mem>>) src(%dma_wait3A_263 : memref<10240x64xf32, #tpu.memory_space<hbm>>) dst(%dma_wait3A_257 : memref<128x64xf32, #tpu.memory_space<vmem>>)
      %dma_start3A_264 = arith.constant 0 : i32
      %dma_start3A_265 = arith.constant 0 : i32
      %dma_start3A_266 = arith.constant 0 : i32
      %dma_start3A_267 = tpu.memref_slice %arg9[%dma_start3A_264, %dma_start3A_265, %dma_start3A_266] : memref<4x128x64xf32, #tpu.memory_space<vmem>> -> memref<1x128x64xf32, #tpu.memory_space<vmem>>
      %dma_start3A_268 = tpu.memref_squeeze %dma_start3A_267 : memref<1x128x64xf32, #tpu.memory_space<vmem>> -> memref<128x64xf32, #tpu.memory_space<vmem>>
      %dma_start3A_269 = arith.constant 0 : i32
      %dma_start3A_270 = tpu.memref_slice %arg8[%add3A_252, %dma_start3A_269] : memref<80x128xi32, #tpu.memory_space<vmem>> -> memref<1x128xi32, #tpu.memory_space<vmem>>
      %dma_start3A_271 = tpu.memref_squeeze %dma_start3A_270 : memref<1x128xi32, #tpu.memory_space<vmem>> -> memref<128xi32, #tpu.memory_space<vmem>>
      %dma_start3A_272 = arith.constant 0 : i32
      %dma_start3A_273 = arith.constant 0 : i32
      %dma_start3A_274 = tpu.memref_slice %arg10[%dma_start3A_272, %dma_start3A_273] : memref<10240x64xf32, #tpu.memory_space<vmem_shared>> -> memref<10240x64xf32, #tpu.memory_space<vmem_shared>>
      tpu.enqueue_indirect_dma source(%dma_start3A_268 : memref<128x64xf32, #tpu.memory_space<vmem>>) target(%dma_start3A_274 : memref<10240x64xf32, #tpu.memory_space<vmem_shared>>) offsets(%dma_start3A_271 : memref<128xi32, #tpu.memory_space<vmem>>) semaphore(%arg15 : memref<!tpu.dma_semaphore, #tpu.memory_space<semaphore_mem>>) {add = true}
      %add3A_275 = arith.constant 2 : i32
      %add3A_276 = arith.addi %add3A_252, %add3A_275 : i32
      %lt3A = arith.constant 80 : i32
      %lt3A_277 = arith.cmpi slt, %add3A_276, %lt3A : i32
      %convert_element_type3A = arith.extui %lt3A_277 : i1 to i32
      %cond3A = arith.constant 0 : i32
      %cond3A_278 = arith.cmpi ne, %convert_element_type3A, %cond3A : i32
      scf.if %cond3A_278 {
        %sub3A = arith.constant 2 : i32
        %sub3A_372 = arith.subi %add3A_252, %sub3A : i32
        %dma_wait3A_373 = arith.constant 2 : i32
        %dma_wait3A_374 = arith.constant 0 : i32
        %dma_wait3A_375 = arith.constant 0 : i32
        %dma_wait3A_376 = tpu.memref_slice %arg9[%dma_wait3A_373, %dma_wait3A_374, %dma_wait3A_375] : memref<4x128x64xf32, #tpu.memory_space<vmem>> -> memref<1x128x64xf32, #tpu.memory_space<vmem>>
        %dma_wait3A_377 = tpu.memref_squeeze %dma_wait3A_376 : memref<1x128x64xf32, #tpu.memory_space<vmem>> -> memref<128x64xf32, #tpu.memory_space<vmem>>
        %dma_wait3A_378 = arith.constant 0 : i32
        %dma_wait3A_379 = tpu.memref_slice %arg8[%sub3A_372, %dma_wait3A_378] : memref<80x128xi32, #tpu.memory_space<vmem>> -> memref<1x128xi32, #tpu.memory_space<vmem>>
        %dma_wait3A_380 = tpu.memref_squeeze %dma_wait3A_379 : memref<1x128xi32, #tpu.memory_space<vmem>> -> memref<128xi32, #tpu.memory_space<vmem>>
        %dma_wait3A_381 = arith.constant 0 : i32
        %dma_wait3A_382 = arith.constant 0 : i32
        %dma_wait3A_383 = tpu.memref_slice %arg10[%dma_wait3A_381, %dma_wait3A_382] : memref<10240x64xf32, #tpu.memory_space<vmem_shared>> -> memref<10240x64xf32, #tpu.memory_space<vmem_shared>>
        tpu.wait_indirect_dma semaphore(%arg17 : memref<!tpu.dma_semaphore, #tpu.memory_space<semaphore_mem>>) src(%dma_wait3A_377 : memref<128x64xf32, #tpu.memory_space<vmem>>) dst(%dma_wait3A_383 : memref<10240x64xf32, #tpu.memory_space<vmem_shared>>)
        %add3A_384 = arith.constant 2 : i32
        %add3A_385 = arith.addi %add3A_252, %add3A_384 : i32
        %dma_start3A_386 = arith.constant 2 : i32
        %dma_start3A_387 = arith.constant 0 : i32
        %dma_start3A_388 = arith.constant 0 : i32
        %dma_start3A_389 = tpu.memref_slice %arg9[%dma_start3A_386, %dma_start3A_387, %dma_start3A_388] : memref<4x128x64xf32, #tpu.memory_space<vmem>> -> memref<1x128x64xf32, #tpu.memory_space<vmem>>
        %dma_start3A_390 = tpu.memref_squeeze %dma_start3A_389 : memref<1x128x64xf32, #tpu.memory_space<vmem>> -> memref<128x64xf32, #tpu.memory_space<vmem>>
        %dma_start3A_391 = arith.constant 0 : i32
        %dma_start3A_392 = tpu.memref_slice %arg7[%add3A_385, %dma_start3A_391] : memref<80x128xi32, #tpu.memory_space<vmem>> -> memref<1x128xi32, #tpu.memory_space<vmem>>
        %dma_start3A_393 = tpu.memref_squeeze %dma_start3A_392 : memref<1x128xi32, #tpu.memory_space<vmem>> -> memref<128xi32, #tpu.memory_space<vmem>>
        %dma_start3A_394 = arith.constant 0 : i32
        %dma_start3A_395 = arith.constant 0 : i32
        %dma_start3A_396 = tpu.memref_slice %arg2[%dma_start3A_394, %dma_start3A_395] : memref<10240x64xf32, #tpu.memory_space<hbm>> -> memref<10240x64xf32, #tpu.memory_space<hbm>>
        tpu.enqueue_indirect_dma source(%dma_start3A_396 : memref<10240x64xf32, #tpu.memory_space<hbm>>) target(%dma_start3A_390 : memref<128x64xf32, #tpu.memory_space<vmem>>) offsets(%dma_start3A_393 : memref<128xi32, #tpu.memory_space<vmem>>) semaphore(%arg13 : memref<!tpu.dma_semaphore, #tpu.memory_space<semaphore_mem>>)
      } else {
      }
      %add3A_279 = arith.constant 1 : i32
      %add3A_280 = arith.addi %add3A_250, %add3A_279 : i32
      %dma_wait3A_281 = arith.constant 1 : i32
      %dma_wait3A_282 = arith.constant 0 : i32
      %dma_wait3A_283 = arith.constant 0 : i32
      %dma_wait3A_284 = tpu.memref_slice %arg9[%dma_wait3A_281, %dma_wait3A_282, %dma_wait3A_283] : memref<4x128x64xf32, #tpu.memory_space<vmem>> -> memref<1x128x64xf32, #tpu.memory_space<vmem>>
      %dma_wait3A_285 = tpu.memref_squeeze %dma_wait3A_284 : memref<1x128x64xf32, #tpu.memory_space<vmem>> -> memref<128x64xf32, #tpu.memory_space<vmem>>
      %dma_wait3A_286 = arith.constant 0 : i32
      %dma_wait3A_287 = tpu.memref_slice %arg7[%add3A_280, %dma_wait3A_286] : memref<80x128xi32, #tpu.memory_space<vmem>> -> memref<1x128xi32, #tpu.memory_space<vmem>>
      %dma_wait3A_288 = tpu.memref_squeeze %dma_wait3A_287 : memref<1x128xi32, #tpu.memory_space<vmem>> -> memref<128xi32, #tpu.memory_space<vmem>>
      %dma_wait3A_289 = arith.constant 0 : i32
      %dma_wait3A_290 = arith.constant 0 : i32
      %dma_wait3A_291 = tpu.memref_slice %arg2[%dma_wait3A_289, %dma_wait3A_290] : memref<10240x64xf32, #tpu.memory_space<hbm>> -> memref<10240x64xf32, #tpu.memory_space<hbm>>
      tpu.wait_indirect_dma semaphore(%arg12 : memref<!tpu.dma_semaphore, #tpu.memory_space<semaphore_mem>>) src(%dma_wait3A_291 : memref<10240x64xf32, #tpu.memory_space<hbm>>) dst(%dma_wait3A_285 : memref<128x64xf32, #tpu.memory_space<vmem>>)
      %dma_start3A_292 = arith.constant 1 : i32
      %dma_start3A_293 = arith.constant 0 : i32
      %dma_start3A_294 = arith.constant 0 : i32
      %dma_start3A_295 = tpu.memref_slice %arg9[%dma_start3A_292, %dma_start3A_293, %dma_start3A_294] : memref<4x128x64xf32, #tpu.memory_space<vmem>> -> memref<1x128x64xf32, #tpu.memory_space<vmem>>
      %dma_start3A_296 = tpu.memref_squeeze %dma_start3A_295 : memref<1x128x64xf32, #tpu.memory_space<vmem>> -> memref<128x64xf32, #tpu.memory_space<vmem>>
      %dma_start3A_297 = arith.constant 0 : i32
      %dma_start3A_298 = tpu.memref_slice %arg8[%add3A_280, %dma_start3A_297] : memref<80x128xi32, #tpu.memory_space<vmem>> -> memref<1x128xi32, #tpu.memory_space<vmem>>
      %dma_start3A_299 = tpu.memref_squeeze %dma_start3A_298 : memref<1x128xi32, #tpu.memory_space<vmem>> -> memref<128xi32, #tpu.memory_space<vmem>>
      %dma_start3A_300 = arith.constant 0 : i32
      %dma_start3A_301 = arith.constant 0 : i32
      %dma_start3A_302 = tpu.memref_slice %arg10[%dma_start3A_300, %dma_start3A_301] : memref<10240x64xf32, #tpu.memory_space<vmem_shared>> -> memref<10240x64xf32, #tpu.memory_space<vmem_shared>>
      tpu.enqueue_indirect_dma source(%dma_start3A_296 : memref<128x64xf32, #tpu.memory_space<vmem>>) target(%dma_start3A_302 : memref<10240x64xf32, #tpu.memory_space<vmem_shared>>) offsets(%dma_start3A_299 : memref<128xi32, #tpu.memory_space<vmem>>) semaphore(%arg16 : memref<!tpu.dma_semaphore, #tpu.memory_space<semaphore_mem>>) {add = true}
      %add3A_303 = arith.constant 2 : i32
      %add3A_304 = arith.addi %add3A_280, %add3A_303 : i32
      %lt3A_305 = arith.constant 80 : i32
      %lt3A_306 = arith.cmpi slt, %add3A_304, %lt3A_305 : i32
      %convert_element_type3A_307 = arith.extui %lt3A_306 : i1 to i32
      %cond3A_308 = arith.constant 0 : i32
      %cond3A_309 = arith.cmpi ne, %convert_element_type3A_307, %cond3A_308 : i32
      scf.if %cond3A_309 {
        %sub3A = arith.constant 2 : i32
        %sub3A_372 = arith.subi %add3A_280, %sub3A : i32
        %dma_wait3A_373 = arith.constant 3 : i32
        %dma_wait3A_374 = arith.constant 0 : i32
        %dma_wait3A_375 = arith.constant 0 : i32
        %dma_wait3A_376 = tpu.memref_slice %arg9[%dma_wait3A_373, %dma_wait3A_374, %dma_wait3A_375] : memref<4x128x64xf32, #tpu.memory_space<vmem>> -> memref<1x128x64xf32, #tpu.memory_space<vmem>>
        %dma_wait3A_377 = tpu.memref_squeeze %dma_wait3A_376 : memref<1x128x64xf32, #tpu.memory_space<vmem>> -> memref<128x64xf32, #tpu.memory_space<vmem>>
        %dma_wait3A_378 = arith.constant 0 : i32
        %dma_wait3A_379 = tpu.memref_slice %arg8[%sub3A_372, %dma_wait3A_378] : memref<80x128xi32, #tpu.memory_space<vmem>> -> memref<1x128xi32, #tpu.memory_space<vmem>>
        %dma_wait3A_380 = tpu.memref_squeeze %dma_wait3A_379 : memref<1x128xi32, #tpu.memory_space<vmem>> -> memref<128xi32, #tpu.memory_space<vmem>>
        %dma_wait3A_381 = arith.constant 0 : i32
        %dma_wait3A_382 = arith.constant 0 : i32
        %dma_wait3A_383 = tpu.memref_slice %arg10[%dma_wait3A_381, %dma_wait3A_382] : memref<10240x64xf32, #tpu.memory_space<vmem_shared>> -> memref<10240x64xf32, #tpu.memory_space<vmem_shared>>
        tpu.wait_indirect_dma semaphore(%arg18 : memref<!tpu.dma_semaphore, #tpu.memory_space<semaphore_mem>>) src(%dma_wait3A_377 : memref<128x64xf32, #tpu.memory_space<vmem>>) dst(%dma_wait3A_383 : memref<10240x64xf32, #tpu.memory_space<vmem_shared>>)
        %add3A_384 = arith.constant 2 : i32
        %add3A_385 = arith.addi %add3A_280, %add3A_384 : i32
        %dma_start3A_386 = arith.constant 3 : i32
        %dma_start3A_387 = arith.constant 0 : i32
        %dma_start3A_388 = arith.constant 0 : i32
        %dma_start3A_389 = tpu.memref_slice %arg9[%dma_start3A_386, %dma_start3A_387, %dma_start3A_388] : memref<4x128x64xf32, #tpu.memory_space<vmem>> -> memref<1x128x64xf32, #tpu.memory_space<vmem>>
        %dma_start3A_390 = tpu.memref_squeeze %dma_start3A_389 : memref<1x128x64xf32, #tpu.memory_space<vmem>> -> memref<128x64xf32, #tpu.memory_space<vmem>>
        %dma_start3A_391 = arith.constant 0 : i32
        %dma_start3A_392 = tpu.memref_slice %arg7[%add3A_385, %dma_start3A_391] : memref<80x128xi32, #tpu.memory_space<vmem>> -> memref<1x128xi32, #tpu.memory_space<vmem>>
        %dma_start3A_393 = tpu.memref_squeeze %dma_start3A_392 : memref<1x128xi32, #tpu.memory_space<vmem>> -> memref<128xi32, #tpu.memory_space<vmem>>
        %dma_start3A_394 = arith.constant 0 : i32
        %dma_start3A_395 = arith.constant 0 : i32
        %dma_start3A_396 = tpu.memref_slice %arg2[%dma_start3A_394, %dma_start3A_395] : memref<10240x64xf32, #tpu.memory_space<hbm>> -> memref<10240x64xf32, #tpu.memory_space<hbm>>
        tpu.enqueue_indirect_dma source(%dma_start3A_396 : memref<10240x64xf32, #tpu.memory_space<hbm>>) target(%dma_start3A_390 : memref<128x64xf32, #tpu.memory_space<vmem>>) offsets(%dma_start3A_393 : memref<128xi32, #tpu.memory_space<vmem>>) semaphore(%arg14 : memref<!tpu.dma_semaphore, #tpu.memory_space<semaphore_mem>>)
      } else {
      }
      %add3A_310 = arith.constant 2 : i32
      %add3A_311 = arith.addi %add3A_250, %add3A_310 : i32
      %dma_wait3A_312 = arith.constant 2 : i32
      %dma_wait3A_313 = arith.constant 0 : i32
      %dma_wait3A_314 = arith.constant 0 : i32
      %dma_wait3A_315 = tpu.memref_slice %arg9[%dma_wait3A_312, %dma_wait3A_313, %dma_wait3A_314] : memref<4x128x64xf32, #tpu.memory_space<vmem>> -> memref<1x128x64xf32, #tpu.memory_space<vmem>>
      %dma_wait3A_316 = tpu.memref_squeeze %dma_wait3A_315 : memref<1x128x64xf32, #tpu.memory_space<vmem>> -> memref<128x64xf32, #tpu.memory_space<vmem>>
      %dma_wait3A_317 = arith.constant 0 : i32
      %dma_wait3A_318 = tpu.memref_slice %arg7[%add3A_311, %dma_wait3A_317] : memref<80x128xi32, #tpu.memory_space<vmem>> -> memref<1x128xi32, #tpu.memory_space<vmem>>
      %dma_wait3A_319 = tpu.memref_squeeze %dma_wait3A_318 : memref<1x128xi32, #tpu.memory_space<vmem>> -> memref<128xi32, #tpu.memory_space<vmem>>
      %dma_wait3A_320 = arith.constant 0 : i32
      %dma_wait3A_321 = arith.constant 0 : i32
      %dma_wait3A_322 = tpu.memref_slice %arg2[%dma_wait3A_320, %dma_wait3A_321] : memref<10240x64xf32, #tpu.memory_space<hbm>> -> memref<10240x64xf32, #tpu.memory_space<hbm>>
      tpu.wait_indirect_dma semaphore(%arg13 : memref<!tpu.dma_semaphore, #tpu.memory_space<semaphore_mem>>) src(%dma_wait3A_322 : memref<10240x64xf32, #tpu.memory_space<hbm>>) dst(%dma_wait3A_316 : memref<128x64xf32, #tpu.memory_space<vmem>>)
      %dma_start3A_323 = arith.constant 2 : i32
      %dma_start3A_324 = arith.constant 0 : i32
      %dma_start3A_325 = arith.constant 0 : i32
      %dma_start3A_326 = tpu.memref_slice %arg9[%dma_start3A_323, %dma_start3A_324, %dma_start3A_325] : memref<4x128x64xf32, #tpu.memory_space<vmem>> -> memref<1x128x64xf32, #tpu.memory_space<vmem>>
      %dma_start3A_327 = tpu.memref_squeeze %dma_start3A_326 : memref<1x128x64xf32, #tpu.memory_space<vmem>> -> memref<128x64xf32, #tpu.memory_space<vmem>>
      %dma_start3A_328 = arith.constant 0 : i32
      %dma_start3A_329 = tpu.memref_slice %arg8[%add3A_311, %dma_start3A_328] : memref<80x128xi32, #tpu.memory_space<vmem>> -> memref<1x128xi32, #tpu.memory_space<vmem>>
      %dma_start3A_330 = tpu.memref_squeeze %dma_start3A_329 : memref<1x128xi32, #tpu.memory_space<vmem>> -> memref<128xi32, #tpu.memory_space<vmem>>
      %dma_start3A_331 = arith.constant 0 : i32
      %dma_start3A_332 = arith.constant 0 : i32
      %dma_start3A_333 = tpu.memref_slice %arg10[%dma_start3A_331, %dma_start3A_332] : memref<10240x64xf32, #tpu.memory_space<vmem_shared>> -> memref<10240x64xf32, #tpu.memory_space<vmem_shared>>
      tpu.enqueue_indirect_dma source(%dma_start3A_327 : memref<128x64xf32, #tpu.memory_space<vmem>>) target(%dma_start3A_333 : memref<10240x64xf32, #tpu.memory_space<vmem_shared>>) offsets(%dma_start3A_330 : memref<128xi32, #tpu.memory_space<vmem>>) semaphore(%arg17 : memref<!tpu.dma_semaphore, #tpu.memory_space<semaphore_mem>>) {add = true}
      %add3A_334 = arith.constant 2 : i32
      %add3A_335 = arith.addi %add3A_311, %add3A_334 : i32
      %lt3A_336 = arith.constant 80 : i32
      %lt3A_337 = arith.cmpi slt, %add3A_335, %lt3A_336 : i32
      %convert_element_type3A_338 = arith.extui %lt3A_337 : i1 to i32
      %cond3A_339 = arith.constant 0 : i32
      %cond3A_340 = arith.cmpi ne, %convert_element_type3A_338, %cond3A_339 : i32
      scf.if %cond3A_340 {
        %sub3A = arith.constant 2 : i32
        %sub3A_372 = arith.subi %add3A_311, %sub3A : i32
        %dma_wait3A_373 = arith.constant 0 : i32
        %dma_wait3A_374 = arith.constant 0 : i32
        %dma_wait3A_375 = arith.constant 0 : i32
        %dma_wait3A_376 = tpu.memref_slice %arg9[%dma_wait3A_373, %dma_wait3A_374, %dma_wait3A_375] : memref<4x128x64xf32, #tpu.memory_space<vmem>> -> memref<1x128x64xf32, #tpu.memory_space<vmem>>
        %dma_wait3A_377 = tpu.memref_squeeze %dma_wait3A_376 : memref<1x128x64xf32, #tpu.memory_space<vmem>> -> memref<128x64xf32, #tpu.memory_space<vmem>>
        %dma_wait3A_378 = arith.constant 0 : i32
        %dma_wait3A_379 = tpu.memref_slice %arg8[%sub3A_372, %dma_wait3A_378] : memref<80x128xi32, #tpu.memory_space<vmem>> -> memref<1x128xi32, #tpu.memory_space<vmem>>
        %dma_wait3A_380 = tpu.memref_squeeze %dma_wait3A_379 : memref<1x128xi32, #tpu.memory_space<vmem>> -> memref<128xi32, #tpu.memory_space<vmem>>
        %dma_wait3A_381 = arith.constant 0 : i32
        %dma_wait3A_382 = arith.constant 0 : i32
        %dma_wait3A_383 = tpu.memref_slice %arg10[%dma_wait3A_381, %dma_wait3A_382] : memref<10240x64xf32, #tpu.memory_space<vmem_shared>> -> memref<10240x64xf32, #tpu.memory_space<vmem_shared>>
        tpu.wait_indirect_dma semaphore(%arg15 : memref<!tpu.dma_semaphore, #tpu.memory_space<semaphore_mem>>) src(%dma_wait3A_377 : memref<128x64xf32, #tpu.memory_space<vmem>>) dst(%dma_wait3A_383 : memref<10240x64xf32, #tpu.memory_space<vmem_shared>>)
        %add3A_384 = arith.constant 2 : i32
        %add3A_385 = arith.addi %add3A_311, %add3A_384 : i32
        %dma_start3A_386 = arith.constant 0 : i32
        %dma_start3A_387 = arith.constant 0 : i32
        %dma_start3A_388 = arith.constant 0 : i32
        %dma_start3A_389 = tpu.memref_slice %arg9[%dma_start3A_386, %dma_start3A_387, %dma_start3A_388] : memref<4x128x64xf32, #tpu.memory_space<vmem>> -> memref<1x128x64xf32, #tpu.memory_space<vmem>>
        %dma_start3A_390 = tpu.memref_squeeze %dma_start3A_389 : memref<1x128x64xf32, #tpu.memory_space<vmem>> -> memref<128x64xf32, #tpu.memory_space<vmem>>
        %dma_start3A_391 = arith.constant 0 : i32
        %dma_start3A_392 = tpu.memref_slice %arg7[%add3A_385, %dma_start3A_391] : memref<80x128xi32, #tpu.memory_space<vmem>> -> memref<1x128xi32, #tpu.memory_space<vmem>>
        %dma_start3A_393 = tpu.memref_squeeze %dma_start3A_392 : memref<1x128xi32, #tpu.memory_space<vmem>> -> memref<128xi32, #tpu.memory_space<vmem>>
        %dma_start3A_394 = arith.constant 0 : i32
        %dma_start3A_395 = arith.constant 0 : i32
        %dma_start3A_396 = tpu.memref_slice %arg2[%dma_start3A_394, %dma_start3A_395] : memref<10240x64xf32, #tpu.memory_space<hbm>> -> memref<10240x64xf32, #tpu.memory_space<hbm>>
        tpu.enqueue_indirect_dma source(%dma_start3A_396 : memref<10240x64xf32, #tpu.memory_space<hbm>>) target(%dma_start3A_390 : memref<128x64xf32, #tpu.memory_space<vmem>>) offsets(%dma_start3A_393 : memref<128xi32, #tpu.memory_space<vmem>>) semaphore(%arg11 : memref<!tpu.dma_semaphore, #tpu.memory_space<semaphore_mem>>)
      } else {
      }
      %add3A_341 = arith.constant 3 : i32
      %add3A_342 = arith.addi %add3A_250, %add3A_341 : i32
      %dma_wait3A_343 = arith.constant 3 : i32
      %dma_wait3A_344 = arith.constant 0 : i32
      %dma_wait3A_345 = arith.constant 0 : i32
      %dma_wait3A_346 = tpu.memref_slice %arg9[%dma_wait3A_343, %dma_wait3A_344, %dma_wait3A_345] : memref<4x128x64xf32, #tpu.memory_space<vmem>> -> memref<1x128x64xf32, #tpu.memory_space<vmem>>
      %dma_wait3A_347 = tpu.memref_squeeze %dma_wait3A_346 : memref<1x128x64xf32, #tpu.memory_space<vmem>> -> memref<128x64xf32, #tpu.memory_space<vmem>>
      %dma_wait3A_348 = arith.constant 0 : i32
      %dma_wait3A_349 = tpu.memref_slice %arg7[%add3A_342, %dma_wait3A_348] : memref<80x128xi32, #tpu.memory_space<vmem>> -> memref<1x128xi32, #tpu.memory_space<vmem>>
      %dma_wait3A_350 = tpu.memref_squeeze %dma_wait3A_349 : memref<1x128xi32, #tpu.memory_space<vmem>> -> memref<128xi32, #tpu.memory_space<vmem>>
      %dma_wait3A_351 = arith.constant 0 : i32
      %dma_wait3A_352 = arith.constant 0 : i32
      %dma_wait3A_353 = tpu.memref_slice %arg2[%dma_wait3A_351, %dma_wait3A_352] : memref<10240x64xf32, #tpu.memory_space<hbm>> -> memref<10240x64xf32, #tpu.memory_space<hbm>>
      tpu.wait_indirect_dma semaphore(%arg14 : memref<!tpu.dma_semaphore, #tpu.memory_space<semaphore_mem>>) src(%dma_wait3A_353 : memref<10240x64xf32, #tpu.memory_space<hbm>>) dst(%dma_wait3A_347 : memref<128x64xf32, #tpu.memory_space<vmem>>)
      %dma_start3A_354 = arith.constant 3 : i32
      %dma_start3A_355 = arith.constant 0 : i32
      %dma_start3A_356 = arith.constant 0 : i32
      %dma_start3A_357 = tpu.memref_slice %arg9[%dma_start3A_354, %dma_start3A_355, %dma_start3A_356] : memref<4x128x64xf32, #tpu.memory_space<vmem>> -> memref<1x128x64xf32, #tpu.memory_space<vmem>>
      %dma_start3A_358 = tpu.memref_squeeze %dma_start3A_357 : memref<1x128x64xf32, #tpu.memory_space<vmem>> -> memref<128x64xf32, #tpu.memory_space<vmem>>
      %dma_start3A_359 = arith.constant 0 : i32
      %dma_start3A_360 = tpu.memref_slice %arg8[%add3A_342, %dma_start3A_359] : memref<80x128xi32, #tpu.memory_space<vmem>> -> memref<1x128xi32, #tpu.memory_space<vmem>>
      %dma_start3A_361 = tpu.memref_squeeze %dma_start3A_360 : memref<1x128xi32, #tpu.memory_space<vmem>> -> memref<128xi32, #tpu.memory_space<vmem>>
      %dma_start3A_362 = arith.constant 0 : i32
      %dma_start3A_363 = arith.constant 0 : i32
      %dma_start3A_364 = tpu.memref_slice %arg10[%dma_start3A_362, %dma_start3A_363] : memref<10240x64xf32, #tpu.memory_space<vmem_shared>> -> memref<10240x64xf32, #tpu.memory_space<vmem_shared>>
      tpu.enqueue_indirect_dma source(%dma_start3A_358 : memref<128x64xf32, #tpu.memory_space<vmem>>) target(%dma_start3A_364 : memref<10240x64xf32, #tpu.memory_space<vmem_shared>>) offsets(%dma_start3A_361 : memref<128xi32, #tpu.memory_space<vmem>>) semaphore(%arg18 : memref<!tpu.dma_semaphore, #tpu.memory_space<semaphore_mem>>) {add = true}
      %add3A_365 = arith.constant 2 : i32
      %add3A_366 = arith.addi %add3A_342, %add3A_365 : i32
      %lt3A_367 = arith.constant 80 : i32
      %lt3A_368 = arith.cmpi slt, %add3A_366, %lt3A_367 : i32
      %convert_element_type3A_369 = arith.extui %lt3A_368 : i1 to i32
      %cond3A_370 = arith.constant 0 : i32
      %cond3A_371 = arith.cmpi ne, %convert_element_type3A_369, %cond3A_370 : i32
      scf.if %cond3A_371 {
        %sub3A = arith.constant 2 : i32
        %sub3A_372 = arith.subi %add3A_342, %sub3A : i32
        %dma_wait3A_373 = arith.constant 1 : i32
        %dma_wait3A_374 = arith.constant 0 : i32
        %dma_wait3A_375 = arith.constant 0 : i32
        %dma_wait3A_376 = tpu.memref_slice %arg9[%dma_wait3A_373, %dma_wait3A_374, %dma_wait3A_375] : memref<4x128x64xf32, #tpu.memory_space<vmem>> -> memref<1x128x64xf32, #tpu.memory_space<vmem>>
        %dma_wait3A_377 = tpu.memref_squeeze %dma_wait3A_376 : memref<1x128x64xf32, #tpu.memory_space<vmem>> -> memref<128x64xf32, #tpu.memory_space<vmem>>
        %dma_wait3A_378 = arith.constant 0 : i32
        %dma_wait3A_379 = tpu.memref_slice %arg8[%sub3A_372, %dma_wait3A_378] : memref<80x128xi32, #tpu.memory_space<vmem>> -> memref<1x128xi32, #tpu.memory_space<vmem>>
        %dma_wait3A_380 = tpu.memref_squeeze %dma_wait3A_379 : memref<1x128xi32, #tpu.memory_space<vmem>> -> memref<128xi32, #tpu.memory_space<vmem>>
        %dma_wait3A_381 = arith.constant 0 : i32
        %dma_wait3A_382 = arith.constant 0 : i32
        %dma_wait3A_383 = tpu.memref_slice %arg10[%dma_wait3A_381, %dma_wait3A_382] : memref<10240x64xf32, #tpu.memory_space<vmem_shared>> -> memref<10240x64xf32, #tpu.memory_space<vmem_shared>>
        tpu.wait_indirect_dma semaphore(%arg16 : memref<!tpu.dma_semaphore, #tpu.memory_space<semaphore_mem>>) src(%dma_wait3A_377 : memref<128x64xf32, #tpu.memory_space<vmem>>) dst(%dma_wait3A_383 : memref<10240x64xf32, #tpu.memory_space<vmem_shared>>)
        %add3A_384 = arith.constant 2 : i32
        %add3A_385 = arith.addi %add3A_342, %add3A_384 : i32
        %dma_start3A_386 = arith.constant 1 : i32
        %dma_start3A_387 = arith.constant 0 : i32
        %dma_start3A_388 = arith.constant 0 : i32
        %dma_start3A_389 = tpu.memref_slice %arg9[%dma_start3A_386, %dma_start3A_387, %dma_start3A_388] : memref<4x128x64xf32, #tpu.memory_space<vmem>> -> memref<1x128x64xf32, #tpu.memory_space<vmem>>
        %dma_start3A_390 = tpu.memref_squeeze %dma_start3A_389 : memref<1x128x64xf32, #tpu.memory_space<vmem>> -> memref<128x64xf32, #tpu.memory_space<vmem>>
        %dma_start3A_391 = arith.constant 0 : i32
        %dma_start3A_392 = tpu.memref_slice %arg7[%add3A_385, %dma_start3A_391] : memref<80x128xi32, #tpu.memory_space<vmem>> -> memref<1x128xi32, #tpu.memory_space<vmem>>
        %dma_start3A_393 = tpu.memref_squeeze %dma_start3A_392 : memref<1x128xi32, #tpu.memory_space<vmem>> -> memref<128xi32, #tpu.memory_space<vmem>>
        %dma_start3A_394 = arith.constant 0 : i32
        %dma_start3A_395 = arith.constant 0 : i32
        %dma_start3A_396 = tpu.memref_slice %arg2[%dma_start3A_394, %dma_start3A_395] : memref<10240x64xf32, #tpu.memory_space<hbm>> -> memref<10240x64xf32, #tpu.memory_space<hbm>>
        tpu.enqueue_indirect_dma source(%dma_start3A_396 : memref<10240x64xf32, #tpu.memory_space<hbm>>) target(%dma_start3A_390 : memref<128x64xf32, #tpu.memory_space<vmem>>) offsets(%dma_start3A_393 : memref<128xi32, #tpu.memory_space<vmem>>) semaphore(%arg12 : memref<!tpu.dma_semaphore, #tpu.memory_space<semaphore_mem>>)
      } else {
      }
    }
    %scan3A_196 = arith.constant 19 : i32
    %dma_wait3A_197 = arith.constant 0 : i32
    %dma_wait3A_198 = arith.constant 76 : i32
    %dma_wait3A_199 = arith.constant 0 : i32
    %dma_wait3A_200 = arith.constant 0 : i32
    %dma_wait3A_201 = tpu.memref_slice %arg9[%dma_wait3A_197, %dma_wait3A_199, %dma_wait3A_200] : memref<4x128x64xf32, #tpu.memory_space<vmem>> -> memref<1x128x64xf32, #tpu.memory_space<vmem>>
    %dma_wait3A_202 = tpu.memref_squeeze %dma_wait3A_201 : memref<1x128x64xf32, #tpu.memory_space<vmem>> -> memref<128x64xf32, #tpu.memory_space<vmem>>
    %dma_wait3A_203 = arith.constant 0 : i32
    %dma_wait3A_204 = tpu.memref_slice %arg8[%dma_wait3A_198, %dma_wait3A_203] : memref<80x128xi32, #tpu.memory_space<vmem>> -> memref<1x128xi32, #tpu.memory_space<vmem>>
    %dma_wait3A_205 = tpu.memref_squeeze %dma_wait3A_204 : memref<1x128xi32, #tpu.memory_space<vmem>> -> memref<128xi32, #tpu.memory_space<vmem>>
    %dma_wait3A_206 = arith.constant 0 : i32
    %dma_wait3A_207 = arith.constant 0 : i32
    %dma_wait3A_208 = tpu.memref_slice %arg10[%dma_wait3A_206, %dma_wait3A_207] : memref<10240x64xf32, #tpu.memory_space<vmem_shared>> -> memref<10240x64xf32, #tpu.memory_space<vmem_shared>>
    tpu.wait_indirect_dma semaphore(%arg15 : memref<!tpu.dma_semaphore, #tpu.memory_space<semaphore_mem>>) src(%dma_wait3A_202 : memref<128x64xf32, #tpu.memory_space<vmem>>) dst(%dma_wait3A_208 : memref<10240x64xf32, #tpu.memory_space<vmem_shared>>)
    %dma_wait3A_209 = arith.constant 1 : i32
    %dma_wait3A_210 = arith.constant 77 : i32
    %dma_wait3A_211 = arith.constant 0 : i32
    %dma_wait3A_212 = arith.constant 0 : i32
    %dma_wait3A_213 = tpu.memref_slice %arg9[%dma_wait3A_209, %dma_wait3A_211, %dma_wait3A_212] : memref<4x128x64xf32, #tpu.memory_space<vmem>> -> memref<1x128x64xf32, #tpu.memory_space<vmem>>
    %dma_wait3A_214 = tpu.memref_squeeze %dma_wait3A_213 : memref<1x128x64xf32, #tpu.memory_space<vmem>> -> memref<128x64xf32, #tpu.memory_space<vmem>>
    %dma_wait3A_215 = arith.constant 0 : i32
    %dma_wait3A_216 = tpu.memref_slice %arg8[%dma_wait3A_210, %dma_wait3A_215] : memref<80x128xi32, #tpu.memory_space<vmem>> -> memref<1x128xi32, #tpu.memory_space<vmem>>
    %dma_wait3A_217 = tpu.memref_squeeze %dma_wait3A_216 : memref<1x128xi32, #tpu.memory_space<vmem>> -> memref<128xi32, #tpu.memory_space<vmem>>
    %dma_wait3A_218 = arith.constant 0 : i32
    %dma_wait3A_219 = arith.constant 0 : i32
    %dma_wait3A_220 = tpu.memref_slice %arg10[%dma_wait3A_218, %dma_wait3A_219] : memref<10240x64xf32, #tpu.memory_space<vmem_shared>> -> memref<10240x64xf32, #tpu.memory_space<vmem_shared>>
    tpu.wait_indirect_dma semaphore(%arg16 : memref<!tpu.dma_semaphore, #tpu.memory_space<semaphore_mem>>) src(%dma_wait3A_214 : memref<128x64xf32, #tpu.memory_space<vmem>>) dst(%dma_wait3A_220 : memref<10240x64xf32, #tpu.memory_space<vmem_shared>>)
    %dma_wait3A_221 = arith.constant 2 : i32
    %dma_wait3A_222 = arith.constant 78 : i32
    %dma_wait3A_223 = arith.constant 0 : i32
    %dma_wait3A_224 = arith.constant 0 : i32
    %dma_wait3A_225 = tpu.memref_slice %arg9[%dma_wait3A_221, %dma_wait3A_223, %dma_wait3A_224] : memref<4x128x64xf32, #tpu.memory_space<vmem>> -> memref<1x128x64xf32, #tpu.memory_space<vmem>>
    %dma_wait3A_226 = tpu.memref_squeeze %dma_wait3A_225 : memref<1x128x64xf32, #tpu.memory_space<vmem>> -> memref<128x64xf32, #tpu.memory_space<vmem>>
    %dma_wait3A_227 = arith.constant 0 : i32
    %dma_wait3A_228 = tpu.memref_slice %arg8[%dma_wait3A_222, %dma_wait3A_227] : memref<80x128xi32, #tpu.memory_space<vmem>> -> memref<1x128xi32, #tpu.memory_space<vmem>>
    %dma_wait3A_229 = tpu.memref_squeeze %dma_wait3A_228 : memref<1x128xi32, #tpu.memory_space<vmem>> -> memref<128xi32, #tpu.memory_space<vmem>>
    %dma_wait3A_230 = arith.constant 0 : i32
    %dma_wait3A_231 = arith.constant 0 : i32
    %dma_wait3A_232 = tpu.memref_slice %arg10[%dma_wait3A_230, %dma_wait3A_231] : memref<10240x64xf32, #tpu.memory_space<vmem_shared>> -> memref<10240x64xf32, #tpu.memory_space<vmem_shared>>
    tpu.wait_indirect_dma semaphore(%arg17 : memref<!tpu.dma_semaphore, #tpu.memory_space<semaphore_mem>>) src(%dma_wait3A_226 : memref<128x64xf32, #tpu.memory_space<vmem>>) dst(%dma_wait3A_232 : memref<10240x64xf32, #tpu.memory_space<vmem_shared>>)
    %dma_wait3A_233 = arith.constant 3 : i32
    %dma_wait3A_234 = arith.constant 79 : i32
    %dma_wait3A_235 = arith.constant 0 : i32
    %dma_wait3A_236 = arith.constant 0 : i32
    %dma_wait3A_237 = tpu.memref_slice %arg9[%dma_wait3A_233, %dma_wait3A_235, %dma_wait3A_236] : memref<4x128x64xf32, #tpu.memory_space<vmem>> -> memref<1x128x64xf32, #tpu.memory_space<vmem>>
    %dma_wait3A_238 = tpu.memref_squeeze %dma_wait3A_237 : memref<1x128x64xf32, #tpu.memory_space<vmem>> -> memref<128x64xf32, #tpu.memory_space<vmem>>
    %dma_wait3A_239 = arith.constant 0 : i32
    %dma_wait3A_240 = tpu.memref_slice %arg8[%dma_wait3A_234, %dma_wait3A_239] : memref<80x128xi32, #tpu.memory_space<vmem>> -> memref<1x128xi32, #tpu.memory_space<vmem>>
    %dma_wait3A_241 = tpu.memref_squeeze %dma_wait3A_240 : memref<1x128xi32, #tpu.memory_space<vmem>> -> memref<128xi32, #tpu.memory_space<vmem>>
    %dma_wait3A_242 = arith.constant 0 : i32
    %dma_wait3A_243 = arith.constant 0 : i32
    %dma_wait3A_244 = tpu.memref_slice %arg10[%dma_wait3A_242, %dma_wait3A_243] : memref<10240x64xf32, #tpu.memory_space<vmem_shared>> -> memref<10240x64xf32, #tpu.memory_space<vmem_shared>>
    tpu.wait_indirect_dma semaphore(%arg18 : memref<!tpu.dma_semaphore, #tpu.memory_space<semaphore_mem>>) src(%dma_wait3A_238 : memref<128x64xf32, #tpu.memory_space<vmem>>) dst(%dma_wait3A_244 : memref<10240x64xf32, #tpu.memory_space<vmem_shared>>)
    %barrier3A_245 = arith.constant 0 : index
    tpu.barrier barrier_id(%barrier3A_245)
    "tpu.region"() ({
      %run_scoped3A = tpu.sem_alloc : memref<!tpu.dma_semaphore, #tpu.memory_space<semaphore_mem>>
      %dma_start3A_246 = arith.constant 0 : i32
      %dma_start3A_247 = tpu.memref_slice %arg6[%arg0, %mul3A_25, %dma_start3A_246] : memref<2x10240x64xf32, #tpu.memory_space<hbm>> -> memref<1x640x64xf32, #tpu.memory_space<hbm>>
      %dma_start3A_248 = tpu.memref_squeeze %dma_start3A_247 : memref<1x640x64xf32, #tpu.memory_space<hbm>> -> memref<640x64xf32, #tpu.memory_space<hbm>>
      %dma_start3A_249 = arith.constant 0 : i32
      %dma_start3A_250 = tpu.memref_slice %arg10[%mul3A_25, %dma_start3A_249] : memref<10240x64xf32, #tpu.memory_space<vmem_shared>> -> memref<640x64xf32, #tpu.memory_space<vmem_shared>>
      tpu.enqueue_dma source(%dma_start3A_250 : memref<640x64xf32, #tpu.memory_space<vmem_shared>>) target(%dma_start3A_248 : memref<640x64xf32, #tpu.memory_space<hbm>>) target_semaphore(%run_scoped3A : memref<!tpu.dma_semaphore, #tpu.memory_space<semaphore_mem>>)
      %dma_wait3A_251 = arith.constant 0 : i32
      %dma_wait3A_252 = tpu.memref_slice %arg6[%arg0, %mul3A_25, %dma_wait3A_251] : memref<2x10240x64xf32, #tpu.memory_space<hbm>> -> memref<1x640x64xf32, #tpu.memory_space<hbm>>
      %dma_wait3A_253 = tpu.memref_squeeze %dma_wait3A_252 : memref<1x640x64xf32, #tpu.memory_space<hbm>> -> memref<640x64xf32, #tpu.memory_space<hbm>>
      %dma_wait3A_254 = arith.constant 0 : i32
      %dma_wait3A_255 = tpu.memref_slice %arg10[%mul3A_25, %dma_wait3A_254] : memref<10240x64xf32, #tpu.memory_space<vmem_shared>> -> memref<640x64xf32, #tpu.memory_space<vmem_shared>>
      tpu.wait_dma2 semaphore(%run_scoped3A : memref<!tpu.dma_semaphore, #tpu.memory_space<semaphore_mem>>) src(%dma_wait3A_255 : memref<640x64xf32, #tpu.memory_space<vmem_shared>>) dst(%dma_wait3A_253 : memref<640x64xf32, #tpu.memory_space<hbm>>)
      tpu.yield
    }) : () -> ()
    return
  }
}

#map = affine_map<(d0, d1) -> (0, 0)>
#map1 = affine_map<(d0, d1) -> (0, 0, 0)>
module attributes {stable_mosaic.version = 14 : i64} {
  func.func @k(%arg0: i32, %arg1: i32, %arg2: memref<10240x64xf32, #tpu.memory_space<hbm>>, %arg3: memref<32x80x128xi32, #tpu.memory_space<hbm>>, %arg4: memref<32x80x128xi32, #tpu.memory_space<hbm>>, %arg5: memref<10240x64xf32, #tpu.memory_space<hbm>>, %arg6: memref<2x10240x64xf32, #tpu.memory_space<hbm>>, %arg7: memref<80x128xi32, #tpu.memory_space<vmem>>, %arg8: memref<80x128xi32, #tpu.memory_space<vmem>>, %arg9: memref<4x128x64xf32, #tpu.memory_space<vmem>>, %arg10: memref<10240x64xf32, #tpu.memory_space<vmem_shared>>, %arg11: memref<!tpu.dma_semaphore, #tpu.memory_space<semaphore_mem>>, %arg12: memref<!tpu.dma_semaphore, #tpu.memory_space<semaphore_mem>>, %arg13: memref<!tpu.dma_semaphore, #tpu.memory_space<semaphore_mem>>, %arg14: memref<!tpu.dma_semaphore, #tpu.memory_space<semaphore_mem>>, %arg15: memref<!tpu.dma_semaphore, #tpu.memory_space<semaphore_mem>>, %arg16: memref<!tpu.dma_semaphore, #tpu.memory_space<semaphore_mem>>, %arg17: memref<!tpu.dma_semaphore, #tpu.memory_space<semaphore_mem>>, %arg18: memref<!tpu.dma_semaphore, #tpu.memory_space<semaphore_mem>>) attributes {dimension_semantics = [#tpu.dimension_semantics<core_parallel>, #tpu.dimension_semantics<subcore_parallel>], iteration_bounds = array<i64: 2, 16>, scalar_prefetch = 0 : i64, scratch_operands = 12 : i64, tpu.core_type = #tpu.core_type<sc_vector_subcore>, window_params = [{transform_indices = #map}, {transform_indices = #map1}, {transform_indices = #map1}, {transform_indices = #map}, {transform_indices = #map1}]} {
    %mul3A = arith.constant 16 : i32
    %mul3A_0 = arith.muli %arg0, %mul3A : i32
    %add3A = arith.addi %mul3A_0, %arg1 : i32
    "tpu.region"() ({
      %run_scoped3A = tpu.sem_alloc : memref<!tpu.dma_semaphore, #tpu.memory_space<semaphore_mem>>
      %dma_start3A_246 = arith.constant 0 : i32
      %dma_start3A_247 = arith.constant 0 : i32
      %dma_start3A_248 = tpu.memref_slice %arg3[%add3A, %dma_start3A_246, %dma_start3A_247] : memref<32x80x128xi32, #tpu.memory_space<hbm>> -> memref<1x80x128xi32, #tpu.memory_space<hbm>>
      %dma_start3A_249 = tpu.memref_squeeze %dma_start3A_248 : memref<1x80x128xi32, #tpu.memory_space<hbm>> -> memref<80x128xi32, #tpu.memory_space<hbm>>
      %dma_start3A_250 = arith.constant 0 : i32
      %dma_start3A_251 = arith.constant 0 : i32
      %dma_start3A_252 = tpu.memref_slice %arg3[%add3A, %dma_start3A_250, %dma_start3A_251] : memref<32x80x128xi32, #tpu.memory_space<hbm>> -> memref<1x80x128xi32, #tpu.memory_space<hbm>>
      %dma_start3A_253 = tpu.memref_squeeze %dma_start3A_252 : memref<1x80x128xi32, #tpu.memory_space<hbm>> -> memref<80x128xi32, #tpu.memory_space<hbm>>
      tpu.enqueue_dma source(%dma_start3A_253 : memref<80x128xi32, #tpu.memory_space<hbm>>) target(%arg7 : memref<80x128xi32, #tpu.memory_space<vmem>>) target_semaphore(%run_scoped3A : memref<!tpu.dma_semaphore, #tpu.memory_space<semaphore_mem>>)
      %dma_wait3A_254 = arith.constant 0 : i32
      %dma_wait3A_255 = arith.constant 0 : i32
      %dma_wait3A_256 = tpu.memref_slice %arg3[%add3A, %dma_wait3A_254, %dma_wait3A_255] : memref<32x80x128xi32, #tpu.memory_space<hbm>> -> memref<1x80x128xi32, #tpu.memory_space<hbm>>
      %dma_wait3A_257 = tpu.memref_squeeze %dma_wait3A_256 : memref<1x80x128xi32, #tpu.memory_space<hbm>> -> memref<80x128xi32, #tpu.memory_space<hbm>>
      %dma_wait3A_258 = arith.constant 0 : i32
      %dma_wait3A_259 = arith.constant 0 : i32
      %dma_wait3A_260 = tpu.memref_slice %arg3[%add3A, %dma_wait3A_258, %dma_wait3A_259] : memref<32x80x128xi32, #tpu.memory_space<hbm>> -> memref<1x80x128xi32, #tpu.memory_space<hbm>>
      %dma_wait3A_261 = tpu.memref_squeeze %dma_wait3A_260 : memref<1x80x128xi32, #tpu.memory_space<hbm>> -> memref<80x128xi32, #tpu.memory_space<hbm>>
      tpu.wait_dma2 semaphore(%run_scoped3A : memref<!tpu.dma_semaphore, #tpu.memory_space<semaphore_mem>>) src(%dma_wait3A_261 : memref<80x128xi32, #tpu.memory_space<hbm>>) dst(%arg7 : memref<80x128xi32, #tpu.memory_space<vmem>>)
      tpu.yield
    }) : () -> ()
    "tpu.region"() ({
      %run_scoped3A = tpu.sem_alloc : memref<!tpu.dma_semaphore, #tpu.memory_space<semaphore_mem>>
      %dma_start3A_246 = arith.constant 0 : i32
      %dma_start3A_247 = arith.constant 0 : i32
      %dma_start3A_248 = tpu.memref_slice %arg4[%add3A, %dma_start3A_246, %dma_start3A_247] : memref<32x80x128xi32, #tpu.memory_space<hbm>> -> memref<1x80x128xi32, #tpu.memory_space<hbm>>
      %dma_start3A_249 = tpu.memref_squeeze %dma_start3A_248 : memref<1x80x128xi32, #tpu.memory_space<hbm>> -> memref<80x128xi32, #tpu.memory_space<hbm>>
      %dma_start3A_250 = arith.constant 0 : i32
      %dma_start3A_251 = arith.constant 0 : i32
      %dma_start3A_252 = tpu.memref_slice %arg4[%add3A, %dma_start3A_250, %dma_start3A_251] : memref<32x80x128xi32, #tpu.memory_space<hbm>> -> memref<1x80x128xi32, #tpu.memory_space<hbm>>
      %dma_start3A_253 = tpu.memref_squeeze %dma_start3A_252 : memref<1x80x128xi32, #tpu.memory_space<hbm>> -> memref<80x128xi32, #tpu.memory_space<hbm>>
      tpu.enqueue_dma source(%dma_start3A_253 : memref<80x128xi32, #tpu.memory_space<hbm>>) target(%arg8 : memref<80x128xi32, #tpu.memory_space<vmem>>) target_semaphore(%run_scoped3A : memref<!tpu.dma_semaphore, #tpu.memory_space<semaphore_mem>>)
      %dma_wait3A_254 = arith.constant 0 : i32
      %dma_wait3A_255 = arith.constant 0 : i32
      %dma_wait3A_256 = tpu.memref_slice %arg4[%add3A, %dma_wait3A_254, %dma_wait3A_255] : memref<32x80x128xi32, #tpu.memory_space<hbm>> -> memref<1x80x128xi32, #tpu.memory_space<hbm>>
      %dma_wait3A_257 = tpu.memref_squeeze %dma_wait3A_256 : memref<1x80x128xi32, #tpu.memory_space<hbm>> -> memref<80x128xi32, #tpu.memory_space<hbm>>
      %dma_wait3A_258 = arith.constant 0 : i32
      %dma_wait3A_259 = arith.constant 0 : i32
      %dma_wait3A_260 = tpu.memref_slice %arg4[%add3A, %dma_wait3A_258, %dma_wait3A_259] : memref<32x80x128xi32, #tpu.memory_space<hbm>> -> memref<1x80x128xi32, #tpu.memory_space<hbm>>
      %dma_wait3A_261 = tpu.memref_squeeze %dma_wait3A_260 : memref<1x80x128xi32, #tpu.memory_space<hbm>> -> memref<80x128xi32, #tpu.memory_space<hbm>>
      tpu.wait_dma2 semaphore(%run_scoped3A : memref<!tpu.dma_semaphore, #tpu.memory_space<semaphore_mem>>) src(%dma_wait3A_261 : memref<80x128xi32, #tpu.memory_space<hbm>>) dst(%arg8 : memref<80x128xi32, #tpu.memory_space<vmem>>)
      tpu.yield
    }) : () -> ()
    %dma_start3A = arith.constant 0 : i32
    %dma_start3A_1 = arith.constant 0 : i32
    %dma_start3A_2 = arith.constant 0 : i32
    %dma_start3A_3 = arith.constant 0 : i32
    %dma_start3A_4 = tpu.memref_slice %arg9[%dma_start3A_1, %dma_start3A_2, %dma_start3A_3] : memref<4x128x64xf32, #tpu.memory_space<vmem>> -> memref<1x128x64xf32, #tpu.memory_space<vmem>>
    %dma_start3A_5 = tpu.memref_squeeze %dma_start3A_4 : memref<1x128x64xf32, #tpu.memory_space<vmem>> -> memref<128x64xf32, #tpu.memory_space<vmem>>
    %dma_start3A_6 = arith.constant 0 : i32
    %dma_start3A_7 = tpu.memref_slice %arg7[%dma_start3A, %dma_start3A_6] : memref<80x128xi32, #tpu.memory_space<vmem>> -> memref<1x128xi32, #tpu.memory_space<vmem>>
    %dma_start3A_8 = tpu.memref_squeeze %dma_start3A_7 : memref<1x128xi32, #tpu.memory_space<vmem>> -> memref<128xi32, #tpu.memory_space<vmem>>
    %dma_start3A_9 = arith.constant 0 : i32
    %dma_start3A_10 = arith.constant 0 : i32
    %dma_start3A_11 = tpu.memref_slice %arg2[%dma_start3A_9, %dma_start3A_10] : memref<10240x64xf32, #tpu.memory_space<hbm>> -> memref<10240x64xf32, #tpu.memory_space<hbm>>
    tpu.enqueue_indirect_dma source(%dma_start3A_11 : memref<10240x64xf32, #tpu.memory_space<hbm>>) target(%dma_start3A_5 : memref<128x64xf32, #tpu.memory_space<vmem>>) offsets(%dma_start3A_8 : memref<128xi32, #tpu.memory_space<vmem>>) semaphore(%arg11 : memref<!tpu.dma_semaphore, #tpu.memory_space<semaphore_mem>>)
    %dma_start3A_12 = arith.constant 1 : i32
    %dma_start3A_13 = arith.constant 1 : i32
    %dma_start3A_14 = arith.constant 0 : i32
    %dma_start3A_15 = arith.constant 0 : i32
    %dma_start3A_16 = tpu.memref_slice %arg9[%dma_start3A_13, %dma_start3A_14, %dma_start3A_15] : memref<4x128x64xf32, #tpu.memory_space<vmem>> -> memref<1x128x64xf32, #tpu.memory_space<vmem>>
    %dma_start3A_17 = tpu.memref_squeeze %dma_start3A_16 : memref<1x128x64xf32, #tpu.memory_space<vmem>> -> memref<128x64xf32, #tpu.memory_space<vmem>>
    %dma_start3A_18 = arith.constant 0 : i32
    %dma_start3A_19 = tpu.memref_slice %arg7[%dma_start3A_12, %dma_start3A_18] : memref<80x128xi32, #tpu.memory_space<vmem>> -> memref<1x128xi32, #tpu.memory_space<vmem>>
    %dma_start3A_20 = tpu.memref_squeeze %dma_start3A_19 : memref<1x128xi32, #tpu.memory_space<vmem>> -> memref<128xi32, #tpu.memory_space<vmem>>
    %dma_start3A_21 = arith.constant 0 : i32
    %dma_start3A_22 = arith.constant 0 : i32
    %dma_start3A_23 = tpu.memref_slice %arg2[%dma_start3A_21, %dma_start3A_22] : memref<10240x64xf32, #tpu.memory_space<hbm>> -> memref<10240x64xf32, #tpu.memory_space<hbm>>
    tpu.enqueue_indirect_dma source(%dma_start3A_23 : memref<10240x64xf32, #tpu.memory_space<hbm>>) target(%dma_start3A_17 : memref<128x64xf32, #tpu.memory_space<vmem>>) offsets(%dma_start3A_20 : memref<128xi32, #tpu.memory_space<vmem>>) semaphore(%arg12 : memref<!tpu.dma_semaphore, #tpu.memory_space<semaphore_mem>>)
    %mul3A_24 = arith.constant 640 : i32
    %mul3A_25 = arith.muli %arg1, %mul3A_24 : i32
    "tpu.region"() ({
      %run_scoped3A = tpu.sem_alloc : memref<!tpu.dma_semaphore, #tpu.memory_space<semaphore_mem>>
      %dma_start3A_246 = arith.constant 0 : i32
      %dma_start3A_247 = tpu.memref_slice %arg10[%mul3A_25, %dma_start3A_246] : memref<10240x64xf32, #tpu.memory_space<vmem_shared>> -> memref<640x64xf32, #tpu.memory_space<vmem_shared>>
      %dma_start3A_248 = arith.constant 0 : i32
      %dma_start3A_249 = tpu.memref_slice %arg5[%mul3A_25, %dma_start3A_248] : memref<10240x64xf32, #tpu.memory_space<hbm>> -> memref<640x64xf32, #tpu.memory_space<hbm>>
      tpu.enqueue_dma source(%dma_start3A_249 : memref<640x64xf32, #tpu.memory_space<hbm>>) target(%dma_start3A_247 : memref<640x64xf32, #tpu.memory_space<vmem_shared>>) target_semaphore(%run_scoped3A : memref<!tpu.dma_semaphore, #tpu.memory_space<semaphore_mem>>)
      %dma_wait3A_250 = arith.constant 0 : i32
      %dma_wait3A_251 = tpu.memref_slice %arg10[%mul3A_25, %dma_wait3A_250] : memref<10240x64xf32, #tpu.memory_space<vmem_shared>> -> memref<640x64xf32, #tpu.memory_space<vmem_shared>>
      %dma_wait3A_252 = arith.constant 0 : i32
      %dma_wait3A_253 = tpu.memref_slice %arg5[%mul3A_25, %dma_wait3A_252] : memref<10240x64xf32, #tpu.memory_space<hbm>> -> memref<640x64xf32, #tpu.memory_space<hbm>>
      tpu.wait_dma2 semaphore(%run_scoped3A : memref<!tpu.dma_semaphore, #tpu.memory_space<semaphore_mem>>) src(%dma_wait3A_253 : memref<640x64xf32, #tpu.memory_space<hbm>>) dst(%dma_wait3A_251 : memref<640x64xf32, #tpu.memory_space<vmem_shared>>)
      tpu.yield
    }) : () -> ()
    %barrier3A = arith.constant 0 : index
    tpu.barrier barrier_id(%barrier3A)
    %dma_wait3A = arith.constant 0 : i32
    %dma_wait3A_26 = arith.constant 0 : i32
    %dma_wait3A_27 = arith.constant 0 : i32
    %dma_wait3A_28 = arith.constant 0 : i32
    %dma_wait3A_29 = tpu.memref_slice %arg9[%dma_wait3A_26, %dma_wait3A_27, %dma_wait3A_28] : memref<4x128x64xf32, #tpu.memory_space<vmem>> -> memref<1x128x64xf32, #tpu.memory_space<vmem>>
    %dma_wait3A_30 = tpu.memref_squeeze %dma_wait3A_29 : memref<1x128x64xf32, #tpu.memory_space<vmem>> -> memref<128x64xf32, #tpu.memory_space<vmem>>
    %dma_wait3A_31 = arith.constant 0 : i32
    %dma_wait3A_32 = tpu.memref_slice %arg7[%dma_wait3A, %dma_wait3A_31] : memref<80x128xi32, #tpu.memory_space<vmem>> -> memref<1x128xi32, #tpu.memory_space<vmem>>
    %dma_wait3A_33 = tpu.memref_squeeze %dma_wait3A_32 : memref<1x128xi32, #tpu.memory_space<vmem>> -> memref<128xi32, #tpu.memory_space<vmem>>
    %dma_wait3A_34 = arith.constant 0 : i32
    %dma_wait3A_35 = arith.constant 0 : i32
    %dma_wait3A_36 = tpu.memref_slice %arg2[%dma_wait3A_34, %dma_wait3A_35] : memref<10240x64xf32, #tpu.memory_space<hbm>> -> memref<10240x64xf32, #tpu.memory_space<hbm>>
    tpu.wait_indirect_dma semaphore(%arg11 : memref<!tpu.dma_semaphore, #tpu.memory_space<semaphore_mem>>) src(%dma_wait3A_36 : memref<10240x64xf32, #tpu.memory_space<hbm>>) dst(%dma_wait3A_30 : memref<128x64xf32, #tpu.memory_space<vmem>>)
    %dma_start3A_37 = arith.constant 0 : i32
    %dma_start3A_38 = arith.constant 0 : i32
    %dma_start3A_39 = arith.constant 0 : i32
    %dma_start3A_40 = arith.constant 0 : i32
    %dma_start3A_41 = tpu.memref_slice %arg9[%dma_start3A_37, %dma_start3A_39, %dma_start3A_40] : memref<4x128x64xf32, #tpu.memory_space<vmem>> -> memref<1x128x64xf32, #tpu.memory_space<vmem>>
    %dma_start3A_42 = tpu.memref_squeeze %dma_start3A_41 : memref<1x128x64xf32, #tpu.memory_space<vmem>> -> memref<128x64xf32, #tpu.memory_space<vmem>>
    %dma_start3A_43 = arith.constant 0 : i32
    %dma_start3A_44 = tpu.memref_slice %arg8[%dma_start3A_38, %dma_start3A_43] : memref<80x128xi32, #tpu.memory_space<vmem>> -> memref<1x128xi32, #tpu.memory_space<vmem>>
    %dma_start3A_45 = tpu.memref_squeeze %dma_start3A_44 : memref<1x128xi32, #tpu.memory_space<vmem>> -> memref<128xi32, #tpu.memory_space<vmem>>
    %dma_start3A_46 = arith.constant 0 : i32
    %dma_start3A_47 = arith.constant 0 : i32
    %dma_start3A_48 = tpu.memref_slice %arg10[%dma_start3A_46, %dma_start3A_47] : memref<10240x64xf32, #tpu.memory_space<vmem_shared>> -> memref<10240x64xf32, #tpu.memory_space<vmem_shared>>
    tpu.enqueue_indirect_dma source(%dma_start3A_42 : memref<128x64xf32, #tpu.memory_space<vmem>>) target(%dma_start3A_48 : memref<10240x64xf32, #tpu.memory_space<vmem_shared>>) offsets(%dma_start3A_45 : memref<128xi32, #tpu.memory_space<vmem>>) semaphore(%arg15 : memref<!tpu.dma_semaphore, #tpu.memory_space<semaphore_mem>>) {add = true}
    %dma_start3A_49 = arith.constant 2 : i32
    %dma_start3A_50 = arith.constant 2 : i32
    %dma_start3A_51 = arith.constant 0 : i32
    %dma_start3A_52 = arith.constant 0 : i32
    %dma_start3A_53 = tpu.memref_slice %arg9[%dma_start3A_50, %dma_start3A_51, %dma_start3A_52] : memref<4x128x64xf32, #tpu.memory_space<vmem>> -> memref<1x128x64xf32, #tpu.memory_space<vmem>>
    %dma_start3A_54 = tpu.memref_squeeze %dma_start3A_53 : memref<1x128x64xf32, #tpu.memory_space<vmem>> -> memref<128x64xf32, #tpu.memory_space<vmem>>
    %dma_start3A_55 = arith.constant 0 : i32
    %dma_start3A_56 = tpu.memref_slice %arg7[%dma_start3A_49, %dma_start3A_55] : memref<80x128xi32, #tpu.memory_space<vmem>> -> memref<1x128xi32, #tpu.memory_space<vmem>>
    %dma_start3A_57 = tpu.memref_squeeze %dma_start3A_56 : memref<1x128xi32, #tpu.memory_space<vmem>> -> memref<128xi32, #tpu.memory_space<vmem>>
    %dma_start3A_58 = arith.constant 0 : i32
    %dma_start3A_59 = arith.constant 0 : i32
    %dma_start3A_60 = tpu.memref_slice %arg2[%dma_start3A_58, %dma_start3A_59] : memref<10240x64xf32, #tpu.memory_space<hbm>> -> memref<10240x64xf32, #tpu.memory_space<hbm>>
    tpu.enqueue_indirect_dma source(%dma_start3A_60 : memref<10240x64xf32, #tpu.memory_space<hbm>>) target(%dma_start3A_54 : memref<128x64xf32, #tpu.memory_space<vmem>>) offsets(%dma_start3A_57 : memref<128xi32, #tpu.memory_space<vmem>>) semaphore(%arg13 : memref<!tpu.dma_semaphore, #tpu.memory_space<semaphore_mem>>)
    %dma_wait3A_61 = arith.constant 1 : i32
    %dma_wait3A_62 = arith.constant 1 : i32
    %dma_wait3A_63 = arith.constant 0 : i32
    %dma_wait3A_64 = arith.constant 0 : i32
    %dma_wait3A_65 = tpu.memref_slice %arg9[%dma_wait3A_62, %dma_wait3A_63, %dma_wait3A_64] : memref<4x128x64xf32, #tpu.memory_space<vmem>> -> memref<1x128x64xf32, #tpu.memory_space<vmem>>
    %dma_wait3A_66 = tpu.memref_squeeze %dma_wait3A_65 : memref<1x128x64xf32, #tpu.memory_space<vmem>> -> memref<128x64xf32, #tpu.memory_space<vmem>>
    %dma_wait3A_67 = arith.constant 0 : i32
    %dma_wait3A_68 = tpu.memref_slice %arg7[%dma_wait3A_61, %dma_wait3A_67] : memref<80x128xi32, #tpu.memory_space<vmem>> -> memref<1x128xi32, #tpu.memory_space<vmem>>
    %dma_wait3A_69 = tpu.memref_squeeze %dma_wait3A_68 : memref<1x128xi32, #tpu.memory_space<vmem>> -> memref<128xi32, #tpu.memory_space<vmem>>
    %dma_wait3A_70 = arith.constant 0 : i32
    %dma_wait3A_71 = arith.constant 0 : i32
    %dma_wait3A_72 = tpu.memref_slice %arg2[%dma_wait3A_70, %dma_wait3A_71] : memref<10240x64xf32, #tpu.memory_space<hbm>> -> memref<10240x64xf32, #tpu.memory_space<hbm>>
    tpu.wait_indirect_dma semaphore(%arg12 : memref<!tpu.dma_semaphore, #tpu.memory_space<semaphore_mem>>) src(%dma_wait3A_72 : memref<10240x64xf32, #tpu.memory_space<hbm>>) dst(%dma_wait3A_66 : memref<128x64xf32, #tpu.memory_space<vmem>>)
    %dma_start3A_73 = arith.constant 1 : i32
    %dma_start3A_74 = arith.constant 1 : i32
    %dma_start3A_75 = arith.constant 0 : i32
    %dma_start3A_76 = arith.constant 0 : i32
    %dma_start3A_77 = tpu.memref_slice %arg9[%dma_start3A_73, %dma_start3A_75, %dma_start3A_76] : memref<4x128x64xf32, #tpu.memory_space<vmem>> -> memref<1x128x64xf32, #tpu.memory_space<vmem>>
    %dma_start3A_78 = tpu.memref_squeeze %dma_start3A_77 : memref<1x128x64xf32, #tpu.memory_space<vmem>> -> memref<128x64xf32, #tpu.memory_space<vmem>>
    %dma_start3A_79 = arith.constant 0 : i32
    %dma_start3A_80 = tpu.memref_slice %arg8[%dma_start3A_74, %dma_start3A_79] : memref<80x128xi32, #tpu.memory_space<vmem>> -> memref<1x128xi32, #tpu.memory_space<vmem>>
    %dma_start3A_81 = tpu.memref_squeeze %dma_start3A_80 : memref<1x128xi32, #tpu.memory_space<vmem>> -> memref<128xi32, #tpu.memory_space<vmem>>
    %dma_start3A_82 = arith.constant 0 : i32
    %dma_start3A_83 = arith.constant 0 : i32
    %dma_start3A_84 = tpu.memref_slice %arg10[%dma_start3A_82, %dma_start3A_83] : memref<10240x64xf32, #tpu.memory_space<vmem_shared>> -> memref<10240x64xf32, #tpu.memory_space<vmem_shared>>
    tpu.enqueue_indirect_dma source(%dma_start3A_78 : memref<128x64xf32, #tpu.memory_space<vmem>>) target(%dma_start3A_84 : memref<10240x64xf32, #tpu.memory_space<vmem_shared>>) offsets(%dma_start3A_81 : memref<128xi32, #tpu.memory_space<vmem>>) semaphore(%arg16 : memref<!tpu.dma_semaphore, #tpu.memory_space<semaphore_mem>>) {add = true}
    %dma_start3A_85 = arith.constant 3 : i32
    %dma_start3A_86 = arith.constant 3 : i32
    %dma_start3A_87 = arith.constant 0 : i32
    %dma_start3A_88 = arith.constant 0 : i32
    %dma_start3A_89 = tpu.memref_slice %arg9[%dma_start3A_86, %dma_start3A_87, %dma_start3A_88] : memref<4x128x64xf32, #tpu.memory_space<vmem>> -> memref<1x128x64xf32, #tpu.memory_space<vmem>>
    %dma_start3A_90 = tpu.memref_squeeze %dma_start3A_89 : memref<1x128x64xf32, #tpu.memory_space<vmem>> -> memref<128x64xf32, #tpu.memory_space<vmem>>
    %dma_start3A_91 = arith.constant 0 : i32
    %dma_start3A_92 = tpu.memref_slice %arg7[%dma_start3A_85, %dma_start3A_91] : memref<80x128xi32, #tpu.memory_space<vmem>> -> memref<1x128xi32, #tpu.memory_space<vmem>>
    %dma_start3A_93 = tpu.memref_squeeze %dma_start3A_92 : memref<1x128xi32, #tpu.memory_space<vmem>> -> memref<128xi32, #tpu.memory_space<vmem>>
    %dma_start3A_94 = arith.constant 0 : i32
    %dma_start3A_95 = arith.constant 0 : i32
    %dma_start3A_96 = tpu.memref_slice %arg2[%dma_start3A_94, %dma_start3A_95] : memref<10240x64xf32, #tpu.memory_space<hbm>> -> memref<10240x64xf32, #tpu.memory_space<hbm>>
    tpu.enqueue_indirect_dma source(%dma_start3A_96 : memref<10240x64xf32, #tpu.memory_space<hbm>>) target(%dma_start3A_90 : memref<128x64xf32, #tpu.memory_space<vmem>>) offsets(%dma_start3A_93 : memref<128xi32, #tpu.memory_space<vmem>>) semaphore(%arg14 : memref<!tpu.dma_semaphore, #tpu.memory_space<semaphore_mem>>)
    %dma_wait3A_97 = arith.constant 2 : i32
    %dma_wait3A_98 = arith.constant 2 : i32
    %dma_wait3A_99 = arith.constant 0 : i32
    %dma_wait3A_100 = arith.constant 0 : i32
    %dma_wait3A_101 = tpu.memref_slice %arg9[%dma_wait3A_98, %dma_wait3A_99, %dma_wait3A_100] : memref<4x128x64xf32, #tpu.memory_space<vmem>> -> memref<1x128x64xf32, #tpu.memory_space<vmem>>
    %dma_wait3A_102 = tpu.memref_squeeze %dma_wait3A_101 : memref<1x128x64xf32, #tpu.memory_space<vmem>> -> memref<128x64xf32, #tpu.memory_space<vmem>>
    %dma_wait3A_103 = arith.constant 0 : i32
    %dma_wait3A_104 = tpu.memref_slice %arg7[%dma_wait3A_97, %dma_wait3A_103] : memref<80x128xi32, #tpu.memory_space<vmem>> -> memref<1x128xi32, #tpu.memory_space<vmem>>
    %dma_wait3A_105 = tpu.memref_squeeze %dma_wait3A_104 : memref<1x128xi32, #tpu.memory_space<vmem>> -> memref<128xi32, #tpu.memory_space<vmem>>
    %dma_wait3A_106 = arith.constant 0 : i32
    %dma_wait3A_107 = arith.constant 0 : i32
    %dma_wait3A_108 = tpu.memref_slice %arg2[%dma_wait3A_106, %dma_wait3A_107] : memref<10240x64xf32, #tpu.memory_space<hbm>> -> memref<10240x64xf32, #tpu.memory_space<hbm>>
    tpu.wait_indirect_dma semaphore(%arg13 : memref<!tpu.dma_semaphore, #tpu.memory_space<semaphore_mem>>) src(%dma_wait3A_108 : memref<10240x64xf32, #tpu.memory_space<hbm>>) dst(%dma_wait3A_102 : memref<128x64xf32, #tpu.memory_space<vmem>>)
    %dma_start3A_109 = arith.constant 2 : i32
    %dma_start3A_110 = arith.constant 2 : i32
    %dma_start3A_111 = arith.constant 0 : i32
    %dma_start3A_112 = arith.constant 0 : i32
    %dma_start3A_113 = tpu.memref_slice %arg9[%dma_start3A_109, %dma_start3A_111, %dma_start3A_112] : memref<4x128x64xf32, #tpu.memory_space<vmem>> -> memref<1x128x64xf32, #tpu.memory_space<vmem>>
    %dma_start3A_114 = tpu.memref_squeeze %dma_start3A_113 : memref<1x128x64xf32, #tpu.memory_space<vmem>> -> memref<128x64xf32, #tpu.memory_space<vmem>>
    %dma_start3A_115 = arith.constant 0 : i32
    %dma_start3A_116 = tpu.memref_slice %arg8[%dma_start3A_110, %dma_start3A_115] : memref<80x128xi32, #tpu.memory_space<vmem>> -> memref<1x128xi32, #tpu.memory_space<vmem>>
    %dma_start3A_117 = tpu.memref_squeeze %dma_start3A_116 : memref<1x128xi32, #tpu.memory_space<vmem>> -> memref<128xi32, #tpu.memory_space<vmem>>
    %dma_start3A_118 = arith.constant 0 : i32
    %dma_start3A_119 = arith.constant 0 : i32
    %dma_start3A_120 = tpu.memref_slice %arg10[%dma_start3A_118, %dma_start3A_119] : memref<10240x64xf32, #tpu.memory_space<vmem_shared>> -> memref<10240x64xf32, #tpu.memory_space<vmem_shared>>
    tpu.enqueue_indirect_dma source(%dma_start3A_114 : memref<128x64xf32, #tpu.memory_space<vmem>>) target(%dma_start3A_120 : memref<10240x64xf32, #tpu.memory_space<vmem_shared>>) offsets(%dma_start3A_117 : memref<128xi32, #tpu.memory_space<vmem>>) semaphore(%arg17 : memref<!tpu.dma_semaphore, #tpu.memory_space<semaphore_mem>>) {add = true}
    %dma_wait3A_121 = arith.constant 0 : i32
    %dma_wait3A_122 = arith.constant 0 : i32
    %dma_wait3A_123 = arith.constant 0 : i32
    %dma_wait3A_124 = arith.constant 0 : i32
    %dma_wait3A_125 = tpu.memref_slice %arg9[%dma_wait3A_121, %dma_wait3A_123, %dma_wait3A_124] : memref<4x128x64xf32, #tpu.memory_space<vmem>> -> memref<1x128x64xf32, #tpu.memory_space<vmem>>
    %dma_wait3A_126 = tpu.memref_squeeze %dma_wait3A_125 : memref<1x128x64xf32, #tpu.memory_space<vmem>> -> memref<128x64xf32, #tpu.memory_space<vmem>>
    %dma_wait3A_127 = arith.constant 0 : i32
    %dma_wait3A_128 = tpu.memref_slice %arg8[%dma_wait3A_122, %dma_wait3A_127] : memref<80x128xi32, #tpu.memory_space<vmem>> -> memref<1x128xi32, #tpu.memory_space<vmem>>
    %dma_wait3A_129 = tpu.memref_squeeze %dma_wait3A_128 : memref<1x128xi32, #tpu.memory_space<vmem>> -> memref<128xi32, #tpu.memory_space<vmem>>
    %dma_wait3A_130 = arith.constant 0 : i32
    %dma_wait3A_131 = arith.constant 0 : i32
    %dma_wait3A_132 = tpu.memref_slice %arg10[%dma_wait3A_130, %dma_wait3A_131] : memref<10240x64xf32, #tpu.memory_space<vmem_shared>> -> memref<10240x64xf32, #tpu.memory_space<vmem_shared>>
    tpu.wait_indirect_dma semaphore(%arg15 : memref<!tpu.dma_semaphore, #tpu.memory_space<semaphore_mem>>) src(%dma_wait3A_126 : memref<128x64xf32, #tpu.memory_space<vmem>>) dst(%dma_wait3A_132 : memref<10240x64xf32, #tpu.memory_space<vmem_shared>>)
    %dma_start3A_133 = arith.constant 4 : i32
    %dma_start3A_134 = arith.constant 0 : i32
    %dma_start3A_135 = arith.constant 0 : i32
    %dma_start3A_136 = arith.constant 0 : i32
    %dma_start3A_137 = tpu.memref_slice %arg9[%dma_start3A_134, %dma_start3A_135, %dma_start3A_136] : memref<4x128x64xf32, #tpu.memory_space<vmem>> -> memref<1x128x64xf32, #tpu.memory_space<vmem>>
    %dma_start3A_138 = tpu.memref_squeeze %dma_start3A_137 : memref<1x128x64xf32, #tpu.memory_space<vmem>> -> memref<128x64xf32, #tpu.memory_space<vmem>>
    %dma_start3A_139 = arith.constant 0 : i32
    %dma_start3A_140 = tpu.memref_slice %arg7[%dma_start3A_133, %dma_start3A_139] : memref<80x128xi32, #tpu.memory_space<vmem>> -> memref<1x128xi32, #tpu.memory_space<vmem>>
    %dma_start3A_141 = tpu.memref_squeeze %dma_start3A_140 : memref<1x128xi32, #tpu.memory_space<vmem>> -> memref<128xi32, #tpu.memory_space<vmem>>
    %dma_start3A_142 = arith.constant 0 : i32
    %dma_start3A_143 = arith.constant 0 : i32
    %dma_start3A_144 = tpu.memref_slice %arg2[%dma_start3A_142, %dma_start3A_143] : memref<10240x64xf32, #tpu.memory_space<hbm>> -> memref<10240x64xf32, #tpu.memory_space<hbm>>
    tpu.enqueue_indirect_dma source(%dma_start3A_144 : memref<10240x64xf32, #tpu.memory_space<hbm>>) target(%dma_start3A_138 : memref<128x64xf32, #tpu.memory_space<vmem>>) offsets(%dma_start3A_141 : memref<128xi32, #tpu.memory_space<vmem>>) semaphore(%arg11 : memref<!tpu.dma_semaphore, #tpu.memory_space<semaphore_mem>>)
    %dma_wait3A_145 = arith.constant 3 : i32
    %dma_wait3A_146 = arith.constant 3 : i32
    %dma_wait3A_147 = arith.constant 0 : i32
    %dma_wait3A_148 = arith.constant 0 : i32
    %dma_wait3A_149 = tpu.memref_slice %arg9[%dma_wait3A_146, %dma_wait3A_147, %dma_wait3A_148] : memref<4x128x64xf32, #tpu.memory_space<vmem>> -> memref<1x128x64xf32, #tpu.memory_space<vmem>>
    %dma_wait3A_150 = tpu.memref_squeeze %dma_wait3A_149 : memref<1x128x64xf32, #tpu.memory_space<vmem>> -> memref<128x64xf32, #tpu.memory_space<vmem>>
    %dma_wait3A_151 = arith.constant 0 : i32
    %dma_wait3A_152 = tpu.memref_slice %arg7[%dma_wait3A_145, %dma_wait3A_151] : memref<80x128xi32, #tpu.memory_space<vmem>> -> memref<1x128xi32, #tpu.memory_space<vmem>>
    %dma_wait3A_153 = tpu.memref_squeeze %dma_wait3A_152 : memref<1x128xi32, #tpu.memory_space<vmem>> -> memref<128xi32, #tpu.memory_space<vmem>>
    %dma_wait3A_154 = arith.constant 0 : i32
    %dma_wait3A_155 = arith.constant 0 : i32
    %dma_wait3A_156 = tpu.memref_slice %arg2[%dma_wait3A_154, %dma_wait3A_155] : memref<10240x64xf32, #tpu.memory_space<hbm>> -> memref<10240x64xf32, #tpu.memory_space<hbm>>
    tpu.wait_indirect_dma semaphore(%arg14 : memref<!tpu.dma_semaphore, #tpu.memory_space<semaphore_mem>>) src(%dma_wait3A_156 : memref<10240x64xf32, #tpu.memory_space<hbm>>) dst(%dma_wait3A_150 : memref<128x64xf32, #tpu.memory_space<vmem>>)
    %dma_start3A_157 = arith.constant 3 : i32
    %dma_start3A_158 = arith.constant 3 : i32
    %dma_start3A_159 = arith.constant 0 : i32
    %dma_start3A_160 = arith.constant 0 : i32
    %dma_start3A_161 = tpu.memref_slice %arg9[%dma_start3A_157, %dma_start3A_159, %dma_start3A_160] : memref<4x128x64xf32, #tpu.memory_space<vmem>> -> memref<1x128x64xf32, #tpu.memory_space<vmem>>
    %dma_start3A_162 = tpu.memref_squeeze %dma_start3A_161 : memref<1x128x64xf32, #tpu.memory_space<vmem>> -> memref<128x64xf32, #tpu.memory_space<vmem>>
    %dma_start3A_163 = arith.constant 0 : i32
    %dma_start3A_164 = tpu.memref_slice %arg8[%dma_start3A_158, %dma_start3A_163] : memref<80x128xi32, #tpu.memory_space<vmem>> -> memref<1x128xi32, #tpu.memory_space<vmem>>
    %dma_start3A_165 = tpu.memref_squeeze %dma_start3A_164 : memref<1x128xi32, #tpu.memory_space<vmem>> -> memref<128xi32, #tpu.memory_space<vmem>>
    %dma_start3A_166 = arith.constant 0 : i32
    %dma_start3A_167 = arith.constant 0 : i32
    %dma_start3A_168 = tpu.memref_slice %arg10[%dma_start3A_166, %dma_start3A_167] : memref<10240x64xf32, #tpu.memory_space<vmem_shared>> -> memref<10240x64xf32, #tpu.memory_space<vmem_shared>>
    tpu.enqueue_indirect_dma source(%dma_start3A_162 : memref<128x64xf32, #tpu.memory_space<vmem>>) target(%dma_start3A_168 : memref<10240x64xf32, #tpu.memory_space<vmem_shared>>) offsets(%dma_start3A_165 : memref<128xi32, #tpu.memory_space<vmem>>) semaphore(%arg18 : memref<!tpu.dma_semaphore, #tpu.memory_space<semaphore_mem>>) {add = true}
    %dma_wait3A_169 = arith.constant 1 : i32
    %dma_wait3A_170 = arith.constant 1 : i32
    %dma_wait3A_171 = arith.constant 0 : i32
    %dma_wait3A_172 = arith.constant 0 : i32
    %dma_wait3A_173 = tpu.memref_slice %arg9[%dma_wait3A_169, %dma_wait3A_171, %dma_wait3A_172] : memref<4x128x64xf32, #tpu.memory_space<vmem>> -> memref<1x128x64xf32, #tpu.memory_space<vmem>>
    %dma_wait3A_174 = tpu.memref_squeeze %dma_wait3A_173 : memref<1x128x64xf32, #tpu.memory_space<vmem>> -> memref<128x64xf32, #tpu.memory_space<vmem>>
    %dma_wait3A_175 = arith.constant 0 : i32
    %dma_wait3A_176 = tpu.memref_slice %arg8[%dma_wait3A_170, %dma_wait3A_175] : memref<80x128xi32, #tpu.memory_space<vmem>> -> memref<1x128xi32, #tpu.memory_space<vmem>>
    %dma_wait3A_177 = tpu.memref_squeeze %dma_wait3A_176 : memref<1x128xi32, #tpu.memory_space<vmem>> -> memref<128xi32, #tpu.memory_space<vmem>>
    %dma_wait3A_178 = arith.constant 0 : i32
    %dma_wait3A_179 = arith.constant 0 : i32
    %dma_wait3A_180 = tpu.memref_slice %arg10[%dma_wait3A_178, %dma_wait3A_179] : memref<10240x64xf32, #tpu.memory_space<vmem_shared>> -> memref<10240x64xf32, #tpu.memory_space<vmem_shared>>
    tpu.wait_indirect_dma semaphore(%arg16 : memref<!tpu.dma_semaphore, #tpu.memory_space<semaphore_mem>>) src(%dma_wait3A_174 : memref<128x64xf32, #tpu.memory_space<vmem>>) dst(%dma_wait3A_180 : memref<10240x64xf32, #tpu.memory_space<vmem_shared>>)
    %dma_start3A_181 = arith.constant 5 : i32
    %dma_start3A_182 = arith.constant 1 : i32
    %dma_start3A_183 = arith.constant 0 : i32
    %dma_start3A_184 = arith.constant 0 : i32
    %dma_start3A_185 = tpu.memref_slice %arg9[%dma_start3A_182, %dma_start3A_183, %dma_start3A_184] : memref<4x128x64xf32, #tpu.memory_space<vmem>> -> memref<1x128x64xf32, #tpu.memory_space<vmem>>
    %dma_start3A_186 = tpu.memref_squeeze %dma_start3A_185 : memref<1x128x64xf32, #tpu.memory_space<vmem>> -> memref<128x64xf32, #tpu.memory_space<vmem>>
    %dma_start3A_187 = arith.constant 0 : i32
    %dma_start3A_188 = tpu.memref_slice %arg7[%dma_start3A_181, %dma_start3A_187] : memref<80x128xi32, #tpu.memory_space<vmem>> -> memref<1x128xi32, #tpu.memory_space<vmem>>
    %dma_start3A_189 = tpu.memref_squeeze %dma_start3A_188 : memref<1x128xi32, #tpu.memory_space<vmem>> -> memref<128xi32, #tpu.memory_space<vmem>>
    %dma_start3A_190 = arith.constant 0 : i32
    %dma_start3A_191 = arith.constant 0 : i32
    %dma_start3A_192 = tpu.memref_slice %arg2[%dma_start3A_190, %dma_start3A_191] : memref<10240x64xf32, #tpu.memory_space<hbm>> -> memref<10240x64xf32, #tpu.memory_space<hbm>>
    tpu.enqueue_indirect_dma source(%dma_start3A_192 : memref<10240x64xf32, #tpu.memory_space<hbm>>) target(%dma_start3A_186 : memref<128x64xf32, #tpu.memory_space<vmem>>) offsets(%dma_start3A_189 : memref<128xi32, #tpu.memory_space<vmem>>) semaphore(%arg12 : memref<!tpu.dma_semaphore, #tpu.memory_space<semaphore_mem>>)
    %scan3A = arith.constant 0 : i32
    %scan3A_193 = arith.constant 19 : i32
    %scan3A_194 = arith.addi %scan3A, %scan3A_193 : i32
    %scan3A_195 = arith.constant 1 : i32
    scf.for %scan3A_246 = %scan3A to %scan3A_194 step %scan3A_195  : i32 {
      %mul3A_247 = arith.constant 4 : i32
      %mul3A_248 = arith.muli %scan3A_246, %mul3A_247 : i32
      %add3A_249 = arith.constant 4 : i32
      %add3A_250 = arith.addi %add3A_249, %mul3A_248 : i32
      %add3A_251 = arith.constant 0 : i32
      %add3A_252 = arith.addi %add3A_250, %add3A_251 : i32
      %dma_wait3A_253 = arith.constant 0 : i32
      %dma_wait3A_254 = arith.constant 0 : i32
      %dma_wait3A_255 = arith.constant 0 : i32
      %dma_wait3A_256 = tpu.memref_slice %arg9[%dma_wait3A_253, %dma_wait3A_254, %dma_wait3A_255] : memref<4x128x64xf32, #tpu.memory_space<vmem>> -> memref<1x128x64xf32, #tpu.memory_space<vmem>>
      %dma_wait3A_257 = tpu.memref_squeeze %dma_wait3A_256 : memref<1x128x64xf32, #tpu.memory_space<vmem>> -> memref<128x64xf32, #tpu.memory_space<vmem>>
      %dma_wait3A_258 = arith.constant 0 : i32
      %dma_wait3A_259 = tpu.memref_slice %arg7[%add3A_252, %dma_wait3A_258] : memref<80x128xi32, #tpu.memory_space<vmem>> -> memref<1x128xi32, #tpu.memory_space<vmem>>
      %dma_wait3A_260 = tpu.memref_squeeze %dma_wait3A_259 : memref<1x128xi32, #tpu.memory_space<vmem>> -> memref<128xi32, #tpu.memory_space<vmem>>
      %dma_wait3A_261 = arith.constant 0 : i32
      %dma_wait3A_262 = arith.constant 0 : i32
      %dma_wait3A_263 = tpu.memref_slice %arg2[%dma_wait3A_261, %dma_wait3A_262] : memref<10240x64xf32, #tpu.memory_space<hbm>> -> memref<10240x64xf32, #tpu.memory_space<hbm>>
      tpu.wait_indirect_dma semaphore(%arg11 : memref<!tpu.dma_semaphore, #tpu.memory_space<semaphore_mem>>) src(%dma_wait3A_263 : memref<10240x64xf32, #tpu.memory_space<hbm>>) dst(%dma_wait3A_257 : memref<128x64xf32, #tpu.memory_space<vmem>>)
      %dma_start3A_264 = arith.constant 0 : i32
      %dma_start3A_265 = arith.constant 0 : i32
      %dma_start3A_266 = arith.constant 0 : i32
      %dma_start3A_267 = tpu.memref_slice %arg9[%dma_start3A_264, %dma_start3A_265, %dma_start3A_266] : memref<4x128x64xf32, #tpu.memory_space<vmem>> -> memref<1x128x64xf32, #tpu.memory_space<vmem>>
      %dma_start3A_268 = tpu.memref_squeeze %dma_start3A_267 : memref<1x128x64xf32, #tpu.memory_space<vmem>> -> memref<128x64xf32, #tpu.memory_space<vmem>>
      %dma_start3A_269 = arith.constant 0 : i32
      %dma_start3A_270 = tpu.memref_slice %arg8[%add3A_252, %dma_start3A_269] : memref<80x128xi32, #tpu.memory_space<vmem>> -> memref<1x128xi32, #tpu.memory_space<vmem>>
      %dma_start3A_271 = tpu.memref_squeeze %dma_start3A_270 : memref<1x128xi32, #tpu.memory_space<vmem>> -> memref<128xi32, #tpu.memory_space<vmem>>
      %dma_start3A_272 = arith.constant 0 : i32
      %dma_start3A_273 = arith.constant 0 : i32
      %dma_start3A_274 = tpu.memref_slice %arg10[%dma_start3A_272, %dma_start3A_273] : memref<10240x64xf32, #tpu.memory_space<vmem_shared>> -> memref<10240x64xf32, #tpu.memory_space<vmem_shared>>
      tpu.enqueue_indirect_dma source(%dma_start3A_268 : memref<128x64xf32, #tpu.memory_space<vmem>>) target(%dma_start3A_274 : memref<10240x64xf32, #tpu.memory_space<vmem_shared>>) offsets(%dma_start3A_271 : memref<128xi32, #tpu.memory_space<vmem>>) semaphore(%arg15 : memref<!tpu.dma_semaphore, #tpu.memory_space<semaphore_mem>>) {add = true}
      %add3A_275 = arith.constant 2 : i32
      %add3A_276 = arith.addi %add3A_252, %add3A_275 : i32
      %lt3A = arith.constant 80 : i32
      %lt3A_277 = arith.cmpi slt, %add3A_276, %lt3A : i32
      %convert_element_type3A = arith.extui %lt3A_277 : i1 to i32
      %cond3A = arith.constant 0 : i32
      %cond3A_278 = arith.cmpi ne, %convert_element_type3A, %cond3A : i32
      scf.if %cond3A_278 {
        %sub3A = arith.constant 2 : i32
        %sub3A_372 = arith.subi %add3A_252, %sub3A : i32
        %dma_wait3A_373 = arith.constant 2 : i32
        %dma_wait3A_374 = arith.constant 0 : i32
        %dma_wait3A_375 = arith.constant 0 : i32
        %dma_wait3A_376 = tpu.memref_slice %arg9[%dma_wait3A_373, %dma_wait3A_374, %dma_wait3A_375] : memref<4x128x64xf32, #tpu.memory_space<vmem>> -> memref<1x128x64xf32, #tpu.memory_space<vmem>>
        %dma_wait3A_377 = tpu.memref_squeeze %dma_wait3A_376 : memref<1x128x64xf32, #tpu.memory_space<vmem>> -> memref<128x64xf32, #tpu.memory_space<vmem>>
        %dma_wait3A_378 = arith.constant 0 : i32
        %dma_wait3A_379 = tpu.memref_slice %arg8[%sub3A_372, %dma_wait3A_378] : memref<80x128xi32, #tpu.memory_space<vmem>> -> memref<1x128xi32, #tpu.memory_space<vmem>>
        %dma_wait3A_380 = tpu.memref_squeeze %dma_wait3A_379 : memref<1x128xi32, #tpu.memory_space<vmem>> -> memref<128xi32, #tpu.memory_space<vmem>>
        %dma_wait3A_381 = arith.constant 0 : i32
        %dma_wait3A_382 = arith.constant 0 : i32
        %dma_wait3A_383 = tpu.memref_slice %arg10[%dma_wait3A_381, %dma_wait3A_382] : memref<10240x64xf32, #tpu.memory_space<vmem_shared>> -> memref<10240x64xf32, #tpu.memory_space<vmem_shared>>
        tpu.wait_indirect_dma semaphore(%arg17 : memref<!tpu.dma_semaphore, #tpu.memory_space<semaphore_mem>>) src(%dma_wait3A_377 : memref<128x64xf32, #tpu.memory_space<vmem>>) dst(%dma_wait3A_383 : memref<10240x64xf32, #tpu.memory_space<vmem_shared>>)
        %add3A_384 = arith.constant 2 : i32
        %add3A_385 = arith.addi %add3A_252, %add3A_384 : i32
        %dma_start3A_386 = arith.constant 2 : i32
        %dma_start3A_387 = arith.constant 0 : i32
        %dma_start3A_388 = arith.constant 0 : i32
        %dma_start3A_389 = tpu.memref_slice %arg9[%dma_start3A_386, %dma_start3A_387, %dma_start3A_388] : memref<4x128x64xf32, #tpu.memory_space<vmem>> -> memref<1x128x64xf32, #tpu.memory_space<vmem>>
        %dma_start3A_390 = tpu.memref_squeeze %dma_start3A_389 : memref<1x128x64xf32, #tpu.memory_space<vmem>> -> memref<128x64xf32, #tpu.memory_space<vmem>>
        %dma_start3A_391 = arith.constant 0 : i32
        %dma_start3A_392 = tpu.memref_slice %arg7[%add3A_385, %dma_start3A_391] : memref<80x128xi32, #tpu.memory_space<vmem>> -> memref<1x128xi32, #tpu.memory_space<vmem>>
        %dma_start3A_393 = tpu.memref_squeeze %dma_start3A_392 : memref<1x128xi32, #tpu.memory_space<vmem>> -> memref<128xi32, #tpu.memory_space<vmem>>
        %dma_start3A_394 = arith.constant 0 : i32
        %dma_start3A_395 = arith.constant 0 : i32
        %dma_start3A_396 = tpu.memref_slice %arg2[%dma_start3A_394, %dma_start3A_395] : memref<10240x64xf32, #tpu.memory_space<hbm>> -> memref<10240x64xf32, #tpu.memory_space<hbm>>
        tpu.enqueue_indirect_dma source(%dma_start3A_396 : memref<10240x64xf32, #tpu.memory_space<hbm>>) target(%dma_start3A_390 : memref<128x64xf32, #tpu.memory_space<vmem>>) offsets(%dma_start3A_393 : memref<128xi32, #tpu.memory_space<vmem>>) semaphore(%arg13 : memref<!tpu.dma_semaphore, #tpu.memory_space<semaphore_mem>>)
      } else {
      }
      %add3A_279 = arith.constant 1 : i32
      %add3A_280 = arith.addi %add3A_250, %add3A_279 : i32
      %dma_wait3A_281 = arith.constant 1 : i32
      %dma_wait3A_282 = arith.constant 0 : i32
      %dma_wait3A_283 = arith.constant 0 : i32
      %dma_wait3A_284 = tpu.memref_slice %arg9[%dma_wait3A_281, %dma_wait3A_282, %dma_wait3A_283] : memref<4x128x64xf32, #tpu.memory_space<vmem>> -> memref<1x128x64xf32, #tpu.memory_space<vmem>>
      %dma_wait3A_285 = tpu.memref_squeeze %dma_wait3A_284 : memref<1x128x64xf32, #tpu.memory_space<vmem>> -> memref<128x64xf32, #tpu.memory_space<vmem>>
      %dma_wait3A_286 = arith.constant 0 : i32
      %dma_wait3A_287 = tpu.memref_slice %arg7[%add3A_280, %dma_wait3A_286] : memref<80x128xi32, #tpu.memory_space<vmem>> -> memref<1x128xi32, #tpu.memory_space<vmem>>
      %dma_wait3A_288 = tpu.memref_squeeze %dma_wait3A_287 : memref<1x128xi32, #tpu.memory_space<vmem>> -> memref<128xi32, #tpu.memory_space<vmem>>
      %dma_wait3A_289 = arith.constant 0 : i32
      %dma_wait3A_290 = arith.constant 0 : i32
      %dma_wait3A_291 = tpu.memref_slice %arg2[%dma_wait3A_289, %dma_wait3A_290] : memref<10240x64xf32, #tpu.memory_space<hbm>> -> memref<10240x64xf32, #tpu.memory_space<hbm>>
      tpu.wait_indirect_dma semaphore(%arg12 : memref<!tpu.dma_semaphore, #tpu.memory_space<semaphore_mem>>) src(%dma_wait3A_291 : memref<10240x64xf32, #tpu.memory_space<hbm>>) dst(%dma_wait3A_285 : memref<128x64xf32, #tpu.memory_space<vmem>>)
      %dma_start3A_292 = arith.constant 1 : i32
      %dma_start3A_293 = arith.constant 0 : i32
      %dma_start3A_294 = arith.constant 0 : i32
      %dma_start3A_295 = tpu.memref_slice %arg9[%dma_start3A_292, %dma_start3A_293, %dma_start3A_294] : memref<4x128x64xf32, #tpu.memory_space<vmem>> -> memref<1x128x64xf32, #tpu.memory_space<vmem>>
      %dma_start3A_296 = tpu.memref_squeeze %dma_start3A_295 : memref<1x128x64xf32, #tpu.memory_space<vmem>> -> memref<128x64xf32, #tpu.memory_space<vmem>>
      %dma_start3A_297 = arith.constant 0 : i32
      %dma_start3A_298 = tpu.memref_slice %arg8[%add3A_280, %dma_start3A_297] : memref<80x128xi32, #tpu.memory_space<vmem>> -> memref<1x128xi32, #tpu.memory_space<vmem>>
      %dma_start3A_299 = tpu.memref_squeeze %dma_start3A_298 : memref<1x128xi32, #tpu.memory_space<vmem>> -> memref<128xi32, #tpu.memory_space<vmem>>
      %dma_start3A_300 = arith.constant 0 : i32
      %dma_start3A_301 = arith.constant 0 : i32
      %dma_start3A_302 = tpu.memref_slice %arg10[%dma_start3A_300, %dma_start3A_301] : memref<10240x64xf32, #tpu.memory_space<vmem_shared>> -> memref<10240x64xf32, #tpu.memory_space<vmem_shared>>
      tpu.enqueue_indirect_dma source(%dma_start3A_296 : memref<128x64xf32, #tpu.memory_space<vmem>>) target(%dma_start3A_302 : memref<10240x64xf32, #tpu.memory_space<vmem_shared>>) offsets(%dma_start3A_299 : memref<128xi32, #tpu.memory_space<vmem>>) semaphore(%arg16 : memref<!tpu.dma_semaphore, #tpu.memory_space<semaphore_mem>>) {add = true}
      %add3A_303 = arith.constant 2 : i32
      %add3A_304 = arith.addi %add3A_280, %add3A_303 : i32
      %lt3A_305 = arith.constant 80 : i32
      %lt3A_306 = arith.cmpi slt, %add3A_304, %lt3A_305 : i32
      %convert_element_type3A_307 = arith.extui %lt3A_306 : i1 to i32
      %cond3A_308 = arith.constant 0 : i32
      %cond3A_309 = arith.cmpi ne, %convert_element_type3A_307, %cond3A_308 : i32
      scf.if %cond3A_309 {
        %sub3A = arith.constant 2 : i32
        %sub3A_372 = arith.subi %add3A_280, %sub3A : i32
        %dma_wait3A_373 = arith.constant 3 : i32
        %dma_wait3A_374 = arith.constant 0 : i32
        %dma_wait3A_375 = arith.constant 0 : i32
        %dma_wait3A_376 = tpu.memref_slice %arg9[%dma_wait3A_373, %dma_wait3A_374, %dma_wait3A_375] : memref<4x128x64xf32, #tpu.memory_space<vmem>> -> memref<1x128x64xf32, #tpu.memory_space<vmem>>
        %dma_wait3A_377 = tpu.memref_squeeze %dma_wait3A_376 : memref<1x128x64xf32, #tpu.memory_space<vmem>> -> memref<128x64xf32, #tpu.memory_space<vmem>>
        %dma_wait3A_378 = arith.constant 0 : i32
        %dma_wait3A_379 = tpu.memref_slice %arg8[%sub3A_372, %dma_wait3A_378] : memref<80x128xi32, #tpu.memory_space<vmem>> -> memref<1x128xi32, #tpu.memory_space<vmem>>
        %dma_wait3A_380 = tpu.memref_squeeze %dma_wait3A_379 : memref<1x128xi32, #tpu.memory_space<vmem>> -> memref<128xi32, #tpu.memory_space<vmem>>
        %dma_wait3A_381 = arith.constant 0 : i32
        %dma_wait3A_382 = arith.constant 0 : i32
        %dma_wait3A_383 = tpu.memref_slice %arg10[%dma_wait3A_381, %dma_wait3A_382] : memref<10240x64xf32, #tpu.memory_space<vmem_shared>> -> memref<10240x64xf32, #tpu.memory_space<vmem_shared>>
        tpu.wait_indirect_dma semaphore(%arg18 : memref<!tpu.dma_semaphore, #tpu.memory_space<semaphore_mem>>) src(%dma_wait3A_377 : memref<128x64xf32, #tpu.memory_space<vmem>>) dst(%dma_wait3A_383 : memref<10240x64xf32, #tpu.memory_space<vmem_shared>>)
        %add3A_384 = arith.constant 2 : i32
        %add3A_385 = arith.addi %add3A_280, %add3A_384 : i32
        %dma_start3A_386 = arith.constant 3 : i32
        %dma_start3A_387 = arith.constant 0 : i32
        %dma_start3A_388 = arith.constant 0 : i32
        %dma_start3A_389 = tpu.memref_slice %arg9[%dma_start3A_386, %dma_start3A_387, %dma_start3A_388] : memref<4x128x64xf32, #tpu.memory_space<vmem>> -> memref<1x128x64xf32, #tpu.memory_space<vmem>>
        %dma_start3A_390 = tpu.memref_squeeze %dma_start3A_389 : memref<1x128x64xf32, #tpu.memory_space<vmem>> -> memref<128x64xf32, #tpu.memory_space<vmem>>
        %dma_start3A_391 = arith.constant 0 : i32
        %dma_start3A_392 = tpu.memref_slice %arg7[%add3A_385, %dma_start3A_391] : memref<80x128xi32, #tpu.memory_space<vmem>> -> memref<1x128xi32, #tpu.memory_space<vmem>>
        %dma_start3A_393 = tpu.memref_squeeze %dma_start3A_392 : memref<1x128xi32, #tpu.memory_space<vmem>> -> memref<128xi32, #tpu.memory_space<vmem>>
        %dma_start3A_394 = arith.constant 0 : i32
        %dma_start3A_395 = arith.constant 0 : i32
        %dma_start3A_396 = tpu.memref_slice %arg2[%dma_start3A_394, %dma_start3A_395] : memref<10240x64xf32, #tpu.memory_space<hbm>> -> memref<10240x64xf32, #tpu.memory_space<hbm>>
        tpu.enqueue_indirect_dma source(%dma_start3A_396 : memref<10240x64xf32, #tpu.memory_space<hbm>>) target(%dma_start3A_390 : memref<128x64xf32, #tpu.memory_space<vmem>>) offsets(%dma_start3A_393 : memref<128xi32, #tpu.memory_space<vmem>>) semaphore(%arg14 : memref<!tpu.dma_semaphore, #tpu.memory_space<semaphore_mem>>)
      } else {
      }
      %add3A_310 = arith.constant 2 : i32
      %add3A_311 = arith.addi %add3A_250, %add3A_310 : i32
      %dma_wait3A_312 = arith.constant 2 : i32
      %dma_wait3A_313 = arith.constant 0 : i32
      %dma_wait3A_314 = arith.constant 0 : i32
      %dma_wait3A_315 = tpu.memref_slice %arg9[%dma_wait3A_312, %dma_wait3A_313, %dma_wait3A_314] : memref<4x128x64xf32, #tpu.memory_space<vmem>> -> memref<1x128x64xf32, #tpu.memory_space<vmem>>
      %dma_wait3A_316 = tpu.memref_squeeze %dma_wait3A_315 : memref<1x128x64xf32, #tpu.memory_space<vmem>> -> memref<128x64xf32, #tpu.memory_space<vmem>>
      %dma_wait3A_317 = arith.constant 0 : i32
      %dma_wait3A_318 = tpu.memref_slice %arg7[%add3A_311, %dma_wait3A_317] : memref<80x128xi32, #tpu.memory_space<vmem>> -> memref<1x128xi32, #tpu.memory_space<vmem>>
      %dma_wait3A_319 = tpu.memref_squeeze %dma_wait3A_318 : memref<1x128xi32, #tpu.memory_space<vmem>> -> memref<128xi32, #tpu.memory_space<vmem>>
      %dma_wait3A_320 = arith.constant 0 : i32
      %dma_wait3A_321 = arith.constant 0 : i32
      %dma_wait3A_322 = tpu.memref_slice %arg2[%dma_wait3A_320, %dma_wait3A_321] : memref<10240x64xf32, #tpu.memory_space<hbm>> -> memref<10240x64xf32, #tpu.memory_space<hbm>>
      tpu.wait_indirect_dma semaphore(%arg13 : memref<!tpu.dma_semaphore, #tpu.memory_space<semaphore_mem>>) src(%dma_wait3A_322 : memref<10240x64xf32, #tpu.memory_space<hbm>>) dst(%dma_wait3A_316 : memref<128x64xf32, #tpu.memory_space<vmem>>)
      %dma_start3A_323 = arith.constant 2 : i32
      %dma_start3A_324 = arith.constant 0 : i32
      %dma_start3A_325 = arith.constant 0 : i32
      %dma_start3A_326 = tpu.memref_slice %arg9[%dma_start3A_323, %dma_start3A_324, %dma_start3A_325] : memref<4x128x64xf32, #tpu.memory_space<vmem>> -> memref<1x128x64xf32, #tpu.memory_space<vmem>>
      %dma_start3A_327 = tpu.memref_squeeze %dma_start3A_326 : memref<1x128x64xf32, #tpu.memory_space<vmem>> -> memref<128x64xf32, #tpu.memory_space<vmem>>
      %dma_start3A_328 = arith.constant 0 : i32
      %dma_start3A_329 = tpu.memref_slice %arg8[%add3A_311, %dma_start3A_328] : memref<80x128xi32, #tpu.memory_space<vmem>> -> memref<1x128xi32, #tpu.memory_space<vmem>>
      %dma_start3A_330 = tpu.memref_squeeze %dma_start3A_329 : memref<1x128xi32, #tpu.memory_space<vmem>> -> memref<128xi32, #tpu.memory_space<vmem>>
      %dma_start3A_331 = arith.constant 0 : i32
      %dma_start3A_332 = arith.constant 0 : i32
      %dma_start3A_333 = tpu.memref_slice %arg10[%dma_start3A_331, %dma_start3A_332] : memref<10240x64xf32, #tpu.memory_space<vmem_shared>> -> memref<10240x64xf32, #tpu.memory_space<vmem_shared>>
      tpu.enqueue_indirect_dma source(%dma_start3A_327 : memref<128x64xf32, #tpu.memory_space<vmem>>) target(%dma_start3A_333 : memref<10240x64xf32, #tpu.memory_space<vmem_shared>>) offsets(%dma_start3A_330 : memref<128xi32, #tpu.memory_space<vmem>>) semaphore(%arg17 : memref<!tpu.dma_semaphore, #tpu.memory_space<semaphore_mem>>) {add = true}
      %add3A_334 = arith.constant 2 : i32
      %add3A_335 = arith.addi %add3A_311, %add3A_334 : i32
      %lt3A_336 = arith.constant 80 : i32
      %lt3A_337 = arith.cmpi slt, %add3A_335, %lt3A_336 : i32
      %convert_element_type3A_338 = arith.extui %lt3A_337 : i1 to i32
      %cond3A_339 = arith.constant 0 : i32
      %cond3A_340 = arith.cmpi ne, %convert_element_type3A_338, %cond3A_339 : i32
      scf.if %cond3A_340 {
        %sub3A = arith.constant 2 : i32
        %sub3A_372 = arith.subi %add3A_311, %sub3A : i32
        %dma_wait3A_373 = arith.constant 0 : i32
        %dma_wait3A_374 = arith.constant 0 : i32
        %dma_wait3A_375 = arith.constant 0 : i32
        %dma_wait3A_376 = tpu.memref_slice %arg9[%dma_wait3A_373, %dma_wait3A_374, %dma_wait3A_375] : memref<4x128x64xf32, #tpu.memory_space<vmem>> -> memref<1x128x64xf32, #tpu.memory_space<vmem>>
        %dma_wait3A_377 = tpu.memref_squeeze %dma_wait3A_376 : memref<1x128x64xf32, #tpu.memory_space<vmem>> -> memref<128x64xf32, #tpu.memory_space<vmem>>
        %dma_wait3A_378 = arith.constant 0 : i32
        %dma_wait3A_379 = tpu.memref_slice %arg8[%sub3A_372, %dma_wait3A_378] : memref<80x128xi32, #tpu.memory_space<vmem>> -> memref<1x128xi32, #tpu.memory_space<vmem>>
        %dma_wait3A_380 = tpu.memref_squeeze %dma_wait3A_379 : memref<1x128xi32, #tpu.memory_space<vmem>> -> memref<128xi32, #tpu.memory_space<vmem>>
        %dma_wait3A_381 = arith.constant 0 : i32
        %dma_wait3A_382 = arith.constant 0 : i32
        %dma_wait3A_383 = tpu.memref_slice %arg10[%dma_wait3A_381, %dma_wait3A_382] : memref<10240x64xf32, #tpu.memory_space<vmem_shared>> -> memref<10240x64xf32, #tpu.memory_space<vmem_shared>>
        tpu.wait_indirect_dma semaphore(%arg15 : memref<!tpu.dma_semaphore, #tpu.memory_space<semaphore_mem>>) src(%dma_wait3A_377 : memref<128x64xf32, #tpu.memory_space<vmem>>) dst(%dma_wait3A_383 : memref<10240x64xf32, #tpu.memory_space<vmem_shared>>)
        %add3A_384 = arith.constant 2 : i32
        %add3A_385 = arith.addi %add3A_311, %add3A_384 : i32
        %dma_start3A_386 = arith.constant 0 : i32
        %dma_start3A_387 = arith.constant 0 : i32
        %dma_start3A_388 = arith.constant 0 : i32
        %dma_start3A_389 = tpu.memref_slice %arg9[%dma_start3A_386, %dma_start3A_387, %dma_start3A_388] : memref<4x128x64xf32, #tpu.memory_space<vmem>> -> memref<1x128x64xf32, #tpu.memory_space<vmem>>
        %dma_start3A_390 = tpu.memref_squeeze %dma_start3A_389 : memref<1x128x64xf32, #tpu.memory_space<vmem>> -> memref<128x64xf32, #tpu.memory_space<vmem>>
        %dma_start3A_391 = arith.constant 0 : i32
        %dma_start3A_392 = tpu.memref_slice %arg7[%add3A_385, %dma_start3A_391] : memref<80x128xi32, #tpu.memory_space<vmem>> -> memref<1x128xi32, #tpu.memory_space<vmem>>
        %dma_start3A_393 = tpu.memref_squeeze %dma_start3A_392 : memref<1x128xi32, #tpu.memory_space<vmem>> -> memref<128xi32, #tpu.memory_space<vmem>>
        %dma_start3A_394 = arith.constant 0 : i32
        %dma_start3A_395 = arith.constant 0 : i32
        %dma_start3A_396 = tpu.memref_slice %arg2[%dma_start3A_394, %dma_start3A_395] : memref<10240x64xf32, #tpu.memory_space<hbm>> -> memref<10240x64xf32, #tpu.memory_space<hbm>>
        tpu.enqueue_indirect_dma source(%dma_start3A_396 : memref<10240x64xf32, #tpu.memory_space<hbm>>) target(%dma_start3A_390 : memref<128x64xf32, #tpu.memory_space<vmem>>) offsets(%dma_start3A_393 : memref<128xi32, #tpu.memory_space<vmem>>) semaphore(%arg11 : memref<!tpu.dma_semaphore, #tpu.memory_space<semaphore_mem>>)
      } else {
      }
      %add3A_341 = arith.constant 3 : i32
      %add3A_342 = arith.addi %add3A_250, %add3A_341 : i32
      %dma_wait3A_343 = arith.constant 3 : i32
      %dma_wait3A_344 = arith.constant 0 : i32
      %dma_wait3A_345 = arith.constant 0 : i32
      %dma_wait3A_346 = tpu.memref_slice %arg9[%dma_wait3A_343, %dma_wait3A_344, %dma_wait3A_345] : memref<4x128x64xf32, #tpu.memory_space<vmem>> -> memref<1x128x64xf32, #tpu.memory_space<vmem>>
      %dma_wait3A_347 = tpu.memref_squeeze %dma_wait3A_346 : memref<1x128x64xf32, #tpu.memory_space<vmem>> -> memref<128x64xf32, #tpu.memory_space<vmem>>
      %dma_wait3A_348 = arith.constant 0 : i32
      %dma_wait3A_349 = tpu.memref_slice %arg7[%add3A_342, %dma_wait3A_348] : memref<80x128xi32, #tpu.memory_space<vmem>> -> memref<1x128xi32, #tpu.memory_space<vmem>>
      %dma_wait3A_350 = tpu.memref_squeeze %dma_wait3A_349 : memref<1x128xi32, #tpu.memory_space<vmem>> -> memref<128xi32, #tpu.memory_space<vmem>>
      %dma_wait3A_351 = arith.constant 0 : i32
      %dma_wait3A_352 = arith.constant 0 : i32
      %dma_wait3A_353 = tpu.memref_slice %arg2[%dma_wait3A_351, %dma_wait3A_352] : memref<10240x64xf32, #tpu.memory_space<hbm>> -> memref<10240x64xf32, #tpu.memory_space<hbm>>
      tpu.wait_indirect_dma semaphore(%arg14 : memref<!tpu.dma_semaphore, #tpu.memory_space<semaphore_mem>>) src(%dma_wait3A_353 : memref<10240x64xf32, #tpu.memory_space<hbm>>) dst(%dma_wait3A_347 : memref<128x64xf32, #tpu.memory_space<vmem>>)
      %dma_start3A_354 = arith.constant 3 : i32
      %dma_start3A_355 = arith.constant 0 : i32
      %dma_start3A_356 = arith.constant 0 : i32
      %dma_start3A_357 = tpu.memref_slice %arg9[%dma_start3A_354, %dma_start3A_355, %dma_start3A_356] : memref<4x128x64xf32, #tpu.memory_space<vmem>> -> memref<1x128x64xf32, #tpu.memory_space<vmem>>
      %dma_start3A_358 = tpu.memref_squeeze %dma_start3A_357 : memref<1x128x64xf32, #tpu.memory_space<vmem>> -> memref<128x64xf32, #tpu.memory_space<vmem>>
      %dma_start3A_359 = arith.constant 0 : i32
      %dma_start3A_360 = tpu.memref_slice %arg8[%add3A_342, %dma_start3A_359] : memref<80x128xi32, #tpu.memory_space<vmem>> -> memref<1x128xi32, #tpu.memory_space<vmem>>
      %dma_start3A_361 = tpu.memref_squeeze %dma_start3A_360 : memref<1x128xi32, #tpu.memory_space<vmem>> -> memref<128xi32, #tpu.memory_space<vmem>>
      %dma_start3A_362 = arith.constant 0 : i32
      %dma_start3A_363 = arith.constant 0 : i32
      %dma_start3A_364 = tpu.memref_slice %arg10[%dma_start3A_362, %dma_start3A_363] : memref<10240x64xf32, #tpu.memory_space<vmem_shared>> -> memref<10240x64xf32, #tpu.memory_space<vmem_shared>>
      tpu.enqueue_indirect_dma source(%dma_start3A_358 : memref<128x64xf32, #tpu.memory_space<vmem>>) target(%dma_start3A_364 : memref<10240x64xf32, #tpu.memory_space<vmem_shared>>) offsets(%dma_start3A_361 : memref<128xi32, #tpu.memory_space<vmem>>) semaphore(%arg18 : memref<!tpu.dma_semaphore, #tpu.memory_space<semaphore_mem>>) {add = true}
      %add3A_365 = arith.constant 2 : i32
      %add3A_366 = arith.addi %add3A_342, %add3A_365 : i32
      %lt3A_367 = arith.constant 80 : i32
      %lt3A_368 = arith.cmpi slt, %add3A_366, %lt3A_367 : i32
      %convert_element_type3A_369 = arith.extui %lt3A_368 : i1 to i32
      %cond3A_370 = arith.constant 0 : i32
      %cond3A_371 = arith.cmpi ne, %convert_element_type3A_369, %cond3A_370 : i32
      scf.if %cond3A_371 {
        %sub3A = arith.constant 2 : i32
        %sub3A_372 = arith.subi %add3A_342, %sub3A : i32
        %dma_wait3A_373 = arith.constant 1 : i32
        %dma_wait3A_374 = arith.constant 0 : i32
        %dma_wait3A_375 = arith.constant 0 : i32
        %dma_wait3A_376 = tpu.memref_slice %arg9[%dma_wait3A_373, %dma_wait3A_374, %dma_wait3A_375] : memref<4x128x64xf32, #tpu.memory_space<vmem>> -> memref<1x128x64xf32, #tpu.memory_space<vmem>>
        %dma_wait3A_377 = tpu.memref_squeeze %dma_wait3A_376 : memref<1x128x64xf32, #tpu.memory_space<vmem>> -> memref<128x64xf32, #tpu.memory_space<vmem>>
        %dma_wait3A_378 = arith.constant 0 : i32
        %dma_wait3A_379 = tpu.memref_slice %arg8[%sub3A_372, %dma_wait3A_378] : memref<80x128xi32, #tpu.memory_space<vmem>> -> memref<1x128xi32, #tpu.memory_space<vmem>>
        %dma_wait3A_380 = tpu.memref_squeeze %dma_wait3A_379 : memref<1x128xi32, #tpu.memory_space<vmem>> -> memref<128xi32, #tpu.memory_space<vmem>>
        %dma_wait3A_381 = arith.constant 0 : i32
        %dma_wait3A_382 = arith.constant 0 : i32
        %dma_wait3A_383 = tpu.memref_slice %arg10[%dma_wait3A_381, %dma_wait3A_382] : memref<10240x64xf32, #tpu.memory_space<vmem_shared>> -> memref<10240x64xf32, #tpu.memory_space<vmem_shared>>
        tpu.wait_indirect_dma semaphore(%arg16 : memref<!tpu.dma_semaphore, #tpu.memory_space<semaphore_mem>>) src(%dma_wait3A_377 : memref<128x64xf32, #tpu.memory_space<vmem>>) dst(%dma_wait3A_383 : memref<10240x64xf32, #tpu.memory_space<vmem_shared>>)
        %add3A_384 = arith.constant 2 : i32
        %add3A_385 = arith.addi %add3A_342, %add3A_384 : i32
        %dma_start3A_386 = arith.constant 1 : i32
        %dma_start3A_387 = arith.constant 0 : i32
        %dma_start3A_388 = arith.constant 0 : i32
        %dma_start3A_389 = tpu.memref_slice %arg9[%dma_start3A_386, %dma_start3A_387, %dma_start3A_388] : memref<4x128x64xf32, #tpu.memory_space<vmem>> -> memref<1x128x64xf32, #tpu.memory_space<vmem>>
        %dma_start3A_390 = tpu.memref_squeeze %dma_start3A_389 : memref<1x128x64xf32, #tpu.memory_space<vmem>> -> memref<128x64xf32, #tpu.memory_space<vmem>>
        %dma_start3A_391 = arith.constant 0 : i32
        %dma_start3A_392 = tpu.memref_slice %arg7[%add3A_385, %dma_start3A_391] : memref<80x128xi32, #tpu.memory_space<vmem>> -> memref<1x128xi32, #tpu.memory_space<vmem>>
        %dma_start3A_393 = tpu.memref_squeeze %dma_start3A_392 : memref<1x128xi32, #tpu.memory_space<vmem>> -> memref<128xi32, #tpu.memory_space<vmem>>
        %dma_start3A_394 = arith.constant 0 : i32
        %dma_start3A_395 = arith.constant 0 : i32
        %dma_start3A_396 = tpu.memref_slice %arg2[%dma_start3A_394, %dma_start3A_395] : memref<10240x64xf32, #tpu.memory_space<hbm>> -> memref<10240x64xf32, #tpu.memory_space<hbm>>
        tpu.enqueue_indirect_dma source(%dma_start3A_396 : memref<10240x64xf32, #tpu.memory_space<hbm>>) target(%dma_start3A_390 : memref<128x64xf32, #tpu.memory_space<vmem>>) offsets(%dma_start3A_393 : memref<128xi32, #tpu.memory_space<vmem>>) semaphore(%arg12 : memref<!tpu.dma_semaphore, #tpu.memory_space<semaphore_mem>>)
      } else {
      }
    }
    %scan3A_196 = arith.constant 19 : i32
    %dma_wait3A_197 = arith.constant 0 : i32
    %dma_wait3A_198 = arith.constant 76 : i32
    %dma_wait3A_199 = arith.constant 0 : i32
    %dma_wait3A_200 = arith.constant 0 : i32
    %dma_wait3A_201 = tpu.memref_slice %arg9[%dma_wait3A_197, %dma_wait3A_199, %dma_wait3A_200] : memref<4x128x64xf32, #tpu.memory_space<vmem>> -> memref<1x128x64xf32, #tpu.memory_space<vmem>>
    %dma_wait3A_202 = tpu.memref_squeeze %dma_wait3A_201 : memref<1x128x64xf32, #tpu.memory_space<vmem>> -> memref<128x64xf32, #tpu.memory_space<vmem>>
    %dma_wait3A_203 = arith.constant 0 : i32
    %dma_wait3A_204 = tpu.memref_slice %arg8[%dma_wait3A_198, %dma_wait3A_203] : memref<80x128xi32, #tpu.memory_space<vmem>> -> memref<1x128xi32, #tpu.memory_space<vmem>>
    %dma_wait3A_205 = tpu.memref_squeeze %dma_wait3A_204 : memref<1x128xi32, #tpu.memory_space<vmem>> -> memref<128xi32, #tpu.memory_space<vmem>>
    %dma_wait3A_206 = arith.constant 0 : i32
    %dma_wait3A_207 = arith.constant 0 : i32
    %dma_wait3A_208 = tpu.memref_slice %arg10[%dma_wait3A_206, %dma_wait3A_207] : memref<10240x64xf32, #tpu.memory_space<vmem_shared>> -> memref<10240x64xf32, #tpu.memory_space<vmem_shared>>
    tpu.wait_indirect_dma semaphore(%arg15 : memref<!tpu.dma_semaphore, #tpu.memory_space<semaphore_mem>>) src(%dma_wait3A_202 : memref<128x64xf32, #tpu.memory_space<vmem>>) dst(%dma_wait3A_208 : memref<10240x64xf32, #tpu.memory_space<vmem_shared>>)
    %dma_wait3A_209 = arith.constant 1 : i32
    %dma_wait3A_210 = arith.constant 77 : i32
    %dma_wait3A_211 = arith.constant 0 : i32
    %dma_wait3A_212 = arith.constant 0 : i32
    %dma_wait3A_213 = tpu.memref_slice %arg9[%dma_wait3A_209, %dma_wait3A_211, %dma_wait3A_212] : memref<4x128x64xf32, #tpu.memory_space<vmem>> -> memref<1x128x64xf32, #tpu.memory_space<vmem>>
    %dma_wait3A_214 = tpu.memref_squeeze %dma_wait3A_213 : memref<1x128x64xf32, #tpu.memory_space<vmem>> -> memref<128x64xf32, #tpu.memory_space<vmem>>
    %dma_wait3A_215 = arith.constant 0 : i32
    %dma_wait3A_216 = tpu.memref_slice %arg8[%dma_wait3A_210, %dma_wait3A_215] : memref<80x128xi32, #tpu.memory_space<vmem>> -> memref<1x128xi32, #tpu.memory_space<vmem>>
    %dma_wait3A_217 = tpu.memref_squeeze %dma_wait3A_216 : memref<1x128xi32, #tpu.memory_space<vmem>> -> memref<128xi32, #tpu.memory_space<vmem>>
    %dma_wait3A_218 = arith.constant 0 : i32
    %dma_wait3A_219 = arith.constant 0 : i32
    %dma_wait3A_220 = tpu.memref_slice %arg10[%dma_wait3A_218, %dma_wait3A_219] : memref<10240x64xf32, #tpu.memory_space<vmem_shared>> -> memref<10240x64xf32, #tpu.memory_space<vmem_shared>>
    tpu.wait_indirect_dma semaphore(%arg16 : memref<!tpu.dma_semaphore, #tpu.memory_space<semaphore_mem>>) src(%dma_wait3A_214 : memref<128x64xf32, #tpu.memory_space<vmem>>) dst(%dma_wait3A_220 : memref<10240x64xf32, #tpu.memory_space<vmem_shared>>)
    %dma_wait3A_221 = arith.constant 2 : i32
    %dma_wait3A_222 = arith.constant 78 : i32
    %dma_wait3A_223 = arith.constant 0 : i32
    %dma_wait3A_224 = arith.constant 0 : i32
    %dma_wait3A_225 = tpu.memref_slice %arg9[%dma_wait3A_221, %dma_wait3A_223, %dma_wait3A_224] : memref<4x128x64xf32, #tpu.memory_space<vmem>> -> memref<1x128x64xf32, #tpu.memory_space<vmem>>
    %dma_wait3A_226 = tpu.memref_squeeze %dma_wait3A_225 : memref<1x128x64xf32, #tpu.memory_space<vmem>> -> memref<128x64xf32, #tpu.memory_space<vmem>>
    %dma_wait3A_227 = arith.constant 0 : i32
    %dma_wait3A_228 = tpu.memref_slice %arg8[%dma_wait3A_222, %dma_wait3A_227] : memref<80x128xi32, #tpu.memory_space<vmem>> -> memref<1x128xi32, #tpu.memory_space<vmem>>
    %dma_wait3A_229 = tpu.memref_squeeze %dma_wait3A_228 : memref<1x128xi32, #tpu.memory_space<vmem>> -> memref<128xi32, #tpu.memory_space<vmem>>
    %dma_wait3A_230 = arith.constant 0 : i32
    %dma_wait3A_231 = arith.constant 0 : i32
    %dma_wait3A_232 = tpu.memref_slice %arg10[%dma_wait3A_230, %dma_wait3A_231] : memref<10240x64xf32, #tpu.memory_space<vmem_shared>> -> memref<10240x64xf32, #tpu.memory_space<vmem_shared>>
    tpu.wait_indirect_dma semaphore(%arg17 : memref<!tpu.dma_semaphore, #tpu.memory_space<semaphore_mem>>) src(%dma_wait3A_226 : memref<128x64xf32, #tpu.memory_space<vmem>>) dst(%dma_wait3A_232 : memref<10240x64xf32, #tpu.memory_space<vmem_shared>>)
    %dma_wait3A_233 = arith.constant 3 : i32
    %dma_wait3A_234 = arith.constant 79 : i32
    %dma_wait3A_235 = arith.constant 0 : i32
    %dma_wait3A_236 = arith.constant 0 : i32
    %dma_wait3A_237 = tpu.memref_slice %arg9[%dma_wait3A_233, %dma_wait3A_235, %dma_wait3A_236] : memref<4x128x64xf32, #tpu.memory_space<vmem>> -> memref<1x128x64xf32, #tpu.memory_space<vmem>>
    %dma_wait3A_238 = tpu.memref_squeeze %dma_wait3A_237 : memref<1x128x64xf32, #tpu.memory_space<vmem>> -> memref<128x64xf32, #tpu.memory_space<vmem>>
    %dma_wait3A_239 = arith.constant 0 : i32
    %dma_wait3A_240 = tpu.memref_slice %arg8[%dma_wait3A_234, %dma_wait3A_239] : memref<80x128xi32, #tpu.memory_space<vmem>> -> memref<1x128xi32, #tpu.memory_space<vmem>>
    %dma_wait3A_241 = tpu.memref_squeeze %dma_wait3A_240 : memref<1x128xi32, #tpu.memory_space<vmem>> -> memref<128xi32, #tpu.memory_space<vmem>>
    %dma_wait3A_242 = arith.constant 0 : i32
    %dma_wait3A_243 = arith.constant 0 : i32
    %dma_wait3A_244 = tpu.memref_slice %arg10[%dma_wait3A_242, %dma_wait3A_243] : memref<10240x64xf32, #tpu.memory_space<vmem_shared>> -> memref<10240x64xf32, #tpu.memory_space<vmem_shared>>
    tpu.wait_indirect_dma semaphore(%arg18 : memref<!tpu.dma_semaphore, #tpu.memory_space<semaphore_mem>>) src(%dma_wait3A_238 : memref<128x64xf32, #tpu.memory_space<vmem>>) dst(%dma_wait3A_244 : memref<10240x64xf32, #tpu.memory_space<vmem_shared>>)
    %barrier3A_245 = arith.constant 0 : index
    tpu.barrier barrier_id(%barrier3A_245)
    "tpu.region"() ({
      %run_scoped3A = tpu.sem_alloc : memref<!tpu.dma_semaphore, #tpu.memory_space<semaphore_mem>>
      %dma_start3A_246 = arith.constant 0 : i32
      %dma_start3A_247 = tpu.memref_slice %arg6[%arg0, %mul3A_25, %dma_start3A_246] : memref<2x10240x64xf32, #tpu.memory_space<hbm>> -> memref<1x640x64xf32, #tpu.memory_space<hbm>>
      %dma_start3A_248 = tpu.memref_squeeze %dma_start3A_247 : memref<1x640x64xf32, #tpu.memory_space<hbm>> -> memref<640x64xf32, #tpu.memory_space<hbm>>
      %dma_start3A_249 = arith.constant 0 : i32
      %dma_start3A_250 = tpu.memref_slice %arg10[%mul3A_25, %dma_start3A_249] : memref<10240x64xf32, #tpu.memory_space<vmem_shared>> -> memref<640x64xf32, #tpu.memory_space<vmem_shared>>
      tpu.enqueue_dma source(%dma_start3A_250 : memref<640x64xf32, #tpu.memory_space<vmem_shared>>) target(%dma_start3A_248 : memref<640x64xf32, #tpu.memory_space<hbm>>) target_semaphore(%run_scoped3A : memref<!tpu.dma_semaphore, #tpu.memory_space<semaphore_mem>>)
      %dma_wait3A_251 = arith.constant 0 : i32
      %dma_wait3A_252 = tpu.memref_slice %arg6[%arg0, %mul3A_25, %dma_wait3A_251] : memref<2x10240x64xf32, #tpu.memory_space<hbm>> -> memref<1x640x64xf32, #tpu.memory_space<hbm>>
      %dma_wait3A_253 = tpu.memref_squeeze %dma_wait3A_252 : memref<1x640x64xf32, #tpu.memory_space<hbm>> -> memref<640x64xf32, #tpu.memory_space<hbm>>
      %dma_wait3A_254 = arith.constant 0 : i32
      %dma_wait3A_255 = tpu.memref_slice %arg10[%mul3A_25, %dma_wait3A_254] : memref<10240x64xf32, #tpu.memory_space<vmem_shared>> -> memref<640x64xf32, #tpu.memory_space<vmem_shared>>
      tpu.wait_dma2 semaphore(%run_scoped3A : memref<!tpu.dma_semaphore, #tpu.memory_space<semaphore_mem>>) src(%dma_wait3A_255 : memref<640x64xf32, #tpu.memory_space<vmem_shared>>) dst(%dma_wait3A_253 : memref<640x64xf32, #tpu.memory_space<hbm>>)
      tpu.yield
    }) : () -> ()
    return
  }
}

#map = affine_map<(d0, d1) -> (0, 0)>
#map1 = affine_map<(d0, d1) -> (0, 0, 0)>
module attributes {stable_mosaic.version = 14 : i64} {
  func.func @k(%arg0: i32, %arg1: i32, %arg2: memref<10240x64xf32, #tpu.memory_space<hbm>>, %arg3: memref<32x80x128xi32, #tpu.memory_space<hbm>>, %arg4: memref<32x80x128xi32, #tpu.memory_space<hbm>>, %arg5: memref<10240x64xf32, #tpu.memory_space<hbm>>, %arg6: memref<2x10240x64xf32, #tpu.memory_space<hbm>>, %arg7: memref<80x128xi32, #tpu.memory_space<vmem>>, %arg8: memref<80x128xi32, #tpu.memory_space<vmem>>, %arg9: memref<4x128x64xf32, #tpu.memory_space<vmem>>, %arg10: memref<10240x64xf32, #tpu.memory_space<vmem_shared>>, %arg11: memref<!tpu.dma_semaphore, #tpu.memory_space<semaphore_mem>>, %arg12: memref<!tpu.dma_semaphore, #tpu.memory_space<semaphore_mem>>, %arg13: memref<!tpu.dma_semaphore, #tpu.memory_space<semaphore_mem>>, %arg14: memref<!tpu.dma_semaphore, #tpu.memory_space<semaphore_mem>>, %arg15: memref<!tpu.dma_semaphore, #tpu.memory_space<semaphore_mem>>, %arg16: memref<!tpu.dma_semaphore, #tpu.memory_space<semaphore_mem>>, %arg17: memref<!tpu.dma_semaphore, #tpu.memory_space<semaphore_mem>>, %arg18: memref<!tpu.dma_semaphore, #tpu.memory_space<semaphore_mem>>) attributes {dimension_semantics = [#tpu.dimension_semantics<core_parallel>, #tpu.dimension_semantics<subcore_parallel>], iteration_bounds = array<i64: 2, 16>, scalar_prefetch = 0 : i64, scratch_operands = 12 : i64, tpu.core_type = #tpu.core_type<sc_vector_subcore>, window_params = [{transform_indices = #map}, {transform_indices = #map1}, {transform_indices = #map1}, {transform_indices = #map}, {transform_indices = #map1}]} {
    %mul3A = arith.constant 16 : i32
    %mul3A_0 = arith.muli %arg0, %mul3A : i32
    %add3A = arith.addi %mul3A_0, %arg1 : i32
    "tpu.region"() ({
      %run_scoped3A = tpu.sem_alloc : memref<!tpu.dma_semaphore, #tpu.memory_space<semaphore_mem>>
      %dma_start3A_246 = arith.constant 0 : i32
      %dma_start3A_247 = arith.constant 0 : i32
      %dma_start3A_248 = tpu.memref_slice %arg3[%add3A, %dma_start3A_246, %dma_start3A_247] : memref<32x80x128xi32, #tpu.memory_space<hbm>> -> memref<1x80x128xi32, #tpu.memory_space<hbm>>
      %dma_start3A_249 = tpu.memref_squeeze %dma_start3A_248 : memref<1x80x128xi32, #tpu.memory_space<hbm>> -> memref<80x128xi32, #tpu.memory_space<hbm>>
      %dma_start3A_250 = arith.constant 0 : i32
      %dma_start3A_251 = arith.constant 0 : i32
      %dma_start3A_252 = tpu.memref_slice %arg3[%add3A, %dma_start3A_250, %dma_start3A_251] : memref<32x80x128xi32, #tpu.memory_space<hbm>> -> memref<1x80x128xi32, #tpu.memory_space<hbm>>
      %dma_start3A_253 = tpu.memref_squeeze %dma_start3A_252 : memref<1x80x128xi32, #tpu.memory_space<hbm>> -> memref<80x128xi32, #tpu.memory_space<hbm>>
      tpu.enqueue_dma source(%dma_start3A_253 : memref<80x128xi32, #tpu.memory_space<hbm>>) target(%arg7 : memref<80x128xi32, #tpu.memory_space<vmem>>) target_semaphore(%run_scoped3A : memref<!tpu.dma_semaphore, #tpu.memory_space<semaphore_mem>>)
      %dma_wait3A_254 = arith.constant 0 : i32
      %dma_wait3A_255 = arith.constant 0 : i32
      %dma_wait3A_256 = tpu.memref_slice %arg3[%add3A, %dma_wait3A_254, %dma_wait3A_255] : memref<32x80x128xi32, #tpu.memory_space<hbm>> -> memref<1x80x128xi32, #tpu.memory_space<hbm>>
      %dma_wait3A_257 = tpu.memref_squeeze %dma_wait3A_256 : memref<1x80x128xi32, #tpu.memory_space<hbm>> -> memref<80x128xi32, #tpu.memory_space<hbm>>
      %dma_wait3A_258 = arith.constant 0 : i32
      %dma_wait3A_259 = arith.constant 0 : i32
      %dma_wait3A_260 = tpu.memref_slice %arg3[%add3A, %dma_wait3A_258, %dma_wait3A_259] : memref<32x80x128xi32, #tpu.memory_space<hbm>> -> memref<1x80x128xi32, #tpu.memory_space<hbm>>
      %dma_wait3A_261 = tpu.memref_squeeze %dma_wait3A_260 : memref<1x80x128xi32, #tpu.memory_space<hbm>> -> memref<80x128xi32, #tpu.memory_space<hbm>>
      tpu.wait_dma2 semaphore(%run_scoped3A : memref<!tpu.dma_semaphore, #tpu.memory_space<semaphore_mem>>) src(%dma_wait3A_261 : memref<80x128xi32, #tpu.memory_space<hbm>>) dst(%arg7 : memref<80x128xi32, #tpu.memory_space<vmem>>)
      tpu.yield
    }) : () -> ()
    "tpu.region"() ({
      %run_scoped3A = tpu.sem_alloc : memref<!tpu.dma_semaphore, #tpu.memory_space<semaphore_mem>>
      %dma_start3A_246 = arith.constant 0 : i32
      %dma_start3A_247 = arith.constant 0 : i32
      %dma_start3A_248 = tpu.memref_slice %arg4[%add3A, %dma_start3A_246, %dma_start3A_247] : memref<32x80x128xi32, #tpu.memory_space<hbm>> -> memref<1x80x128xi32, #tpu.memory_space<hbm>>
      %dma_start3A_249 = tpu.memref_squeeze %dma_start3A_248 : memref<1x80x128xi32, #tpu.memory_space<hbm>> -> memref<80x128xi32, #tpu.memory_space<hbm>>
      %dma_start3A_250 = arith.constant 0 : i32
      %dma_start3A_251 = arith.constant 0 : i32
      %dma_start3A_252 = tpu.memref_slice %arg4[%add3A, %dma_start3A_250, %dma_start3A_251] : memref<32x80x128xi32, #tpu.memory_space<hbm>> -> memref<1x80x128xi32, #tpu.memory_space<hbm>>
      %dma_start3A_253 = tpu.memref_squeeze %dma_start3A_252 : memref<1x80x128xi32, #tpu.memory_space<hbm>> -> memref<80x128xi32, #tpu.memory_space<hbm>>
      tpu.enqueue_dma source(%dma_start3A_253 : memref<80x128xi32, #tpu.memory_space<hbm>>) target(%arg8 : memref<80x128xi32, #tpu.memory_space<vmem>>) target_semaphore(%run_scoped3A : memref<!tpu.dma_semaphore, #tpu.memory_space<semaphore_mem>>)
      %dma_wait3A_254 = arith.constant 0 : i32
      %dma_wait3A_255 = arith.constant 0 : i32
      %dma_wait3A_256 = tpu.memref_slice %arg4[%add3A, %dma_wait3A_254, %dma_wait3A_255] : memref<32x80x128xi32, #tpu.memory_space<hbm>> -> memref<1x80x128xi32, #tpu.memory_space<hbm>>
      %dma_wait3A_257 = tpu.memref_squeeze %dma_wait3A_256 : memref<1x80x128xi32, #tpu.memory_space<hbm>> -> memref<80x128xi32, #tpu.memory_space<hbm>>
      %dma_wait3A_258 = arith.constant 0 : i32
      %dma_wait3A_259 = arith.constant 0 : i32
      %dma_wait3A_260 = tpu.memref_slice %arg4[%add3A, %dma_wait3A_258, %dma_wait3A_259] : memref<32x80x128xi32, #tpu.memory_space<hbm>> -> memref<1x80x128xi32, #tpu.memory_space<hbm>>
      %dma_wait3A_261 = tpu.memref_squeeze %dma_wait3A_260 : memref<1x80x128xi32, #tpu.memory_space<hbm>> -> memref<80x128xi32, #tpu.memory_space<hbm>>
      tpu.wait_dma2 semaphore(%run_scoped3A : memref<!tpu.dma_semaphore, #tpu.memory_space<semaphore_mem>>) src(%dma_wait3A_261 : memref<80x128xi32, #tpu.memory_space<hbm>>) dst(%arg8 : memref<80x128xi32, #tpu.memory_space<vmem>>)
      tpu.yield
    }) : () -> ()
    %dma_start3A = arith.constant 0 : i32
    %dma_start3A_1 = arith.constant 0 : i32
    %dma_start3A_2 = arith.constant 0 : i32
    %dma_start3A_3 = arith.constant 0 : i32
    %dma_start3A_4 = tpu.memref_slice %arg9[%dma_start3A_1, %dma_start3A_2, %dma_start3A_3] : memref<4x128x64xf32, #tpu.memory_space<vmem>> -> memref<1x128x64xf32, #tpu.memory_space<vmem>>
    %dma_start3A_5 = tpu.memref_squeeze %dma_start3A_4 : memref<1x128x64xf32, #tpu.memory_space<vmem>> -> memref<128x64xf32, #tpu.memory_space<vmem>>
    %dma_start3A_6 = arith.constant 0 : i32
    %dma_start3A_7 = tpu.memref_slice %arg7[%dma_start3A, %dma_start3A_6] : memref<80x128xi32, #tpu.memory_space<vmem>> -> memref<1x128xi32, #tpu.memory_space<vmem>>
    %dma_start3A_8 = tpu.memref_squeeze %dma_start3A_7 : memref<1x128xi32, #tpu.memory_space<vmem>> -> memref<128xi32, #tpu.memory_space<vmem>>
    %dma_start3A_9 = arith.constant 0 : i32
    %dma_start3A_10 = arith.constant 0 : i32
    %dma_start3A_11 = tpu.memref_slice %arg2[%dma_start3A_9, %dma_start3A_10] : memref<10240x64xf32, #tpu.memory_space<hbm>> -> memref<10240x64xf32, #tpu.memory_space<hbm>>
    tpu.enqueue_indirect_dma source(%dma_start3A_11 : memref<10240x64xf32, #tpu.memory_space<hbm>>) target(%dma_start3A_5 : memref<128x64xf32, #tpu.memory_space<vmem>>) offsets(%dma_start3A_8 : memref<128xi32, #tpu.memory_space<vmem>>) semaphore(%arg11 : memref<!tpu.dma_semaphore, #tpu.memory_space<semaphore_mem>>)
    %dma_start3A_12 = arith.constant 1 : i32
    %dma_start3A_13 = arith.constant 1 : i32
    %dma_start3A_14 = arith.constant 0 : i32
    %dma_start3A_15 = arith.constant 0 : i32
    %dma_start3A_16 = tpu.memref_slice %arg9[%dma_start3A_13, %dma_start3A_14, %dma_start3A_15] : memref<4x128x64xf32, #tpu.memory_space<vmem>> -> memref<1x128x64xf32, #tpu.memory_space<vmem>>
    %dma_start3A_17 = tpu.memref_squeeze %dma_start3A_16 : memref<1x128x64xf32, #tpu.memory_space<vmem>> -> memref<128x64xf32, #tpu.memory_space<vmem>>
    %dma_start3A_18 = arith.constant 0 : i32
    %dma_start3A_19 = tpu.memref_slice %arg7[%dma_start3A_12, %dma_start3A_18] : memref<80x128xi32, #tpu.memory_space<vmem>> -> memref<1x128xi32, #tpu.memory_space<vmem>>
    %dma_start3A_20 = tpu.memref_squeeze %dma_start3A_19 : memref<1x128xi32, #tpu.memory_space<vmem>> -> memref<128xi32, #tpu.memory_space<vmem>>
    %dma_start3A_21 = arith.constant 0 : i32
    %dma_start3A_22 = arith.constant 0 : i32
    %dma_start3A_23 = tpu.memref_slice %arg2[%dma_start3A_21, %dma_start3A_22] : memref<10240x64xf32, #tpu.memory_space<hbm>> -> memref<10240x64xf32, #tpu.memory_space<hbm>>
    tpu.enqueue_indirect_dma source(%dma_start3A_23 : memref<10240x64xf32, #tpu.memory_space<hbm>>) target(%dma_start3A_17 : memref<128x64xf32, #tpu.memory_space<vmem>>) offsets(%dma_start3A_20 : memref<128xi32, #tpu.memory_space<vmem>>) semaphore(%arg12 : memref<!tpu.dma_semaphore, #tpu.memory_space<semaphore_mem>>)
    %mul3A_24 = arith.constant 640 : i32
    %mul3A_25 = arith.muli %arg1, %mul3A_24 : i32
    "tpu.region"() ({
      %run_scoped3A = tpu.sem_alloc : memref<!tpu.dma_semaphore, #tpu.memory_space<semaphore_mem>>
      %dma_start3A_246 = arith.constant 0 : i32
      %dma_start3A_247 = tpu.memref_slice %arg10[%mul3A_25, %dma_start3A_246] : memref<10240x64xf32, #tpu.memory_space<vmem_shared>> -> memref<640x64xf32, #tpu.memory_space<vmem_shared>>
      %dma_start3A_248 = arith.constant 0 : i32
      %dma_start3A_249 = tpu.memref_slice %arg5[%mul3A_25, %dma_start3A_248] : memref<10240x64xf32, #tpu.memory_space<hbm>> -> memref<640x64xf32, #tpu.memory_space<hbm>>
      tpu.enqueue_dma source(%dma_start3A_249 : memref<640x64xf32, #tpu.memory_space<hbm>>) target(%dma_start3A_247 : memref<640x64xf32, #tpu.memory_space<vmem_shared>>) target_semaphore(%run_scoped3A : memref<!tpu.dma_semaphore, #tpu.memory_space<semaphore_mem>>)
      %dma_wait3A_250 = arith.constant 0 : i32
      %dma_wait3A_251 = tpu.memref_slice %arg10[%mul3A_25, %dma_wait3A_250] : memref<10240x64xf32, #tpu.memory_space<vmem_shared>> -> memref<640x64xf32, #tpu.memory_space<vmem_shared>>
      %dma_wait3A_252 = arith.constant 0 : i32
      %dma_wait3A_253 = tpu.memref_slice %arg5[%mul3A_25, %dma_wait3A_252] : memref<10240x64xf32, #tpu.memory_space<hbm>> -> memref<640x64xf32, #tpu.memory_space<hbm>>
      tpu.wait_dma2 semaphore(%run_scoped3A : memref<!tpu.dma_semaphore, #tpu.memory_space<semaphore_mem>>) src(%dma_wait3A_253 : memref<640x64xf32, #tpu.memory_space<hbm>>) dst(%dma_wait3A_251 : memref<640x64xf32, #tpu.memory_space<vmem_shared>>)
      tpu.yield
    }) : () -> ()
    %barrier3A = arith.constant 0 : index
    tpu.barrier barrier_id(%barrier3A)
    %dma_wait3A = arith.constant 0 : i32
    %dma_wait3A_26 = arith.constant 0 : i32
    %dma_wait3A_27 = arith.constant 0 : i32
    %dma_wait3A_28 = arith.constant 0 : i32
    %dma_wait3A_29 = tpu.memref_slice %arg9[%dma_wait3A_26, %dma_wait3A_27, %dma_wait3A_28] : memref<4x128x64xf32, #tpu.memory_space<vmem>> -> memref<1x128x64xf32, #tpu.memory_space<vmem>>
    %dma_wait3A_30 = tpu.memref_squeeze %dma_wait3A_29 : memref<1x128x64xf32, #tpu.memory_space<vmem>> -> memref<128x64xf32, #tpu.memory_space<vmem>>
    %dma_wait3A_31 = arith.constant 0 : i32
    %dma_wait3A_32 = tpu.memref_slice %arg7[%dma_wait3A, %dma_wait3A_31] : memref<80x128xi32, #tpu.memory_space<vmem>> -> memref<1x128xi32, #tpu.memory_space<vmem>>
    %dma_wait3A_33 = tpu.memref_squeeze %dma_wait3A_32 : memref<1x128xi32, #tpu.memory_space<vmem>> -> memref<128xi32, #tpu.memory_space<vmem>>
    %dma_wait3A_34 = arith.constant 0 : i32
    %dma_wait3A_35 = arith.constant 0 : i32
    %dma_wait3A_36 = tpu.memref_slice %arg2[%dma_wait3A_34, %dma_wait3A_35] : memref<10240x64xf32, #tpu.memory_space<hbm>> -> memref<10240x64xf32, #tpu.memory_space<hbm>>
    tpu.wait_indirect_dma semaphore(%arg11 : memref<!tpu.dma_semaphore, #tpu.memory_space<semaphore_mem>>) src(%dma_wait3A_36 : memref<10240x64xf32, #tpu.memory_space<hbm>>) dst(%dma_wait3A_30 : memref<128x64xf32, #tpu.memory_space<vmem>>)
    %dma_start3A_37 = arith.constant 0 : i32
    %dma_start3A_38 = arith.constant 0 : i32
    %dma_start3A_39 = arith.constant 0 : i32
    %dma_start3A_40 = arith.constant 0 : i32
    %dma_start3A_41 = tpu.memref_slice %arg9[%dma_start3A_37, %dma_start3A_39, %dma_start3A_40] : memref<4x128x64xf32, #tpu.memory_space<vmem>> -> memref<1x128x64xf32, #tpu.memory_space<vmem>>
    %dma_start3A_42 = tpu.memref_squeeze %dma_start3A_41 : memref<1x128x64xf32, #tpu.memory_space<vmem>> -> memref<128x64xf32, #tpu.memory_space<vmem>>
    %dma_start3A_43 = arith.constant 0 : i32
    %dma_start3A_44 = tpu.memref_slice %arg8[%dma_start3A_38, %dma_start3A_43] : memref<80x128xi32, #tpu.memory_space<vmem>> -> memref<1x128xi32, #tpu.memory_space<vmem>>
    %dma_start3A_45 = tpu.memref_squeeze %dma_start3A_44 : memref<1x128xi32, #tpu.memory_space<vmem>> -> memref<128xi32, #tpu.memory_space<vmem>>
    %dma_start3A_46 = arith.constant 0 : i32
    %dma_start3A_47 = arith.constant 0 : i32
    %dma_start3A_48 = tpu.memref_slice %arg10[%dma_start3A_46, %dma_start3A_47] : memref<10240x64xf32, #tpu.memory_space<vmem_shared>> -> memref<10240x64xf32, #tpu.memory_space<vmem_shared>>
    tpu.enqueue_indirect_dma source(%dma_start3A_42 : memref<128x64xf32, #tpu.memory_space<vmem>>) target(%dma_start3A_48 : memref<10240x64xf32, #tpu.memory_space<vmem_shared>>) offsets(%dma_start3A_45 : memref<128xi32, #tpu.memory_space<vmem>>) semaphore(%arg15 : memref<!tpu.dma_semaphore, #tpu.memory_space<semaphore_mem>>) {add = true}
    %dma_start3A_49 = arith.constant 2 : i32
    %dma_start3A_50 = arith.constant 2 : i32
    %dma_start3A_51 = arith.constant 0 : i32
    %dma_start3A_52 = arith.constant 0 : i32
    %dma_start3A_53 = tpu.memref_slice %arg9[%dma_start3A_50, %dma_start3A_51, %dma_start3A_52] : memref<4x128x64xf32, #tpu.memory_space<vmem>> -> memref<1x128x64xf32, #tpu.memory_space<vmem>>
    %dma_start3A_54 = tpu.memref_squeeze %dma_start3A_53 : memref<1x128x64xf32, #tpu.memory_space<vmem>> -> memref<128x64xf32, #tpu.memory_space<vmem>>
    %dma_start3A_55 = arith.constant 0 : i32
    %dma_start3A_56 = tpu.memref_slice %arg7[%dma_start3A_49, %dma_start3A_55] : memref<80x128xi32, #tpu.memory_space<vmem>> -> memref<1x128xi32, #tpu.memory_space<vmem>>
    %dma_start3A_57 = tpu.memref_squeeze %dma_start3A_56 : memref<1x128xi32, #tpu.memory_space<vmem>> -> memref<128xi32, #tpu.memory_space<vmem>>
    %dma_start3A_58 = arith.constant 0 : i32
    %dma_start3A_59 = arith.constant 0 : i32
    %dma_start3A_60 = tpu.memref_slice %arg2[%dma_start3A_58, %dma_start3A_59] : memref<10240x64xf32, #tpu.memory_space<hbm>> -> memref<10240x64xf32, #tpu.memory_space<hbm>>
    tpu.enqueue_indirect_dma source(%dma_start3A_60 : memref<10240x64xf32, #tpu.memory_space<hbm>>) target(%dma_start3A_54 : memref<128x64xf32, #tpu.memory_space<vmem>>) offsets(%dma_start3A_57 : memref<128xi32, #tpu.memory_space<vmem>>) semaphore(%arg13 : memref<!tpu.dma_semaphore, #tpu.memory_space<semaphore_mem>>)
    %dma_wait3A_61 = arith.constant 1 : i32
    %dma_wait3A_62 = arith.constant 1 : i32
    %dma_wait3A_63 = arith.constant 0 : i32
    %dma_wait3A_64 = arith.constant 0 : i32
    %dma_wait3A_65 = tpu.memref_slice %arg9[%dma_wait3A_62, %dma_wait3A_63, %dma_wait3A_64] : memref<4x128x64xf32, #tpu.memory_space<vmem>> -> memref<1x128x64xf32, #tpu.memory_space<vmem>>
    %dma_wait3A_66 = tpu.memref_squeeze %dma_wait3A_65 : memref<1x128x64xf32, #tpu.memory_space<vmem>> -> memref<128x64xf32, #tpu.memory_space<vmem>>
    %dma_wait3A_67 = arith.constant 0 : i32
    %dma_wait3A_68 = tpu.memref_slice %arg7[%dma_wait3A_61, %dma_wait3A_67] : memref<80x128xi32, #tpu.memory_space<vmem>> -> memref<1x128xi32, #tpu.memory_space<vmem>>
    %dma_wait3A_69 = tpu.memref_squeeze %dma_wait3A_68 : memref<1x128xi32, #tpu.memory_space<vmem>> -> memref<128xi32, #tpu.memory_space<vmem>>
    %dma_wait3A_70 = arith.constant 0 : i32
    %dma_wait3A_71 = arith.constant 0 : i32
    %dma_wait3A_72 = tpu.memref_slice %arg2[%dma_wait3A_70, %dma_wait3A_71] : memref<10240x64xf32, #tpu.memory_space<hbm>> -> memref<10240x64xf32, #tpu.memory_space<hbm>>
    tpu.wait_indirect_dma semaphore(%arg12 : memref<!tpu.dma_semaphore, #tpu.memory_space<semaphore_mem>>) src(%dma_wait3A_72 : memref<10240x64xf32, #tpu.memory_space<hbm>>) dst(%dma_wait3A_66 : memref<128x64xf32, #tpu.memory_space<vmem>>)
    %dma_start3A_73 = arith.constant 1 : i32
    %dma_start3A_74 = arith.constant 1 : i32
    %dma_start3A_75 = arith.constant 0 : i32
    %dma_start3A_76 = arith.constant 0 : i32
    %dma_start3A_77 = tpu.memref_slice %arg9[%dma_start3A_73, %dma_start3A_75, %dma_start3A_76] : memref<4x128x64xf32, #tpu.memory_space<vmem>> -> memref<1x128x64xf32, #tpu.memory_space<vmem>>
    %dma_start3A_78 = tpu.memref_squeeze %dma_start3A_77 : memref<1x128x64xf32, #tpu.memory_space<vmem>> -> memref<128x64xf32, #tpu.memory_space<vmem>>
    %dma_start3A_79 = arith.constant 0 : i32
    %dma_start3A_80 = tpu.memref_slice %arg8[%dma_start3A_74, %dma_start3A_79] : memref<80x128xi32, #tpu.memory_space<vmem>> -> memref<1x128xi32, #tpu.memory_space<vmem>>
    %dma_start3A_81 = tpu.memref_squeeze %dma_start3A_80 : memref<1x128xi32, #tpu.memory_space<vmem>> -> memref<128xi32, #tpu.memory_space<vmem>>
    %dma_start3A_82 = arith.constant 0 : i32
    %dma_start3A_83 = arith.constant 0 : i32
    %dma_start3A_84 = tpu.memref_slice %arg10[%dma_start3A_82, %dma_start3A_83] : memref<10240x64xf32, #tpu.memory_space<vmem_shared>> -> memref<10240x64xf32, #tpu.memory_space<vmem_shared>>
    tpu.enqueue_indirect_dma source(%dma_start3A_78 : memref<128x64xf32, #tpu.memory_space<vmem>>) target(%dma_start3A_84 : memref<10240x64xf32, #tpu.memory_space<vmem_shared>>) offsets(%dma_start3A_81 : memref<128xi32, #tpu.memory_space<vmem>>) semaphore(%arg16 : memref<!tpu.dma_semaphore, #tpu.memory_space<semaphore_mem>>) {add = true}
    %dma_start3A_85 = arith.constant 3 : i32
    %dma_start3A_86 = arith.constant 3 : i32
    %dma_start3A_87 = arith.constant 0 : i32
    %dma_start3A_88 = arith.constant 0 : i32
    %dma_start3A_89 = tpu.memref_slice %arg9[%dma_start3A_86, %dma_start3A_87, %dma_start3A_88] : memref<4x128x64xf32, #tpu.memory_space<vmem>> -> memref<1x128x64xf32, #tpu.memory_space<vmem>>
    %dma_start3A_90 = tpu.memref_squeeze %dma_start3A_89 : memref<1x128x64xf32, #tpu.memory_space<vmem>> -> memref<128x64xf32, #tpu.memory_space<vmem>>
    %dma_start3A_91 = arith.constant 0 : i32
    %dma_start3A_92 = tpu.memref_slice %arg7[%dma_start3A_85, %dma_start3A_91] : memref<80x128xi32, #tpu.memory_space<vmem>> -> memref<1x128xi32, #tpu.memory_space<vmem>>
    %dma_start3A_93 = tpu.memref_squeeze %dma_start3A_92 : memref<1x128xi32, #tpu.memory_space<vmem>> -> memref<128xi32, #tpu.memory_space<vmem>>
    %dma_start3A_94 = arith.constant 0 : i32
    %dma_start3A_95 = arith.constant 0 : i32
    %dma_start3A_96 = tpu.memref_slice %arg2[%dma_start3A_94, %dma_start3A_95] : memref<10240x64xf32, #tpu.memory_space<hbm>> -> memref<10240x64xf32, #tpu.memory_space<hbm>>
    tpu.enqueue_indirect_dma source(%dma_start3A_96 : memref<10240x64xf32, #tpu.memory_space<hbm>>) target(%dma_start3A_90 : memref<128x64xf32, #tpu.memory_space<vmem>>) offsets(%dma_start3A_93 : memref<128xi32, #tpu.memory_space<vmem>>) semaphore(%arg14 : memref<!tpu.dma_semaphore, #tpu.memory_space<semaphore_mem>>)
    %dma_wait3A_97 = arith.constant 2 : i32
    %dma_wait3A_98 = arith.constant 2 : i32
    %dma_wait3A_99 = arith.constant 0 : i32
    %dma_wait3A_100 = arith.constant 0 : i32
    %dma_wait3A_101 = tpu.memref_slice %arg9[%dma_wait3A_98, %dma_wait3A_99, %dma_wait3A_100] : memref<4x128x64xf32, #tpu.memory_space<vmem>> -> memref<1x128x64xf32, #tpu.memory_space<vmem>>
    %dma_wait3A_102 = tpu.memref_squeeze %dma_wait3A_101 : memref<1x128x64xf32, #tpu.memory_space<vmem>> -> memref<128x64xf32, #tpu.memory_space<vmem>>
    %dma_wait3A_103 = arith.constant 0 : i32
    %dma_wait3A_104 = tpu.memref_slice %arg7[%dma_wait3A_97, %dma_wait3A_103] : memref<80x128xi32, #tpu.memory_space<vmem>> -> memref<1x128xi32, #tpu.memory_space<vmem>>
    %dma_wait3A_105 = tpu.memref_squeeze %dma_wait3A_104 : memref<1x128xi32, #tpu.memory_space<vmem>> -> memref<128xi32, #tpu.memory_space<vmem>>
    %dma_wait3A_106 = arith.constant 0 : i32
    %dma_wait3A_107 = arith.constant 0 : i32
    %dma_wait3A_108 = tpu.memref_slice %arg2[%dma_wait3A_106, %dma_wait3A_107] : memref<10240x64xf32, #tpu.memory_space<hbm>> -> memref<10240x64xf32, #tpu.memory_space<hbm>>
    tpu.wait_indirect_dma semaphore(%arg13 : memref<!tpu.dma_semaphore, #tpu.memory_space<semaphore_mem>>) src(%dma_wait3A_108 : memref<10240x64xf32, #tpu.memory_space<hbm>>) dst(%dma_wait3A_102 : memref<128x64xf32, #tpu.memory_space<vmem>>)
    %dma_start3A_109 = arith.constant 2 : i32
    %dma_start3A_110 = arith.constant 2 : i32
    %dma_start3A_111 = arith.constant 0 : i32
    %dma_start3A_112 = arith.constant 0 : i32
    %dma_start3A_113 = tpu.memref_slice %arg9[%dma_start3A_109, %dma_start3A_111, %dma_start3A_112] : memref<4x128x64xf32, #tpu.memory_space<vmem>> -> memref<1x128x64xf32, #tpu.memory_space<vmem>>
    %dma_start3A_114 = tpu.memref_squeeze %dma_start3A_113 : memref<1x128x64xf32, #tpu.memory_space<vmem>> -> memref<128x64xf32, #tpu.memory_space<vmem>>
    %dma_start3A_115 = arith.constant 0 : i32
    %dma_start3A_116 = tpu.memref_slice %arg8[%dma_start3A_110, %dma_start3A_115] : memref<80x128xi32, #tpu.memory_space<vmem>> -> memref<1x128xi32, #tpu.memory_space<vmem>>
    %dma_start3A_117 = tpu.memref_squeeze %dma_start3A_116 : memref<1x128xi32, #tpu.memory_space<vmem>> -> memref<128xi32, #tpu.memory_space<vmem>>
    %dma_start3A_118 = arith.constant 0 : i32
    %dma_start3A_119 = arith.constant 0 : i32
    %dma_start3A_120 = tpu.memref_slice %arg10[%dma_start3A_118, %dma_start3A_119] : memref<10240x64xf32, #tpu.memory_space<vmem_shared>> -> memref<10240x64xf32, #tpu.memory_space<vmem_shared>>
    tpu.enqueue_indirect_dma source(%dma_start3A_114 : memref<128x64xf32, #tpu.memory_space<vmem>>) target(%dma_start3A_120 : memref<10240x64xf32, #tpu.memory_space<vmem_shared>>) offsets(%dma_start3A_117 : memref<128xi32, #tpu.memory_space<vmem>>) semaphore(%arg17 : memref<!tpu.dma_semaphore, #tpu.memory_space<semaphore_mem>>) {add = true}
    %dma_wait3A_121 = arith.constant 0 : i32
    %dma_wait3A_122 = arith.constant 0 : i32
    %dma_wait3A_123 = arith.constant 0 : i32
    %dma_wait3A_124 = arith.constant 0 : i32
    %dma_wait3A_125 = tpu.memref_slice %arg9[%dma_wait3A_121, %dma_wait3A_123, %dma_wait3A_124] : memref<4x128x64xf32, #tpu.memory_space<vmem>> -> memref<1x128x64xf32, #tpu.memory_space<vmem>>
    %dma_wait3A_126 = tpu.memref_squeeze %dma_wait3A_125 : memref<1x128x64xf32, #tpu.memory_space<vmem>> -> memref<128x64xf32, #tpu.memory_space<vmem>>
    %dma_wait3A_127 = arith.constant 0 : i32
    %dma_wait3A_128 = tpu.memref_slice %arg8[%dma_wait3A_122, %dma_wait3A_127] : memref<80x128xi32, #tpu.memory_space<vmem>> -> memref<1x128xi32, #tpu.memory_space<vmem>>
    %dma_wait3A_129 = tpu.memref_squeeze %dma_wait3A_128 : memref<1x128xi32, #tpu.memory_space<vmem>> -> memref<128xi32, #tpu.memory_space<vmem>>
    %dma_wait3A_130 = arith.constant 0 : i32
    %dma_wait3A_131 = arith.constant 0 : i32
    %dma_wait3A_132 = tpu.memref_slice %arg10[%dma_wait3A_130, %dma_wait3A_131] : memref<10240x64xf32, #tpu.memory_space<vmem_shared>> -> memref<10240x64xf32, #tpu.memory_space<vmem_shared>>
    tpu.wait_indirect_dma semaphore(%arg15 : memref<!tpu.dma_semaphore, #tpu.memory_space<semaphore_mem>>) src(%dma_wait3A_126 : memref<128x64xf32, #tpu.memory_space<vmem>>) dst(%dma_wait3A_132 : memref<10240x64xf32, #tpu.memory_space<vmem_shared>>)
    %dma_start3A_133 = arith.constant 4 : i32
    %dma_start3A_134 = arith.constant 0 : i32
    %dma_start3A_135 = arith.constant 0 : i32
    %dma_start3A_136 = arith.constant 0 : i32
    %dma_start3A_137 = tpu.memref_slice %arg9[%dma_start3A_134, %dma_start3A_135, %dma_start3A_136] : memref<4x128x64xf32, #tpu.memory_space<vmem>> -> memref<1x128x64xf32, #tpu.memory_space<vmem>>
    %dma_start3A_138 = tpu.memref_squeeze %dma_start3A_137 : memref<1x128x64xf32, #tpu.memory_space<vmem>> -> memref<128x64xf32, #tpu.memory_space<vmem>>
    %dma_start3A_139 = arith.constant 0 : i32
    %dma_start3A_140 = tpu.memref_slice %arg7[%dma_start3A_133, %dma_start3A_139] : memref<80x128xi32, #tpu.memory_space<vmem>> -> memref<1x128xi32, #tpu.memory_space<vmem>>
    %dma_start3A_141 = tpu.memref_squeeze %dma_start3A_140 : memref<1x128xi32, #tpu.memory_space<vmem>> -> memref<128xi32, #tpu.memory_space<vmem>>
    %dma_start3A_142 = arith.constant 0 : i32
    %dma_start3A_143 = arith.constant 0 : i32
    %dma_start3A_144 = tpu.memref_slice %arg2[%dma_start3A_142, %dma_start3A_143] : memref<10240x64xf32, #tpu.memory_space<hbm>> -> memref<10240x64xf32, #tpu.memory_space<hbm>>
    tpu.enqueue_indirect_dma source(%dma_start3A_144 : memref<10240x64xf32, #tpu.memory_space<hbm>>) target(%dma_start3A_138 : memref<128x64xf32, #tpu.memory_space<vmem>>) offsets(%dma_start3A_141 : memref<128xi32, #tpu.memory_space<vmem>>) semaphore(%arg11 : memref<!tpu.dma_semaphore, #tpu.memory_space<semaphore_mem>>)
    %dma_wait3A_145 = arith.constant 3 : i32
    %dma_wait3A_146 = arith.constant 3 : i32
    %dma_wait3A_147 = arith.constant 0 : i32
    %dma_wait3A_148 = arith.constant 0 : i32
    %dma_wait3A_149 = tpu.memref_slice %arg9[%dma_wait3A_146, %dma_wait3A_147, %dma_wait3A_148] : memref<4x128x64xf32, #tpu.memory_space<vmem>> -> memref<1x128x64xf32, #tpu.memory_space<vmem>>
    %dma_wait3A_150 = tpu.memref_squeeze %dma_wait3A_149 : memref<1x128x64xf32, #tpu.memory_space<vmem>> -> memref<128x64xf32, #tpu.memory_space<vmem>>
    %dma_wait3A_151 = arith.constant 0 : i32
    %dma_wait3A_152 = tpu.memref_slice %arg7[%dma_wait3A_145, %dma_wait3A_151] : memref<80x128xi32, #tpu.memory_space<vmem>> -> memref<1x128xi32, #tpu.memory_space<vmem>>
    %dma_wait3A_153 = tpu.memref_squeeze %dma_wait3A_152 : memref<1x128xi32, #tpu.memory_space<vmem>> -> memref<128xi32, #tpu.memory_space<vmem>>
    %dma_wait3A_154 = arith.constant 0 : i32
    %dma_wait3A_155 = arith.constant 0 : i32
    %dma_wait3A_156 = tpu.memref_slice %arg2[%dma_wait3A_154, %dma_wait3A_155] : memref<10240x64xf32, #tpu.memory_space<hbm>> -> memref<10240x64xf32, #tpu.memory_space<hbm>>
    tpu.wait_indirect_dma semaphore(%arg14 : memref<!tpu.dma_semaphore, #tpu.memory_space<semaphore_mem>>) src(%dma_wait3A_156 : memref<10240x64xf32, #tpu.memory_space<hbm>>) dst(%dma_wait3A_150 : memref<128x64xf32, #tpu.memory_space<vmem>>)
    %dma_start3A_157 = arith.constant 3 : i32
    %dma_start3A_158 = arith.constant 3 : i32
    %dma_start3A_159 = arith.constant 0 : i32
    %dma_start3A_160 = arith.constant 0 : i32
    %dma_start3A_161 = tpu.memref_slice %arg9[%dma_start3A_157, %dma_start3A_159, %dma_start3A_160] : memref<4x128x64xf32, #tpu.memory_space<vmem>> -> memref<1x128x64xf32, #tpu.memory_space<vmem>>
    %dma_start3A_162 = tpu.memref_squeeze %dma_start3A_161 : memref<1x128x64xf32, #tpu.memory_space<vmem>> -> memref<128x64xf32, #tpu.memory_space<vmem>>
    %dma_start3A_163 = arith.constant 0 : i32
    %dma_start3A_164 = tpu.memref_slice %arg8[%dma_start3A_158, %dma_start3A_163] : memref<80x128xi32, #tpu.memory_space<vmem>> -> memref<1x128xi32, #tpu.memory_space<vmem>>
    %dma_start3A_165 = tpu.memref_squeeze %dma_start3A_164 : memref<1x128xi32, #tpu.memory_space<vmem>> -> memref<128xi32, #tpu.memory_space<vmem>>
    %dma_start3A_166 = arith.constant 0 : i32
    %dma_start3A_167 = arith.constant 0 : i32
    %dma_start3A_168 = tpu.memref_slice %arg10[%dma_start3A_166, %dma_start3A_167] : memref<10240x64xf32, #tpu.memory_space<vmem_shared>> -> memref<10240x64xf32, #tpu.memory_space<vmem_shared>>
    tpu.enqueue_indirect_dma source(%dma_start3A_162 : memref<128x64xf32, #tpu.memory_space<vmem>>) target(%dma_start3A_168 : memref<10240x64xf32, #tpu.memory_space<vmem_shared>>) offsets(%dma_start3A_165 : memref<128xi32, #tpu.memory_space<vmem>>) semaphore(%arg18 : memref<!tpu.dma_semaphore, #tpu.memory_space<semaphore_mem>>) {add = true}
    %dma_wait3A_169 = arith.constant 1 : i32
    %dma_wait3A_170 = arith.constant 1 : i32
    %dma_wait3A_171 = arith.constant 0 : i32
    %dma_wait3A_172 = arith.constant 0 : i32
    %dma_wait3A_173 = tpu.memref_slice %arg9[%dma_wait3A_169, %dma_wait3A_171, %dma_wait3A_172] : memref<4x128x64xf32, #tpu.memory_space<vmem>> -> memref<1x128x64xf32, #tpu.memory_space<vmem>>
    %dma_wait3A_174 = tpu.memref_squeeze %dma_wait3A_173 : memref<1x128x64xf32, #tpu.memory_space<vmem>> -> memref<128x64xf32, #tpu.memory_space<vmem>>
    %dma_wait3A_175 = arith.constant 0 : i32
    %dma_wait3A_176 = tpu.memref_slice %arg8[%dma_wait3A_170, %dma_wait3A_175] : memref<80x128xi32, #tpu.memory_space<vmem>> -> memref<1x128xi32, #tpu.memory_space<vmem>>
    %dma_wait3A_177 = tpu.memref_squeeze %dma_wait3A_176 : memref<1x128xi32, #tpu.memory_space<vmem>> -> memref<128xi32, #tpu.memory_space<vmem>>
    %dma_wait3A_178 = arith.constant 0 : i32
    %dma_wait3A_179 = arith.constant 0 : i32
    %dma_wait3A_180 = tpu.memref_slice %arg10[%dma_wait3A_178, %dma_wait3A_179] : memref<10240x64xf32, #tpu.memory_space<vmem_shared>> -> memref<10240x64xf32, #tpu.memory_space<vmem_shared>>
    tpu.wait_indirect_dma semaphore(%arg16 : memref<!tpu.dma_semaphore, #tpu.memory_space<semaphore_mem>>) src(%dma_wait3A_174 : memref<128x64xf32, #tpu.memory_space<vmem>>) dst(%dma_wait3A_180 : memref<10240x64xf32, #tpu.memory_space<vmem_shared>>)
    %dma_start3A_181 = arith.constant 5 : i32
    %dma_start3A_182 = arith.constant 1 : i32
    %dma_start3A_183 = arith.constant 0 : i32
    %dma_start3A_184 = arith.constant 0 : i32
    %dma_start3A_185 = tpu.memref_slice %arg9[%dma_start3A_182, %dma_start3A_183, %dma_start3A_184] : memref<4x128x64xf32, #tpu.memory_space<vmem>> -> memref<1x128x64xf32, #tpu.memory_space<vmem>>
    %dma_start3A_186 = tpu.memref_squeeze %dma_start3A_185 : memref<1x128x64xf32, #tpu.memory_space<vmem>> -> memref<128x64xf32, #tpu.memory_space<vmem>>
    %dma_start3A_187 = arith.constant 0 : i32
    %dma_start3A_188 = tpu.memref_slice %arg7[%dma_start3A_181, %dma_start3A_187] : memref<80x128xi32, #tpu.memory_space<vmem>> -> memref<1x128xi32, #tpu.memory_space<vmem>>
    %dma_start3A_189 = tpu.memref_squeeze %dma_start3A_188 : memref<1x128xi32, #tpu.memory_space<vmem>> -> memref<128xi32, #tpu.memory_space<vmem>>
    %dma_start3A_190 = arith.constant 0 : i32
    %dma_start3A_191 = arith.constant 0 : i32
    %dma_start3A_192 = tpu.memref_slice %arg2[%dma_start3A_190, %dma_start3A_191] : memref<10240x64xf32, #tpu.memory_space<hbm>> -> memref<10240x64xf32, #tpu.memory_space<hbm>>
    tpu.enqueue_indirect_dma source(%dma_start3A_192 : memref<10240x64xf32, #tpu.memory_space<hbm>>) target(%dma_start3A_186 : memref<128x64xf32, #tpu.memory_space<vmem>>) offsets(%dma_start3A_189 : memref<128xi32, #tpu.memory_space<vmem>>) semaphore(%arg12 : memref<!tpu.dma_semaphore, #tpu.memory_space<semaphore_mem>>)
    %scan3A = arith.constant 0 : i32
    %scan3A_193 = arith.constant 19 : i32
    %scan3A_194 = arith.addi %scan3A, %scan3A_193 : i32
    %scan3A_195 = arith.constant 1 : i32
    scf.for %scan3A_246 = %scan3A to %scan3A_194 step %scan3A_195  : i32 {
      %mul3A_247 = arith.constant 4 : i32
      %mul3A_248 = arith.muli %scan3A_246, %mul3A_247 : i32
      %add3A_249 = arith.constant 4 : i32
      %add3A_250 = arith.addi %add3A_249, %mul3A_248 : i32
      %add3A_251 = arith.constant 0 : i32
      %add3A_252 = arith.addi %add3A_250, %add3A_251 : i32
      %dma_wait3A_253 = arith.constant 0 : i32
      %dma_wait3A_254 = arith.constant 0 : i32
      %dma_wait3A_255 = arith.constant 0 : i32
      %dma_wait3A_256 = tpu.memref_slice %arg9[%dma_wait3A_253, %dma_wait3A_254, %dma_wait3A_255] : memref<4x128x64xf32, #tpu.memory_space<vmem>> -> memref<1x128x64xf32, #tpu.memory_space<vmem>>
      %dma_wait3A_257 = tpu.memref_squeeze %dma_wait3A_256 : memref<1x128x64xf32, #tpu.memory_space<vmem>> -> memref<128x64xf32, #tpu.memory_space<vmem>>
      %dma_wait3A_258 = arith.constant 0 : i32
      %dma_wait3A_259 = tpu.memref_slice %arg7[%add3A_252, %dma_wait3A_258] : memref<80x128xi32, #tpu.memory_space<vmem>> -> memref<1x128xi32, #tpu.memory_space<vmem>>
      %dma_wait3A_260 = tpu.memref_squeeze %dma_wait3A_259 : memref<1x128xi32, #tpu.memory_space<vmem>> -> memref<128xi32, #tpu.memory_space<vmem>>
      %dma_wait3A_261 = arith.constant 0 : i32
      %dma_wait3A_262 = arith.constant 0 : i32
      %dma_wait3A_263 = tpu.memref_slice %arg2[%dma_wait3A_261, %dma_wait3A_262] : memref<10240x64xf32, #tpu.memory_space<hbm>> -> memref<10240x64xf32, #tpu.memory_space<hbm>>
      tpu.wait_indirect_dma semaphore(%arg11 : memref<!tpu.dma_semaphore, #tpu.memory_space<semaphore_mem>>) src(%dma_wait3A_263 : memref<10240x64xf32, #tpu.memory_space<hbm>>) dst(%dma_wait3A_257 : memref<128x64xf32, #tpu.memory_space<vmem>>)
      %dma_start3A_264 = arith.constant 0 : i32
      %dma_start3A_265 = arith.constant 0 : i32
      %dma_start3A_266 = arith.constant 0 : i32
      %dma_start3A_267 = tpu.memref_slice %arg9[%dma_start3A_264, %dma_start3A_265, %dma_start3A_266] : memref<4x128x64xf32, #tpu.memory_space<vmem>> -> memref<1x128x64xf32, #tpu.memory_space<vmem>>
      %dma_start3A_268 = tpu.memref_squeeze %dma_start3A_267 : memref<1x128x64xf32, #tpu.memory_space<vmem>> -> memref<128x64xf32, #tpu.memory_space<vmem>>
      %dma_start3A_269 = arith.constant 0 : i32
      %dma_start3A_270 = tpu.memref_slice %arg8[%add3A_252, %dma_start3A_269] : memref<80x128xi32, #tpu.memory_space<vmem>> -> memref<1x128xi32, #tpu.memory_space<vmem>>
      %dma_start3A_271 = tpu.memref_squeeze %dma_start3A_270 : memref<1x128xi32, #tpu.memory_space<vmem>> -> memref<128xi32, #tpu.memory_space<vmem>>
      %dma_start3A_272 = arith.constant 0 : i32
      %dma_start3A_273 = arith.constant 0 : i32
      %dma_start3A_274 = tpu.memref_slice %arg10[%dma_start3A_272, %dma_start3A_273] : memref<10240x64xf32, #tpu.memory_space<vmem_shared>> -> memref<10240x64xf32, #tpu.memory_space<vmem_shared>>
      tpu.enqueue_indirect_dma source(%dma_start3A_268 : memref<128x64xf32, #tpu.memory_space<vmem>>) target(%dma_start3A_274 : memref<10240x64xf32, #tpu.memory_space<vmem_shared>>) offsets(%dma_start3A_271 : memref<128xi32, #tpu.memory_space<vmem>>) semaphore(%arg15 : memref<!tpu.dma_semaphore, #tpu.memory_space<semaphore_mem>>) {add = true}
      %add3A_275 = arith.constant 2 : i32
      %add3A_276 = arith.addi %add3A_252, %add3A_275 : i32
      %lt3A = arith.constant 80 : i32
      %lt3A_277 = arith.cmpi slt, %add3A_276, %lt3A : i32
      %convert_element_type3A = arith.extui %lt3A_277 : i1 to i32
      %cond3A = arith.constant 0 : i32
      %cond3A_278 = arith.cmpi ne, %convert_element_type3A, %cond3A : i32
      scf.if %cond3A_278 {
        %sub3A = arith.constant 2 : i32
        %sub3A_372 = arith.subi %add3A_252, %sub3A : i32
        %dma_wait3A_373 = arith.constant 2 : i32
        %dma_wait3A_374 = arith.constant 0 : i32
        %dma_wait3A_375 = arith.constant 0 : i32
        %dma_wait3A_376 = tpu.memref_slice %arg9[%dma_wait3A_373, %dma_wait3A_374, %dma_wait3A_375] : memref<4x128x64xf32, #tpu.memory_space<vmem>> -> memref<1x128x64xf32, #tpu.memory_space<vmem>>
        %dma_wait3A_377 = tpu.memref_squeeze %dma_wait3A_376 : memref<1x128x64xf32, #tpu.memory_space<vmem>> -> memref<128x64xf32, #tpu.memory_space<vmem>>
        %dma_wait3A_378 = arith.constant 0 : i32
        %dma_wait3A_379 = tpu.memref_slice %arg8[%sub3A_372, %dma_wait3A_378] : memref<80x128xi32, #tpu.memory_space<vmem>> -> memref<1x128xi32, #tpu.memory_space<vmem>>
        %dma_wait3A_380 = tpu.memref_squeeze %dma_wait3A_379 : memref<1x128xi32, #tpu.memory_space<vmem>> -> memref<128xi32, #tpu.memory_space<vmem>>
        %dma_wait3A_381 = arith.constant 0 : i32
        %dma_wait3A_382 = arith.constant 0 : i32
        %dma_wait3A_383 = tpu.memref_slice %arg10[%dma_wait3A_381, %dma_wait3A_382] : memref<10240x64xf32, #tpu.memory_space<vmem_shared>> -> memref<10240x64xf32, #tpu.memory_space<vmem_shared>>
        tpu.wait_indirect_dma semaphore(%arg17 : memref<!tpu.dma_semaphore, #tpu.memory_space<semaphore_mem>>) src(%dma_wait3A_377 : memref<128x64xf32, #tpu.memory_space<vmem>>) dst(%dma_wait3A_383 : memref<10240x64xf32, #tpu.memory_space<vmem_shared>>)
        %add3A_384 = arith.constant 2 : i32
        %add3A_385 = arith.addi %add3A_252, %add3A_384 : i32
        %dma_start3A_386 = arith.constant 2 : i32
        %dma_start3A_387 = arith.constant 0 : i32
        %dma_start3A_388 = arith.constant 0 : i32
        %dma_start3A_389 = tpu.memref_slice %arg9[%dma_start3A_386, %dma_start3A_387, %dma_start3A_388] : memref<4x128x64xf32, #tpu.memory_space<vmem>> -> memref<1x128x64xf32, #tpu.memory_space<vmem>>
        %dma_start3A_390 = tpu.memref_squeeze %dma_start3A_389 : memref<1x128x64xf32, #tpu.memory_space<vmem>> -> memref<128x64xf32, #tpu.memory_space<vmem>>
        %dma_start3A_391 = arith.constant 0 : i32
        %dma_start3A_392 = tpu.memref_slice %arg7[%add3A_385, %dma_start3A_391] : memref<80x128xi32, #tpu.memory_space<vmem>> -> memref<1x128xi32, #tpu.memory_space<vmem>>
        %dma_start3A_393 = tpu.memref_squeeze %dma_start3A_392 : memref<1x128xi32, #tpu.memory_space<vmem>> -> memref<128xi32, #tpu.memory_space<vmem>>
        %dma_start3A_394 = arith.constant 0 : i32
        %dma_start3A_395 = arith.constant 0 : i32
        %dma_start3A_396 = tpu.memref_slice %arg2[%dma_start3A_394, %dma_start3A_395] : memref<10240x64xf32, #tpu.memory_space<hbm>> -> memref<10240x64xf32, #tpu.memory_space<hbm>>
        tpu.enqueue_indirect_dma source(%dma_start3A_396 : memref<10240x64xf32, #tpu.memory_space<hbm>>) target(%dma_start3A_390 : memref<128x64xf32, #tpu.memory_space<vmem>>) offsets(%dma_start3A_393 : memref<128xi32, #tpu.memory_space<vmem>>) semaphore(%arg13 : memref<!tpu.dma_semaphore, #tpu.memory_space<semaphore_mem>>)
      } else {
      }
      %add3A_279 = arith.constant 1 : i32
      %add3A_280 = arith.addi %add3A_250, %add3A_279 : i32
      %dma_wait3A_281 = arith.constant 1 : i32
      %dma_wait3A_282 = arith.constant 0 : i32
      %dma_wait3A_283 = arith.constant 0 : i32
      %dma_wait3A_284 = tpu.memref_slice %arg9[%dma_wait3A_281, %dma_wait3A_282, %dma_wait3A_283] : memref<4x128x64xf32, #tpu.memory_space<vmem>> -> memref<1x128x64xf32, #tpu.memory_space<vmem>>
      %dma_wait3A_285 = tpu.memref_squeeze %dma_wait3A_284 : memref<1x128x64xf32, #tpu.memory_space<vmem>> -> memref<128x64xf32, #tpu.memory_space<vmem>>
      %dma_wait3A_286 = arith.constant 0 : i32
      %dma_wait3A_287 = tpu.memref_slice %arg7[%add3A_280, %dma_wait3A_286] : memref<80x128xi32, #tpu.memory_space<vmem>> -> memref<1x128xi32, #tpu.memory_space<vmem>>
      %dma_wait3A_288 = tpu.memref_squeeze %dma_wait3A_287 : memref<1x128xi32, #tpu.memory_space<vmem>> -> memref<128xi32, #tpu.memory_space<vmem>>
      %dma_wait3A_289 = arith.constant 0 : i32
      %dma_wait3A_290 = arith.constant 0 : i32
      %dma_wait3A_291 = tpu.memref_slice %arg2[%dma_wait3A_289, %dma_wait3A_290] : memref<10240x64xf32, #tpu.memory_space<hbm>> -> memref<10240x64xf32, #tpu.memory_space<hbm>>
      tpu.wait_indirect_dma semaphore(%arg12 : memref<!tpu.dma_semaphore, #tpu.memory_space<semaphore_mem>>) src(%dma_wait3A_291 : memref<10240x64xf32, #tpu.memory_space<hbm>>) dst(%dma_wait3A_285 : memref<128x64xf32, #tpu.memory_space<vmem>>)
      %dma_start3A_292 = arith.constant 1 : i32
      %dma_start3A_293 = arith.constant 0 : i32
      %dma_start3A_294 = arith.constant 0 : i32
      %dma_start3A_295 = tpu.memref_slice %arg9[%dma_start3A_292, %dma_start3A_293, %dma_start3A_294] : memref<4x128x64xf32, #tpu.memory_space<vmem>> -> memref<1x128x64xf32, #tpu.memory_space<vmem>>
      %dma_start3A_296 = tpu.memref_squeeze %dma_start3A_295 : memref<1x128x64xf32, #tpu.memory_space<vmem>> -> memref<128x64xf32, #tpu.memory_space<vmem>>
      %dma_start3A_297 = arith.constant 0 : i32
      %dma_start3A_298 = tpu.memref_slice %arg8[%add3A_280, %dma_start3A_297] : memref<80x128xi32, #tpu.memory_space<vmem>> -> memref<1x128xi32, #tpu.memory_space<vmem>>
      %dma_start3A_299 = tpu.memref_squeeze %dma_start3A_298 : memref<1x128xi32, #tpu.memory_space<vmem>> -> memref<128xi32, #tpu.memory_space<vmem>>
      %dma_start3A_300 = arith.constant 0 : i32
      %dma_start3A_301 = arith.constant 0 : i32
      %dma_start3A_302 = tpu.memref_slice %arg10[%dma_start3A_300, %dma_start3A_301] : memref<10240x64xf32, #tpu.memory_space<vmem_shared>> -> memref<10240x64xf32, #tpu.memory_space<vmem_shared>>
      tpu.enqueue_indirect_dma source(%dma_start3A_296 : memref<128x64xf32, #tpu.memory_space<vmem>>) target(%dma_start3A_302 : memref<10240x64xf32, #tpu.memory_space<vmem_shared>>) offsets(%dma_start3A_299 : memref<128xi32, #tpu.memory_space<vmem>>) semaphore(%arg16 : memref<!tpu.dma_semaphore, #tpu.memory_space<semaphore_mem>>) {add = true}
      %add3A_303 = arith.constant 2 : i32
      %add3A_304 = arith.addi %add3A_280, %add3A_303 : i32
      %lt3A_305 = arith.constant 80 : i32
      %lt3A_306 = arith.cmpi slt, %add3A_304, %lt3A_305 : i32
      %convert_element_type3A_307 = arith.extui %lt3A_306 : i1 to i32
      %cond3A_308 = arith.constant 0 : i32
      %cond3A_309 = arith.cmpi ne, %convert_element_type3A_307, %cond3A_308 : i32
      scf.if %cond3A_309 {
        %sub3A = arith.constant 2 : i32
        %sub3A_372 = arith.subi %add3A_280, %sub3A : i32
        %dma_wait3A_373 = arith.constant 3 : i32
        %dma_wait3A_374 = arith.constant 0 : i32
        %dma_wait3A_375 = arith.constant 0 : i32
        %dma_wait3A_376 = tpu.memref_slice %arg9[%dma_wait3A_373, %dma_wait3A_374, %dma_wait3A_375] : memref<4x128x64xf32, #tpu.memory_space<vmem>> -> memref<1x128x64xf32, #tpu.memory_space<vmem>>
        %dma_wait3A_377 = tpu.memref_squeeze %dma_wait3A_376 : memref<1x128x64xf32, #tpu.memory_space<vmem>> -> memref<128x64xf32, #tpu.memory_space<vmem>>
        %dma_wait3A_378 = arith.constant 0 : i32
        %dma_wait3A_379 = tpu.memref_slice %arg8[%sub3A_372, %dma_wait3A_378] : memref<80x128xi32, #tpu.memory_space<vmem>> -> memref<1x128xi32, #tpu.memory_space<vmem>>
        %dma_wait3A_380 = tpu.memref_squeeze %dma_wait3A_379 : memref<1x128xi32, #tpu.memory_space<vmem>> -> memref<128xi32, #tpu.memory_space<vmem>>
        %dma_wait3A_381 = arith.constant 0 : i32
        %dma_wait3A_382 = arith.constant 0 : i32
        %dma_wait3A_383 = tpu.memref_slice %arg10[%dma_wait3A_381, %dma_wait3A_382] : memref<10240x64xf32, #tpu.memory_space<vmem_shared>> -> memref<10240x64xf32, #tpu.memory_space<vmem_shared>>
        tpu.wait_indirect_dma semaphore(%arg18 : memref<!tpu.dma_semaphore, #tpu.memory_space<semaphore_mem>>) src(%dma_wait3A_377 : memref<128x64xf32, #tpu.memory_space<vmem>>) dst(%dma_wait3A_383 : memref<10240x64xf32, #tpu.memory_space<vmem_shared>>)
        %add3A_384 = arith.constant 2 : i32
        %add3A_385 = arith.addi %add3A_280, %add3A_384 : i32
        %dma_start3A_386 = arith.constant 3 : i32
        %dma_start3A_387 = arith.constant 0 : i32
        %dma_start3A_388 = arith.constant 0 : i32
        %dma_start3A_389 = tpu.memref_slice %arg9[%dma_start3A_386, %dma_start3A_387, %dma_start3A_388] : memref<4x128x64xf32, #tpu.memory_space<vmem>> -> memref<1x128x64xf32, #tpu.memory_space<vmem>>
        %dma_start3A_390 = tpu.memref_squeeze %dma_start3A_389 : memref<1x128x64xf32, #tpu.memory_space<vmem>> -> memref<128x64xf32, #tpu.memory_space<vmem>>
        %dma_start3A_391 = arith.constant 0 : i32
        %dma_start3A_392 = tpu.memref_slice %arg7[%add3A_385, %dma_start3A_391] : memref<80x128xi32, #tpu.memory_space<vmem>> -> memref<1x128xi32, #tpu.memory_space<vmem>>
        %dma_start3A_393 = tpu.memref_squeeze %dma_start3A_392 : memref<1x128xi32, #tpu.memory_space<vmem>> -> memref<128xi32, #tpu.memory_space<vmem>>
        %dma_start3A_394 = arith.constant 0 : i32
        %dma_start3A_395 = arith.constant 0 : i32
        %dma_start3A_396 = tpu.memref_slice %arg2[%dma_start3A_394, %dma_start3A_395] : memref<10240x64xf32, #tpu.memory_space<hbm>> -> memref<10240x64xf32, #tpu.memory_space<hbm>>
        tpu.enqueue_indirect_dma source(%dma_start3A_396 : memref<10240x64xf32, #tpu.memory_space<hbm>>) target(%dma_start3A_390 : memref<128x64xf32, #tpu.memory_space<vmem>>) offsets(%dma_start3A_393 : memref<128xi32, #tpu.memory_space<vmem>>) semaphore(%arg14 : memref<!tpu.dma_semaphore, #tpu.memory_space<semaphore_mem>>)
      } else {
      }
      %add3A_310 = arith.constant 2 : i32
      %add3A_311 = arith.addi %add3A_250, %add3A_310 : i32
      %dma_wait3A_312 = arith.constant 2 : i32
      %dma_wait3A_313 = arith.constant 0 : i32
      %dma_wait3A_314 = arith.constant 0 : i32
      %dma_wait3A_315 = tpu.memref_slice %arg9[%dma_wait3A_312, %dma_wait3A_313, %dma_wait3A_314] : memref<4x128x64xf32, #tpu.memory_space<vmem>> -> memref<1x128x64xf32, #tpu.memory_space<vmem>>
      %dma_wait3A_316 = tpu.memref_squeeze %dma_wait3A_315 : memref<1x128x64xf32, #tpu.memory_space<vmem>> -> memref<128x64xf32, #tpu.memory_space<vmem>>
      %dma_wait3A_317 = arith.constant 0 : i32
      %dma_wait3A_318 = tpu.memref_slice %arg7[%add3A_311, %dma_wait3A_317] : memref<80x128xi32, #tpu.memory_space<vmem>> -> memref<1x128xi32, #tpu.memory_space<vmem>>
      %dma_wait3A_319 = tpu.memref_squeeze %dma_wait3A_318 : memref<1x128xi32, #tpu.memory_space<vmem>> -> memref<128xi32, #tpu.memory_space<vmem>>
      %dma_wait3A_320 = arith.constant 0 : i32
      %dma_wait3A_321 = arith.constant 0 : i32
      %dma_wait3A_322 = tpu.memref_slice %arg2[%dma_wait3A_320, %dma_wait3A_321] : memref<10240x64xf32, #tpu.memory_space<hbm>> -> memref<10240x64xf32, #tpu.memory_space<hbm>>
      tpu.wait_indirect_dma semaphore(%arg13 : memref<!tpu.dma_semaphore, #tpu.memory_space<semaphore_mem>>) src(%dma_wait3A_322 : memref<10240x64xf32, #tpu.memory_space<hbm>>) dst(%dma_wait3A_316 : memref<128x64xf32, #tpu.memory_space<vmem>>)
      %dma_start3A_323 = arith.constant 2 : i32
      %dma_start3A_324 = arith.constant 0 : i32
      %dma_start3A_325 = arith.constant 0 : i32
      %dma_start3A_326 = tpu.memref_slice %arg9[%dma_start3A_323, %dma_start3A_324, %dma_start3A_325] : memref<4x128x64xf32, #tpu.memory_space<vmem>> -> memref<1x128x64xf32, #tpu.memory_space<vmem>>
      %dma_start3A_327 = tpu.memref_squeeze %dma_start3A_326 : memref<1x128x64xf32, #tpu.memory_space<vmem>> -> memref<128x64xf32, #tpu.memory_space<vmem>>
      %dma_start3A_328 = arith.constant 0 : i32
      %dma_start3A_329 = tpu.memref_slice %arg8[%add3A_311, %dma_start3A_328] : memref<80x128xi32, #tpu.memory_space<vmem>> -> memref<1x128xi32, #tpu.memory_space<vmem>>
      %dma_start3A_330 = tpu.memref_squeeze %dma_start3A_329 : memref<1x128xi32, #tpu.memory_space<vmem>> -> memref<128xi32, #tpu.memory_space<vmem>>
      %dma_start3A_331 = arith.constant 0 : i32
      %dma_start3A_332 = arith.constant 0 : i32
      %dma_start3A_333 = tpu.memref_slice %arg10[%dma_start3A_331, %dma_start3A_332] : memref<10240x64xf32, #tpu.memory_space<vmem_shared>> -> memref<10240x64xf32, #tpu.memory_space<vmem_shared>>
      tpu.enqueue_indirect_dma source(%dma_start3A_327 : memref<128x64xf32, #tpu.memory_space<vmem>>) target(%dma_start3A_333 : memref<10240x64xf32, #tpu.memory_space<vmem_shared>>) offsets(%dma_start3A_330 : memref<128xi32, #tpu.memory_space<vmem>>) semaphore(%arg17 : memref<!tpu.dma_semaphore, #tpu.memory_space<semaphore_mem>>) {add = true}
      %add3A_334 = arith.constant 2 : i32
      %add3A_335 = arith.addi %add3A_311, %add3A_334 : i32
      %lt3A_336 = arith.constant 80 : i32
      %lt3A_337 = arith.cmpi slt, %add3A_335, %lt3A_336 : i32
      %convert_element_type3A_338 = arith.extui %lt3A_337 : i1 to i32
      %cond3A_339 = arith.constant 0 : i32
      %cond3A_340 = arith.cmpi ne, %convert_element_type3A_338, %cond3A_339 : i32
      scf.if %cond3A_340 {
        %sub3A = arith.constant 2 : i32
        %sub3A_372 = arith.subi %add3A_311, %sub3A : i32
        %dma_wait3A_373 = arith.constant 0 : i32
        %dma_wait3A_374 = arith.constant 0 : i32
        %dma_wait3A_375 = arith.constant 0 : i32
        %dma_wait3A_376 = tpu.memref_slice %arg9[%dma_wait3A_373, %dma_wait3A_374, %dma_wait3A_375] : memref<4x128x64xf32, #tpu.memory_space<vmem>> -> memref<1x128x64xf32, #tpu.memory_space<vmem>>
        %dma_wait3A_377 = tpu.memref_squeeze %dma_wait3A_376 : memref<1x128x64xf32, #tpu.memory_space<vmem>> -> memref<128x64xf32, #tpu.memory_space<vmem>>
        %dma_wait3A_378 = arith.constant 0 : i32
        %dma_wait3A_379 = tpu.memref_slice %arg8[%sub3A_372, %dma_wait3A_378] : memref<80x128xi32, #tpu.memory_space<vmem>> -> memref<1x128xi32, #tpu.memory_space<vmem>>
        %dma_wait3A_380 = tpu.memref_squeeze %dma_wait3A_379 : memref<1x128xi32, #tpu.memory_space<vmem>> -> memref<128xi32, #tpu.memory_space<vmem>>
        %dma_wait3A_381 = arith.constant 0 : i32
        %dma_wait3A_382 = arith.constant 0 : i32
        %dma_wait3A_383 = tpu.memref_slice %arg10[%dma_wait3A_381, %dma_wait3A_382] : memref<10240x64xf32, #tpu.memory_space<vmem_shared>> -> memref<10240x64xf32, #tpu.memory_space<vmem_shared>>
        tpu.wait_indirect_dma semaphore(%arg15 : memref<!tpu.dma_semaphore, #tpu.memory_space<semaphore_mem>>) src(%dma_wait3A_377 : memref<128x64xf32, #tpu.memory_space<vmem>>) dst(%dma_wait3A_383 : memref<10240x64xf32, #tpu.memory_space<vmem_shared>>)
        %add3A_384 = arith.constant 2 : i32
        %add3A_385 = arith.addi %add3A_311, %add3A_384 : i32
        %dma_start3A_386 = arith.constant 0 : i32
        %dma_start3A_387 = arith.constant 0 : i32
        %dma_start3A_388 = arith.constant 0 : i32
        %dma_start3A_389 = tpu.memref_slice %arg9[%dma_start3A_386, %dma_start3A_387, %dma_start3A_388] : memref<4x128x64xf32, #tpu.memory_space<vmem>> -> memref<1x128x64xf32, #tpu.memory_space<vmem>>
        %dma_start3A_390 = tpu.memref_squeeze %dma_start3A_389 : memref<1x128x64xf32, #tpu.memory_space<vmem>> -> memref<128x64xf32, #tpu.memory_space<vmem>>
        %dma_start3A_391 = arith.constant 0 : i32
        %dma_start3A_392 = tpu.memref_slice %arg7[%add3A_385, %dma_start3A_391] : memref<80x128xi32, #tpu.memory_space<vmem>> -> memref<1x128xi32, #tpu.memory_space<vmem>>
        %dma_start3A_393 = tpu.memref_squeeze %dma_start3A_392 : memref<1x128xi32, #tpu.memory_space<vmem>> -> memref<128xi32, #tpu.memory_space<vmem>>
        %dma_start3A_394 = arith.constant 0 : i32
        %dma_start3A_395 = arith.constant 0 : i32
        %dma_start3A_396 = tpu.memref_slice %arg2[%dma_start3A_394, %dma_start3A_395] : memref<10240x64xf32, #tpu.memory_space<hbm>> -> memref<10240x64xf32, #tpu.memory_space<hbm>>
        tpu.enqueue_indirect_dma source(%dma_start3A_396 : memref<10240x64xf32, #tpu.memory_space<hbm>>) target(%dma_start3A_390 : memref<128x64xf32, #tpu.memory_space<vmem>>) offsets(%dma_start3A_393 : memref<128xi32, #tpu.memory_space<vmem>>) semaphore(%arg11 : memref<!tpu.dma_semaphore, #tpu.memory_space<semaphore_mem>>)
      } else {
      }
      %add3A_341 = arith.constant 3 : i32
      %add3A_342 = arith.addi %add3A_250, %add3A_341 : i32
      %dma_wait3A_343 = arith.constant 3 : i32
      %dma_wait3A_344 = arith.constant 0 : i32
      %dma_wait3A_345 = arith.constant 0 : i32
      %dma_wait3A_346 = tpu.memref_slice %arg9[%dma_wait3A_343, %dma_wait3A_344, %dma_wait3A_345] : memref<4x128x64xf32, #tpu.memory_space<vmem>> -> memref<1x128x64xf32, #tpu.memory_space<vmem>>
      %dma_wait3A_347 = tpu.memref_squeeze %dma_wait3A_346 : memref<1x128x64xf32, #tpu.memory_space<vmem>> -> memref<128x64xf32, #tpu.memory_space<vmem>>
      %dma_wait3A_348 = arith.constant 0 : i32
      %dma_wait3A_349 = tpu.memref_slice %arg7[%add3A_342, %dma_wait3A_348] : memref<80x128xi32, #tpu.memory_space<vmem>> -> memref<1x128xi32, #tpu.memory_space<vmem>>
      %dma_wait3A_350 = tpu.memref_squeeze %dma_wait3A_349 : memref<1x128xi32, #tpu.memory_space<vmem>> -> memref<128xi32, #tpu.memory_space<vmem>>
      %dma_wait3A_351 = arith.constant 0 : i32
      %dma_wait3A_352 = arith.constant 0 : i32
      %dma_wait3A_353 = tpu.memref_slice %arg2[%dma_wait3A_351, %dma_wait3A_352] : memref<10240x64xf32, #tpu.memory_space<hbm>> -> memref<10240x64xf32, #tpu.memory_space<hbm>>
      tpu.wait_indirect_dma semaphore(%arg14 : memref<!tpu.dma_semaphore, #tpu.memory_space<semaphore_mem>>) src(%dma_wait3A_353 : memref<10240x64xf32, #tpu.memory_space<hbm>>) dst(%dma_wait3A_347 : memref<128x64xf32, #tpu.memory_space<vmem>>)
      %dma_start3A_354 = arith.constant 3 : i32
      %dma_start3A_355 = arith.constant 0 : i32
      %dma_start3A_356 = arith.constant 0 : i32
      %dma_start3A_357 = tpu.memref_slice %arg9[%dma_start3A_354, %dma_start3A_355, %dma_start3A_356] : memref<4x128x64xf32, #tpu.memory_space<vmem>> -> memref<1x128x64xf32, #tpu.memory_space<vmem>>
      %dma_start3A_358 = tpu.memref_squeeze %dma_start3A_357 : memref<1x128x64xf32, #tpu.memory_space<vmem>> -> memref<128x64xf32, #tpu.memory_space<vmem>>
      %dma_start3A_359 = arith.constant 0 : i32
      %dma_start3A_360 = tpu.memref_slice %arg8[%add3A_342, %dma_start3A_359] : memref<80x128xi32, #tpu.memory_space<vmem>> -> memref<1x128xi32, #tpu.memory_space<vmem>>
      %dma_start3A_361 = tpu.memref_squeeze %dma_start3A_360 : memref<1x128xi32, #tpu.memory_space<vmem>> -> memref<128xi32, #tpu.memory_space<vmem>>
      %dma_start3A_362 = arith.constant 0 : i32
      %dma_start3A_363 = arith.constant 0 : i32
      %dma_start3A_364 = tpu.memref_slice %arg10[%dma_start3A_362, %dma_start3A_363] : memref<10240x64xf32, #tpu.memory_space<vmem_shared>> -> memref<10240x64xf32, #tpu.memory_space<vmem_shared>>
      tpu.enqueue_indirect_dma source(%dma_start3A_358 : memref<128x64xf32, #tpu.memory_space<vmem>>) target(%dma_start3A_364 : memref<10240x64xf32, #tpu.memory_space<vmem_shared>>) offsets(%dma_start3A_361 : memref<128xi32, #tpu.memory_space<vmem>>) semaphore(%arg18 : memref<!tpu.dma_semaphore, #tpu.memory_space<semaphore_mem>>) {add = true}
      %add3A_365 = arith.constant 2 : i32
      %add3A_366 = arith.addi %add3A_342, %add3A_365 : i32
      %lt3A_367 = arith.constant 80 : i32
      %lt3A_368 = arith.cmpi slt, %add3A_366, %lt3A_367 : i32
      %convert_element_type3A_369 = arith.extui %lt3A_368 : i1 to i32
      %cond3A_370 = arith.constant 0 : i32
      %cond3A_371 = arith.cmpi ne, %convert_element_type3A_369, %cond3A_370 : i32
      scf.if %cond3A_371 {
        %sub3A = arith.constant 2 : i32
        %sub3A_372 = arith.subi %add3A_342, %sub3A : i32
        %dma_wait3A_373 = arith.constant 1 : i32
        %dma_wait3A_374 = arith.constant 0 : i32
        %dma_wait3A_375 = arith.constant 0 : i32
        %dma_wait3A_376 = tpu.memref_slice %arg9[%dma_wait3A_373, %dma_wait3A_374, %dma_wait3A_375] : memref<4x128x64xf32, #tpu.memory_space<vmem>> -> memref<1x128x64xf32, #tpu.memory_space<vmem>>
        %dma_wait3A_377 = tpu.memref_squeeze %dma_wait3A_376 : memref<1x128x64xf32, #tpu.memory_space<vmem>> -> memref<128x64xf32, #tpu.memory_space<vmem>>
        %dma_wait3A_378 = arith.constant 0 : i32
        %dma_wait3A_379 = tpu.memref_slice %arg8[%sub3A_372, %dma_wait3A_378] : memref<80x128xi32, #tpu.memory_space<vmem>> -> memref<1x128xi32, #tpu.memory_space<vmem>>
        %dma_wait3A_380 = tpu.memref_squeeze %dma_wait3A_379 : memref<1x128xi32, #tpu.memory_space<vmem>> -> memref<128xi32, #tpu.memory_space<vmem>>
        %dma_wait3A_381 = arith.constant 0 : i32
        %dma_wait3A_382 = arith.constant 0 : i32
        %dma_wait3A_383 = tpu.memref_slice %arg10[%dma_wait3A_381, %dma_wait3A_382] : memref<10240x64xf32, #tpu.memory_space<vmem_shared>> -> memref<10240x64xf32, #tpu.memory_space<vmem_shared>>
        tpu.wait_indirect_dma semaphore(%arg16 : memref<!tpu.dma_semaphore, #tpu.memory_space<semaphore_mem>>) src(%dma_wait3A_377 : memref<128x64xf32, #tpu.memory_space<vmem>>) dst(%dma_wait3A_383 : memref<10240x64xf32, #tpu.memory_space<vmem_shared>>)
        %add3A_384 = arith.constant 2 : i32
        %add3A_385 = arith.addi %add3A_342, %add3A_384 : i32
        %dma_start3A_386 = arith.constant 1 : i32
        %dma_start3A_387 = arith.constant 0 : i32
        %dma_start3A_388 = arith.constant 0 : i32
        %dma_start3A_389 = tpu.memref_slice %arg9[%dma_start3A_386, %dma_start3A_387, %dma_start3A_388] : memref<4x128x64xf32, #tpu.memory_space<vmem>> -> memref<1x128x64xf32, #tpu.memory_space<vmem>>
        %dma_start3A_390 = tpu.memref_squeeze %dma_start3A_389 : memref<1x128x64xf32, #tpu.memory_space<vmem>> -> memref<128x64xf32, #tpu.memory_space<vmem>>
        %dma_start3A_391 = arith.constant 0 : i32
        %dma_start3A_392 = tpu.memref_slice %arg7[%add3A_385, %dma_start3A_391] : memref<80x128xi32, #tpu.memory_space<vmem>> -> memref<1x128xi32, #tpu.memory_space<vmem>>
        %dma_start3A_393 = tpu.memref_squeeze %dma_start3A_392 : memref<1x128xi32, #tpu.memory_space<vmem>> -> memref<128xi32, #tpu.memory_space<vmem>>
        %dma_start3A_394 = arith.constant 0 : i32
        %dma_start3A_395 = arith.constant 0 : i32
        %dma_start3A_396 = tpu.memref_slice %arg2[%dma_start3A_394, %dma_start3A_395] : memref<10240x64xf32, #tpu.memory_space<hbm>> -> memref<10240x64xf32, #tpu.memory_space<hbm>>
        tpu.enqueue_indirect_dma source(%dma_start3A_396 : memref<10240x64xf32, #tpu.memory_space<hbm>>) target(%dma_start3A_390 : memref<128x64xf32, #tpu.memory_space<vmem>>) offsets(%dma_start3A_393 : memref<128xi32, #tpu.memory_space<vmem>>) semaphore(%arg12 : memref<!tpu.dma_semaphore, #tpu.memory_space<semaphore_mem>>)
      } else {
      }
    }
    %scan3A_196 = arith.constant 19 : i32
    %dma_wait3A_197 = arith.constant 0 : i32
    %dma_wait3A_198 = arith.constant 76 : i32
    %dma_wait3A_199 = arith.constant 0 : i32
    %dma_wait3A_200 = arith.constant 0 : i32
    %dma_wait3A_201 = tpu.memref_slice %arg9[%dma_wait3A_197, %dma_wait3A_199, %dma_wait3A_200] : memref<4x128x64xf32, #tpu.memory_space<vmem>> -> memref<1x128x64xf32, #tpu.memory_space<vmem>>
    %dma_wait3A_202 = tpu.memref_squeeze %dma_wait3A_201 : memref<1x128x64xf32, #tpu.memory_space<vmem>> -> memref<128x64xf32, #tpu.memory_space<vmem>>
    %dma_wait3A_203 = arith.constant 0 : i32
    %dma_wait3A_204 = tpu.memref_slice %arg8[%dma_wait3A_198, %dma_wait3A_203] : memref<80x128xi32, #tpu.memory_space<vmem>> -> memref<1x128xi32, #tpu.memory_space<vmem>>
    %dma_wait3A_205 = tpu.memref_squeeze %dma_wait3A_204 : memref<1x128xi32, #tpu.memory_space<vmem>> -> memref<128xi32, #tpu.memory_space<vmem>>
    %dma_wait3A_206 = arith.constant 0 : i32
    %dma_wait3A_207 = arith.constant 0 : i32
    %dma_wait3A_208 = tpu.memref_slice %arg10[%dma_wait3A_206, %dma_wait3A_207] : memref<10240x64xf32, #tpu.memory_space<vmem_shared>> -> memref<10240x64xf32, #tpu.memory_space<vmem_shared>>
    tpu.wait_indirect_dma semaphore(%arg15 : memref<!tpu.dma_semaphore, #tpu.memory_space<semaphore_mem>>) src(%dma_wait3A_202 : memref<128x64xf32, #tpu.memory_space<vmem>>) dst(%dma_wait3A_208 : memref<10240x64xf32, #tpu.memory_space<vmem_shared>>)
    %dma_wait3A_209 = arith.constant 1 : i32
    %dma_wait3A_210 = arith.constant 77 : i32
    %dma_wait3A_211 = arith.constant 0 : i32
    %dma_wait3A_212 = arith.constant 0 : i32
    %dma_wait3A_213 = tpu.memref_slice %arg9[%dma_wait3A_209, %dma_wait3A_211, %dma_wait3A_212] : memref<4x128x64xf32, #tpu.memory_space<vmem>> -> memref<1x128x64xf32, #tpu.memory_space<vmem>>
    %dma_wait3A_214 = tpu.memref_squeeze %dma_wait3A_213 : memref<1x128x64xf32, #tpu.memory_space<vmem>> -> memref<128x64xf32, #tpu.memory_space<vmem>>
    %dma_wait3A_215 = arith.constant 0 : i32
    %dma_wait3A_216 = tpu.memref_slice %arg8[%dma_wait3A_210, %dma_wait3A_215] : memref<80x128xi32, #tpu.memory_space<vmem>> -> memref<1x128xi32, #tpu.memory_space<vmem>>
    %dma_wait3A_217 = tpu.memref_squeeze %dma_wait3A_216 : memref<1x128xi32, #tpu.memory_space<vmem>> -> memref<128xi32, #tpu.memory_space<vmem>>
    %dma_wait3A_218 = arith.constant 0 : i32
    %dma_wait3A_219 = arith.constant 0 : i32
    %dma_wait3A_220 = tpu.memref_slice %arg10[%dma_wait3A_218, %dma_wait3A_219] : memref<10240x64xf32, #tpu.memory_space<vmem_shared>> -> memref<10240x64xf32, #tpu.memory_space<vmem_shared>>
    tpu.wait_indirect_dma semaphore(%arg16 : memref<!tpu.dma_semaphore, #tpu.memory_space<semaphore_mem>>) src(%dma_wait3A_214 : memref<128x64xf32, #tpu.memory_space<vmem>>) dst(%dma_wait3A_220 : memref<10240x64xf32, #tpu.memory_space<vmem_shared>>)
    %dma_wait3A_221 = arith.constant 2 : i32
    %dma_wait3A_222 = arith.constant 78 : i32
    %dma_wait3A_223 = arith.constant 0 : i32
    %dma_wait3A_224 = arith.constant 0 : i32
    %dma_wait3A_225 = tpu.memref_slice %arg9[%dma_wait3A_221, %dma_wait3A_223, %dma_wait3A_224] : memref<4x128x64xf32, #tpu.memory_space<vmem>> -> memref<1x128x64xf32, #tpu.memory_space<vmem>>
    %dma_wait3A_226 = tpu.memref_squeeze %dma_wait3A_225 : memref<1x128x64xf32, #tpu.memory_space<vmem>> -> memref<128x64xf32, #tpu.memory_space<vmem>>
    %dma_wait3A_227 = arith.constant 0 : i32
    %dma_wait3A_228 = tpu.memref_slice %arg8[%dma_wait3A_222, %dma_wait3A_227] : memref<80x128xi32, #tpu.memory_space<vmem>> -> memref<1x128xi32, #tpu.memory_space<vmem>>
    %dma_wait3A_229 = tpu.memref_squeeze %dma_wait3A_228 : memref<1x128xi32, #tpu.memory_space<vmem>> -> memref<128xi32, #tpu.memory_space<vmem>>
    %dma_wait3A_230 = arith.constant 0 : i32
    %dma_wait3A_231 = arith.constant 0 : i32
    %dma_wait3A_232 = tpu.memref_slice %arg10[%dma_wait3A_230, %dma_wait3A_231] : memref<10240x64xf32, #tpu.memory_space<vmem_shared>> -> memref<10240x64xf32, #tpu.memory_space<vmem_shared>>
    tpu.wait_indirect_dma semaphore(%arg17 : memref<!tpu.dma_semaphore, #tpu.memory_space<semaphore_mem>>) src(%dma_wait3A_226 : memref<128x64xf32, #tpu.memory_space<vmem>>) dst(%dma_wait3A_232 : memref<10240x64xf32, #tpu.memory_space<vmem_shared>>)
    %dma_wait3A_233 = arith.constant 3 : i32
    %dma_wait3A_234 = arith.constant 79 : i32
    %dma_wait3A_235 = arith.constant 0 : i32
    %dma_wait3A_236 = arith.constant 0 : i32
    %dma_wait3A_237 = tpu.memref_slice %arg9[%dma_wait3A_233, %dma_wait3A_235, %dma_wait3A_236] : memref<4x128x64xf32, #tpu.memory_space<vmem>> -> memref<1x128x64xf32, #tpu.memory_space<vmem>>
    %dma_wait3A_238 = tpu.memref_squeeze %dma_wait3A_237 : memref<1x128x64xf32, #tpu.memory_space<vmem>> -> memref<128x64xf32, #tpu.memory_space<vmem>>
    %dma_wait3A_239 = arith.constant 0 : i32
    %dma_wait3A_240 = tpu.memref_slice %arg8[%dma_wait3A_234, %dma_wait3A_239] : memref<80x128xi32, #tpu.memory_space<vmem>> -> memref<1x128xi32, #tpu.memory_space<vmem>>
    %dma_wait3A_241 = tpu.memref_squeeze %dma_wait3A_240 : memref<1x128xi32, #tpu.memory_space<vmem>> -> memref<128xi32, #tpu.memory_space<vmem>>
    %dma_wait3A_242 = arith.constant 0 : i32
    %dma_wait3A_243 = arith.constant 0 : i32
    %dma_wait3A_244 = tpu.memref_slice %arg10[%dma_wait3A_242, %dma_wait3A_243] : memref<10240x64xf32, #tpu.memory_space<vmem_shared>> -> memref<10240x64xf32, #tpu.memory_space<vmem_shared>>
    tpu.wait_indirect_dma semaphore(%arg18 : memref<!tpu.dma_semaphore, #tpu.memory_space<semaphore_mem>>) src(%dma_wait3A_238 : memref<128x64xf32, #tpu.memory_space<vmem>>) dst(%dma_wait3A_244 : memref<10240x64xf32, #tpu.memory_space<vmem_shared>>)
    %barrier3A_245 = arith.constant 0 : index
    tpu.barrier barrier_id(%barrier3A_245)
    "tpu.region"() ({
      %run_scoped3A = tpu.sem_alloc : memref<!tpu.dma_semaphore, #tpu.memory_space<semaphore_mem>>
      %dma_start3A_246 = arith.constant 0 : i32
      %dma_start3A_247 = tpu.memref_slice %arg6[%arg0, %mul3A_25, %dma_start3A_246] : memref<2x10240x64xf32, #tpu.memory_space<hbm>> -> memref<1x640x64xf32, #tpu.memory_space<hbm>>
      %dma_start3A_248 = tpu.memref_squeeze %dma_start3A_247 : memref<1x640x64xf32, #tpu.memory_space<hbm>> -> memref<640x64xf32, #tpu.memory_space<hbm>>
      %dma_start3A_249 = arith.constant 0 : i32
      %dma_start3A_250 = tpu.memref_slice %arg10[%mul3A_25, %dma_start3A_249] : memref<10240x64xf32, #tpu.memory_space<vmem_shared>> -> memref<640x64xf32, #tpu.memory_space<vmem_shared>>
      tpu.enqueue_dma source(%dma_start3A_250 : memref<640x64xf32, #tpu.memory_space<vmem_shared>>) target(%dma_start3A_248 : memref<640x64xf32, #tpu.memory_space<hbm>>) target_semaphore(%run_scoped3A : memref<!tpu.dma_semaphore, #tpu.memory_space<semaphore_mem>>)
      %dma_wait3A_251 = arith.constant 0 : i32
      %dma_wait3A_252 = tpu.memref_slice %arg6[%arg0, %mul3A_25, %dma_wait3A_251] : memref<2x10240x64xf32, #tpu.memory_space<hbm>> -> memref<1x640x64xf32, #tpu.memory_space<hbm>>
      %dma_wait3A_253 = tpu.memref_squeeze %dma_wait3A_252 : memref<1x640x64xf32, #tpu.memory_space<hbm>> -> memref<640x64xf32, #tpu.memory_space<hbm>>
      %dma_wait3A_254 = arith.constant 0 : i32
      %dma_wait3A_255 = tpu.memref_slice %arg10[%mul3A_25, %dma_wait3A_254] : memref<10240x64xf32, #tpu.memory_space<vmem_shared>> -> memref<640x64xf32, #tpu.memory_space<vmem_shared>>
      tpu.wait_dma2 semaphore(%run_scoped3A : memref<!tpu.dma_semaphore, #tpu.memory_space<semaphore_mem>>) src(%dma_wait3A_255 : memref<640x64xf32, #tpu.memory_space<vmem_shared>>) dst(%dma_wait3A_253 : memref<640x64xf32, #tpu.memory_space<hbm>>)
      tpu.yield
    }) : () -> ()
    return
  }
}

module attributes {stable_mosaic.version = 14 : i64} {
  func.func @body(%arg0: i32, %arg1: memref<1280x16xf32, #tpu.memory_space<vmem>>, %arg2: memref<1280x16xf32, #tpu.memory_space<vmem>>, %arg3: memref<1280x128xf32, #tpu.memory_space<vmem>>, %arg4: memref<128x128xf32, #tpu.memory_space<vmem>>, %arg5: memref<1280x1xf32, #tpu.memory_space<vmem>>, %arg6: memref<1280x64xf32, #tpu.memory_space<vmem>>, %arg7: memref<1280x64xf32, #tpu.memory_space<vmem>>) attributes {dimension_semantics = [#tpu.dimension_semantics<arbitrary>], iteration_bounds = array<i64: 8>, scalar_prefetch = 0 : i64, scratch_operands = 0 : i64, tpu.core_type = #tpu.core_type<tc>, window_params = [{transform_indices = @transform_0, window_bounds = array<i64: 1280, 16>}, {transform_indices = @transform_1, window_bounds = array<i64: 1280, 16>}, {transform_indices = @transform_2, window_bounds = array<i64: 1280, 128>}, {pipeline_mode = #tpu.pipeline_mode<synchronous>, transform_indices = @transform_3, window_bounds = array<i64: 128, 128>}, {transform_indices = @transform_4, window_bounds = array<i64: 1280, 1>}, {transform_indices = @transform_5, window_bounds = array<i64: 1280, 64>}, {transform_indices = @transform_6, window_bounds = array<i64: 1280, 64>}]} {
    %get3A = arith.constant 0 : index
    %get3A_0 = arith.constant 0 : index
    %get3A_1 = vector.load %arg1[%get3A, %get3A_0] : memref<1280x16xf32, #tpu.memory_space<vmem>>, vector<1280x1xf32>
    %get3A_2 = arith.constant 0 : index
    %get3A_3 = arith.constant 0 : index
    %get3A_4 = vector.load %arg2[%get3A_2, %get3A_3] : memref<1280x16xf32, #tpu.memory_space<vmem>>, vector<1280x1xf32>
    %add3A = arith.addf %get3A_1, %get3A_4 : vector<1280x1xf32>
    %add3A_5 = arith.constant 1.000000e+00 : f32
    %add3A_6 = vector.broadcast %add3A_5 : f32 to vector<1280x1xf32>
    %add3A_7 = arith.addf %add3A, %add3A_6 : vector<1280x1xf32>
    %rsqrt3A = math.rsqrt %add3A_7 : vector<1280x1xf32>
    %swap3A = arith.constant 0 : index
    %swap3A_8 = arith.constant 0 : index
    %swap3A_9 = vector.load %arg5[%swap3A, %swap3A_8] : memref<1280x1xf32, #tpu.memory_space<vmem>>, vector<1280x1xf32>
    tpu.vector_store %arg5[%swap3A, %swap3A_8], %rsqrt3A {strides = array<i32>} : memref<1280x1xf32, #tpu.memory_space<vmem>>, vector<1280x1xf32>,
    %get3A_10 = arith.constant 0 : index
    %get3A_11 = arith.constant 0 : index
    %get3A_12 = vector.load %arg3[%get3A_10, %get3A_11] : memref<1280x128xf32, #tpu.memory_space<vmem>>, vector<1280x128xf32>
    %get3A_13 = arith.constant 0 : index
    %get3A_14 = arith.constant 0 : index
    %get3A_15 = vector.load %arg4[%get3A_13, %get3A_14] : memref<128x128xf32, #tpu.memory_space<vmem>>, vector<128x64xf32>
    %dot_general3A = arith.constant dense<0.000000e+00> : vector<1280x64xf32>
    %dot_general3A_16 = tpu.matmul %get3A_12, %get3A_15, %dot_general3A {dimension_numbers = #tpu.dot_dimension_numbers<[1], [0], [0], [1], [0, 0, 1, 1], [], []>, transpose_lhs_hint = false} : vector<1280x128xf32>, vector<128x64xf32>, vector<1280x64xf32> -> vector<1280x64xf32>
    %mul3A = vector.broadcast %rsqrt3A : vector<1280x1xf32> to vector<1280x64xf32>
    %mul3A_17 = arith.mulf %mul3A, %dot_general3A_16 : vector<1280x64xf32>
    %swap3A_18 = arith.constant 0 : index
    %swap3A_19 = arith.constant 0 : index
    %swap3A_20 = vector.load %arg6[%swap3A_18, %swap3A_19] : memref<1280x64xf32, #tpu.memory_space<vmem>>, vector<1280x64xf32>
    tpu.vector_store %arg6[%swap3A_18, %swap3A_19], %mul3A_17 {strides = array<i32>} : memref<1280x64xf32, #tpu.memory_space<vmem>>, vector<1280x64xf32>,
    %get3A_21 = arith.constant 0 : index
    %get3A_22 = arith.constant 0 : index
    %get3A_23 = vector.load %arg3[%get3A_21, %get3A_22] : memref<1280x128xf32, #tpu.memory_space<vmem>>, vector<1280x128xf32>
    %get3A_24 = arith.constant 0 : index
    %get3A_25 = arith.constant 64 : index
    %get3A_26 = vector.load %arg4[%get3A_24, %get3A_25] : memref<128x128xf32, #tpu.memory_space<vmem>>, vector<128x64xf32>
    %dot_general3A_27 = arith.constant dense<0.000000e+00> : vector<1280x64xf32>
    %dot_general3A_28 = tpu.matmul %get3A_23, %get3A_26, %dot_general3A_27 {dimension_numbers = #tpu.dot_dimension_numbers<[1], [0], [0], [1], [0, 0, 1, 1], [], []>, transpose_lhs_hint = false} : vector<1280x128xf32>, vector<128x64xf32>, vector<1280x64xf32> -> vector<1280x64xf32>
    %mul3A_29 = vector.broadcast %rsqrt3A : vector<1280x1xf32> to vector<1280x64xf32>
    %mul3A_30 = arith.mulf %mul3A_29, %dot_general3A_28 : vector<1280x64xf32>
    %swap3A_31 = arith.constant 0 : index
    %swap3A_32 = arith.constant 0 : index
    %swap3A_33 = vector.load %arg7[%swap3A_31, %swap3A_32] : memref<1280x64xf32, #tpu.memory_space<vmem>>, vector<1280x64xf32>
    tpu.vector_store %arg7[%swap3A_31, %swap3A_32], %mul3A_30 {strides = array<i32>} : memref<1280x64xf32, #tpu.memory_space<vmem>>, vector<1280x64xf32>,
    return
  }
  func.func @transform_0(%arg0: i32) -> (i32, i32) {
    %c0_i32 = arith.constant 0 : i32
    %c0_i32_0 = arith.constant 0 : i32
    return %arg0, %c0_i32 : i32, i32
  }
  func.func @transform_1(%arg0: i32) -> (i32, i32) {
    %c0_i32 = arith.constant 0 : i32
    %c0_i32_0 = arith.constant 0 : i32
    return %arg0, %c0_i32 : i32, i32
  }
  func.func @transform_2(%arg0: i32) -> (i32, i32) {
    %c0_i32 = arith.constant 0 : i32
    %c0_i32_0 = arith.constant 0 : i32
    return %arg0, %c0_i32 : i32, i32
  }
  func.func @transform_3(%arg0: i32) -> (i32, i32) {
    %c0_i32 = arith.constant 0 : i32
    %c0_i32_0 = arith.constant 0 : i32
    %c0_i32_1 = arith.constant 0 : i32
    return %c0_i32, %c0_i32_0 : i32, i32
  }
  func.func @transform_4(%arg0: i32) -> (i32, i32) {
    %c0_i32 = arith.constant 0 : i32
    %c0_i32_0 = arith.constant 0 : i32
    return %arg0, %c0_i32 : i32, i32
  }
  func.func @transform_5(%arg0: i32) -> (i32, i32) {
    %c0_i32 = arith.constant 0 : i32
    %c0_i32_0 = arith.constant 0 : i32
    return %arg0, %c0_i32 : i32, i32
  }
  func.func @transform_6(%arg0: i32) -> (i32, i32) {
    %c0_i32 = arith.constant 0 : i32
    %c0_i32_0 = arith.constant 0 : i32
    return %arg0, %c0_i32 : i32, i32
  }
}

module attributes {stable_mosaic.version = 14 : i64} {
  func.func @body(%arg0: i32, %arg1: memref<1280x64xf32, #tpu.memory_space<vmem>>, %arg2: memref<1280x64xf32, #tpu.memory_space<vmem>>, %arg3: memref<1280x64xf32, #tpu.memory_space<vmem>>, %arg4: memref<1280x64xf32, #tpu.memory_space<vmem>>, %arg5: memref<1280x64xf32, #tpu.memory_space<vmem>>, %arg6: memref<1280x64xf32, #tpu.memory_space<vmem>>, %arg7: memref<1280x1xf32, #tpu.memory_space<vmem>>, %arg8: memref<1x128xf32, #tpu.memory_space<vmem>>, %arg9: memref<128x64xf32, #tpu.memory_space<vmem>>, %arg10: memref<1280x64xf32, #tpu.memory_space<vmem>>) attributes {dimension_semantics = [#tpu.dimension_semantics<arbitrary>], iteration_bounds = array<i64: 8>, scalar_prefetch = 0 : i64, scratch_operands = 0 : i64, tpu.core_type = #tpu.core_type<tc>, window_params = [{transform_indices = @transform_0, window_bounds = array<i64: 1280, 64>}, {transform_indices = @transform_1, window_bounds = array<i64: 1280, 64>}, {transform_indices = @transform_2, window_bounds = array<i64: 1280, 64>}, {transform_indices = @transform_3, window_bounds = array<i64: 1280, 64>}, {transform_indices = @transform_4, window_bounds = array<i64: 1280, 64>}, {transform_indices = @transform_5, window_bounds = array<i64: 1280, 64>}, {transform_indices = @transform_6, window_bounds = array<i64: 1280, 1>}, {pipeline_mode = #tpu.pipeline_mode<synchronous>, transform_indices = @transform_7, window_bounds = array<i64: 1, 128>}, {pipeline_mode = #tpu.pipeline_mode<synchronous>, transform_indices = @transform_8, window_bounds = array<i64: 128, 64>}, {transform_indices = @transform_9, window_bounds = array<i64: 1280, 64>}]} {
    %get3A = arith.constant 0 : index
    %get3A_0 = arith.constant 0 : index
    %get3A_1 = vector.load %arg7[%get3A, %get3A_0] : memref<1280x1xf32, #tpu.memory_space<vmem>>, vector<1280x1xf32>
    %get3A_2 = arith.constant 0 : index
    %get3A_3 = arith.constant 0 : index
    %get3A_4 = vector.load %arg1[%get3A_2, %get3A_3] : memref<1280x64xf32, #tpu.memory_space<vmem>>, vector<1280x64xf32>
    %get3A_5 = arith.constant 0 : index
    %get3A_6 = arith.constant 0 : index
    %get3A_7 = vector.load %arg2[%get3A_5, %get3A_6] : memref<1280x64xf32, #tpu.memory_space<vmem>>, vector<1280x64xf32>
    %add3A = arith.addf %get3A_4, %get3A_7 : vector<1280x64xf32>
    %get3A_8 = arith.constant 0 : index
    %get3A_9 = arith.constant 0 : index
    %get3A_10 = vector.load %arg5[%get3A_8, %get3A_9] : memref<1280x64xf32, #tpu.memory_space<vmem>>, vector<1280x64xf32>
    %add3A_11 = arith.addf %add3A, %get3A_10 : vector<1280x64xf32>
    %mul3A = vector.broadcast %get3A_1 : vector<1280x1xf32> to vector<1280x64xf32>
    %mul3A_12 = arith.mulf %mul3A, %add3A_11 : vector<1280x64xf32>
    %get3A_13 = arith.constant 0 : index
    %get3A_14 = arith.constant 0 : index
    %get3A_15 = vector.load %arg8[%get3A_13, %get3A_14] : memref<1x128xf32, #tpu.memory_space<vmem>>, vector<1x64xf32>
    %add3A_16 = vector.broadcast %get3A_15 : vector<1x64xf32> to vector<1280x64xf32>
    %add3A_17 = arith.addf %mul3A_12, %add3A_16 : vector<1280x64xf32>
    %max3A = arith.constant 0.000000e+00 : f32
    %max3A_18 = vector.broadcast %max3A : f32 to vector<1280x64xf32>
    %max3A_19 = arith.maximumf %add3A_17, %max3A_18 : vector<1280x64xf32>
    %get3A_20 = arith.constant 0 : index
    %get3A_21 = arith.constant 0 : index
    %get3A_22 = vector.load %arg3[%get3A_20, %get3A_21] : memref<1280x64xf32, #tpu.memory_space<vmem>>, vector<1280x64xf32>
    %get3A_23 = arith.constant 0 : index
    %get3A_24 = arith.constant 0 : index
    %get3A_25 = vector.load %arg4[%get3A_23, %get3A_24] : memref<1280x64xf32, #tpu.memory_space<vmem>>, vector<1280x64xf32>
    %add3A_26 = arith.addf %get3A_22, %get3A_25 : vector<1280x64xf32>
    %get3A_27 = arith.constant 0 : index
    %get3A_28 = arith.constant 0 : index
    %get3A_29 = vector.load %arg6[%get3A_27, %get3A_28] : memref<1280x64xf32, #tpu.memory_space<vmem>>, vector<1280x64xf32>
    %add3A_30 = arith.addf %add3A_26, %get3A_29 : vector<1280x64xf32>
    %mul3A_31 = vector.broadcast %get3A_1 : vector<1280x1xf32> to vector<1280x64xf32>
    %mul3A_32 = arith.mulf %mul3A_31, %add3A_30 : vector<1280x64xf32>
    %get3A_33 = arith.constant 0 : index
    %get3A_34 = arith.constant 64 : index
    %get3A_35 = vector.load %arg8[%get3A_33, %get3A_34] : memref<1x128xf32, #tpu.memory_space<vmem>>, vector<1x64xf32>
    %add3A_36 = vector.broadcast %get3A_35 : vector<1x64xf32> to vector<1280x64xf32>
    %add3A_37 = arith.addf %mul3A_32, %add3A_36 : vector<1280x64xf32>
    %max3A_38 = arith.constant 0.000000e+00 : f32
    %max3A_39 = vector.broadcast %max3A_38 : f32 to vector<1280x64xf32>
    %max3A_40 = arith.maximumf %add3A_37, %max3A_39 : vector<1280x64xf32>
    %get3A_41 = arith.constant 0 : index
    %get3A_42 = arith.constant 0 : index
    %get3A_43 = vector.load %arg9[%get3A_41, %get3A_42] : memref<128x64xf32, #tpu.memory_space<vmem>>, vector<64x64xf32>
    %dot_general3A = arith.constant dense<0.000000e+00> : vector<1280x64xf32>
    %dot_general3A_44 = tpu.matmul %max3A_19, %get3A_43, %dot_general3A {dimension_numbers = #tpu.dot_dimension_numbers<[1], [0], [0], [1], [0, 0, 1, 1], [], []>, transpose_lhs_hint = false} : vector<1280x64xf32>, vector<64x64xf32>, vector<1280x64xf32> -> vector<1280x64xf32>
    %get3A_45 = arith.constant 64 : index
    %get3A_46 = arith.constant 0 : index
    %get3A_47 = vector.load %arg9[%get3A_45, %get3A_46] : memref<128x64xf32, #tpu.memory_space<vmem>>, vector<64x64xf32>
    %dot_general3A_48 = arith.constant dense<0.000000e+00> : vector<1280x64xf32>
    %dot_general3A_49 = tpu.matmul %max3A_40, %get3A_47, %dot_general3A_48 {dimension_numbers = #tpu.dot_dimension_numbers<[1], [0], [0], [1], [0, 0, 1, 1], [], []>, transpose_lhs_hint = false} : vector<1280x64xf32>, vector<64x64xf32>, vector<1280x64xf32> -> vector<1280x64xf32>
    %add3A_50 = arith.addf %dot_general3A_44, %dot_general3A_49 : vector<1280x64xf32>
    %mul3A_51 = vector.broadcast %get3A_1 : vector<1280x1xf32> to vector<1280x64xf32>
    %mul3A_52 = arith.mulf %mul3A_51, %add3A_50 : vector<1280x64xf32>
    %swap3A = arith.constant 0 : index
    %swap3A_53 = arith.constant 0 : index
    %swap3A_54 = vector.load %arg10[%swap3A, %swap3A_53] : memref<1280x64xf32, #tpu.memory_space<vmem>>, vector<1280x64xf32>
    tpu.vector_store %arg10[%swap3A, %swap3A_53], %mul3A_52 {strides = array<i32>} : memref<1280x64xf32, #tpu.memory_space<vmem>>, vector<1280x64xf32>,
    return
  }
  func.func @transform_0(%arg0: i32) -> (i32, i32) {
    %c0_i32 = arith.constant 0 : i32
    %c0_i32_0 = arith.constant 0 : i32
    return %arg0, %c0_i32 : i32, i32
  }
  func.func @transform_1(%arg0: i32) -> (i32, i32) {
    %c0_i32 = arith.constant 0 : i32
    %c0_i32_0 = arith.constant 0 : i32
    return %arg0, %c0_i32 : i32, i32
  }
  func.func @transform_2(%arg0: i32) -> (i32, i32) {
    %c0_i32 = arith.constant 0 : i32
    %c0_i32_0 = arith.constant 0 : i32
    return %arg0, %c0_i32 : i32, i32
  }
  func.func @transform_3(%arg0: i32) -> (i32, i32) {
    %c0_i32 = arith.constant 0 : i32
    %c0_i32_0 = arith.constant 0 : i32
    return %arg0, %c0_i32 : i32, i32
  }
  func.func @transform_4(%arg0: i32) -> (i32, i32) {
    %c0_i32 = arith.constant 0 : i32
    %c0_i32_0 = arith.constant 0 : i32
    return %arg0, %c0_i32 : i32, i32
  }
  func.func @transform_5(%arg0: i32) -> (i32, i32) {
    %c0_i32 = arith.constant 0 : i32
    %c0_i32_0 = arith.constant 0 : i32
    return %arg0, %c0_i32 : i32, i32
  }
  func.func @transform_6(%arg0: i32) -> (i32, i32) {
    %c0_i32 = arith.constant 0 : i32
    %c0_i32_0 = arith.constant 0 : i32
    return %arg0, %c0_i32 : i32, i32
  }
  func.func @transform_7(%arg0: i32) -> (i32, i32) {
    %c0_i32 = arith.constant 0 : i32
    %c0_i32_0 = arith.constant 0 : i32
    %c0_i32_1 = arith.constant 0 : i32
    return %c0_i32, %c0_i32_0 : i32, i32
  }
  func.func @transform_8(%arg0: i32) -> (i32, i32) {
    %c0_i32 = arith.constant 0 : i32
    %c0_i32_0 = arith.constant 0 : i32
    %c0_i32_1 = arith.constant 0 : i32
    return %c0_i32, %c0_i32_0 : i32, i32
  }
  func.func @transform_9(%arg0: i32) -> (i32, i32) {
    %c0_i32 = arith.constant 0 : i32
    %c0_i32_0 = arith.constant 0 : i32
    return %arg0, %c0_i32 : i32, i32
  }
}

module attributes {stable_mosaic.version = 14 : i64} {
  func.func @body(%arg0: i32, %arg1: memref<1280x64xf32, #tpu.memory_space<vmem>>, %arg2: memref<1280x64xf32, #tpu.memory_space<vmem>>, %arg3: memref<1280x64xf32, #tpu.memory_space<vmem>>, %arg4: memref<1280x1xf32, #tpu.memory_space<vmem>>, %arg5: memref<1x64xf32, #tpu.memory_space<vmem>>, %arg6: memref<64x128xf32, #tpu.memory_space<vmem>>, %arg7: memref<1280x64xf32, #tpu.memory_space<vmem>>, %arg8: memref<1280x64xf32, #tpu.memory_space<vmem>>) attributes {dimension_semantics = [#tpu.dimension_semantics<arbitrary>], iteration_bounds = array<i64: 8>, scalar_prefetch = 0 : i64, scratch_operands = 0 : i64, tpu.core_type = #tpu.core_type<tc>, window_params = [{transform_indices = @transform_0, window_bounds = array<i64: 1280, 64>}, {transform_indices = @transform_1, window_bounds = array<i64: 1280, 64>}, {transform_indices = @transform_2, window_bounds = array<i64: 1280, 64>}, {transform_indices = @transform_3, window_bounds = array<i64: 1280, 1>}, {pipeline_mode = #tpu.pipeline_mode<synchronous>, transform_indices = @transform_4, window_bounds = array<i64: 1, 64>}, {pipeline_mode = #tpu.pipeline_mode<synchronous>, transform_indices = @transform_5, window_bounds = array<i64: 64, 128>}, {transform_indices = @transform_6, window_bounds = array<i64: 1280, 64>}, {transform_indices = @transform_7, window_bounds = array<i64: 1280, 64>}]} {
    %get3A = arith.constant 0 : index
    %get3A_0 = arith.constant 0 : index
    %get3A_1 = vector.load %arg4[%get3A, %get3A_0] : memref<1280x1xf32, #tpu.memory_space<vmem>>, vector<1280x1xf32>
    %get3A_2 = arith.constant 0 : index
    %get3A_3 = arith.constant 0 : index
    %get3A_4 = vector.load %arg1[%get3A_2, %get3A_3] : memref<1280x64xf32, #tpu.memory_space<vmem>>, vector<1280x64xf32>
    %get3A_5 = arith.constant 0 : index
    %get3A_6 = arith.constant 0 : index
    %get3A_7 = vector.load %arg2[%get3A_5, %get3A_6] : memref<1280x64xf32, #tpu.memory_space<vmem>>, vector<1280x64xf32>
    %add3A = arith.addf %get3A_4, %get3A_7 : vector<1280x64xf32>
    %get3A_8 = arith.constant 0 : index
    %get3A_9 = arith.constant 0 : index
    %get3A_10 = vector.load %arg3[%get3A_8, %get3A_9] : memref<1280x64xf32, #tpu.memory_space<vmem>>, vector<1280x64xf32>
    %add3A_11 = arith.addf %add3A, %get3A_10 : vector<1280x64xf32>
    %mul3A = vector.broadcast %get3A_1 : vector<1280x1xf32> to vector<1280x64xf32>
    %mul3A_12 = arith.mulf %mul3A, %add3A_11 : vector<1280x64xf32>
    %get3A_13 = arith.constant 0 : index
    %get3A_14 = arith.constant 0 : index
    %get3A_15 = vector.load %arg5[%get3A_13, %get3A_14] : memref<1x64xf32, #tpu.memory_space<vmem>>, vector<1x64xf32>
    %add3A_16 = vector.broadcast %get3A_15 : vector<1x64xf32> to vector<1280x64xf32>
    %add3A_17 = arith.addf %mul3A_12, %add3A_16 : vector<1280x64xf32>
    %max3A = arith.constant 0.000000e+00 : f32
    %max3A_18 = vector.broadcast %max3A : f32 to vector<1280x64xf32>
    %max3A_19 = arith.maximumf %add3A_17, %max3A_18 : vector<1280x64xf32>
    %get3A_20 = arith.constant 0 : index
    %get3A_21 = arith.constant 0 : index
    %get3A_22 = vector.load %arg6[%get3A_20, %get3A_21] : memref<64x128xf32, #tpu.memory_space<vmem>>, vector<64x64xf32>
    %dot_general3A = arith.constant dense<0.000000e+00> : vector<1280x64xf32>
    %dot_general3A_23 = tpu.matmul %max3A_19, %get3A_22, %dot_general3A {dimension_numbers = #tpu.dot_dimension_numbers<[1], [0], [0], [1], [0, 0, 1, 1], [], []>, transpose_lhs_hint = false} : vector<1280x64xf32>, vector<64x64xf32>, vector<1280x64xf32> -> vector<1280x64xf32>
    %mul3A_24 = vector.broadcast %get3A_1 : vector<1280x1xf32> to vector<1280x64xf32>
    %mul3A_25 = arith.mulf %mul3A_24, %dot_general3A_23 : vector<1280x64xf32>
    %swap3A = arith.constant 0 : index
    %swap3A_26 = arith.constant 0 : index
    %swap3A_27 = vector.load %arg7[%swap3A, %swap3A_26] : memref<1280x64xf32, #tpu.memory_space<vmem>>, vector<1280x64xf32>
    tpu.vector_store %arg7[%swap3A, %swap3A_26], %mul3A_25 {strides = array<i32>} : memref<1280x64xf32, #tpu.memory_space<vmem>>, vector<1280x64xf32>,
    %get3A_28 = arith.constant 0 : index
    %get3A_29 = arith.constant 64 : index
    %get3A_30 = vector.load %arg6[%get3A_28, %get3A_29] : memref<64x128xf32, #tpu.memory_space<vmem>>, vector<64x64xf32>
    %dot_general3A_31 = arith.constant dense<0.000000e+00> : vector<1280x64xf32>
    %dot_general3A_32 = tpu.matmul %max3A_19, %get3A_30, %dot_general3A_31 {dimension_numbers = #tpu.dot_dimension_numbers<[1], [0], [0], [1], [0, 0, 1, 1], [], []>, transpose_lhs_hint = false} : vector<1280x64xf32>, vector<64x64xf32>, vector<1280x64xf32> -> vector<1280x64xf32>
    %mul3A_33 = vector.broadcast %get3A_1 : vector<1280x1xf32> to vector<1280x64xf32>
    %mul3A_34 = arith.mulf %mul3A_33, %dot_general3A_32 : vector<1280x64xf32>
    %swap3A_35 = arith.constant 0 : index
    %swap3A_36 = arith.constant 0 : index
    %swap3A_37 = vector.load %arg8[%swap3A_35, %swap3A_36] : memref<1280x64xf32, #tpu.memory_space<vmem>>, vector<1280x64xf32>
    tpu.vector_store %arg8[%swap3A_35, %swap3A_36], %mul3A_34 {strides = array<i32>} : memref<1280x64xf32, #tpu.memory_space<vmem>>, vector<1280x64xf32>,
    return
  }
  func.func @transform_0(%arg0: i32) -> (i32, i32) {
    %c0_i32 = arith.constant 0 : i32
    %c0_i32_0 = arith.constant 0 : i32
    return %arg0, %c0_i32 : i32, i32
  }
  func.func @transform_1(%arg0: i32) -> (i32, i32) {
    %c0_i32 = arith.constant 0 : i32
    %c0_i32_0 = arith.constant 0 : i32
    return %arg0, %c0_i32 : i32, i32
  }
  func.func @transform_2(%arg0: i32) -> (i32, i32) {
    %c0_i32 = arith.constant 0 : i32
    %c0_i32_0 = arith.constant 0 : i32
    return %arg0, %c0_i32 : i32, i32
  }
  func.func @transform_3(%arg0: i32) -> (i32, i32) {
    %c0_i32 = arith.constant 0 : i32
    %c0_i32_0 = arith.constant 0 : i32
    return %arg0, %c0_i32 : i32, i32
  }
  func.func @transform_4(%arg0: i32) -> (i32, i32) {
    %c0_i32 = arith.constant 0 : i32
    %c0_i32_0 = arith.constant 0 : i32
    %c0_i32_1 = arith.constant 0 : i32
    return %c0_i32, %c0_i32_0 : i32, i32
  }
  func.func @transform_5(%arg0: i32) -> (i32, i32) {
    %c0_i32 = arith.constant 0 : i32
    %c0_i32_0 = arith.constant 0 : i32
    %c0_i32_1 = arith.constant 0 : i32
    return %c0_i32, %c0_i32_0 : i32, i32
  }
  func.func @transform_6(%arg0: i32) -> (i32, i32) {
    %c0_i32 = arith.constant 0 : i32
    %c0_i32_0 = arith.constant 0 : i32
    return %arg0, %c0_i32 : i32, i32
  }
  func.func @transform_7(%arg0: i32) -> (i32, i32) {
    %c0_i32 = arith.constant 0 : i32
    %c0_i32_0 = arith.constant 0 : i32
    return %arg0, %c0_i32 : i32, i32
  }
}

module attributes {stable_mosaic.version = 14 : i64} {
  func.func @body(%arg0: i32, %arg1: memref<1280x64xf32, #tpu.memory_space<vmem>>, %arg2: memref<1280x64xf32, #tpu.memory_space<vmem>>, %arg3: memref<1280x64xf32, #tpu.memory_space<vmem>>, %arg4: memref<1280x64xf32, #tpu.memory_space<vmem>>, %arg5: memref<1280x64xf32, #tpu.memory_space<vmem>>, %arg6: memref<1280x64xf32, #tpu.memory_space<vmem>>, %arg7: memref<1280x1xf32, #tpu.memory_space<vmem>>, %arg8: memref<1x128xf32, #tpu.memory_space<vmem>>, %arg9: memref<1280x128xf32, #tpu.memory_space<vmem>>) attributes {dimension_semantics = [#tpu.dimension_semantics<arbitrary>], iteration_bounds = array<i64: 8>, scalar_prefetch = 0 : i64, scratch_operands = 0 : i64, tpu.core_type = #tpu.core_type<tc>, window_params = [{transform_indices = @transform_0, window_bounds = array<i64: 1280, 64>}, {transform_indices = @transform_1, window_bounds = array<i64: 1280, 64>}, {transform_indices = @transform_2, window_bounds = array<i64: 1280, 64>}, {transform_indices = @transform_3, window_bounds = array<i64: 1280, 64>}, {transform_indices = @transform_4, window_bounds = array<i64: 1280, 64>}, {transform_indices = @transform_5, window_bounds = array<i64: 1280, 64>}, {transform_indices = @transform_6, window_bounds = array<i64: 1280, 1>}, {pipeline_mode = #tpu.pipeline_mode<synchronous>, transform_indices = @transform_7, window_bounds = array<i64: 1, 128>}, {transform_indices = @transform_8, window_bounds = array<i64: 1280, 128>}]} {
    %get3A = arith.constant 0 : index
    %get3A_0 = arith.constant 0 : index
    %get3A_1 = vector.load %arg7[%get3A, %get3A_0] : memref<1280x1xf32, #tpu.memory_space<vmem>>, vector<1280x1xf32>
    %get3A_2 = arith.constant 0 : index
    %get3A_3 = arith.constant 0 : index
    %get3A_4 = vector.load %arg1[%get3A_2, %get3A_3] : memref<1280x64xf32, #tpu.memory_space<vmem>>, vector<1280x64xf32>
    %get3A_5 = arith.constant 0 : index
    %get3A_6 = arith.constant 0 : index
    %get3A_7 = vector.load %arg2[%get3A_5, %get3A_6] : memref<1280x64xf32, #tpu.memory_space<vmem>>, vector<1280x64xf32>
    %add3A = arith.addf %get3A_4, %get3A_7 : vector<1280x64xf32>
    %get3A_8 = arith.constant 0 : index
    %get3A_9 = arith.constant 0 : index
    %get3A_10 = vector.load %arg5[%get3A_8, %get3A_9] : memref<1280x64xf32, #tpu.memory_space<vmem>>, vector<1280x64xf32>
    %add3A_11 = arith.addf %add3A, %get3A_10 : vector<1280x64xf32>
    %mul3A = vector.broadcast %get3A_1 : vector<1280x1xf32> to vector<1280x64xf32>
    %mul3A_12 = arith.mulf %mul3A, %add3A_11 : vector<1280x64xf32>
    %get3A_13 = arith.constant 0 : index
    %get3A_14 = arith.constant 0 : index
    %get3A_15 = vector.load %arg8[%get3A_13, %get3A_14] : memref<1x128xf32, #tpu.memory_space<vmem>>, vector<1x64xf32>
    %add3A_16 = vector.broadcast %get3A_15 : vector<1x64xf32> to vector<1280x64xf32>
    %add3A_17 = arith.addf %mul3A_12, %add3A_16 : vector<1280x64xf32>
    %swap3A = arith.constant 0 : index
    %swap3A_18 = arith.constant 0 : index
    %swap3A_19 = vector.load %arg9[%swap3A, %swap3A_18] : memref<1280x128xf32, #tpu.memory_space<vmem>>, vector<1280x64xf32>
    tpu.vector_store %arg9[%swap3A, %swap3A_18], %add3A_17 {strides = array<i32>} : memref<1280x128xf32, #tpu.memory_space<vmem>>, vector<1280x64xf32>,
    %get3A_20 = arith.constant 0 : index
    %get3A_21 = arith.constant 0 : index
    %get3A_22 = vector.load %arg3[%get3A_20, %get3A_21] : memref<1280x64xf32, #tpu.memory_space<vmem>>, vector<1280x64xf32>
    %get3A_23 = arith.constant 0 : index
    %get3A_24 = arith.constant 0 : index
    %get3A_25 = vector.load %arg4[%get3A_23, %get3A_24] : memref<1280x64xf32, #tpu.memory_space<vmem>>, vector<1280x64xf32>
    %add3A_26 = arith.addf %get3A_22, %get3A_25 : vector<1280x64xf32>
    %get3A_27 = arith.constant 0 : index
    %get3A_28 = arith.constant 0 : index
    %get3A_29 = vector.load %arg6[%get3A_27, %get3A_28] : memref<1280x64xf32, #tpu.memory_space<vmem>>, vector<1280x64xf32>
    %add3A_30 = arith.addf %add3A_26, %get3A_29 : vector<1280x64xf32>
    %mul3A_31 = vector.broadcast %get3A_1 : vector<1280x1xf32> to vector<1280x64xf32>
    %mul3A_32 = arith.mulf %mul3A_31, %add3A_30 : vector<1280x64xf32>
    %get3A_33 = arith.constant 0 : index
    %get3A_34 = arith.constant 64 : index
    %get3A_35 = vector.load %arg8[%get3A_33, %get3A_34] : memref<1x128xf32, #tpu.memory_space<vmem>>, vector<1x64xf32>
    %add3A_36 = vector.broadcast %get3A_35 : vector<1x64xf32> to vector<1280x64xf32>
    %add3A_37 = arith.addf %mul3A_32, %add3A_36 : vector<1280x64xf32>
    %swap3A_38 = arith.constant 0 : index
    %swap3A_39 = arith.constant 64 : index
    %swap3A_40 = vector.load %arg9[%swap3A_38, %swap3A_39] : memref<1280x128xf32, #tpu.memory_space<vmem>>, vector<1280x64xf32>
    tpu.vector_store %arg9[%swap3A_38, %swap3A_39], %add3A_37 {strides = array<i32>} : memref<1280x128xf32, #tpu.memory_space<vmem>>, vector<1280x64xf32>,
    return
  }
  func.func @transform_0(%arg0: i32) -> (i32, i32) {
    %c0_i32 = arith.constant 0 : i32
    %c0_i32_0 = arith.constant 0 : i32
    return %arg0, %c0_i32 : i32, i32
  }
  func.func @transform_1(%arg0: i32) -> (i32, i32) {
    %c0_i32 = arith.constant 0 : i32
    %c0_i32_0 = arith.constant 0 : i32
    return %arg0, %c0_i32 : i32, i32
  }
  func.func @transform_2(%arg0: i32) -> (i32, i32) {
    %c0_i32 = arith.constant 0 : i32
    %c0_i32_0 = arith.constant 0 : i32
    return %arg0, %c0_i32 : i32, i32
  }
  func.func @transform_3(%arg0: i32) -> (i32, i32) {
    %c0_i32 = arith.constant 0 : i32
    %c0_i32_0 = arith.constant 0 : i32
    return %arg0, %c0_i32 : i32, i32
  }
  func.func @transform_4(%arg0: i32) -> (i32, i32) {
    %c0_i32 = arith.constant 0 : i32
    %c0_i32_0 = arith.constant 0 : i32
    return %arg0, %c0_i32 : i32, i32
  }
  func.func @transform_5(%arg0: i32) -> (i32, i32) {
    %c0_i32 = arith.constant 0 : i32
    %c0_i32_0 = arith.constant 0 : i32
    return %arg0, %c0_i32 : i32, i32
  }
  func.func @transform_6(%arg0: i32) -> (i32, i32) {
    %c0_i32 = arith.constant 0 : i32
    %c0_i32_0 = arith.constant 0 : i32
    return %arg0, %c0_i32 : i32, i32
  }
  func.func @transform_7(%arg0: i32) -> (i32, i32) {
    %c0_i32 = arith.constant 0 : i32
    %c0_i32_0 = arith.constant 0 : i32
    %c0_i32_1 = arith.constant 0 : i32
    return %c0_i32, %c0_i32_0 : i32, i32
  }
  func.func @transform_8(%arg0: i32) -> (i32, i32) {
    %c0_i32 = arith.constant 0 : i32
    %c0_i32_0 = arith.constant 0 : i32
    return %arg0, %c0_i32 : i32, i32
  }
}

</mosaic_0001>

<sc_bundles>
// kernel: kernel.12.cloned.1.call-start
scs
__scs_entry_jumppad:
0x0: {  	(pc) =	sbr.rel $0x88, $3  }
0x1: {  	(tag) =	ssettag $0x0;
	lr =	simm.s32 $0x1  }
0x2: {  	[smem:$0x3F99] =	sst lr;
	_ =	strace $0xD0000000  }
0x3: {  	_ = 	snop  }
0x4: {  	_ = 	snop  }
0x5: {  	_ = 	snop  }
0x6: {  	_ = 	snop  }
0x7: {  	_ = 	snop  }
__scs_overlays_trampoline_lowered:
0x8: {  	[smem:$0x3FA8] =	sst s0  }
0x9: {  	[smem:$0x3FA9] =	sst s1  }
0xa: {  	[smem:$0x3FAA] =	sst s2  }
0xb: {  	[smem:$0x3FAB] =	sst s3  }
0xc: {  	[smem:$0x3FAC] =	sst s4  }
0xd: {  	[smem:$0x3FAD] =	sst s5  }
0xe: {  	[smem:$0x3FAE] =	sst s6  }
0xf: {  	[smem:$0x3FAF] =	sst s7  }
0x10: {  	[smem:$0x3FB0] =	sst s8  }
0x11: {  	[smem:$0x3FB1] =	sst s9;
	s0 =	simm.s32 @!p0 $0x0  }
0x12: {  	s1 =	sld [smem:$0x3F97];
	s0 =	simm.s32 @p0 $0x1  }
0x13: {  	[smem:$0x3FB2] =	sst s0;
	s0 =	simm.s32 @!p1 $0x0  }
0x14: {  	s2 =	sld [smem:$0x3F96];
	s0 =	simm.s32 @p1 $0x1  }
0x15: {  	[smem:$0x3FB3] =	sst s0;
	s0 =	simm.s32 @!p2 $0x0  }
0x16: {  	s3 =	sld [smem:$0x3FDB];
	s0 =	simm.s32 @p2 $0x1  }
0x17: {  	s4 =	simm.s32 $0x1BF5;
	[smem:$0x3FB5] =	sst s0  }
0x18: {  	s0 =	sld [smem:$0x3F98];
	_ =	swait.ge [sflag:s4], $0x0  }
0x19: {  	s7 =	sld [smem:$0x3F99]  }
0x1a: {  	s8 =	sadd.s32 $0xFFFFE003, lr  }
0x1b: {  	s9 =	sadd.s32 $0xFFFFFEF7, lr;
	s5 =	simm.s32 $0xFFFFFFFF;
	p2 =	slt.u32 s8, $0xFFFFF086  }
0x1c: {  	p1 =	slt.u32 s9, $0xF7A;
	s5 =	simm.s32 @!p2 $0x0  }
0x1d: {  	s5 =	simm.s32 @p1 $0x1;
	p0 =	seq.s32 s7, s2  }
0x1e: {  	s7 =	smul.u32 @!p0 $0xF7A, s2;
	p2 =	seq.s32 @!p0 s5, $0x0  }
0x1f: {  	s9 =	smul.u32 $0xF7A, s1;
	s8 =	simm.s32 @!p0 $0x1BF5;
	p2 =	por !p2, p0  }
0x20: {  	[sflag:s8] =	ssyncset.s32 @!p0 $0xFFFFF086;
	s6 =	sadd.s32 @!p0 s3, s7;
	s7 =	simm.s32 @!p0 $0x108  }
0x21: {  	s3 =	sadd.s32 s3, s9;
	s6 =	sadd.s32 @!p0 $0x88, s6;
	s7 =	simm.s32 @p2 $0x1082  }
0x22: {  	[simem:s7], [sflag:s8] =	dma.local @!p0 [hbm:s6], $0xF7A  }
0x23: {  	s9 =	sor.u32 $0xD0000000, s2;
	s6 =	simm.s32 $0x108;
	_ =	swait.ge @!p0 [sflag:s8], $0x0  }
0x24: {  	s3 =	sadd.s32 $0x88, s3;
	s6 =	simm.s32 @!p1 $0x1082;
	[sflag:s4] =	ssyncset.s32 $0xFFFFF086  }
0x25: {  	[simem:s6], [sflag:s4] =	dma.local [hbm:s3], $0xF7A  }
0x26: {  	[smem:$0x3F99] =	sst s1;
	(tag) =	ssettag s2;
	_ =	strace s9  }
0x27: {  	s1 =	sld [smem:$0x3FA9]  }
0x28: {  	s2 =	sld [smem:$0x3FAA]  }
0x29: {  	s4 =	sld [smem:$0x3FAC]  }
0x2a: {  	p0 =	seq.s32 s5, $0x0;
	s5 =	sld [smem:$0x3FAD]  }
0x2b: {  	s6 =	sld [smem:$0x3FAE]  }
0x2c: {  	s7 =	sld [smem:$0x3FAF]  }
0x2d: {  	s3 =	simm.s32 $0x108;
	s8 =	sld [smem:$0x3FB0]  }
0x2e: {  	s3 =	simm.s32 @!p0 $0x1082;
	s9 =	sld [smem:$0x3FB1]  }
0x2f: {  	lr =	sadd.s32 s0, s3;
	s0 =	sld [smem:$0x3FA8]  }
0x30: {  	s3 =	sld [smem:$0x3FAB]  }
0x31: {  	[smem:$0x3FB4] =	sst s10  }
0x32: {  	s10 =	sld [smem:$0x3FB2];
	_ =	sdelay $0x3  }
0x33: {  	p0 =	seq.s32 s10, $0x1;
	s10 =	sld [smem:$0x3FB4];
	_ =	sdelay $0x3  }
0x34: {  	[smem:$0x3FB4] =	sst s10  }
0x35: {  	s10 =	sld [smem:$0x3FB3];
	_ =	sdelay $0x3  }
0x36: {  	p1 =	seq.s32 s10, $0x1;
	s10 =	sld [smem:$0x3FB4];
	_ =	sdelay $0x3  }
0x37: {  	[smem:$0x3FB4] =	sst s10  }
0x38: {  	s10 =	sld [smem:$0x3FB5]  }
0x39: {  	_ = 	snop;
	(pc) =	sbr.ind lr, $3  }
0x3a: {  	_ = 	snop  }
0x3b: {  	_ = 	snop  }
0x3c: {  	p2 =	seq.s32 s10, $0x1;
	s10 =	sld [smem:$0x3FB4]  }
0x3d: {  	_ =	shalt  }
0x3e: {  	_ =	shalt  }
0x3f: {  	_ =	shalt  }
0x40: {  	_ =	shalt  }
0x41: {  	_ =	shalt  }
0x42: {  	_ =	shalt  }
0x43: {  	_ =	shalt  }
0x44: {  	_ =	shalt  }
0x45: {  	_ =	shalt  }
0x46: {  	_ =	shalt  }
0x47: {  	_ =	shalt  }
0x48: {  	_ =	shalt  }
0x49: {  	_ =	shalt  }
0x4a: {  	_ =	shalt  }
0x4b: {  	_ =	shalt  }
0x4c: {  	_ =	shalt  }
0x4d: {  	_ =	shalt  }
0x4e: {  	_ =	shalt  }
0x4f: {  	_ =	shalt  }
0x50: {  	_ =	shalt  }
0x51: {  	_ =	shalt  }
0x52: {  	_ =	shalt  }
0x53: {  	_ =	shalt  }
0x54: {  	_ =	shalt  }
0x55: {  	_ =	shalt  }
0x56: {  	_ =	shalt  }
0x57: {  	_ =	shalt  }
0x58: {  	_ =	shalt  }
0x59: {  	_ =	shalt  }
0x5a: {  	_ =	shalt  }
0x5b: {  	_ =	shalt  }
0x5c: {  	_ =	shalt  }
0x5d: {  	_ =	shalt  }
0x5e: {  	_ =	shalt  }
0x5f: {  	_ =	shalt  }
0x60: {  	_ =	shalt  }
0x61: {  	_ =	shalt  }
0x62: {  	_ =	shalt  }
0x63: {  	_ =	shalt  }
0x64: {  	_ =	shalt  }
0x65: {  	_ =	shalt  }
0x66: {  	_ =	shalt  }
0x67: {  	_ =	shalt  }
0x68: {  	_ =	shalt  }
0x69: {  	_ =	shalt  }
0x6a: {  	_ =	shalt  }
0x6b: {  	_ =	shalt  }
0x6c: {  	_ =	shalt  }
0x6d: {  	_ =	shalt  }
0x6e: {  	_ =	shalt  }
0x6f: {  	_ =	shalt  }
0x70: {  	_ =	shalt  }
0x71: {  	_ =	shalt  }
0x72: {  	_ =	shalt  }
0x73: {  	_ =	shalt  }
0x74: {  	_ =	shalt  }
0x75: {  	_ =	shalt  }
0x76: {  	_ =	shalt  }
0x77: {  	_ =	shalt  }
0x78: {  	_ =	shalt  }
0x79: {  	_ =	shalt  }
0x7a: {  	_ =	shalt  }
0x7b: {  	_ =	shalt  }
0x7c: {  	_ =	shalt  }
0x7d: {  	_ =	shalt  }
0x7e: {  	_ =	shalt  }
0x7f: {  	_ =	shalt  }
0x80: {  	_ =	shalt  }
0x81: {  	_ =	shalt  }
0x82: {  	_ =	shalt  }
0x83: {  	_ =	shalt  }
0x84: {  	_ =	shalt  }
0x85: {  	_ =	shalt  }
0x86: {  	_ =	shalt  }
0x87: {  	_ =	shalt  }
.Lfunc_end0:
.L_simem_size_0:
called_computation_lowered:
.L_overlay_start_0:
0x88: {  	s2 =	sld [smem:$0x3FD9]  }
0x89: {  	s3 =	sld [smem:$0x3FFE];
	_ =	sdelay $0x1  }
0x8a: {  	s1 =	srdreg.scid  }
0x8b: {  	s0 =	sand.u32 $0x1, s1  }
0x8c: {  	s17 =	sshll.u32 s0, $0xA;
	s2 =	sadd.s32 s3, s2  }
0x8d: {  	s2 =	sadd.s32 s2, s17  }
0x8e: {  	[smem:$0x3FC0] =	sst s2  }
0x8f: {  	_ = 	snop  }
0x90: {  	s2 =	sld [smem:$0x3FD0];
	(tm) =	ssettm $0x1  }
0x91: {  	s18 =	sld [smem:$0x3FFB];
	_ =	sdelay $0x3  }
0x92: {  	_ =	strace s18  }
0x93: {  	s3 =	sld [smem:$0x3FFC];
	_ =	sdelay $0x3  }
0x94: {  	_ =	strace s3  }
0x95: {  	s3 =	sld [smem:$0x3FFD];
	_ =	sdelay $0x3  }
0x96: {  	_ =	strace s3  }
0x97: {  	_ =	strace $0x8FFFFFFF  }
0x98: {  	s19 =	sld [smem:$0x3FDB];
	_ =	sdelay $0x1  }
0x99: {  	s4 =	simm.s32 $_scs_section_size  }
0x9a: {  	s5 =	simm.s32 $_size__tile_overlayer_lowered;
	s6 =	simm.s32 $_tile_overlayer_lowered  }
0x9b: {  	s22 =	simm.s32 $0x1BFF;
	s21 =	sshll.u32 s6, $0x1;
	s3 =	sadd.s32 s4, s19  }
0x9c: {  	s7 =	simm.s32 $0x0;
	s20 =	sshll.u32 s5, $0x1;
	s5 =	sadd.s32 s21, s3  }
0x9d: {  	[timem:s7], [sflag:s22] =	dma.local [hbm:s5], s20  }
0x9e: {  	_ =	swait.ge [sflag:s22], s20  }
0x9f: {  	s4 =	ssub.s32 $0x0, s20;
	[sflag:s22] =	ssyncset.done $0x0  }
0xa0: {  	[sflag:s22] =	ssyncadd.s32 s4;
	_ =	sdelay $0x1  }
0xa1: {  	s23 =	simm.s32 $0x1B8B  }
0xa2: {  	_ =	swait.ge [sflag:s23], $0x1  }
0xa3: {  	[sflag:s23] =	ssyncset.done $0x0  }
0xa4: {  	s25 =	simm.s32 $0x1B8E;
	s24 =	sld [smem:$0x3FFE];
	[sflag:s23] =	ssyncadd.s32 $0xFFFFFFFF  }
0xa5: {  	s26 =	simm.s32 $execute0_lowered;
	[smem:$0x3FD2] =	sst s25  }
0xa6: {  	s5 =	sshll.u32 s26, $0x1;
	_ =	strace $0x80000046;
	[dreg:$0x1] =	wrdreg $0xFFFFFFFF  }
0xa7: {  	s28 =	simm.s32 $_size_execute0_lowered;
	s3 =	sadd.s32 s3, s5;
	[dreg:$0x0] =	wrdreg $0x0  }
0xa8: {  	s5 =	sshll.u32 s28, $0x1;
	[dreg:$0x2] =	wrdreg s3  }
0xa9: {  	[dreg:$0x3] =	wrdreg s5  }
0xaa: {  	[dreg:$0x4] =	wrdreg $0xC0  }
0xab: {  	_ =	task [dreg:s7], $0x5FFFF  }
0xac: {  	[dreg:$0x1] =	wrdreg $0xFFFFFFFF  }
0xad: {  	[dreg:$0x0] =	wrdreg $0x60  }
0xae: {  	[dreg:$0x2] =	wrdreg s24  }
0xaf: {  	[dreg:$0x3] =	wrdreg s2  }
0xb0: {  	[dreg:$0x4] =	wrdreg $0x30000  }
0xb1: {  	[dreg:$0x5] =	wrdreg $0x9  }
0xb2: {  	_ =	task.clear_ibuf [dreg:s7], $0x6FFFF;
	_ =	strace $0x90000046  }
0xb3: {  	s29 =	simm.s32 $0x9;
	_ =	strace $0x80000048  }
0xb4: {  	_ =	swait.ge [sflag:s29], $0x1  }
0xb5: {  	[sflag:s29] =	ssyncadd.s32 $0xFFFFFFFF  }
0xb6: {  	_ =	strace $0x90000048  }
0xb7: {  	_ =	sfence  }
0xb8: {  	s30 =	sld [smem:$0x0];
	_ =	sdelay $0x2  }
0xb9: {  	s31 =	sshll.u32 s1, $0xD;
	s1 =	sshrl.u32 s1, $0x2  }
0xba: {  	s3 =	sand.u32 $0x4000, s31;
	s1 =	sadd.s32 s1, s30  }
0xbb: {  	s0 =	sor.u32 s3, s0;
	s1 =	sshll.u32 s1, $0x11  }
0xbc: {  	s0 =	sor.u32 s1, s0  }
0xbd: {  	s0 =	sadd.s32 $0x8F2B, s0  }
0xbe: {  	[sflag:s0] =	ssyncadd.remote.s32 $0x1  }
0xbf: {  	_ =	sfence.sel $0xFFFF  }
0xc0: {  	[dreg:$0x0] =	wrdreg $0xFFFFFFFF;
	(pc) =	sbr.abs _section_cstart, $3  }
0xc1: {  	[dreg:$0x1] =	wrdreg $0xFFFFFFFF  }
0xc2: {  	_ =	task.clear_ibuf [dreg:s7], $0x2FFFF;
	_ =	strace $0x9FFFFFFF  }
0xc3: {  	(tm) =	ssettm $0x7FFFFFFF  }
tec
execute0_lowered:
.L_overlay_start_1:
0x0: {  	(tag) =	ssettag $0x1  }
0x1: {  	s5 =	rddreg [dreg:$0x0]  }
0x2: {  	s0 =	srdreg.scid;
	s7 =	rddreg [dreg:$0x1]  }
0x3: {  	s2 =	rddreg [dreg:$0x2];
	s3 =	simm.s32 $0x0;
	s13 =	simm.s32 $0x80  }
0x4: {  	s14 =	simm.s32 $0x0;
	s4 =	sand.u32 $0x1, s0;
	s0 =	stileid.u32  }
0x5: {  	[smem:$0x7FF] =	sst s3;
	s1 =	sshll.u32 s4, $0x4;
	s8 =	smul.u32 $0x2800, s0  }
0x6: {  	s10 =	ssub.s32 $0x2, s4;
	s11 =	smul.u32 $0x28000, s4;
	s4 =	sadd.s32 $0x12E00, s5  }
0x7: {  	s31 =	sshll.u32 s0, $0x6;
	s6 =	sor.u32 s0, s1;
	s1 =	rddreg [dreg:$0x3]  }
0x8: {  	_ =	strace $0x80000047;
	s29 =	sshrl.u32 s10, $0x1;
	s6 =	smul.u32 $0x500, s6  }
0x9: {  	s9 =	sshrl.u32 s8, $0x3;
	s10 =	ssub.s32 s10, s29;
	s11 =	sadd.s32 s8, s11  }
0xa: {  	s12 =	sadd.s32 s8, s2;
	s9 =	sadd.s32 s9, s5;
	s30 =	sshrl.u32 s11, $0x3  }
0xb: {  	s8 =	smax.u32 s10, $0x1;
	s10 =	simm.s32 $0x2800;
	s11 =	sor.u32 $0x1C01, s31  }
0xc: {  	s12 =	sshrl.u32 s12, $0x3;
	s6 =	sadd.s32 s6, s5;
	s7 =	sadd.s32 s7, s30  }
0xd: {  	s5 =	sadd.s32 $0x3E00, s6;
	s6 =	sadd.s32 $0xDE00, s9;
	s9 =	simm.s32 $0x1  }
.LBB2_1:
0xe: {  	[tilespmem:s3], [sflag:$0x1] =	stream.linear.gather [hbm4b:s5+s3], $0x2800, $0x38;
	[tilespmem:$0x5800] =	vst v63  }
0xf: {  	_ =	swait.ge [sflag:s9], $0x2800  }
0x10: {  	[sflag:s9] =	ssyncset.done $0x0  }
0x11: {  	[sflag:s9] =	ssyncadd.s32 $0xFFFFD800  }
0x12: {  	[tilespmem:s10], [sflag:$0x1] =	stream.linear.gather [hbm4b:s4+s3], $0x800, $0x38;
	[tilespmem:$0x5800] =	vst v63  }
0x13: {  	_ =	swait.ge [sflag:s9], $0x800  }
0x14: {  	[sflag:s9] =	ssyncset.done $0x0  }
0x15: {  	[sflag:s9] =	ssyncadd.s32 $0xFFFFF800  }
0x16: {  	[spmem:s12], [sflag:s11] =	dma.local [hbm:s6], $0x500  }
0x17: {  	_ =	swait.ge [sflag:s9], $0x500  }
0x18: {  	[sflag:s9] =	ssyncset.done $0x0  }
0x19: {  	[sflag:s9] =	ssyncadd.s32 $0xFFFFFB00  }
0x1a: {  	s15 =	simm.s32 $0x0;
	[bflag:$0x0] =	sbarrier.arrive $0xFFFF  }
0x1b: {  	[spmem:s2] =	stream.indirect.scatter.add.f32 [tilespmem:s10], [sflag:$0x1], $0x10, s15, s13, $0xb8;
	[tilespmem:$0x5800] =	vst v63  }
0x1c: {  	_ =	swait.ge [sflag:s9], $0x800  }
0x1d: {  	s15 =	simm.s32 $0x200;
	[sflag:s9] =	ssyncset.done $0x0  }
.LBB2_2:
0x1e: {  	s16 =	sshra.s32 s15, $0x2;
	[sflag:s9] =	ssyncadd.s32 $0xFFFFF800;
	p0 =	sne.s32 s15, $0x9E00  }
0x1f: {  	[spmem:s2] =	stream.indirect.scatter.add.f32 [tilespmem:s10], [sflag:$0x1], $0x10, s16, s13, $0xb8;
	[tilespmem:$0x5800] =	vst v63  }
.Ltmp0:
0x20: {  	_ = 	snop;
	(pc) =	sbr.rel @p0 .LBB2_2-.Ltmp0, $4  }
0x21: {  	_ = 	snop  }
0x22: {  	s15 =	sadd.s32 $0x200, s15  }
0x23: {  	_ =	swait.ge [sflag:s9], $0x800  }
0x24: {  	[sflag:s9] =	ssyncset.done $0x0  }
0x25: {  	s14 =	sadd.s32 $0x1, s14  }
0x26: {  	[sflag:s9] =	ssyncadd.s32 $0xFFFFF800;
	p0 =	sne.s32 s14, s8  }
.Ltmp1:
0x27: {  	[bflag:$0x0] =	sbarrier.arrive $0xFFFF;
	(pc) =	sbr.rel @p0 .LBB2_1-.Ltmp1, $4  }
0x28: {  	[hbm:s7], [sflag:s11] =	dma.local [spmem:s12], $0x500  }
0x29: {  	_ =	swait.ge [sflag:s9], $0x500  }
0x2a: {  	[sflag:s9] =	ssyncset.done $0x0  }
0x2b: {  	[sflag:s9] =	ssyncadd.s32 $0xFFFFFB00  }
0x2c: {  	_ =	sfence.sel $0x180000  }
0x2d: {  	[bflag:$0x0] =	sbarrier.arrive $0xFFFF  }
0x2e: {  	p0 =	sne.s32 s0, $0x0;
	_ =	strace $0x90000047  }
0x2f: {  	s0 =	sadd.s32 @!p0 $0x100000, s1;
	[bflag:$0x2] =	sbarrier.arrive $0xFFFF  }
0x30: {  	[sflag:s0] =	ssyncadd.tile.s32 @!p0 $0x1;
	_ =	shalt  }
.Lfunc_end2:
_tile_overlayer_lowered:
.L_overlay_start_2:
0x31: {  	(tag) =	ssettag $0x2  }
0x32: {  	s0 =	rddreg [dreg:$0x0];
	s2 =	stileid.u32  }
0x33: {  	s1 =	rddreg [dreg:$0x1];
	p0 =	sne.s32 s2, $0x0  }
0x34: {  	s3 =	rddreg [dreg:$0x2];
	[bflag:$0x3] =	sbarrier.arrive $0xFFFF;
	s2 =	simm.s32 @!p0 $0x1C01  }
0x35: {  	[timem:s3], [sflag:s2] =	dma.local @!p0 [hbm:s0], s1  }
0x36: {  	s0 =	simm.s32 @!p0 $0x1  }
0x37: {  	_ =	swait.ge @!p0 [sflag:s0], s1  }
0x38: {  	s1 =	ssub.s32 @!p0 $0x0, s1;
	[sflag:s0] =	ssyncset.done @!p0 $0x0  }
0x39: {  	[sflag:s0] =	ssyncadd.s32 @!p0 s1  }
0x3a: {  	[bflag:$0x3] =	sbarrier.arrive $0xFFFF  }
0x3b: {  	_ =	shalt  }

// kernel: kernel.15.cloned.1.call-start
scs
__scs_entry_jumppad:
0x0: {  	(pc) =	sbr.rel $0x88, $3  }
0x1: {  	(tag) =	ssettag $0x0;
	lr =	simm.s32 $0x1  }
0x2: {  	[smem:$0x3F99] =	sst lr;
	_ =	strace $0xD0000000  }
0x3: {  	_ = 	snop  }
0x4: {  	_ = 	snop  }
0x5: {  	_ = 	snop  }
0x6: {  	_ = 	snop  }
0x7: {  	_ = 	snop  }
__scs_overlays_trampoline_lowered:
0x8: {  	[smem:$0x3FA8] =	sst s0  }
0x9: {  	[smem:$0x3FA9] =	sst s1  }
0xa: {  	[smem:$0x3FAA] =	sst s2  }
0xb: {  	[smem:$0x3FAB] =	sst s3  }
0xc: {  	[smem:$0x3FAC] =	sst s4  }
0xd: {  	[smem:$0x3FAD] =	sst s5  }
0xe: {  	[smem:$0x3FAE] =	sst s6  }
0xf: {  	[smem:$0x3FAF] =	sst s7  }
0x10: {  	[smem:$0x3FB0] =	sst s8  }
0x11: {  	[smem:$0x3FB1] =	sst s9;
	s0 =	simm.s32 @!p0 $0x0  }
0x12: {  	s1 =	sld [smem:$0x3F97];
	s0 =	simm.s32 @p0 $0x1  }
0x13: {  	[smem:$0x3FB2] =	sst s0;
	s0 =	simm.s32 @!p1 $0x0  }
0x14: {  	s2 =	sld [smem:$0x3F96];
	s0 =	simm.s32 @p1 $0x1  }
0x15: {  	[smem:$0x3FB3] =	sst s0;
	s0 =	simm.s32 @!p2 $0x0  }
0x16: {  	s3 =	sld [smem:$0x3FDB];
	s0 =	simm.s32 @p2 $0x1  }
0x17: {  	s4 =	simm.s32 $0x1BF5;
	[smem:$0x3FB5] =	sst s0  }
0x18: {  	s0 =	sld [smem:$0x3F98];
	_ =	swait.ge [sflag:s4], $0x0  }
0x19: {  	s7 =	sld [smem:$0x3F99]  }
0x1a: {  	s8 =	sadd.s32 $0xFFFFE003, lr  }
0x1b: {  	s9 =	sadd.s32 $0xFFFFFEF7, lr;
	s5 =	simm.s32 $0xFFFFFFFF;
	p2 =	slt.u32 s8, $0xFFFFF086  }
0x1c: {  	p1 =	slt.u32 s9, $0xF7A;
	s5 =	simm.s32 @!p2 $0x0  }
0x1d: {  	s5 =	simm.s32 @p1 $0x1;
	p0 =	seq.s32 s7, s2  }
0x1e: {  	s7 =	smul.u32 @!p0 $0xF7A, s2;
	p2 =	seq.s32 @!p0 s5, $0x0  }
0x1f: {  	s9 =	smul.u32 $0xF7A, s1;
	s8 =	simm.s32 @!p0 $0x1BF5;
	p2 =	por !p2, p0  }
0x20: {  	[sflag:s8] =	ssyncset.s32 @!p0 $0xFFFFF086;
	s6 =	sadd.s32 @!p0 s3, s7;
	s7 =	simm.s32 @!p0 $0x108  }
0x21: {  	s3 =	sadd.s32 s3, s9;
	s6 =	sadd.s32 @!p0 $0x88, s6;
	s7 =	simm.s32 @p2 $0x1082  }
0x22: {  	[simem:s7], [sflag:s8] =	dma.local @!p0 [hbm:s6], $0xF7A  }
0x23: {  	s9 =	sor.u32 $0xD0000000, s2;
	s6 =	simm.s32 $0x108;
	_ =	swait.ge @!p0 [sflag:s8], $0x0  }
0x24: {  	s3 =	sadd.s32 $0x88, s3;
	s6 =	simm.s32 @!p1 $0x1082;
	[sflag:s4] =	ssyncset.s32 $0xFFFFF086  }
0x25: {  	[simem:s6], [sflag:s4] =	dma.local [hbm:s3], $0xF7A  }
0x26: {  	[smem:$0x3F99] =	sst s1;
	(tag) =	ssettag s2;
	_ =	strace s9  }
0x27: {  	s1 =	sld [smem:$0x3FA9]  }
0x28: {  	s2 =	sld [smem:$0x3FAA]  }
0x29: {  	s4 =	sld [smem:$0x3FAC]  }
0x2a: {  	p0 =	seq.s32 s5, $0x0;
	s5 =	sld [smem:$0x3FAD]  }
0x2b: {  	s6 =	sld [smem:$0x3FAE]  }
0x2c: {  	s7 =	sld [smem:$0x3FAF]  }
0x2d: {  	s3 =	simm.s32 $0x108;
	s8 =	sld [smem:$0x3FB0]  }
0x2e: {  	s3 =	simm.s32 @!p0 $0x1082;
	s9 =	sld [smem:$0x3FB1]  }
0x2f: {  	lr =	sadd.s32 s0, s3;
	s0 =	sld [smem:$0x3FA8]  }
0x30: {  	s3 =	sld [smem:$0x3FAB]  }
0x31: {  	[smem:$0x3FB4] =	sst s10  }
0x32: {  	s10 =	sld [smem:$0x3FB2];
	_ =	sdelay $0x3  }
0x33: {  	p0 =	seq.s32 s10, $0x1;
	s10 =	sld [smem:$0x3FB4];
	_ =	sdelay $0x3  }
0x34: {  	[smem:$0x3FB4] =	sst s10  }
0x35: {  	s10 =	sld [smem:$0x3FB3];
	_ =	sdelay $0x3  }
0x36: {  	p1 =	seq.s32 s10, $0x1;
	s10 =	sld [smem:$0x3FB4];
	_ =	sdelay $0x3  }
0x37: {  	[smem:$0x3FB4] =	sst s10  }
0x38: {  	s10 =	sld [smem:$0x3FB5]  }
0x39: {  	_ = 	snop;
	(pc) =	sbr.ind lr, $3  }
0x3a: {  	_ = 	snop  }
0x3b: {  	_ = 	snop  }
0x3c: {  	p2 =	seq.s32 s10, $0x1;
	s10 =	sld [smem:$0x3FB4]  }
0x3d: {  	_ =	shalt  }
0x3e: {  	_ =	shalt  }
0x3f: {  	_ =	shalt  }
0x40: {  	_ =	shalt  }
0x41: {  	_ =	shalt  }
0x42: {  	_ =	shalt  }
0x43: {  	_ =	shalt  }
0x44: {  	_ =	shalt  }
0x45: {  	_ =	shalt  }
0x46: {  	_ =	shalt  }
0x47: {  	_ =	shalt  }
0x48: {  	_ =	shalt  }
0x49: {  	_ =	shalt  }
0x4a: {  	_ =	shalt  }
0x4b: {  	_ =	shalt  }
0x4c: {  	_ =	shalt  }
0x4d: {  	_ =	shalt  }
0x4e: {  	_ =	shalt  }
0x4f: {  	_ =	shalt  }
0x50: {  	_ =	shalt  }
0x51: {  	_ =	shalt  }
0x52: {  	_ =	shalt  }
0x53: {  	_ =	shalt  }
0x54: {  	_ =	shalt  }
0x55: {  	_ =	shalt  }
0x56: {  	_ =	shalt  }
0x57: {  	_ =	shalt  }
0x58: {  	_ =	shalt  }
0x59: {  	_ =	shalt  }
0x5a: {  	_ =	shalt  }
0x5b: {  	_ =	shalt  }
0x5c: {  	_ =	shalt  }
0x5d: {  	_ =	shalt  }
0x5e: {  	_ =	shalt  }
0x5f: {  	_ =	shalt  }
0x60: {  	_ =	shalt  }
0x61: {  	_ =	shalt  }
0x62: {  	_ =	shalt  }
0x63: {  	_ =	shalt  }
0x64: {  	_ =	shalt  }
0x65: {  	_ =	shalt  }
0x66: {  	_ =	shalt  }
0x67: {  	_ =	shalt  }
0x68: {  	_ =	shalt  }
0x69: {  	_ =	shalt  }
0x6a: {  	_ =	shalt  }
0x6b: {  	_ =	shalt  }
0x6c: {  	_ =	shalt  }
0x6d: {  	_ =	shalt  }
0x6e: {  	_ =	shalt  }
0x6f: {  	_ =	shalt  }
0x70: {  	_ =	shalt  }
0x71: {  	_ =	shalt  }
0x72: {  	_ =	shalt  }
0x73: {  	_ =	shalt  }
0x74: {  	_ =	shalt  }
0x75: {  	_ =	shalt  }
0x76: {  	_ =	shalt  }
0x77: {  	_ =	shalt  }
0x78: {  	_ =	shalt  }
0x79: {  	_ =	shalt  }
0x7a: {  	_ =	shalt  }
0x7b: {  	_ =	shalt  }
0x7c: {  	_ =	shalt  }
0x7d: {  	_ =	shalt  }
0x7e: {  	_ =	shalt  }
0x7f: {  	_ =	shalt  }
0x80: {  	_ =	shalt  }
0x81: {  	_ =	shalt  }
0x82: {  	_ =	shalt  }
0x83: {  	_ =	shalt  }
0x84: {  	_ =	shalt  }
0x85: {  	_ =	shalt  }
0x86: {  	_ =	shalt  }
0x87: {  	_ =	shalt  }
.Lfunc_end0:
.L_simem_size_0:
called_computation.1_lowered:
.L_overlay_start_0:
0x88: {  	s2 =	sld [smem:$0x3FD9]  }
0x89: {  	s3 =	sld [smem:$0x3FFE];
	_ =	sdelay $0x1  }
0x8a: {  	s1 =	srdreg.scid  }
0x8b: {  	s0 =	sand.u32 $0x1, s1  }
0x8c: {  	s16 =	sshll.u32 s0, $0xA;
	s2 =	sadd.s32 s3, s2  }
0x8d: {  	s2 =	sadd.s32 s2, s16  }
0x8e: {  	[smem:$0x3FC0] =	sst s2  }
0x8f: {  	_ = 	snop  }
0x90: {  	(tm) =	ssettm $0x1  }
0x91: {  	s17 =	sld [smem:$0x3FFB];
	_ =	sdelay $0x3  }
0x92: {  	_ =	strace s17  }
0x93: {  	s2 =	sld [smem:$0x3FFC];
	_ =	sdelay $0x3  }
0x94: {  	_ =	strace s2  }
0x95: {  	s2 =	sld [smem:$0x3FFD];
	_ =	sdelay $0x3  }
0x96: {  	_ =	strace s2  }
0x97: {  	_ =	strace $0x8FFFFFFF  }
0x98: {  	s18 =	sld [smem:$0x3FDB];
	_ =	sdelay $0x1  }
0x99: {  	s19 =	simm.s32 $_scs_section_size  }
0x9a: {  	s4 =	simm.s32 $_size__tile_overlayer_lowered;
	s5 =	simm.s32 $_tile_overlayer_lowered  }
0x9b: {  	s22 =	simm.s32 $0x1BFF;
	s21 =	sshll.u32 s5, $0x1;
	s2 =	sadd.s32 s19, s18  }
0x9c: {  	s6 =	simm.s32 $0x0;
	s20 =	sshll.u32 s4, $0x1;
	s4 =	sadd.s32 s21, s2  }
0x9d: {  	[timem:s6], [sflag:s22] =	dma.local [hbm:s4], s20  }
0x9e: {  	_ =	swait.ge [sflag:s22], s20  }
0x9f: {  	s3 =	ssub.s32 $0x0, s20;
	[sflag:s22] =	ssyncset.done $0x0  }
0xa0: {  	[sflag:s22] =	ssyncadd.s32 s3;
	_ =	sdelay $0x1  }
0xa1: {  	s23 =	simm.s32 $0x1B8B  }
0xa2: {  	_ =	swait.ge [sflag:s23], $0x1  }
0xa3: {  	[sflag:s23] =	ssyncset.done $0x0  }
0xa4: {  	s25 =	simm.s32 $0x1B8E;
	s24 =	sld [smem:$0x3FFE];
	[sflag:s23] =	ssyncadd.s32 $0xFFFFFFFF  }
0xa5: {  	s26 =	simm.s32 $execute0_lowered;
	[smem:$0x3FD2] =	sst s25  }
0xa6: {  	s4 =	sshll.u32 s26, $0x1;
	_ =	strace $0x80000049;
	[dreg:$0x1] =	wrdreg $0xFFFFFFFF  }
0xa7: {  	s28 =	simm.s32 $_size_execute0_lowered;
	s2 =	sadd.s32 s2, s4;
	[dreg:$0x0] =	wrdreg $0x0  }
0xa8: {  	s4 =	sshll.u32 s28, $0x1;
	[dreg:$0x2] =	wrdreg s2  }
0xa9: {  	[dreg:$0x3] =	wrdreg s4  }
0xaa: {  	[dreg:$0x4] =	wrdreg $0xC0  }
0xab: {  	_ =	task [dreg:s6], $0x5FFFF  }
0xac: {  	[dreg:$0x1] =	wrdreg $0xFFFFFFFF  }
0xad: {  	[dreg:$0x0] =	wrdreg $0x60  }
0xae: {  	[dreg:$0x2] =	wrdreg s24  }
0xaf: {  	[dreg:$0x3] =	wrdreg $0xD0000  }
0xb0: {  	[dreg:$0x4] =	wrdreg $0x9  }
0xb1: {  	_ =	task.clear_ibuf [dreg:s6], $0x5FFFF;
	_ =	strace $0x90000049  }
0xb2: {  	s29 =	simm.s32 $0x9;
	_ =	strace $0x8000004B  }
0xb3: {  	_ =	swait.ge [sflag:s29], $0x1  }
0xb4: {  	[sflag:s29] =	ssyncadd.s32 $0xFFFFFFFF  }
0xb5: {  	_ =	strace $0x9000004B  }
0xb6: {  	_ =	sfence  }
0xb7: {  	s30 =	sld [smem:$0x0];
	_ =	sdelay $0x2  }
0xb8: {  	s31 =	sshll.u32 s1, $0xD;
	s1 =	sshrl.u32 s1, $0x2  }
0xb9: {  	s3 =	sand.u32 $0x4000, s31;
	s1 =	sadd.s32 s1, s30  }
0xba: {  	s0 =	sor.u32 s3, s0;
	s1 =	sshll.u32 s1, $0x11  }
0xbb: {  	s0 =	sor.u32 s1, s0  }
0xbc: {  	s0 =	sadd.s32 $0x8F2B, s0  }
0xbd: {  	[sflag:s0] =	ssyncadd.remote.s32 $0x1  }
0xbe: {  	_ =	sfence.sel $0xFFFF  }
0xbf: {  	[dreg:$0x0] =	wrdreg $0xFFFFFFFF;
	(pc) =	sbr.abs _section_cstart, $3  }
0xc0: {  	[dreg:$0x1] =	wrdreg $0xFFFFFFFF  }
0xc1: {  	_ =	task.clear_ibuf [dreg:s6], $0x2FFFF;
	_ =	strace $0x9FFFFFFF  }
0xc2: {  	(tm) =	ssettm $0x7FFFFFFF  }
0xc3: {  	_ =	shalt  }
tec
execute0_lowered:
.L_overlay_start_1:
0x0: {  	(tag) =	ssettag $0x1  }
0x1: {  	s0 =	srdreg.scid;
	s5 =	rddreg [dreg:$0x0]  }
0x2: {  	s14 =	stileid.u32;
	s2 =	rddreg [dreg:$0x1];
	s3 =	simm.s32 $0x0  }
0x3: {  	s10 =	simm.s32 $0x9;
	s11 =	simm.s32 $0x2800;
	s12 =	simm.s32 $0x80  }
0x4: {  	s13 =	simm.s32 $0x5000;
	s17 =	simm.s32 $0x1;
	s19 =	simm.s32 $0x9000  }
0x5: {  	s20 =	simm.s32 $0x2;
	s23 =	simm.s32 $0xB000;
	s24 =	simm.s32 $0x3  }
0x6: {  	s29 =	simm.s32 $0x4;
	s31 =	simm.s32 $0x6;
	s18 =	simm.s32 $0x8  }
0x7: {  	s30 =	simm.s32 $0x4F00;
	s21 =	simm.s32 $0x0;
	s0 =	sand.u32 $0x1, s0  }
0x8: {  	s7 =	smul.u32 $0xA000, s14;
	[smem:$0x7FF] =	sst s3;
	s4 =	sadd.s32 $0x95000, s5  }
0x9: {  	s28 =	sshll.u32 s14, $0x6;
	s1 =	sshll.u32 s0, $0x4;
	s6 =	smul.u32 $0xA0000, s0  }
0xa: {  	_ =	strace $0x8000004A;
	s0 =	ssub.s32 $0x2, s0;
	s15 =	sor.u32 $0x1C09, s28  }
0xb: {  	s1 =	sor.u32 s14, s1;
	s8 =	sshrl.u32 s7, $0x3;
	s25 =	sshrl.u32 s0, $0x1  }
0xc: {  	s26 =	sadd.s32 s7, s2;
	s14 =	simm.s32 $0x7000;
	s1 =	smul.u32 $0x500, s1  }
0xd: {  	s6 =	sadd.s32 s7, s6;
	s8 =	sadd.s32 s8, s5;
	s0 =	ssub.s32 s0, s25  }
0xe: {  	s16 =	sshrl.u32 s26, $0x3;
	s26 =	simm.s32 $0x5;
	s6 =	sshrl.u32 s6, $0x3  }
0xf: {  	s7 =	sadd.s32 $0xA9000, s8;
	s1 =	sadd.s32 s1, s5;
	s9 =	sadd.s32 s6, s5  }
0x10: {  	s5 =	sadd.s32 $0x3B000, s1;
	s6 =	sadd.s32 $0x3E00, s1;
	s8 =	sadd.s32 $0xBD000, s9  }
0x11: {  	s9 =	smax.u32 s0, $0x1;
	s0 =	simm.s32 $0x7;
	s1 =	simm.s32 $0x4F80  }
.LBB2_1:
0x12: {  	[tilespmem:s3], [sflag:$0x9] =	stream.linear.gather [hbm4b:s5+s3], $0x2800, $0x38;
	[tilespmem:$0x17000] =	vst v63  }
0x13: {  	_ =	swait.ge [sflag:s10], $0x2800  }
0x14: {  	[sflag:s10] =	ssyncset.done $0x0  }
0x15: {  	[sflag:s10] =	ssyncadd.s32 $0xFFFFD800  }
0x16: {  	[tilespmem:s11], [sflag:$0x9] =	stream.linear.gather [hbm4b:s6+s3], $0x2800, $0x38;
	[tilespmem:$0x17000] =	vst v63  }
0x17: {  	_ =	swait.ge [sflag:s10], $0x2800  }
0x18: {  	[sflag:s10] =	ssyncset.done $0x0  }
0x19: {  	[sflag:s10] =	ssyncadd.s32 $0xFFFFD800  }
0x1a: {  	[tilespmem:s13], [sflag:$0x1] =	stream.indirect.gather [hbm4b:s4+s12], $0x40, s3, s12, $0xb8;
	[tilespmem:$0x17000] =	vst v63  }
0x1b: {  	_ = 	snop  }
0x1c: {  	[tilespmem:s14], [sflag:$0x2] =	stream.indirect.gather [hbm4b:s4+s12], $0x40, s12, s12, $0xb8;
	[tilespmem:$0x17000] =	vst v63  }
0x1d: {  	[spmem:s16], [sflag:s15] =	dma.local [hbm:s7], $0x1400  }
0x1e: {  	_ =	swait.ge [sflag:s10], $0x1400  }
0x1f: {  	[sflag:s10] =	ssyncset.done $0x0  }
0x20: {  	[sflag:s10] =	ssyncadd.s32 $0xFFFFEC00  }
0x21: {  	[bflag:$0x0] =	sbarrier.arrive $0xFFFF  }
0x22: {  	_ =	swait.ge [sflag:s17], $0x2000  }
0x23: {  	[sflag:s17] =	ssyncset.done $0x0  }
0x24: {  	[sflag:s17] =	ssyncadd.s32 $0xFFFFE000  }
0x25: {  	[spmem:s2] =	stream.indirect.scatter.add.f32 [tilespmem:s13], [sflag:$0x5], $0x40, s11, s12, $0xb8;
	[tilespmem:$0x17000] =	vst v63  }
0x26: {  	s22 =	simm.s32 $0x100  }
0x27: {  	[tilespmem:s19], [sflag:$0x3] =	stream.indirect.gather [hbm4b:s4+s12], $0x40, s22, s12, $0xb8;
	[tilespmem:$0x17000] =	vst v63  }
0x28: {  	_ =	swait.ge [sflag:s20], $0x2000  }
0x29: {  	[sflag:s20] =	ssyncset.done $0x0  }
0x2a: {  	s28 =	simm.s32 $0x2880;
	[sflag:s20] =	ssyncadd.s32 $0xFFFFE000  }
0x2b: {  	[spmem:s2] =	stream.indirect.scatter.add.f32 [tilespmem:s14], [sflag:$0x6], $0x40, s28, s12, $0xb8;
	[tilespmem:$0x17000] =	vst v63  }
0x2c: {  	s25 =	simm.s32 $0x180  }
0x2d: {  	[tilespmem:s23], [sflag:$0x4] =	stream.indirect.gather [hbm4b:s4+s12], $0x40, s25, s12, $0xb8;
	[tilespmem:$0x17000] =	vst v63  }
0x2e: {  	_ =	swait.ge [sflag:s24], $0x2000  }
0x2f: {  	[sflag:s24] =	ssyncset.done $0x0  }
0x30: {  	s28 =	simm.s32 $0x2900;
	[sflag:s24] =	ssyncadd.s32 $0xFFFFE000  }
0x31: {  	[spmem:s2] =	stream.indirect.scatter.add.f32 [tilespmem:s19], [sflag:$0x7], $0x40, s28, s12, $0xb8;
	[tilespmem:$0x17000] =	vst v63  }
0x32: {  	_ =	swait.ge [sflag:s26], $0x2000  }
0x33: {  	[sflag:s26] =	ssyncset.done $0x0  }
0x34: {  	s25 =	simm.s32 $0x200;
	[sflag:s26] =	ssyncadd.s32 $0xFFFFE000  }
0x35: {  	[tilespmem:s13], [sflag:$0x1] =	stream.indirect.gather [hbm4b:s4+s12], $0x40, s25, s12, $0xb8;
	[tilespmem:$0x17000] =	vst v63  }
0x36: {  	_ =	swait.ge [sflag:s29], $0x2000  }
0x37: {  	[sflag:s29] =	ssyncset.done $0x0  }
0x38: {  	s28 =	simm.s32 $0x2980;
	[sflag:s29] =	ssyncadd.s32 $0xFFFFE000  }
0x39: {  	[spmem:s2] =	stream.indirect.scatter.add.f32 [tilespmem:s23], [sflag:$0x8], $0x40, s28, s12, $0xb8;
	[tilespmem:$0x17000] =	vst v63  }
0x3a: {  	_ =	swait.ge [sflag:s31], $0x2000  }
0x3b: {  	[sflag:s31] =	ssyncset.done $0x0  }
0x3c: {  	s25 =	simm.s32 $0x280;
	[sflag:s31] =	ssyncadd.s32 $0xFFFFE000  }
0x3d: {  	[tilespmem:s14], [sflag:$0x2] =	stream.indirect.gather [hbm4b:s4+s12], $0x40, s25, s12, $0xb8;
	[tilespmem:$0x17000] =	vst v63  }
0x3e: {  	_ =	swait.ge [sflag:s17], $0x2000  }
0x3f: {  	[sflag:s17] =	ssyncset.done $0x0  }
0x40: {  	s28 =	simm.s32 $0x2A00;
	[sflag:s17] =	ssyncadd.s32 $0xFFFFE000  }
0x41: {  	[spmem:s2] =	stream.indirect.scatter.add.f32 [tilespmem:s13], [sflag:$0x5], $0x40, s28, s12, $0xb8;
	[tilespmem:$0x17000] =	vst v63  }
0x42: {  	_ =	swait.ge [sflag:s0], $0x2000  }
0x43: {  	[sflag:s0] =	ssyncset.done $0x0  }
0x44: {  	s25 =	simm.s32 $0x300;
	[sflag:s0] =	ssyncadd.s32 $0xFFFFE000  }
0x45: {  	[tilespmem:s19], [sflag:$0x3] =	stream.indirect.gather [hbm4b:s4+s12], $0x40, s25, s12, $0xb8;
	[tilespmem:$0x17000] =	vst v63  }
0x46: {  	_ =	swait.ge [sflag:s20], $0x2000  }
0x47: {  	[sflag:s20] =	ssyncset.done $0x0  }
0x48: {  	s28 =	simm.s32 $0x2A80;
	[sflag:s20] =	ssyncadd.s32 $0xFFFFE000  }
0x49: {  	[spmem:s2] =	stream.indirect.scatter.add.f32 [tilespmem:s14], [sflag:$0x6], $0x40, s28, s12, $0xb8;
	[tilespmem:$0x17000] =	vst v63  }
0x4a: {  	_ =	swait.ge [sflag:s18], $0x2000  }
0x4b: {  	[sflag:s18] =	ssyncset.done $0x0  }
0x4c: {  	s25 =	simm.s32 $0x380;
	[sflag:s18] =	ssyncadd.s32 $0xFFFFE000  }
0x4d: {  	[tilespmem:s23], [sflag:$0x4] =	stream.indirect.gather [hbm4b:s4+s12], $0x40, s25, s12, $0xb8;
	[tilespmem:$0x17000] =	vst v63  }
0x4e: {  	_ =	swait.ge [sflag:s24], $0x2000  }
0x4f: {  	[sflag:s24] =	ssyncset.done $0x0  }
0x50: {  	s28 =	simm.s32 $0x2B00;
	[sflag:s24] =	ssyncadd.s32 $0xFFFFE000  }
0x51: {  	[spmem:s2] =	stream.indirect.scatter.add.f32 [tilespmem:s19], [sflag:$0x7], $0x40, s28, s12, $0xb8;
	[tilespmem:$0x17000] =	vst v63  }
0x52: {  	_ =	swait.ge [sflag:s26], $0x2000  }
0x53: {  	[sflag:s26] =	ssyncset.done $0x0  }
0x54: {  	s25 =	simm.s32 $0x400;
	[sflag:s26] =	ssyncadd.s32 $0xFFFFE000  }
0x55: {  	[tilespmem:s13], [sflag:$0x1] =	stream.indirect.gather [hbm4b:s4+s12], $0x40, s25, s12, $0xb8;
	[tilespmem:$0x17000] =	vst v63  }
0x56: {  	_ =	swait.ge [sflag:s29], $0x2000  }
0x57: {  	[sflag:s29] =	ssyncset.done $0x0  }
0x58: {  	s28 =	simm.s32 $0x2B80;
	[sflag:s29] =	ssyncadd.s32 $0xFFFFE000  }
0x59: {  	[spmem:s2] =	stream.indirect.scatter.add.f32 [tilespmem:s23], [sflag:$0x8], $0x40, s28, s12, $0xb8;
	[tilespmem:$0x17000] =	vst v63  }
0x5a: {  	_ =	swait.ge [sflag:s31], $0x2000  }
0x5b: {  	[sflag:s31] =	ssyncset.done $0x0  }
0x5c: {  	s22 =	simm.s32 $0x800;
	s25 =	simm.s32 $0x480;
	[sflag:s31] =	ssyncadd.s32 $0xFFFFE000  }
.LBB2_2:
0x5d: {  	[tilespmem:s14], [sflag:$0x2] =	stream.indirect.gather [hbm4b:s4+s12], $0x40, s25, s12, $0xb8;
	[tilespmem:$0x17000] =	vst v63  }
0x5e: {  	s25 =	smov.u32 s22  }
0x5f: {  	p0 =	sne.s32 s22, $0x8800;
	s22 =	sadd.s32 $0x800, s22;
	_ =	swait.ge [sflag:s17], $0x2000  }
0x60: {  	s25 =	sshra.s32 s25, $0x2;
	[sflag:s17] =	ssyncset.done $0x0  }
0x61: {  	s28 =	sadd.s32 $0x2A00, s25;
	[sflag:s17] =	ssyncadd.s32 $0xFFFFE000  }
0x62: {  	[spmem:s2] =	stream.indirect.scatter.add.f32 [tilespmem:s13], [sflag:$0x5], $0x40, s28, s12, $0xb8;
	[tilespmem:$0x17000] =	vst v63  }
0x63: {  	_ =	swait.ge [sflag:s0], $0x2000  }
0x64: {  	[sflag:s0] =	ssyncset.done $0x0  }
0x65: {  	s28 =	sadd.s32 $0x300, s25;
	[sflag:s0] =	ssyncadd.s32 $0xFFFFE000  }
0x66: {  	[tilespmem:s19], [sflag:$0x3] =	stream.indirect.gather [hbm4b:s4+s12], $0x40, s28, s12, $0xb8;
	[tilespmem:$0x17000] =	vst v63  }
0x67: {  	_ =	swait.ge [sflag:s20], $0x2000  }
0x68: {  	[sflag:s20] =	ssyncset.done $0x0  }
0x69: {  	s28 =	sadd.s32 $0x2A80, s25;
	[sflag:s20] =	ssyncadd.s32 $0xFFFFE000  }
0x6a: {  	[spmem:s2] =	stream.indirect.scatter.add.f32 [tilespmem:s14], [sflag:$0x6], $0x40, s28, s12, $0xb8;
	[tilespmem:$0x17000] =	vst v63  }
0x6b: {  	_ =	swait.ge [sflag:s18], $0x2000  }
0x6c: {  	[sflag:s18] =	ssyncset.done $0x0  }
0x6d: {  	s28 =	sadd.s32 $0x380, s25;
	[sflag:s18] =	ssyncadd.s32 $0xFFFFE000  }
0x6e: {  	[tilespmem:s23], [sflag:$0x4] =	stream.indirect.gather [hbm4b:s4+s12], $0x40, s28, s12, $0xb8;
	[tilespmem:$0x17000] =	vst v63  }
0x6f: {  	_ =	swait.ge [sflag:s24], $0x2000  }
0x70: {  	[sflag:s24] =	ssyncset.done $0x0  }
0x71: {  	s28 =	sadd.s32 $0x2B00, s25;
	[sflag:s24] =	ssyncadd.s32 $0xFFFFE000  }
0x72: {  	[spmem:s2] =	stream.indirect.scatter.add.f32 [tilespmem:s19], [sflag:$0x7], $0x40, s28, s12, $0xb8;
	[tilespmem:$0x17000] =	vst v63  }
0x73: {  	_ =	swait.ge [sflag:s26], $0x2000  }
0x74: {  	[sflag:s26] =	ssyncset.done $0x0  }
0x75: {  	s28 =	sadd.s32 $0x400, s25;
	[sflag:s26] =	ssyncadd.s32 $0xFFFFE000  }
0x76: {  	[tilespmem:s13], [sflag:$0x1] =	stream.indirect.gather [hbm4b:s4+s12], $0x40, s28, s12, $0xb8;
	[tilespmem:$0x17000] =	vst v63  }
0x77: {  	_ =	swait.ge [sflag:s29], $0x2000  }
0x78: {  	[sflag:s29] =	ssyncset.done $0x0  }
.Ltmp0:
0x79: {  	s28 =	sadd.s32 $0x2B80, s25;
	[sflag:s29] =	ssyncadd.s32 $0xFFFFE000;
	(pc) =	sbr.rel @p0 .LBB2_2-.Ltmp0, $4  }
0x7a: {  	[spmem:s2] =	stream.indirect.scatter.add.f32 [tilespmem:s23], [sflag:$0x8], $0x40, s28, s12, $0xb8;
	[tilespmem:$0x17000] =	vst v63  }
0x7b: {  	_ =	swait.ge [sflag:s31], $0x2000  }
0x7c: {  	[sflag:s31] =	ssyncset.done $0x0  }
0x7d: {  	s25 =	sadd.s32 $0x480, s25;
	[sflag:s31] =	ssyncadd.s32 $0xFFFFE000  }
0x7e: {  	[tilespmem:s14], [sflag:$0x2] =	stream.indirect.gather [hbm4b:s4+s12], $0x40, s25, s12, $0xb8;
	[tilespmem:$0x17000] =	vst v63  }
0x7f: {  	_ =	swait.ge [sflag:s17], $0x2000  }
0x80: {  	[sflag:s17] =	ssyncset.done $0x0  }
0x81: {  	s22 =	simm.s32 $0x4E00;
	[sflag:s17] =	ssyncadd.s32 $0xFFFFE000  }
0x82: {  	[spmem:s2] =	stream.indirect.scatter.add.f32 [tilespmem:s13], [sflag:$0x5], $0x40, s22, s12, $0xb8;
	[tilespmem:$0x17000] =	vst v63  }
0x83: {  	_ =	swait.ge [sflag:s0], $0x2000  }
0x84: {  	[sflag:s0] =	ssyncset.done $0x0  }
0x85: {  	s28 =	simm.s32 $0x2700;
	[sflag:s0] =	ssyncadd.s32 $0xFFFFE000  }
0x86: {  	[tilespmem:s19], [sflag:$0x3] =	stream.indirect.gather [hbm4b:s4+s12], $0x40, s28, s12, $0xb8;
	[tilespmem:$0x17000] =	vst v63  }
0x87: {  	_ =	swait.ge [sflag:s20], $0x2000  }
0x88: {  	[sflag:s20] =	ssyncset.done $0x0  }
0x89: {  	s25 =	simm.s32 $0x4E80;
	[sflag:s20] =	ssyncadd.s32 $0xFFFFE000  }
0x8a: {  	[spmem:s2] =	stream.indirect.scatter.add.f32 [tilespmem:s14], [sflag:$0x6], $0x40, s25, s12, $0xb8;
	[tilespmem:$0x17000] =	vst v63  }
0x8b: {  	_ =	swait.ge [sflag:s18], $0x2000  }
0x8c: {  	[sflag:s18] =	ssyncset.done $0x0  }
0x8d: {  	s28 =	simm.s32 $0x2780;
	[sflag:s18] =	ssyncadd.s32 $0xFFFFE000  }
0x8e: {  	[tilespmem:s23], [sflag:$0x4] =	stream.indirect.gather [hbm4b:s4+s12], $0x40, s28, s12, $0xb8;
	[tilespmem:$0x17000] =	vst v63  }
0x8f: {  	_ =	swait.ge [sflag:s24], $0x2000  }
0x90: {  	[sflag:s24] =	ssyncset.done $0x0  }
0x91: {  	[sflag:s24] =	ssyncadd.s32 $0xFFFFE000  }
0x92: {  	[spmem:s2] =	stream.indirect.scatter.add.f32 [tilespmem:s19], [sflag:$0x7], $0x40, s30, s12, $0xb8;
	[tilespmem:$0x17000] =	vst v63  }
0x93: {  	_ =	swait.ge [sflag:s29], $0x2000  }
0x94: {  	[sflag:s29] =	ssyncset.done $0x0  }
0x95: {  	[sflag:s29] =	ssyncadd.s32 $0xFFFFE000  }
0x96: {  	[spmem:s2] =	stream.indirect.scatter.add.f32 [tilespmem:s23], [sflag:$0x8], $0x40, s1, s12, $0xb8;
	[tilespmem:$0x17000] =	vst v63  }
0x97: {  	_ =	swait.ge [sflag:s26], $0x2000  }
0x98: {  	[sflag:s26] =	ssyncset.done $0x0  }
0x99: {  	[sflag:s26] =	ssyncadd.s32 $0xFFFFE000  }
0x9a: {  	_ =	swait.ge [sflag:s31], $0x2000  }
0x9b: {  	[sflag:s31] =	ssyncset.done $0x0  }
0x9c: {  	[sflag:s31] =	ssyncadd.s32 $0xFFFFE000  }
0x9d: {  	_ =	swait.ge [sflag:s0], $0x2000  }
0x9e: {  	[sflag:s0] =	ssyncset.done $0x0  }
0x9f: {  	[sflag:s0] =	ssyncadd.s32 $0xFFFFE000  }
0xa0: {  	_ =	swait.ge [sflag:s18], $0x2000  }
0xa1: {  	s21 =	sadd.s32 $0x1, s21;
	[sflag:s18] =	ssyncset.done $0x0  }
0xa2: {  	p0 =	sne.s32 s21, s9;
	[sflag:s18] =	ssyncadd.s32 $0xFFFFE000  }
.Ltmp1:
0xa3: {  	[bflag:$0x0] =	sbarrier.arrive $0xFFFF;
	(pc) =	sbr.rel @p0 .LBB2_1-.Ltmp1, $4  }
0xa4: {  	[hbm:s8], [sflag:s15] =	dma.local [spmem:s16], $0x1400  }
0xa5: {  	_ =	swait.ge [sflag:s10], $0x1400  }
0xa6: {  	[sflag:s10] =	ssyncset.done $0x0  }
0xa7: {  	[sflag:s10] =	ssyncadd.s32 $0xFFFFEC00  }
0xa8: {  	_ =	sfence.sel $0x180000  }
0xa9: {  	[bflag:$0x0] =	sbarrier.arrive $0xFFFF  }
0xaa: {  	_ =	strace $0x9000004A  }
0xab: {  	s0 =	stileid.u32;
	[bflag:$0x2] =	sbarrier.arrive $0xFFFF  }
0xac: {  	p0 =	sne.s32 s0, $0x0;
	s0 =	rddreg [dreg:$0x2]  }
0xad: {  	s0 =	sadd.s32 @!p0 $0x100000, s0  }
0xae: {  	[sflag:s0] =	ssyncadd.tile.s32 @!p0 $0x1;
	_ =	shalt  }
.Lfunc_end2:
_tile_overlayer_lowered:
.L_overlay_start_2:
0xaf: {  	(tag) =	ssettag $0x2  }
0xb0: {  	s0 =	rddreg [dreg:$0x0];
	s2 =	stileid.u32  }
0xb1: {  	s1 =	rddreg [dreg:$0x1];
	p0 =	sne.s32 s2, $0x0  }
0xb2: {  	s3 =	rddreg [dreg:$0x2];
	[bflag:$0x3] =	sbarrier.arrive $0xFFFF;
	s2 =	simm.s32 @!p0 $0x1C09  }
0xb3: {  	[timem:s3], [sflag:s2] =	dma.local @!p0 [hbm:s0], s1  }
0xb4: {  	s0 =	simm.s32 @!p0 $0x9  }
0xb5: {  	_ =	swait.ge @!p0 [sflag:s0], s1  }
0xb6: {  	s1 =	ssub.s32 @!p0 $0x0, s1;
	[sflag:s0] =	ssyncset.done @!p0 $0x0  }
0xb7: {  	[sflag:s0] =	ssyncadd.s32 @!p0 s1  }
0xb8: {  	[bflag:$0x3] =	sbarrier.arrive $0xFFFF  }
0xb9: {  	_ =	shalt  }

// kernel: kernel.18.cloned.1.call-start
scs
__scs_entry_jumppad:
0x0: {  	(pc) =	sbr.rel $0x88, $3  }
0x1: {  	(tag) =	ssettag $0x0;
	lr =	simm.s32 $0x1  }
0x2: {  	[smem:$0x3F99] =	sst lr;
	_ =	strace $0xD0000000  }
0x3: {  	_ = 	snop  }
0x4: {  	_ = 	snop  }
0x5: {  	_ = 	snop  }
0x6: {  	_ = 	snop  }
0x7: {  	_ = 	snop  }
__scs_overlays_trampoline_lowered:
0x8: {  	[smem:$0x3FA8] =	sst s0  }
0x9: {  	[smem:$0x3FA9] =	sst s1  }
0xa: {  	[smem:$0x3FAA] =	sst s2  }
0xb: {  	[smem:$0x3FAB] =	sst s3  }
0xc: {  	[smem:$0x3FAC] =	sst s4  }
0xd: {  	[smem:$0x3FAD] =	sst s5  }
0xe: {  	[smem:$0x3FAE] =	sst s6  }
0xf: {  	[smem:$0x3FAF] =	sst s7  }
0x10: {  	[smem:$0x3FB0] =	sst s8  }
0x11: {  	[smem:$0x3FB1] =	sst s9;
	s0 =	simm.s32 @!p0 $0x0  }
0x12: {  	s1 =	sld [smem:$0x3F97];
	s0 =	simm.s32 @p0 $0x1  }
0x13: {  	[smem:$0x3FB2] =	sst s0;
	s0 =	simm.s32 @!p1 $0x0  }
0x14: {  	s2 =	sld [smem:$0x3F96];
	s0 =	simm.s32 @p1 $0x1  }
0x15: {  	[smem:$0x3FB3] =	sst s0;
	s0 =	simm.s32 @!p2 $0x0  }
0x16: {  	s3 =	sld [smem:$0x3FDB];
	s0 =	simm.s32 @p2 $0x1  }
0x17: {  	s4 =	simm.s32 $0x1BF5;
	[smem:$0x3FB5] =	sst s0  }
0x18: {  	s0 =	sld [smem:$0x3F98];
	_ =	swait.ge [sflag:s4], $0x0  }
0x19: {  	s7 =	sld [smem:$0x3F99]  }
0x1a: {  	s8 =	sadd.s32 $0xFFFFE003, lr  }
0x1b: {  	s9 =	sadd.s32 $0xFFFFFEF7, lr;
	s5 =	simm.s32 $0xFFFFFFFF;
	p2 =	slt.u32 s8, $0xFFFFF086  }
0x1c: {  	p1 =	slt.u32 s9, $0xF7A;
	s5 =	simm.s32 @!p2 $0x0  }
0x1d: {  	s5 =	simm.s32 @p1 $0x1;
	p0 =	seq.s32 s7, s2  }
0x1e: {  	s7 =	smul.u32 @!p0 $0xF7A, s2;
	p2 =	seq.s32 @!p0 s5, $0x0  }
0x1f: {  	s9 =	smul.u32 $0xF7A, s1;
	s8 =	simm.s32 @!p0 $0x1BF5;
	p2 =	por !p2, p0  }
0x20: {  	[sflag:s8] =	ssyncset.s32 @!p0 $0xFFFFF086;
	s6 =	sadd.s32 @!p0 s3, s7;
	s7 =	simm.s32 @!p0 $0x108  }
0x21: {  	s3 =	sadd.s32 s3, s9;
	s6 =	sadd.s32 @!p0 $0x88, s6;
	s7 =	simm.s32 @p2 $0x1082  }
0x22: {  	[simem:s7], [sflag:s8] =	dma.local @!p0 [hbm:s6], $0xF7A  }
0x23: {  	s9 =	sor.u32 $0xD0000000, s2;
	s6 =	simm.s32 $0x108;
	_ =	swait.ge @!p0 [sflag:s8], $0x0  }
0x24: {  	s3 =	sadd.s32 $0x88, s3;
	s6 =	simm.s32 @!p1 $0x1082;
	[sflag:s4] =	ssyncset.s32 $0xFFFFF086  }
0x25: {  	[simem:s6], [sflag:s4] =	dma.local [hbm:s3], $0xF7A  }
0x26: {  	[smem:$0x3F99] =	sst s1;
	(tag) =	ssettag s2;
	_ =	strace s9  }
0x27: {  	s1 =	sld [smem:$0x3FA9]  }
0x28: {  	s2 =	sld [smem:$0x3FAA]  }
0x29: {  	s4 =	sld [smem:$0x3FAC]  }
0x2a: {  	p0 =	seq.s32 s5, $0x0;
	s5 =	sld [smem:$0x3FAD]  }
0x2b: {  	s6 =	sld [smem:$0x3FAE]  }
0x2c: {  	s7 =	sld [smem:$0x3FAF]  }
0x2d: {  	s3 =	simm.s32 $0x108;
	s8 =	sld [smem:$0x3FB0]  }
0x2e: {  	s3 =	simm.s32 @!p0 $0x1082;
	s9 =	sld [smem:$0x3FB1]  }
0x2f: {  	lr =	sadd.s32 s0, s3;
	s0 =	sld [smem:$0x3FA8]  }
0x30: {  	s3 =	sld [smem:$0x3FAB]  }
0x31: {  	[smem:$0x3FB4] =	sst s10  }
0x32: {  	s10 =	sld [smem:$0x3FB2];
	_ =	sdelay $0x3  }
0x33: {  	p0 =	seq.s32 s10, $0x1;
	s10 =	sld [smem:$0x3FB4];
	_ =	sdelay $0x3  }
0x34: {  	[smem:$0x3FB4] =	sst s10  }
0x35: {  	s10 =	sld [smem:$0x3FB3];
	_ =	sdelay $0x3  }
0x36: {  	p1 =	seq.s32 s10, $0x1;
	s10 =	sld [smem:$0x3FB4];
	_ =	sdelay $0x3  }
0x37: {  	[smem:$0x3FB4] =	sst s10  }
0x38: {  	s10 =	sld [smem:$0x3FB5]  }
0x39: {  	_ = 	snop;
	(pc) =	sbr.ind lr, $3  }
0x3a: {  	_ = 	snop  }
0x3b: {  	_ = 	snop  }
0x3c: {  	p2 =	seq.s32 s10, $0x1;
	s10 =	sld [smem:$0x3FB4]  }
0x3d: {  	_ =	shalt  }
0x3e: {  	_ =	shalt  }
0x3f: {  	_ =	shalt  }
0x40: {  	_ =	shalt  }
0x41: {  	_ =	shalt  }
0x42: {  	_ =	shalt  }
0x43: {  	_ =	shalt  }
0x44: {  	_ =	shalt  }
0x45: {  	_ =	shalt  }
0x46: {  	_ =	shalt  }
0x47: {  	_ =	shalt  }
0x48: {  	_ =	shalt  }
0x49: {  	_ =	shalt  }
0x4a: {  	_ =	shalt  }
0x4b: {  	_ =	shalt  }
0x4c: {  	_ =	shalt  }
0x4d: {  	_ =	shalt  }
0x4e: {  	_ =	shalt  }
0x4f: {  	_ =	shalt  }
0x50: {  	_ =	shalt  }
0x51: {  	_ =	shalt  }
0x52: {  	_ =	shalt  }
0x53: {  	_ =	shalt  }
0x54: {  	_ =	shalt  }
0x55: {  	_ =	shalt  }
0x56: {  	_ =	shalt  }
0x57: {  	_ =	shalt  }
0x58: {  	_ =	shalt  }
0x59: {  	_ =	shalt  }
0x5a: {  	_ =	shalt  }
0x5b: {  	_ =	shalt  }
0x5c: {  	_ =	shalt  }
0x5d: {  	_ =	shalt  }
0x5e: {  	_ =	shalt  }
0x5f: {  	_ =	shalt  }
0x60: {  	_ =	shalt  }
0x61: {  	_ =	shalt  }
0x62: {  	_ =	shalt  }
0x63: {  	_ =	shalt  }
0x64: {  	_ =	shalt  }
0x65: {  	_ =	shalt  }
0x66: {  	_ =	shalt  }
0x67: {  	_ =	shalt  }
0x68: {  	_ =	shalt  }
0x69: {  	_ =	shalt  }
0x6a: {  	_ =	shalt  }
0x6b: {  	_ =	shalt  }
0x6c: {  	_ =	shalt  }
0x6d: {  	_ =	shalt  }
0x6e: {  	_ =	shalt  }
0x6f: {  	_ =	shalt  }
0x70: {  	_ =	shalt  }
0x71: {  	_ =	shalt  }
0x72: {  	_ =	shalt  }
0x73: {  	_ =	shalt  }
0x74: {  	_ =	shalt  }
0x75: {  	_ =	shalt  }
0x76: {  	_ =	shalt  }
0x77: {  	_ =	shalt  }
0x78: {  	_ =	shalt  }
0x79: {  	_ =	shalt  }
0x7a: {  	_ =	shalt  }
0x7b: {  	_ =	shalt  }
0x7c: {  	_ =	shalt  }
0x7d: {  	_ =	shalt  }
0x7e: {  	_ =	shalt  }
0x7f: {  	_ =	shalt  }
0x80: {  	_ =	shalt  }
0x81: {  	_ =	shalt  }
0x82: {  	_ =	shalt  }
0x83: {  	_ =	shalt  }
0x84: {  	_ =	shalt  }
0x85: {  	_ =	shalt  }
0x86: {  	_ =	shalt  }
0x87: {  	_ =	shalt  }
.Lfunc_end0:
.L_simem_size_0:
called_computation.2_lowered:
.L_overlay_start_0:
0x88: {  	s2 =	sld [smem:$0x3FD9]  }
0x89: {  	s3 =	sld [smem:$0x3FFE];
	_ =	sdelay $0x1  }
0x8a: {  	s1 =	srdreg.scid  }
0x8b: {  	s0 =	sand.u32 $0x1, s1  }
0x8c: {  	s17 =	sshll.u32 s0, $0xA;
	s2 =	sadd.s32 s3, s2  }
0x8d: {  	s2 =	sadd.s32 s2, s17  }
0x8e: {  	[smem:$0x3FC0] =	sst s2  }
0x8f: {  	_ = 	snop  }
0x90: {  	s18 =	sld [smem:$0x3FD0];
	(tm) =	ssettm $0x1  }
0x91: {  	s19 =	sld [smem:$0x3FFB];
	_ =	sdelay $0x3  }
0x92: {  	_ =	strace s19  }
0x93: {  	s2 =	sld [smem:$0x3FFC];
	_ =	sdelay $0x3  }
0x94: {  	_ =	strace s2  }
0x95: {  	s2 =	sld [smem:$0x3FFD];
	_ =	sdelay $0x3  }
0x96: {  	_ =	strace s2  }
0x97: {  	_ =	strace $0x8FFFFFFF  }
0x98: {  	s20 =	sld [smem:$0x3FDB];
	_ =	sdelay $0x1  }
0x99: {  	s4 =	simm.s32 $_scs_section_size  }
0x9a: {  	s5 =	simm.s32 $_size__tile_overlayer_lowered;
	s6 =	simm.s32 $_tile_overlayer_lowered  }
0x9b: {  	s7 =	simm.s32 $0x1BFF;
	s21 =	sshll.u32 s6, $0x1;
	s4 =	sadd.s32 s4, s20  }
0x9c: {  	s22 =	simm.s32 $0x0;
	s5 =	sshll.u32 s5, $0x1;
	s6 =	sadd.s32 s21, s4  }
0x9d: {  	[timem:s22], [sflag:s7] =	dma.local [hbm:s6], s5  }
0x9e: {  	_ =	swait.ge [sflag:s7], s5  }
0x9f: {  	s5 =	ssub.s32 $0x0, s5;
	[sflag:s7] =	ssyncset.done $0x0  }
0xa0: {  	[sflag:s7] =	ssyncadd.s32 s5;
	_ =	sdelay $0x1  }
0xa1: {  	s23 =	simm.s32 $0x1B8B  }
0xa2: {  	_ =	swait.ge [sflag:s23], $0x1  }
0xa3: {  	[sflag:s23] =	ssyncset.done $0x0  }
0xa4: {  	[sflag:s23] =	ssyncadd.s32 $0xFFFFFFFF  }
0xa5: {  	s5 =	sld [smem:$0x0]  }
0xa6: {  	s6 =	sand.u32 $0xFFFFFFFE, s1  }
0xa7: {  	p0 =	sne.s32 s1, s6  }
0xa8: {  	s6 =	sshll.u32 @p0 s6, $0xE  }
0xa9: {  	s6 =	sadd.s32 @p0 $0x11B8D, s6;
	s7 =	sshll.u32 @p0 s5, $0x11  }
0xaa: {  	s6 =	sor.u32 @p0 s7, s6  }
0xab: {  	[sflag:s6] =	ssyncadd.remote.s32 @p0 $0x1;
	_ =	sdelay $0x1  }
0xac: {  	s6 =	simm.s32 @p0 $0x1B8D  }
0xad: {  	_ =	swait.eq @p0 [sflag:s6], $0x1  }
0xae: {  	[sflag:s6] =	ssyncadd.s32 @p0 $0xFFFFFFFF  }
0xaf: {  	s7 =	sshll.u32 @!p0 s1, $0xE  }
0xb0: {  	s7 =	sor.u32 @!p0 $0x4000, s7;
	s6 =	simm.s32 @!p0 $0x1B8D  }
0xb1: {  	s5 =	sshll.u32 @!p0 s5, $0x11;
	s7 =	sadd.s32 @!p0 $0x11B8D, s7;
	_ =	swait.eq @!p0 [sflag:s6], $0x1  }
0xb2: {  	s5 =	sor.u32 @!p0 s5, s7;
	[sflag:s6] =	ssyncadd.s32 @!p0 $0xFFFFFFFF  }
0xb3: {  	s25 =	simm.s32 $0x1B8E;
	s24 =	sld [smem:$0x3FFE];
	[sflag:s5] =	ssyncadd.remote.s32 @!p0 $0x1  }
0xb4: {  	s26 =	simm.s32 $execute0_lowered;
	[smem:$0x3FD2] =	sst s25  }
0xb5: {  	s6 =	sshll.u32 s26, $0x1;
	_ =	strace $0x8000004C;
	[dreg:$0x1] =	wrdreg $0xFFFFFFFF  }
0xb6: {  	s28 =	simm.s32 $_size_execute0_lowered;
	s4 =	sadd.s32 s4, s6;
	[dreg:$0x0] =	wrdreg $0x0  }
0xb7: {  	s6 =	sshll.u32 s28, $0x1;
	[dreg:$0x2] =	wrdreg s4  }
0xb8: {  	[dreg:$0x3] =	wrdreg s6  }
0xb9: {  	[dreg:$0x4] =	wrdreg $0xC0  }
0xba: {  	_ =	task [dreg:s22], $0x5FFFF  }
0xbb: {  	[dreg:$0x1] =	wrdreg $0xFFFFFFFF  }
0xbc: {  	[dreg:$0x0] =	wrdreg $0x60  }
0xbd: {  	[dreg:$0x2] =	wrdreg s18  }
0xbe: {  	[dreg:$0x3] =	wrdreg s24  }
0xbf: {  	[dreg:$0x4] =	wrdreg $0xD0000  }
0xc0: {  	[dreg:$0x5] =	wrdreg $0xA  }
0xc1: {  	_ =	task.clear_ibuf [dreg:s22], $0x6FFFF;
	_ =	strace $0x9000004C  }
0xc2: {  	s29 =	simm.s32 $0xA;
	_ =	strace $0x8000004E  }
0xc3: {  	_ =	swait.ge [sflag:s29], $0x1  }
0xc4: {  	[sflag:s29] =	ssyncadd.s32 $0xFFFFFFFF  }
0xc5: {  	_ =	strace $0x9000004E  }
0xc6: {  	_ =	sfence  }
0xc7: {  	s30 =	sld [smem:$0x0];
	_ =	sdelay $0x2  }
0xc8: {  	s31 =	sshll.u32 s1, $0xD;
	s1 =	sshrl.u32 s1, $0x2  }
0xc9: {  	s4 =	sand.u32 $0x4000, s31;
	s1 =	sadd.s32 s1, s30  }
0xca: {  	s0 =	sor.u32 s4, s0;
	s1 =	sshll.u32 s1, $0x11  }
0xcb: {  	s0 =	sor.u32 s1, s0  }
0xcc: {  	s0 =	sadd.s32 $0x8F2B, s0  }
0xcd: {  	[sflag:s0] =	ssyncadd.remote.s32 $0x1  }
0xce: {  	_ =	sfence.sel $0xFFFF  }
0xcf: {  	[dreg:$0x0] =	wrdreg $0xFFFFFFFF;
	(pc) =	sbr.abs _section_cstart, $3  }
0xd0: {  	[dreg:$0x1] =	wrdreg $0xFFFFFFFF  }
0xd1: {  	_ =	task.clear_ibuf [dreg:s22], $0x2FFFF;
	_ =	strace $0x9FFFFFFF  }
0xd2: {  	(tm) =	ssettm $0x7FFFFFFF  }
0xd3: {  	_ =	shalt  }
tec
execute0_lowered:
.L_overlay_start_1:
0x0: {  	(tag) =	ssettag $0x1  }
0x1: {  	s2 =	rddreg [dreg:$0x0]  }
0x2: {  	s0 =	srdreg.scid;
	s5 =	rddreg [dreg:$0x1]  }
0x3: {  	s14 =	stileid.u32;
	s3 =	rddreg [dreg:$0x2]  }
0x4: {  	s4 =	simm.s32 $0x0;
	s10 =	simm.s32 $0x9;
	s11 =	simm.s32 $0x2800  }
0x5: {  	s12 =	simm.s32 $0x80;
	s13 =	simm.s32 $0x5000;
	s17 =	simm.s32 $0x1  }
0x6: {  	s19 =	simm.s32 $0x9000;
	s20 =	simm.s32 $0x2;
	s23 =	simm.s32 $0xB000  }
0x7: {  	s24 =	simm.s32 $0x3;
	s29 =	simm.s32 $0x4;
	s31 =	simm.s32 $0x6  }
0x8: {  	s18 =	simm.s32 $0x8;
	s30 =	simm.s32 $0x4F00;
	s21 =	simm.s32 $0x0  }
0x9: {  	s0 =	sand.u32 $0x1, s0;
	s7 =	smul.u32 $0xA000, s14;
	[smem:$0x7FF] =	sst s4  }
0xa: {  	s28 =	sshll.u32 s14, $0x6;
	s1 =	sshll.u32 s0, $0x4;
	s6 =	smul.u32 $0xA0000, s0  }
0xb: {  	_ =	strace $0x8000004D;
	s0 =	ssub.s32 $0x2, s0;
	s15 =	sor.u32 $0x1C09, s28  }
0xc: {  	s1 =	sor.u32 s14, s1;
	s8 =	sshrl.u32 s7, $0x3;
	s25 =	sshrl.u32 s0, $0x1  }
0xd: {  	s26 =	sadd.s32 s7, s3;
	s14 =	simm.s32 $0x7000;
	s1 =	smul.u32 $0x500, s1  }
0xe: {  	s6 =	sadd.s32 s7, s6;
	s8 =	sadd.s32 s8, s5;
	s0 =	ssub.s32 s0, s25  }
0xf: {  	s16 =	sshrl.u32 s26, $0x3;
	s26 =	simm.s32 $0x5;
	s6 =	sshrl.u32 s6, $0x3  }
0x10: {  	s7 =	sadd.s32 $0xA9000, s8;
	s1 =	sadd.s32 s1, s5;
	s9 =	sadd.s32 s6, s5  }
0x11: {  	s5 =	sadd.s32 $0x3B000, s1;
	s6 =	sadd.s32 $0x3E00, s1;
	s8 =	sadd.s32 $0xE5000, s9  }
0x12: {  	s9 =	smax.u32 s0, $0x1;
	s0 =	simm.s32 $0x7;
	s1 =	simm.s32 $0x4F80  }
.LBB2_1:
0x13: {  	[tilespmem:s4], [sflag:$0x9] =	stream.linear.gather [hbm4b:s5+s4], $0x2800, $0x38;
	[tilespmem:$0x17000] =	vst v63  }
0x14: {  	_ =	swait.ge [sflag:s10], $0x2800  }
0x15: {  	[sflag:s10] =	ssyncset.done $0x0  }
0x16: {  	[sflag:s10] =	ssyncadd.s32 $0xFFFFD800  }
0x17: {  	[tilespmem:s11], [sflag:$0x9] =	stream.linear.gather [hbm4b:s6+s4], $0x2800, $0x38;
	[tilespmem:$0x17000] =	vst v63  }
0x18: {  	_ =	swait.ge [sflag:s10], $0x2800  }
0x19: {  	[sflag:s10] =	ssyncset.done $0x0  }
0x1a: {  	[sflag:s10] =	ssyncadd.s32 $0xFFFFD800  }
0x1b: {  	[tilespmem:s13], [sflag:$0x1] =	stream.indirect.gather [hbm4b:s2+s12], $0x40, s4, s12, $0xb8;
	[tilespmem:$0x17000] =	vst v63  }
0x1c: {  	_ = 	snop  }
0x1d: {  	[tilespmem:s14], [sflag:$0x2] =	stream.indirect.gather [hbm4b:s2+s12], $0x40, s12, s12, $0xb8;
	[tilespmem:$0x17000] =	vst v63  }
0x1e: {  	[spmem:s16], [sflag:s15] =	dma.local [hbm:s7], $0x1400  }
0x1f: {  	_ =	swait.ge [sflag:s10], $0x1400  }
0x20: {  	[sflag:s10] =	ssyncset.done $0x0  }
0x21: {  	[sflag:s10] =	ssyncadd.s32 $0xFFFFEC00  }
0x22: {  	[bflag:$0x0] =	sbarrier.arrive $0xFFFF  }
0x23: {  	_ =	swait.ge [sflag:s17], $0x2000  }
0x24: {  	[sflag:s17] =	ssyncset.done $0x0  }
0x25: {  	[sflag:s17] =	ssyncadd.s32 $0xFFFFE000  }
0x26: {  	[spmem:s3] =	stream.indirect.scatter.add.f32 [tilespmem:s13], [sflag:$0x5], $0x40, s11, s12, $0xb8;
	[tilespmem:$0x17000] =	vst v63  }
0x27: {  	s22 =	simm.s32 $0x100  }
0x28: {  	[tilespmem:s19], [sflag:$0x3] =	stream.indirect.gather [hbm4b:s2+s12], $0x40, s22, s12, $0xb8;
	[tilespmem:$0x17000] =	vst v63  }
0x29: {  	_ =	swait.ge [sflag:s20], $0x2000  }
0x2a: {  	[sflag:s20] =	ssyncset.done $0x0  }
0x2b: {  	s28 =	simm.s32 $0x2880;
	[sflag:s20] =	ssyncadd.s32 $0xFFFFE000  }
0x2c: {  	[spmem:s3] =	stream.indirect.scatter.add.f32 [tilespmem:s14], [sflag:$0x6], $0x40, s28, s12, $0xb8;
	[tilespmem:$0x17000] =	vst v63  }
0x2d: {  	s25 =	simm.s32 $0x180  }
0x2e: {  	[tilespmem:s23], [sflag:$0x4] =	stream.indirect.gather [hbm4b:s2+s12], $0x40, s25, s12, $0xb8;
	[tilespmem:$0x17000] =	vst v63  }
0x2f: {  	_ =	swait.ge [sflag:s24], $0x2000  }
0x30: {  	[sflag:s24] =	ssyncset.done $0x0  }
0x31: {  	s28 =	simm.s32 $0x2900;
	[sflag:s24] =	ssyncadd.s32 $0xFFFFE000  }
0x32: {  	[spmem:s3] =	stream.indirect.scatter.add.f32 [tilespmem:s19], [sflag:$0x7], $0x40, s28, s12, $0xb8;
	[tilespmem:$0x17000] =	vst v63  }
0x33: {  	_ =	swait.ge [sflag:s26], $0x2000  }
0x34: {  	[sflag:s26] =	ssyncset.done $0x0  }
0x35: {  	s25 =	simm.s32 $0x200;
	[sflag:s26] =	ssyncadd.s32 $0xFFFFE000  }
0x36: {  	[tilespmem:s13], [sflag:$0x1] =	stream.indirect.gather [hbm4b:s2+s12], $0x40, s25, s12, $0xb8;
	[tilespmem:$0x17000] =	vst v63  }
0x37: {  	_ =	swait.ge [sflag:s29], $0x2000  }
0x38: {  	[sflag:s29] =	ssyncset.done $0x0  }
0x39: {  	s28 =	simm.s32 $0x2980;
	[sflag:s29] =	ssyncadd.s32 $0xFFFFE000  }
0x3a: {  	[spmem:s3] =	stream.indirect.scatter.add.f32 [tilespmem:s23], [sflag:$0x8], $0x40, s28, s12, $0xb8;
	[tilespmem:$0x17000] =	vst v63  }
0x3b: {  	_ =	swait.ge [sflag:s31], $0x2000  }
0x3c: {  	[sflag:s31] =	ssyncset.done $0x0  }
0x3d: {  	s25 =	simm.s32 $0x280;
	[sflag:s31] =	ssyncadd.s32 $0xFFFFE000  }
0x3e: {  	[tilespmem:s14], [sflag:$0x2] =	stream.indirect.gather [hbm4b:s2+s12], $0x40, s25, s12, $0xb8;
	[tilespmem:$0x17000] =	vst v63  }
0x3f: {  	_ =	swait.ge [sflag:s17], $0x2000  }
0x40: {  	[sflag:s17] =	ssyncset.done $0x0  }
0x41: {  	s28 =	simm.s32 $0x2A00;
	[sflag:s17] =	ssyncadd.s32 $0xFFFFE000  }
0x42: {  	[spmem:s3] =	stream.indirect.scatter.add.f32 [tilespmem:s13], [sflag:$0x5], $0x40, s28, s12, $0xb8;
	[tilespmem:$0x17000] =	vst v63  }
0x43: {  	_ =	swait.ge [sflag:s0], $0x2000  }
0x44: {  	[sflag:s0] =	ssyncset.done $0x0  }
0x45: {  	s25 =	simm.s32 $0x300;
	[sflag:s0] =	ssyncadd.s32 $0xFFFFE000  }
0x46: {  	[tilespmem:s19], [sflag:$0x3] =	stream.indirect.gather [hbm4b:s2+s12], $0x40, s25, s12, $0xb8;
	[tilespmem:$0x17000] =	vst v63  }
0x47: {  	_ =	swait.ge [sflag:s20], $0x2000  }
0x48: {  	[sflag:s20] =	ssyncset.done $0x0  }
0x49: {  	s28 =	simm.s32 $0x2A80;
	[sflag:s20] =	ssyncadd.s32 $0xFFFFE000  }
0x4a: {  	[spmem:s3] =	stream.indirect.scatter.add.f32 [tilespmem:s14], [sflag:$0x6], $0x40, s28, s12, $0xb8;
	[tilespmem:$0x17000] =	vst v63  }
0x4b: {  	_ =	swait.ge [sflag:s18], $0x2000  }
0x4c: {  	[sflag:s18] =	ssyncset.done $0x0  }
0x4d: {  	s25 =	simm.s32 $0x380;
	[sflag:s18] =	ssyncadd.s32 $0xFFFFE000  }
0x4e: {  	[tilespmem:s23], [sflag:$0x4] =	stream.indirect.gather [hbm4b:s2+s12], $0x40, s25, s12, $0xb8;
	[tilespmem:$0x17000] =	vst v63  }
0x4f: {  	_ =	swait.ge [sflag:s24], $0x2000  }
0x50: {  	[sflag:s24] =	ssyncset.done $0x0  }
0x51: {  	s28 =	simm.s32 $0x2B00;
	[sflag:s24] =	ssyncadd.s32 $0xFFFFE000  }
0x52: {  	[spmem:s3] =	stream.indirect.scatter.add.f32 [tilespmem:s19], [sflag:$0x7], $0x40, s28, s12, $0xb8;
	[tilespmem:$0x17000] =	vst v63  }
0x53: {  	_ =	swait.ge [sflag:s26], $0x2000  }
0x54: {  	[sflag:s26] =	ssyncset.done $0x0  }
0x55: {  	s25 =	simm.s32 $0x400;
	[sflag:s26] =	ssyncadd.s32 $0xFFFFE000  }
0x56: {  	[tilespmem:s13], [sflag:$0x1] =	stream.indirect.gather [hbm4b:s2+s12], $0x40, s25, s12, $0xb8;
	[tilespmem:$0x17000] =	vst v63  }
0x57: {  	_ =	swait.ge [sflag:s29], $0x2000  }
0x58: {  	[sflag:s29] =	ssyncset.done $0x0  }
0x59: {  	s28 =	simm.s32 $0x2B80;
	[sflag:s29] =	ssyncadd.s32 $0xFFFFE000  }
0x5a: {  	[spmem:s3] =	stream.indirect.scatter.add.f32 [tilespmem:s23], [sflag:$0x8], $0x40, s28, s12, $0xb8;
	[tilespmem:$0x17000] =	vst v63  }
0x5b: {  	_ =	swait.ge [sflag:s31], $0x2000  }
0x5c: {  	[sflag:s31] =	ssyncset.done $0x0  }
0x5d: {  	s22 =	simm.s32 $0x800;
	s25 =	simm.s32 $0x480;
	[sflag:s31] =	ssyncadd.s32 $0xFFFFE000  }
.LBB2_2:
0x5e: {  	[tilespmem:s14], [sflag:$0x2] =	stream.indirect.gather [hbm4b:s2+s12], $0x40, s25, s12, $0xb8;
	[tilespmem:$0x17000] =	vst v63  }
0x5f: {  	s25 =	smov.u32 s22  }
0x60: {  	p0 =	sne.s32 s22, $0x8800;
	s22 =	sadd.s32 $0x800, s22;
	_ =	swait.ge [sflag:s17], $0x2000  }
0x61: {  	s25 =	sshra.s32 s25, $0x2;
	[sflag:s17] =	ssyncset.done $0x0  }
0x62: {  	s28 =	sadd.s32 $0x2A00, s25;
	[sflag:s17] =	ssyncadd.s32 $0xFFFFE000  }
0x63: {  	[spmem:s3] =	stream.indirect.scatter.add.f32 [tilespmem:s13], [sflag:$0x5], $0x40, s28, s12, $0xb8;
	[tilespmem:$0x17000] =	vst v63  }
0x64: {  	_ =	swait.ge [sflag:s0], $0x2000  }
0x65: {  	[sflag:s0] =	ssyncset.done $0x0  }
0x66: {  	s28 =	sadd.s32 $0x300, s25;
	[sflag:s0] =	ssyncadd.s32 $0xFFFFE000  }
0x67: {  	[tilespmem:s19], [sflag:$0x3] =	stream.indirect.gather [hbm4b:s2+s12], $0x40, s28, s12, $0xb8;
	[tilespmem:$0x17000] =	vst v63  }
0x68: {  	_ =	swait.ge [sflag:s20], $0x2000  }
0x69: {  	[sflag:s20] =	ssyncset.done $0x0  }
0x6a: {  	s28 =	sadd.s32 $0x2A80, s25;
	[sflag:s20] =	ssyncadd.s32 $0xFFFFE000  }
0x6b: {  	[spmem:s3] =	stream.indirect.scatter.add.f32 [tilespmem:s14], [sflag:$0x6], $0x40, s28, s12, $0xb8;
	[tilespmem:$0x17000] =	vst v63  }
0x6c: {  	_ =	swait.ge [sflag:s18], $0x2000  }
0x6d: {  	[sflag:s18] =	ssyncset.done $0x0  }
0x6e: {  	s28 =	sadd.s32 $0x380, s25;
	[sflag:s18] =	ssyncadd.s32 $0xFFFFE000  }
0x6f: {  	[tilespmem:s23], [sflag:$0x4] =	stream.indirect.gather [hbm4b:s2+s12], $0x40, s28, s12, $0xb8;
	[tilespmem:$0x17000] =	vst v63  }
0x70: {  	_ =	swait.ge [sflag:s24], $0x2000  }
0x71: {  	[sflag:s24] =	ssyncset.done $0x0  }
0x72: {  	s28 =	sadd.s32 $0x2B00, s25;
	[sflag:s24] =	ssyncadd.s32 $0xFFFFE000  }
0x73: {  	[spmem:s3] =	stream.indirect.scatter.add.f32 [tilespmem:s19], [sflag:$0x7], $0x40, s28, s12, $0xb8;
	[tilespmem:$0x17000] =	vst v63  }
0x74: {  	_ =	swait.ge [sflag:s26], $0x2000  }
0x75: {  	[sflag:s26] =	ssyncset.done $0x0  }
0x76: {  	s28 =	sadd.s32 $0x400, s25;
	[sflag:s26] =	ssyncadd.s32 $0xFFFFE000  }
0x77: {  	[tilespmem:s13], [sflag:$0x1] =	stream.indirect.gather [hbm4b:s2+s12], $0x40, s28, s12, $0xb8;
	[tilespmem:$0x17000] =	vst v63  }
0x78: {  	_ =	swait.ge [sflag:s29], $0x2000  }
0x79: {  	[sflag:s29] =	ssyncset.done $0x0  }
.Ltmp0:
0x7a: {  	s28 =	sadd.s32 $0x2B80, s25;
	[sflag:s29] =	ssyncadd.s32 $0xFFFFE000;
	(pc) =	sbr.rel @p0 .LBB2_2-.Ltmp0, $4  }
0x7b: {  	[spmem:s3] =	stream.indirect.scatter.add.f32 [tilespmem:s23], [sflag:$0x8], $0x40, s28, s12, $0xb8;
	[tilespmem:$0x17000] =	vst v63  }
0x7c: {  	_ =	swait.ge [sflag:s31], $0x2000  }
0x7d: {  	[sflag:s31] =	ssyncset.done $0x0  }
0x7e: {  	s25 =	sadd.s32 $0x480, s25;
	[sflag:s31] =	ssyncadd.s32 $0xFFFFE000  }
0x7f: {  	[tilespmem:s14], [sflag:$0x2] =	stream.indirect.gather [hbm4b:s2+s12], $0x40, s25, s12, $0xb8;
	[tilespmem:$0x17000] =	vst v63  }
0x80: {  	_ =	swait.ge [sflag:s17], $0x2000  }
0x81: {  	[sflag:s17] =	ssyncset.done $0x0  }
0x82: {  	s22 =	simm.s32 $0x4E00;
	[sflag:s17] =	ssyncadd.s32 $0xFFFFE000  }
0x83: {  	[spmem:s3] =	stream.indirect.scatter.add.f32 [tilespmem:s13], [sflag:$0x5], $0x40, s22, s12, $0xb8;
	[tilespmem:$0x17000] =	vst v63  }
0x84: {  	_ =	swait.ge [sflag:s0], $0x2000  }
0x85: {  	[sflag:s0] =	ssyncset.done $0x0  }
0x86: {  	s28 =	simm.s32 $0x2700;
	[sflag:s0] =	ssyncadd.s32 $0xFFFFE000  }
0x87: {  	[tilespmem:s19], [sflag:$0x3] =	stream.indirect.gather [hbm4b:s2+s12], $0x40, s28, s12, $0xb8;
	[tilespmem:$0x17000] =	vst v63  }
0x88: {  	_ =	swait.ge [sflag:s20], $0x2000  }
0x89: {  	[sflag:s20] =	ssyncset.done $0x0  }
0x8a: {  	s25 =	simm.s32 $0x4E80;
	[sflag:s20] =	ssyncadd.s32 $0xFFFFE000  }
0x8b: {  	[spmem:s3] =	stream.indirect.scatter.add.f32 [tilespmem:s14], [sflag:$0x6], $0x40, s25, s12, $0xb8;
	[tilespmem:$0x17000] =	vst v63  }
0x8c: {  	_ =	swait.ge [sflag:s18], $0x2000  }
0x8d: {  	[sflag:s18] =	ssyncset.done $0x0  }
0x8e: {  	s28 =	simm.s32 $0x2780;
	[sflag:s18] =	ssyncadd.s32 $0xFFFFE000  }
0x8f: {  	[tilespmem:s23], [sflag:$0x4] =	stream.indirect.gather [hbm4b:s2+s12], $0x40, s28, s12, $0xb8;
	[tilespmem:$0x17000] =	vst v63  }
0x90: {  	_ =	swait.ge [sflag:s24], $0x2000  }
0x91: {  	[sflag:s24] =	ssyncset.done $0x0  }
0x92: {  	[sflag:s24] =	ssyncadd.s32 $0xFFFFE000  }
0x93: {  	[spmem:s3] =	stream.indirect.scatter.add.f32 [tilespmem:s19], [sflag:$0x7], $0x40, s30, s12, $0xb8;
	[tilespmem:$0x17000] =	vst v63  }
0x94: {  	_ =	swait.ge [sflag:s29], $0x2000  }
0x95: {  	[sflag:s29] =	ssyncset.done $0x0  }
0x96: {  	[sflag:s29] =	ssyncadd.s32 $0xFFFFE000  }
0x97: {  	[spmem:s3] =	stream.indirect.scatter.add.f32 [tilespmem:s23], [sflag:$0x8], $0x40, s1, s12, $0xb8;
	[tilespmem:$0x17000] =	vst v63  }
0x98: {  	_ =	swait.ge [sflag:s26], $0x2000  }
0x99: {  	[sflag:s26] =	ssyncset.done $0x0  }
0x9a: {  	[sflag:s26] =	ssyncadd.s32 $0xFFFFE000  }
0x9b: {  	_ =	swait.ge [sflag:s31], $0x2000  }
0x9c: {  	[sflag:s31] =	ssyncset.done $0x0  }
0x9d: {  	[sflag:s31] =	ssyncadd.s32 $0xFFFFE000  }
0x9e: {  	_ =	swait.ge [sflag:s0], $0x2000  }
0x9f: {  	[sflag:s0] =	ssyncset.done $0x0  }
0xa0: {  	[sflag:s0] =	ssyncadd.s32 $0xFFFFE000  }
0xa1: {  	_ =	swait.ge [sflag:s18], $0x2000  }
0xa2: {  	s21 =	sadd.s32 $0x1, s21;
	[sflag:s18] =	ssyncset.done $0x0  }
0xa3: {  	p0 =	sne.s32 s21, s9;
	[sflag:s18] =	ssyncadd.s32 $0xFFFFE000  }
.Ltmp1:
0xa4: {  	[bflag:$0x0] =	sbarrier.arrive $0xFFFF;
	(pc) =	sbr.rel @p0 .LBB2_1-.Ltmp1, $4  }
0xa5: {  	[hbm:s8], [sflag:s15] =	dma.local [spmem:s16], $0x1400  }
0xa6: {  	_ =	swait.ge [sflag:s10], $0x1400  }
0xa7: {  	[sflag:s10] =	ssyncset.done $0x0  }
0xa8: {  	[sflag:s10] =	ssyncadd.s32 $0xFFFFEC00  }
0xa9: {  	_ =	sfence.sel $0x180000  }
0xaa: {  	[bflag:$0x0] =	sbarrier.arrive $0xFFFF  }
0xab: {  	_ =	strace $0x9000004D  }
0xac: {  	s0 =	stileid.u32;
	[bflag:$0x2] =	sbarrier.arrive $0xFFFF  }
0xad: {  	p0 =	sne.s32 s0, $0x0;
	s0 =	rddreg [dreg:$0x3]  }
0xae: {  	s0 =	sadd.s32 @!p0 $0x100000, s0  }
0xaf: {  	[sflag:s0] =	ssyncadd.tile.s32 @!p0 $0x1;
	_ =	shalt  }
.Lfunc_end2:
_tile_overlayer_lowered:
.L_overlay_start_2:
0xb0: {  	(tag) =	ssettag $0x2  }
0xb1: {  	s0 =	rddreg [dreg:$0x0];
	s2 =	stileid.u32  }
0xb2: {  	s1 =	rddreg [dreg:$0x1];
	p0 =	sne.s32 s2, $0x0  }
0xb3: {  	s3 =	rddreg [dreg:$0x2];
	[bflag:$0x3] =	sbarrier.arrive $0xFFFF;
	s2 =	simm.s32 @!p0 $0x1C09  }
0xb4: {  	[timem:s3], [sflag:s2] =	dma.local @!p0 [hbm:s0], s1  }
0xb5: {  	s0 =	simm.s32 @!p0 $0x9  }
0xb6: {  	_ =	swait.ge @!p0 [sflag:s0], s1  }
0xb7: {  	s1 =	ssub.s32 @!p0 $0x0, s1;
	[sflag:s0] =	ssyncset.done @!p0 $0x0  }
0xb8: {  	[sflag:s0] =	ssyncadd.s32 @!p0 s1  }
0xb9: {  	[bflag:$0x3] =	sbarrier.arrive $0xFFFF  }
0xba: {  	_ =	shalt  }

// kernel: kernel.21.cloned.1.call-start
scs
__scs_entry_jumppad:
0x0: {  	(pc) =	sbr.rel $0x88, $3  }
0x1: {  	(tag) =	ssettag $0x0;
	lr =	simm.s32 $0x1  }
0x2: {  	[smem:$0x3F99] =	sst lr;
	_ =	strace $0xD0000000  }
0x3: {  	_ = 	snop  }
0x4: {  	_ = 	snop  }
0x5: {  	_ = 	snop  }
0x6: {  	_ = 	snop  }
0x7: {  	_ = 	snop  }
__scs_overlays_trampoline_lowered:
0x8: {  	[smem:$0x3FA8] =	sst s0  }
0x9: {  	[smem:$0x3FA9] =	sst s1  }
0xa: {  	[smem:$0x3FAA] =	sst s2  }
0xb: {  	[smem:$0x3FAB] =	sst s3  }
0xc: {  	[smem:$0x3FAC] =	sst s4  }
0xd: {  	[smem:$0x3FAD] =	sst s5  }
0xe: {  	[smem:$0x3FAE] =	sst s6  }
0xf: {  	[smem:$0x3FAF] =	sst s7  }
0x10: {  	[smem:$0x3FB0] =	sst s8  }
0x11: {  	[smem:$0x3FB1] =	sst s9;
	s0 =	simm.s32 @!p0 $0x0  }
0x12: {  	s1 =	sld [smem:$0x3F97];
	s0 =	simm.s32 @p0 $0x1  }
0x13: {  	[smem:$0x3FB2] =	sst s0;
	s0 =	simm.s32 @!p1 $0x0  }
0x14: {  	s2 =	sld [smem:$0x3F96];
	s0 =	simm.s32 @p1 $0x1  }
0x15: {  	[smem:$0x3FB3] =	sst s0;
	s0 =	simm.s32 @!p2 $0x0  }
0x16: {  	s3 =	sld [smem:$0x3FDB];
	s0 =	simm.s32 @p2 $0x1  }
0x17: {  	s4 =	simm.s32 $0x1BF5;
	[smem:$0x3FB5] =	sst s0  }
0x18: {  	s0 =	sld [smem:$0x3F98];
	_ =	swait.ge [sflag:s4], $0x0  }
0x19: {  	s7 =	sld [smem:$0x3F99]  }
0x1a: {  	s8 =	sadd.s32 $0xFFFFE003, lr  }
0x1b: {  	s9 =	sadd.s32 $0xFFFFFEF7, lr;
	s5 =	simm.s32 $0xFFFFFFFF;
	p2 =	slt.u32 s8, $0xFFFFF086  }
0x1c: {  	p1 =	slt.u32 s9, $0xF7A;
	s5 =	simm.s32 @!p2 $0x0  }
0x1d: {  	s5 =	simm.s32 @p1 $0x1;
	p0 =	seq.s32 s7, s2  }
0x1e: {  	s7 =	smul.u32 @!p0 $0xF7A, s2;
	p2 =	seq.s32 @!p0 s5, $0x0  }
0x1f: {  	s9 =	smul.u32 $0xF7A, s1;
	s8 =	simm.s32 @!p0 $0x1BF5;
	p2 =	por !p2, p0  }
0x20: {  	[sflag:s8] =	ssyncset.s32 @!p0 $0xFFFFF086;
	s6 =	sadd.s32 @!p0 s3, s7;
	s7 =	simm.s32 @!p0 $0x108  }
0x21: {  	s3 =	sadd.s32 s3, s9;
	s6 =	sadd.s32 @!p0 $0x88, s6;
	s7 =	simm.s32 @p2 $0x1082  }
0x22: {  	[simem:s7], [sflag:s8] =	dma.local @!p0 [hbm:s6], $0xF7A  }
0x23: {  	s9 =	sor.u32 $0xD0000000, s2;
	s6 =	simm.s32 $0x108;
	_ =	swait.ge @!p0 [sflag:s8], $0x0  }
0x24: {  	s3 =	sadd.s32 $0x88, s3;
	s6 =	simm.s32 @!p1 $0x1082;
	[sflag:s4] =	ssyncset.s32 $0xFFFFF086  }
0x25: {  	[simem:s6], [sflag:s4] =	dma.local [hbm:s3], $0xF7A  }
0x26: {  	[smem:$0x3F99] =	sst s1;
	(tag) =	ssettag s2;
	_ =	strace s9  }
0x27: {  	s1 =	sld [smem:$0x3FA9]  }
0x28: {  	s2 =	sld [smem:$0x3FAA]  }
0x29: {  	s4 =	sld [smem:$0x3FAC]  }
0x2a: {  	p0 =	seq.s32 s5, $0x0;
	s5 =	sld [smem:$0x3FAD]  }
0x2b: {  	s6 =	sld [smem:$0x3FAE]  }
0x2c: {  	s7 =	sld [smem:$0x3FAF]  }
0x2d: {  	s3 =	simm.s32 $0x108;
	s8 =	sld [smem:$0x3FB0]  }
0x2e: {  	s3 =	simm.s32 @!p0 $0x1082;
	s9 =	sld [smem:$0x3FB1]  }
0x2f: {  	lr =	sadd.s32 s0, s3;
	s0 =	sld [smem:$0x3FA8]  }
0x30: {  	s3 =	sld [smem:$0x3FAB]  }
0x31: {  	[smem:$0x3FB4] =	sst s10  }
0x32: {  	s10 =	sld [smem:$0x3FB2];
	_ =	sdelay $0x3  }
0x33: {  	p0 =	seq.s32 s10, $0x1;
	s10 =	sld [smem:$0x3FB4];
	_ =	sdelay $0x3  }
0x34: {  	[smem:$0x3FB4] =	sst s10  }
0x35: {  	s10 =	sld [smem:$0x3FB3];
	_ =	sdelay $0x3  }
0x36: {  	p1 =	seq.s32 s10, $0x1;
	s10 =	sld [smem:$0x3FB4];
	_ =	sdelay $0x3  }
0x37: {  	[smem:$0x3FB4] =	sst s10  }
0x38: {  	s10 =	sld [smem:$0x3FB5]  }
0x39: {  	_ = 	snop;
	(pc) =	sbr.ind lr, $3  }
0x3a: {  	_ = 	snop  }
0x3b: {  	_ = 	snop  }
0x3c: {  	p2 =	seq.s32 s10, $0x1;
	s10 =	sld [smem:$0x3FB4]  }
0x3d: {  	_ =	shalt  }
0x3e: {  	_ =	shalt  }
0x3f: {  	_ =	shalt  }
0x40: {  	_ =	shalt  }
0x41: {  	_ =	shalt  }
0x42: {  	_ =	shalt  }
0x43: {  	_ =	shalt  }
0x44: {  	_ =	shalt  }
0x45: {  	_ =	shalt  }
0x46: {  	_ =	shalt  }
0x47: {  	_ =	shalt  }
0x48: {  	_ =	shalt  }
0x49: {  	_ =	shalt  }
0x4a: {  	_ =	shalt  }
0x4b: {  	_ =	shalt  }
0x4c: {  	_ =	shalt  }
0x4d: {  	_ =	shalt  }
0x4e: {  	_ =	shalt  }
0x4f: {  	_ =	shalt  }
0x50: {  	_ =	shalt  }
0x51: {  	_ =	shalt  }
0x52: {  	_ =	shalt  }
0x53: {  	_ =	shalt  }
0x54: {  	_ =	shalt  }
0x55: {  	_ =	shalt  }
0x56: {  	_ =	shalt  }
0x57: {  	_ =	shalt  }
0x58: {  	_ =	shalt  }
0x59: {  	_ =	shalt  }
0x5a: {  	_ =	shalt  }
0x5b: {  	_ =	shalt  }
0x5c: {  	_ =	shalt  }
0x5d: {  	_ =	shalt  }
0x5e: {  	_ =	shalt  }
0x5f: {  	_ =	shalt  }
0x60: {  	_ =	shalt  }
0x61: {  	_ =	shalt  }
0x62: {  	_ =	shalt  }
0x63: {  	_ =	shalt  }
0x64: {  	_ =	shalt  }
0x65: {  	_ =	shalt  }
0x66: {  	_ =	shalt  }
0x67: {  	_ =	shalt  }
0x68: {  	_ =	shalt  }
0x69: {  	_ =	shalt  }
0x6a: {  	_ =	shalt  }
0x6b: {  	_ =	shalt  }
0x6c: {  	_ =	shalt  }
0x6d: {  	_ =	shalt  }
0x6e: {  	_ =	shalt  }
0x6f: {  	_ =	shalt  }
0x70: {  	_ =	shalt  }
0x71: {  	_ =	shalt  }
0x72: {  	_ =	shalt  }
0x73: {  	_ =	shalt  }
0x74: {  	_ =	shalt  }
0x75: {  	_ =	shalt  }
0x76: {  	_ =	shalt  }
0x77: {  	_ =	shalt  }
0x78: {  	_ =	shalt  }
0x79: {  	_ =	shalt  }
0x7a: {  	_ =	shalt  }
0x7b: {  	_ =	shalt  }
0x7c: {  	_ =	shalt  }
0x7d: {  	_ =	shalt  }
0x7e: {  	_ =	shalt  }
0x7f: {  	_ =	shalt  }
0x80: {  	_ =	shalt  }
0x81: {  	_ =	shalt  }
0x82: {  	_ =	shalt  }
0x83: {  	_ =	shalt  }
0x84: {  	_ =	shalt  }
0x85: {  	_ =	shalt  }
0x86: {  	_ =	shalt  }
0x87: {  	_ =	shalt  }
.Lfunc_end0:
.L_simem_size_0:
called_computation.3_lowered:
.L_overlay_start_0:
0x88: {  	s2 =	sld [smem:$0x3FD9]  }
0x89: {  	s3 =	sld [smem:$0x3FFE];
	_ =	sdelay $0x1  }
0x8a: {  	s1 =	srdreg.scid  }
0x8b: {  	s0 =	sand.u32 $0x1, s1  }
0x8c: {  	s17 =	sshll.u32 s0, $0xA;
	s2 =	sadd.s32 s3, s2  }
0x8d: {  	s2 =	sadd.s32 s2, s17  }
0x8e: {  	[smem:$0x3FC0] =	sst s2  }
0x8f: {  	_ = 	snop  }
0x90: {  	s2 =	sld [smem:$0x3FD0];
	(tm) =	ssettm $0x1  }
0x91: {  	s18 =	sld [smem:$0x3FFB];
	_ =	sdelay $0x3  }
0x92: {  	_ =	strace s18  }
0x93: {  	s3 =	sld [smem:$0x3FFC];
	_ =	sdelay $0x3  }
0x94: {  	_ =	strace s3  }
0x95: {  	s3 =	sld [smem:$0x3FFD];
	_ =	sdelay $0x3  }
0x96: {  	_ =	strace s3  }
0x97: {  	_ =	strace $0x8FFFFFFF  }
0x98: {  	s19 =	sld [smem:$0x3FDB];
	_ =	sdelay $0x1  }
0x99: {  	s4 =	simm.s32 $_scs_section_size  }
0x9a: {  	s5 =	simm.s32 $_size__tile_overlayer_lowered;
	s6 =	simm.s32 $_tile_overlayer_lowered  }
0x9b: {  	s22 =	simm.s32 $0x1BFF;
	s21 =	sshll.u32 s6, $0x1;
	s3 =	sadd.s32 s4, s19  }
0x9c: {  	s7 =	simm.s32 $0x0;
	s20 =	sshll.u32 s5, $0x1;
	s5 =	sadd.s32 s21, s3  }
0x9d: {  	[timem:s7], [sflag:s22] =	dma.local [hbm:s5], s20  }
0x9e: {  	_ =	swait.ge [sflag:s22], s20  }
0x9f: {  	s4 =	ssub.s32 $0x0, s20;
	[sflag:s22] =	ssyncset.done $0x0  }
0xa0: {  	[sflag:s22] =	ssyncadd.s32 s4;
	_ =	sdelay $0x1  }
0xa1: {  	s23 =	simm.s32 $0x1B8B  }
0xa2: {  	_ =	swait.ge [sflag:s23], $0x1  }
0xa3: {  	[sflag:s23] =	ssyncset.done $0x0  }
0xa4: {  	s25 =	simm.s32 $0x1B8E;
	s24 =	sld [smem:$0x3FFE];
	[sflag:s23] =	ssyncadd.s32 $0xFFFFFFFF  }
0xa5: {  	s26 =	simm.s32 $execute0_lowered;
	[smem:$0x3FD2] =	sst s25  }
0xa6: {  	s5 =	sshll.u32 s26, $0x1;
	_ =	strace $0x8000004F;
	[dreg:$0x1] =	wrdreg $0xFFFFFFFF  }
0xa7: {  	s28 =	simm.s32 $_size_execute0_lowered;
	s3 =	sadd.s32 s3, s5;
	[dreg:$0x0] =	wrdreg $0x0  }
0xa8: {  	s5 =	sshll.u32 s28, $0x1;
	[dreg:$0x2] =	wrdreg s3  }
0xa9: {  	[dreg:$0x3] =	wrdreg s5  }
0xaa: {  	[dreg:$0x4] =	wrdreg $0xC0  }
0xab: {  	_ =	task [dreg:s7], $0x5FFFF  }
0xac: {  	[dreg:$0x1] =	wrdreg $0xFFFFFFFF  }
0xad: {  	[dreg:$0x0] =	wrdreg $0x60  }
0xae: {  	[dreg:$0x2] =	wrdreg s2  }
0xaf: {  	[dreg:$0x3] =	wrdreg s24  }
0xb0: {  	[dreg:$0x4] =	wrdreg $0xD0000  }
0xb1: {  	[dreg:$0x5] =	wrdreg $0x9  }
0xb2: {  	_ =	task.clear_ibuf [dreg:s7], $0x6FFFF;
	_ =	strace $0x9000004F  }
0xb3: {  	s29 =	simm.s32 $0x9;
	_ =	strace $0x80000051  }
0xb4: {  	_ =	swait.ge [sflag:s29], $0x1  }
0xb5: {  	[sflag:s29] =	ssyncadd.s32 $0xFFFFFFFF  }
0xb6: {  	_ =	strace $0x90000051  }
0xb7: {  	_ =	sfence  }
0xb8: {  	s30 =	sld [smem:$0x0];
	_ =	sdelay $0x2  }
0xb9: {  	s31 =	sshll.u32 s1, $0xD;
	s1 =	sshrl.u32 s1, $0x2  }
0xba: {  	s3 =	sand.u32 $0x4000, s31;
	s1 =	sadd.s32 s1, s30  }
0xbb: {  	s0 =	sor.u32 s3, s0;
	s1 =	sshll.u32 s1, $0x11  }
0xbc: {  	s0 =	sor.u32 s1, s0  }
0xbd: {  	s0 =	sadd.s32 $0x8F2B, s0  }
0xbe: {  	[sflag:s0] =	ssyncadd.remote.s32 $0x1  }
0xbf: {  	_ =	sfence.sel $0xFFFF  }
0xc0: {  	[dreg:$0x0] =	wrdreg $0xFFFFFFFF;
	(pc) =	sbr.abs _section_cstart, $3  }
0xc1: {  	[dreg:$0x1] =	wrdreg $0xFFFFFFFF  }
0xc2: {  	_ =	task.clear_ibuf [dreg:s7], $0x2FFFF;
	_ =	strace $0x9FFFFFFF  }
0xc3: {  	(tm) =	ssettm $0x7FFFFFFF  }
tec
execute0_lowered:
.L_overlay_start_1:
0x0: {  	(tag) =	ssettag $0x1  }
0x1: {  	s2 =	rddreg [dreg:$0x0]  }
0x2: {  	s0 =	srdreg.scid;
	s5 =	rddreg [dreg:$0x1]  }
0x3: {  	s14 =	stileid.u32;
	s3 =	rddreg [dreg:$0x2]  }
0x4: {  	s4 =	simm.s32 $0x0;
	s10 =	simm.s32 $0x9;
	s11 =	simm.s32 $0x2800  }
0x5: {  	s12 =	simm.s32 $0x80;
	s13 =	simm.s32 $0x5000;
	s17 =	simm.s32 $0x1  }
0x6: {  	s19 =	simm.s32 $0x9000;
	s20 =	simm.s32 $0x2;
	s23 =	simm.s32 $0xB000  }
0x7: {  	s24 =	simm.s32 $0x3;
	s29 =	simm.s32 $0x4;
	s31 =	simm.s32 $0x6  }
0x8: {  	s18 =	simm.s32 $0x8;
	s30 =	simm.s32 $0x4F00;
	s21 =	simm.s32 $0x0  }
0x9: {  	s0 =	sand.u32 $0x1, s0;
	s7 =	smul.u32 $0xA000, s14;
	[smem:$0x7FF] =	sst s4  }
0xa: {  	s28 =	sshll.u32 s14, $0x6;
	s1 =	sshll.u32 s0, $0x4;
	s6 =	smul.u32 $0xA0000, s0  }
0xb: {  	_ =	strace $0x80000050;
	s0 =	ssub.s32 $0x2, s0;
	s15 =	sor.u32 $0x1C09, s28  }
0xc: {  	s1 =	sor.u32 s14, s1;
	s8 =	sshrl.u32 s7, $0x3;
	s25 =	sshrl.u32 s0, $0x1  }
0xd: {  	s26 =	sadd.s32 s7, s3;
	s14 =	simm.s32 $0x7000;
	s1 =	smul.u32 $0x500, s1  }
0xe: {  	s6 =	sadd.s32 s7, s6;
	s8 =	sadd.s32 s8, s5;
	s0 =	ssub.s32 s0, s25  }
0xf: {  	s16 =	sshrl.u32 s26, $0x3;
	s26 =	simm.s32 $0x5;
	s6 =	sshrl.u32 s6, $0x3  }
0x10: {  	s7 =	sadd.s32 $0xA9000, s8;
	s1 =	sadd.s32 s1, s5;
	s9 =	sadd.s32 s6, s5  }
0x11: {  	s5 =	sadd.s32 $0x3B000, s1;
	s6 =	sadd.s32 $0x3E00, s1;
	s8 =	sadd.s32 $0x6D000, s9  }
0x12: {  	s9 =	smax.u32 s0, $0x1;
	s0 =	simm.s32 $0x7;
	s1 =	simm.s32 $0x4F80  }
.LBB2_1:
0x13: {  	[tilespmem:s4], [sflag:$0x9] =	stream.linear.gather [hbm4b:s5+s4], $0x2800, $0x38;
	[tilespmem:$0x17000] =	vst v63  }
0x14: {  	_ =	swait.ge [sflag:s10], $0x2800  }
0x15: {  	[sflag:s10] =	ssyncset.done $0x0  }
0x16: {  	[sflag:s10] =	ssyncadd.s32 $0xFFFFD800  }
0x17: {  	[tilespmem:s11], [sflag:$0x9] =	stream.linear.gather [hbm4b:s6+s4], $0x2800, $0x38;
	[tilespmem:$0x17000] =	vst v63  }
0x18: {  	_ =	swait.ge [sflag:s10], $0x2800  }
0x19: {  	[sflag:s10] =	ssyncset.done $0x0  }
0x1a: {  	[sflag:s10] =	ssyncadd.s32 $0xFFFFD800  }
0x1b: {  	[tilespmem:s13], [sflag:$0x1] =	stream.indirect.gather [hbm4b:s2+s12], $0x40, s4, s12, $0xb8;
	[tilespmem:$0x17000] =	vst v63  }
0x1c: {  	_ = 	snop  }
0x1d: {  	[tilespmem:s14], [sflag:$0x2] =	stream.indirect.gather [hbm4b:s2+s12], $0x40, s12, s12, $0xb8;
	[tilespmem:$0x17000] =	vst v63  }
0x1e: {  	[spmem:s16], [sflag:s15] =	dma.local [hbm:s7], $0x1400  }
0x1f: {  	_ =	swait.ge [sflag:s10], $0x1400  }
0x20: {  	[sflag:s10] =	ssyncset.done $0x0  }
0x21: {  	[sflag:s10] =	ssyncadd.s32 $0xFFFFEC00  }
0x22: {  	[bflag:$0x0] =	sbarrier.arrive $0xFFFF  }
0x23: {  	_ =	swait.ge [sflag:s17], $0x2000  }
0x24: {  	[sflag:s17] =	ssyncset.done $0x0  }
0x25: {  	[sflag:s17] =	ssyncadd.s32 $0xFFFFE000  }
0x26: {  	[spmem:s3] =	stream.indirect.scatter.add.f32 [tilespmem:s13], [sflag:$0x5], $0x40, s11, s12, $0xb8;
	[tilespmem:$0x17000] =	vst v63  }
0x27: {  	s22 =	simm.s32 $0x100  }
0x28: {  	[tilespmem:s19], [sflag:$0x3] =	stream.indirect.gather [hbm4b:s2+s12], $0x40, s22, s12, $0xb8;
	[tilespmem:$0x17000] =	vst v63  }
0x29: {  	_ =	swait.ge [sflag:s20], $0x2000  }
0x2a: {  	[sflag:s20] =	ssyncset.done $0x0  }
0x2b: {  	s28 =	simm.s32 $0x2880;
	[sflag:s20] =	ssyncadd.s32 $0xFFFFE000  }
0x2c: {  	[spmem:s3] =	stream.indirect.scatter.add.f32 [tilespmem:s14], [sflag:$0x6], $0x40, s28, s12, $0xb8;
	[tilespmem:$0x17000] =	vst v63  }
0x2d: {  	s25 =	simm.s32 $0x180  }
0x2e: {  	[tilespmem:s23], [sflag:$0x4] =	stream.indirect.gather [hbm4b:s2+s12], $0x40, s25, s12, $0xb8;
	[tilespmem:$0x17000] =	vst v63  }
0x2f: {  	_ =	swait.ge [sflag:s24], $0x2000  }
0x30: {  	[sflag:s24] =	ssyncset.done $0x0  }
0x31: {  	s28 =	simm.s32 $0x2900;
	[sflag:s24] =	ssyncadd.s32 $0xFFFFE000  }
0x32: {  	[spmem:s3] =	stream.indirect.scatter.add.f32 [tilespmem:s19], [sflag:$0x7], $0x40, s28, s12, $0xb8;
	[tilespmem:$0x17000] =	vst v63  }
0x33: {  	_ =	swait.ge [sflag:s26], $0x2000  }
0x34: {  	[sflag:s26] =	ssyncset.done $0x0  }
0x35: {  	s25 =	simm.s32 $0x200;
	[sflag:s26] =	ssyncadd.s32 $0xFFFFE000  }
0x36: {  	[tilespmem:s13], [sflag:$0x1] =	stream.indirect.gather [hbm4b:s2+s12], $0x40, s25, s12, $0xb8;
	[tilespmem:$0x17000] =	vst v63  }
0x37: {  	_ =	swait.ge [sflag:s29], $0x2000  }
0x38: {  	[sflag:s29] =	ssyncset.done $0x0  }
0x39: {  	s28 =	simm.s32 $0x2980;
	[sflag:s29] =	ssyncadd.s32 $0xFFFFE000  }
0x3a: {  	[spmem:s3] =	stream.indirect.scatter.add.f32 [tilespmem:s23], [sflag:$0x8], $0x40, s28, s12, $0xb8;
	[tilespmem:$0x17000] =	vst v63  }
0x3b: {  	_ =	swait.ge [sflag:s31], $0x2000  }
0x3c: {  	[sflag:s31] =	ssyncset.done $0x0  }
0x3d: {  	s25 =	simm.s32 $0x280;
	[sflag:s31] =	ssyncadd.s32 $0xFFFFE000  }
0x3e: {  	[tilespmem:s14], [sflag:$0x2] =	stream.indirect.gather [hbm4b:s2+s12], $0x40, s25, s12, $0xb8;
	[tilespmem:$0x17000] =	vst v63  }
0x3f: {  	_ =	swait.ge [sflag:s17], $0x2000  }
0x40: {  	[sflag:s17] =	ssyncset.done $0x0  }
0x41: {  	s28 =	simm.s32 $0x2A00;
	[sflag:s17] =	ssyncadd.s32 $0xFFFFE000  }
0x42: {  	[spmem:s3] =	stream.indirect.scatter.add.f32 [tilespmem:s13], [sflag:$0x5], $0x40, s28, s12, $0xb8;
	[tilespmem:$0x17000] =	vst v63  }
0x43: {  	_ =	swait.ge [sflag:s0], $0x2000  }
0x44: {  	[sflag:s0] =	ssyncset.done $0x0  }
0x45: {  	s25 =	simm.s32 $0x300;
	[sflag:s0] =	ssyncadd.s32 $0xFFFFE000  }
0x46: {  	[tilespmem:s19], [sflag:$0x3] =	stream.indirect.gather [hbm4b:s2+s12], $0x40, s25, s12, $0xb8;
	[tilespmem:$0x17000] =	vst v63  }
0x47: {  	_ =	swait.ge [sflag:s20], $0x2000  }
0x48: {  	[sflag:s20] =	ssyncset.done $0x0  }
0x49: {  	s28 =	simm.s32 $0x2A80;
	[sflag:s20] =	ssyncadd.s32 $0xFFFFE000  }
0x4a: {  	[spmem:s3] =	stream.indirect.scatter.add.f32 [tilespmem:s14], [sflag:$0x6], $0x40, s28, s12, $0xb8;
	[tilespmem:$0x17000] =	vst v63  }
0x4b: {  	_ =	swait.ge [sflag:s18], $0x2000  }
0x4c: {  	[sflag:s18] =	ssyncset.done $0x0  }
0x4d: {  	s25 =	simm.s32 $0x380;
	[sflag:s18] =	ssyncadd.s32 $0xFFFFE000  }
0x4e: {  	[tilespmem:s23], [sflag:$0x4] =	stream.indirect.gather [hbm4b:s2+s12], $0x40, s25, s12, $0xb8;
	[tilespmem:$0x17000] =	vst v63  }
0x4f: {  	_ =	swait.ge [sflag:s24], $0x2000  }
0x50: {  	[sflag:s24] =	ssyncset.done $0x0  }
0x51: {  	s28 =	simm.s32 $0x2B00;
	[sflag:s24] =	ssyncadd.s32 $0xFFFFE000  }
0x52: {  	[spmem:s3] =	stream.indirect.scatter.add.f32 [tilespmem:s19], [sflag:$0x7], $0x40, s28, s12, $0xb8;
	[tilespmem:$0x17000] =	vst v63  }
0x53: {  	_ =	swait.ge [sflag:s26], $0x2000  }
0x54: {  	[sflag:s26] =	ssyncset.done $0x0  }
0x55: {  	s25 =	simm.s32 $0x400;
	[sflag:s26] =	ssyncadd.s32 $0xFFFFE000  }
0x56: {  	[tilespmem:s13], [sflag:$0x1] =	stream.indirect.gather [hbm4b:s2+s12], $0x40, s25, s12, $0xb8;
	[tilespmem:$0x17000] =	vst v63  }
0x57: {  	_ =	swait.ge [sflag:s29], $0x2000  }
0x58: {  	[sflag:s29] =	ssyncset.done $0x0  }
0x59: {  	s28 =	simm.s32 $0x2B80;
	[sflag:s29] =	ssyncadd.s32 $0xFFFFE000  }
0x5a: {  	[spmem:s3] =	stream.indirect.scatter.add.f32 [tilespmem:s23], [sflag:$0x8], $0x40, s28, s12, $0xb8;
	[tilespmem:$0x17000] =	vst v63  }
0x5b: {  	_ =	swait.ge [sflag:s31], $0x2000  }
0x5c: {  	[sflag:s31] =	ssyncset.done $0x0  }
0x5d: {  	s22 =	simm.s32 $0x800;
	s25 =	simm.s32 $0x480;
	[sflag:s31] =	ssyncadd.s32 $0xFFFFE000  }
.LBB2_2:
0x5e: {  	[tilespmem:s14], [sflag:$0x2] =	stream.indirect.gather [hbm4b:s2+s12], $0x40, s25, s12, $0xb8;
	[tilespmem:$0x17000] =	vst v63  }
0x5f: {  	s25 =	smov.u32 s22  }
0x60: {  	p0 =	sne.s32 s22, $0x8800;
	s22 =	sadd.s32 $0x800, s22;
	_ =	swait.ge [sflag:s17], $0x2000  }
0x61: {  	s25 =	sshra.s32 s25, $0x2;
	[sflag:s17] =	ssyncset.done $0x0  }
0x62: {  	s28 =	sadd.s32 $0x2A00, s25;
	[sflag:s17] =	ssyncadd.s32 $0xFFFFE000  }
0x63: {  	[spmem:s3] =	stream.indirect.scatter.add.f32 [tilespmem:s13], [sflag:$0x5], $0x40, s28, s12, $0xb8;
	[tilespmem:$0x17000] =	vst v63  }
0x64: {  	_ =	swait.ge [sflag:s0], $0x2000  }
0x65: {  	[sflag:s0] =	ssyncset.done $0x0  }
0x66: {  	s28 =	sadd.s32 $0x300, s25;
	[sflag:s0] =	ssyncadd.s32 $0xFFFFE000  }
0x67: {  	[tilespmem:s19], [sflag:$0x3] =	stream.indirect.gather [hbm4b:s2+s12], $0x40, s28, s12, $0xb8;
	[tilespmem:$0x17000] =	vst v63  }
0x68: {  	_ =	swait.ge [sflag:s20], $0x2000  }
0x69: {  	[sflag:s20] =	ssyncset.done $0x0  }
0x6a: {  	s28 =	sadd.s32 $0x2A80, s25;
	[sflag:s20] =	ssyncadd.s32 $0xFFFFE000  }
0x6b: {  	[spmem:s3] =	stream.indirect.scatter.add.f32 [tilespmem:s14], [sflag:$0x6], $0x40, s28, s12, $0xb8;
	[tilespmem:$0x17000] =	vst v63  }
0x6c: {  	_ =	swait.ge [sflag:s18], $0x2000  }
0x6d: {  	[sflag:s18] =	ssyncset.done $0x0  }
0x6e: {  	s28 =	sadd.s32 $0x380, s25;
	[sflag:s18] =	ssyncadd.s32 $0xFFFFE000  }
0x6f: {  	[tilespmem:s23], [sflag:$0x4] =	stream.indirect.gather [hbm4b:s2+s12], $0x40, s28, s12, $0xb8;
	[tilespmem:$0x17000] =	vst v63  }
0x70: {  	_ =	swait.ge [sflag:s24], $0x2000  }
0x71: {  	[sflag:s24] =	ssyncset.done $0x0  }
0x72: {  	s28 =	sadd.s32 $0x2B00, s25;
	[sflag:s24] =	ssyncadd.s32 $0xFFFFE000  }
0x73: {  	[spmem:s3] =	stream.indirect.scatter.add.f32 [tilespmem:s19], [sflag:$0x7], $0x40, s28, s12, $0xb8;
	[tilespmem:$0x17000] =	vst v63  }
0x74: {  	_ =	swait.ge [sflag:s26], $0x2000  }
0x75: {  	[sflag:s26] =	ssyncset.done $0x0  }
0x76: {  	s28 =	sadd.s32 $0x400, s25;
	[sflag:s26] =	ssyncadd.s32 $0xFFFFE000  }
0x77: {  	[tilespmem:s13], [sflag:$0x1] =	stream.indirect.gather [hbm4b:s2+s12], $0x40, s28, s12, $0xb8;
	[tilespmem:$0x17000] =	vst v63  }
0x78: {  	_ =	swait.ge [sflag:s29], $0x2000  }
0x79: {  	[sflag:s29] =	ssyncset.done $0x0  }
.Ltmp0:
0x7a: {  	s28 =	sadd.s32 $0x2B80, s25;
	[sflag:s29] =	ssyncadd.s32 $0xFFFFE000;
	(pc) =	sbr.rel @p0 .LBB2_2-.Ltmp0, $4  }
0x7b: {  	[spmem:s3] =	stream.indirect.scatter.add.f32 [tilespmem:s23], [sflag:$0x8], $0x40, s28, s12, $0xb8;
	[tilespmem:$0x17000] =	vst v63  }
0x7c: {  	_ =	swait.ge [sflag:s31], $0x2000  }
0x7d: {  	[sflag:s31] =	ssyncset.done $0x0  }
0x7e: {  	s25 =	sadd.s32 $0x480, s25;
	[sflag:s31] =	ssyncadd.s32 $0xFFFFE000  }
0x7f: {  	[tilespmem:s14], [sflag:$0x2] =	stream.indirect.gather [hbm4b:s2+s12], $0x40, s25, s12, $0xb8;
	[tilespmem:$0x17000] =	vst v63  }
0x80: {  	_ =	swait.ge [sflag:s17], $0x2000  }
0x81: {  	[sflag:s17] =	ssyncset.done $0x0  }
0x82: {  	s22 =	simm.s32 $0x4E00;
	[sflag:s17] =	ssyncadd.s32 $0xFFFFE000  }
0x83: {  	[spmem:s3] =	stream.indirect.scatter.add.f32 [tilespmem:s13], [sflag:$0x5], $0x40, s22, s12, $0xb8;
	[tilespmem:$0x17000] =	vst v63  }
0x84: {  	_ =	swait.ge [sflag:s0], $0x2000  }
0x85: {  	[sflag:s0] =	ssyncset.done $0x0  }
0x86: {  	s28 =	simm.s32 $0x2700;
	[sflag:s0] =	ssyncadd.s32 $0xFFFFE000  }
0x87: {  	[tilespmem:s19], [sflag:$0x3] =	stream.indirect.gather [hbm4b:s2+s12], $0x40, s28, s12, $0xb8;
	[tilespmem:$0x17000] =	vst v63  }
0x88: {  	_ =	swait.ge [sflag:s20], $0x2000  }
0x89: {  	[sflag:s20] =	ssyncset.done $0x0  }
0x8a: {  	s25 =	simm.s32 $0x4E80;
	[sflag:s20] =	ssyncadd.s32 $0xFFFFE000  }
0x8b: {  	[spmem:s3] =	stream.indirect.scatter.add.f32 [tilespmem:s14], [sflag:$0x6], $0x40, s25, s12, $0xb8;
	[tilespmem:$0x17000] =	vst v63  }
0x8c: {  	_ =	swait.ge [sflag:s18], $0x2000  }
0x8d: {  	[sflag:s18] =	ssyncset.done $0x0  }
0x8e: {  	s28 =	simm.s32 $0x2780;
	[sflag:s18] =	ssyncadd.s32 $0xFFFFE000  }
0x8f: {  	[tilespmem:s23], [sflag:$0x4] =	stream.indirect.gather [hbm4b:s2+s12], $0x40, s28, s12, $0xb8;
	[tilespmem:$0x17000] =	vst v63  }
0x90: {  	_ =	swait.ge [sflag:s24], $0x2000  }
0x91: {  	[sflag:s24] =	ssyncset.done $0x0  }
0x92: {  	[sflag:s24] =	ssyncadd.s32 $0xFFFFE000  }
0x93: {  	[spmem:s3] =	stream.indirect.scatter.add.f32 [tilespmem:s19], [sflag:$0x7], $0x40, s30, s12, $0xb8;
	[tilespmem:$0x17000] =	vst v63  }
0x94: {  	_ =	swait.ge [sflag:s29], $0x2000  }
0x95: {  	[sflag:s29] =	ssyncset.done $0x0  }
0x96: {  	[sflag:s29] =	ssyncadd.s32 $0xFFFFE000  }
0x97: {  	[spmem:s3] =	stream.indirect.scatter.add.f32 [tilespmem:s23], [sflag:$0x8], $0x40, s1, s12, $0xb8;
	[tilespmem:$0x17000] =	vst v63  }
0x98: {  	_ =	swait.ge [sflag:s26], $0x2000  }
0x99: {  	[sflag:s26] =	ssyncset.done $0x0  }
0x9a: {  	[sflag:s26] =	ssyncadd.s32 $0xFFFFE000  }
0x9b: {  	_ =	swait.ge [sflag:s31], $0x2000  }
0x9c: {  	[sflag:s31] =	ssyncset.done $0x0  }
0x9d: {  	[sflag:s31] =	ssyncadd.s32 $0xFFFFE000  }
0x9e: {  	_ =	swait.ge [sflag:s0], $0x2000  }
0x9f: {  	[sflag:s0] =	ssyncset.done $0x0  }
0xa0: {  	[sflag:s0] =	ssyncadd.s32 $0xFFFFE000  }
0xa1: {  	_ =	swait.ge [sflag:s18], $0x2000  }
0xa2: {  	s21 =	sadd.s32 $0x1, s21;
	[sflag:s18] =	ssyncset.done $0x0  }
0xa3: {  	p0 =	sne.s32 s21, s9;
	[sflag:s18] =	ssyncadd.s32 $0xFFFFE000  }
.Ltmp1:
0xa4: {  	[bflag:$0x0] =	sbarrier.arrive $0xFFFF;
	(pc) =	sbr.rel @p0 .LBB2_1-.Ltmp1, $4  }
0xa5: {  	[hbm:s8], [sflag:s15] =	dma.local [spmem:s16], $0x1400  }
0xa6: {  	_ =	swait.ge [sflag:s10], $0x1400  }
0xa7: {  	[sflag:s10] =	ssyncset.done $0x0  }
0xa8: {  	[sflag:s10] =	ssyncadd.s32 $0xFFFFEC00  }
0xa9: {  	_ =	sfence.sel $0x180000  }
0xaa: {  	[bflag:$0x0] =	sbarrier.arrive $0xFFFF  }
0xab: {  	_ =	strace $0x90000050  }
0xac: {  	s0 =	stileid.u32;
	[bflag:$0x2] =	sbarrier.arrive $0xFFFF  }
0xad: {  	p0 =	sne.s32 s0, $0x0;
	s0 =	rddreg [dreg:$0x3]  }
0xae: {  	s0 =	sadd.s32 @!p0 $0x100000, s0  }
0xaf: {  	[sflag:s0] =	ssyncadd.tile.s32 @!p0 $0x1;
	_ =	shalt  }
.Lfunc_end2:
_tile_overlayer_lowered:
.L_overlay_start_2:
0xb0: {  	(tag) =	ssettag $0x2  }
0xb1: {  	s0 =	rddreg [dreg:$0x0];
	s2 =	stileid.u32  }
0xb2: {  	s1 =	rddreg [dreg:$0x1];
	p0 =	sne.s32 s2, $0x0  }
0xb3: {  	s3 =	rddreg [dreg:$0x2];
	[bflag:$0x3] =	sbarrier.arrive $0xFFFF;
	s2 =	simm.s32 @!p0 $0x1C09  }
0xb4: {  	[timem:s3], [sflag:s2] =	dma.local @!p0 [hbm:s0], s1  }
0xb5: {  	s0 =	simm.s32 @!p0 $0x9  }
0xb6: {  	_ =	swait.ge @!p0 [sflag:s0], s1  }
0xb7: {  	s1 =	ssub.s32 @!p0 $0x0, s1;
	[sflag:s0] =	ssyncset.done @!p0 $0x0  }
0xb8: {  	[sflag:s0] =	ssyncadd.s32 @!p0 s1  }
0xb9: {  	[bflag:$0x3] =	sbarrier.arrive $0xFFFF  }
0xba: {  	_ =	shalt  }

// kernel: kernel.24.cloned.1.call-start
scs
__scs_entry_jumppad:
0x0: {  	(pc) =	sbr.rel $0x88, $3  }
0x1: {  	(tag) =	ssettag $0x0;
	lr =	simm.s32 $0x1  }
0x2: {  	[smem:$0x3F99] =	sst lr;
	_ =	strace $0xD0000000  }
0x3: {  	_ = 	snop  }
0x4: {  	_ = 	snop  }
0x5: {  	_ = 	snop  }
0x6: {  	_ = 	snop  }
0x7: {  	_ = 	snop  }
__scs_overlays_trampoline_lowered:
0x8: {  	[smem:$0x3FA8] =	sst s0  }
0x9: {  	[smem:$0x3FA9] =	sst s1  }
0xa: {  	[smem:$0x3FAA] =	sst s2  }
0xb: {  	[smem:$0x3FAB] =	sst s3  }
0xc: {  	[smem:$0x3FAC] =	sst s4  }
0xd: {  	[smem:$0x3FAD] =	sst s5  }
0xe: {  	[smem:$0x3FAE] =	sst s6  }
0xf: {  	[smem:$0x3FAF] =	sst s7  }
0x10: {  	[smem:$0x3FB0] =	sst s8  }
0x11: {  	[smem:$0x3FB1] =	sst s9;
	s0 =	simm.s32 @!p0 $0x0  }
0x12: {  	s1 =	sld [smem:$0x3F97];
	s0 =	simm.s32 @p0 $0x1  }
0x13: {  	[smem:$0x3FB2] =	sst s0;
	s0 =	simm.s32 @!p1 $0x0  }
0x14: {  	s2 =	sld [smem:$0x3F96];
	s0 =	simm.s32 @p1 $0x1  }
0x15: {  	[smem:$0x3FB3] =	sst s0;
	s0 =	simm.s32 @!p2 $0x0  }
0x16: {  	s3 =	sld [smem:$0x3FDB];
	s0 =	simm.s32 @p2 $0x1  }
0x17: {  	s4 =	simm.s32 $0x1BF5;
	[smem:$0x3FB5] =	sst s0  }
0x18: {  	s0 =	sld [smem:$0x3F98];
	_ =	swait.ge [sflag:s4], $0x0  }
0x19: {  	s7 =	sld [smem:$0x3F99]  }
0x1a: {  	s8 =	sadd.s32 $0xFFFFE003, lr  }
0x1b: {  	s9 =	sadd.s32 $0xFFFFFEF7, lr;
	s5 =	simm.s32 $0xFFFFFFFF;
	p2 =	slt.u32 s8, $0xFFFFF086  }
0x1c: {  	p1 =	slt.u32 s9, $0xF7A;
	s5 =	simm.s32 @!p2 $0x0  }
0x1d: {  	s5 =	simm.s32 @p1 $0x1;
	p0 =	seq.s32 s7, s2  }
0x1e: {  	s7 =	smul.u32 @!p0 $0xF7A, s2;
	p2 =	seq.s32 @!p0 s5, $0x0  }
0x1f: {  	s9 =	smul.u32 $0xF7A, s1;
	s8 =	simm.s32 @!p0 $0x1BF5;
	p2 =	por !p2, p0  }
0x20: {  	[sflag:s8] =	ssyncset.s32 @!p0 $0xFFFFF086;
	s6 =	sadd.s32 @!p0 s3, s7;
	s7 =	simm.s32 @!p0 $0x108  }
0x21: {  	s3 =	sadd.s32 s3, s9;
	s6 =	sadd.s32 @!p0 $0x88, s6;
	s7 =	simm.s32 @p2 $0x1082  }
0x22: {  	[simem:s7], [sflag:s8] =	dma.local @!p0 [hbm:s6], $0xF7A  }
0x23: {  	s9 =	sor.u32 $0xD0000000, s2;
	s6 =	simm.s32 $0x108;
	_ =	swait.ge @!p0 [sflag:s8], $0x0  }
0x24: {  	s3 =	sadd.s32 $0x88, s3;
	s6 =	simm.s32 @!p1 $0x1082;
	[sflag:s4] =	ssyncset.s32 $0xFFFFF086  }
0x25: {  	[simem:s6], [sflag:s4] =	dma.local [hbm:s3], $0xF7A  }
0x26: {  	[smem:$0x3F99] =	sst s1;
	(tag) =	ssettag s2;
	_ =	strace s9  }
0x27: {  	s1 =	sld [smem:$0x3FA9]  }
0x28: {  	s2 =	sld [smem:$0x3FAA]  }
0x29: {  	s4 =	sld [smem:$0x3FAC]  }
0x2a: {  	p0 =	seq.s32 s5, $0x0;
	s5 =	sld [smem:$0x3FAD]  }
0x2b: {  	s6 =	sld [smem:$0x3FAE]  }
0x2c: {  	s7 =	sld [smem:$0x3FAF]  }
0x2d: {  	s3 =	simm.s32 $0x108;
	s8 =	sld [smem:$0x3FB0]  }
0x2e: {  	s3 =	simm.s32 @!p0 $0x1082;
	s9 =	sld [smem:$0x3FB1]  }
0x2f: {  	lr =	sadd.s32 s0, s3;
	s0 =	sld [smem:$0x3FA8]  }
0x30: {  	s3 =	sld [smem:$0x3FAB]  }
0x31: {  	[smem:$0x3FB4] =	sst s10  }
0x32: {  	s10 =	sld [smem:$0x3FB2];
	_ =	sdelay $0x3  }
0x33: {  	p0 =	seq.s32 s10, $0x1;
	s10 =	sld [smem:$0x3FB4];
	_ =	sdelay $0x3  }
0x34: {  	[smem:$0x3FB4] =	sst s10  }
0x35: {  	s10 =	sld [smem:$0x3FB3];
	_ =	sdelay $0x3  }
0x36: {  	p1 =	seq.s32 s10, $0x1;
	s10 =	sld [smem:$0x3FB4];
	_ =	sdelay $0x3  }
0x37: {  	[smem:$0x3FB4] =	sst s10  }
0x38: {  	s10 =	sld [smem:$0x3FB5]  }
0x39: {  	_ = 	snop;
	(pc) =	sbr.ind lr, $3  }
0x3a: {  	_ = 	snop  }
0x3b: {  	_ = 	snop  }
0x3c: {  	p2 =	seq.s32 s10, $0x1;
	s10 =	sld [smem:$0x3FB4]  }
0x3d: {  	_ =	shalt  }
0x3e: {  	_ =	shalt  }
0x3f: {  	_ =	shalt  }
0x40: {  	_ =	shalt  }
0x41: {  	_ =	shalt  }
0x42: {  	_ =	shalt  }
0x43: {  	_ =	shalt  }
0x44: {  	_ =	shalt  }
0x45: {  	_ =	shalt  }
0x46: {  	_ =	shalt  }
0x47: {  	_ =	shalt  }
0x48: {  	_ =	shalt  }
0x49: {  	_ =	shalt  }
0x4a: {  	_ =	shalt  }
0x4b: {  	_ =	shalt  }
0x4c: {  	_ =	shalt  }
0x4d: {  	_ =	shalt  }
0x4e: {  	_ =	shalt  }
0x4f: {  	_ =	shalt  }
0x50: {  	_ =	shalt  }
0x51: {  	_ =	shalt  }
0x52: {  	_ =	shalt  }
0x53: {  	_ =	shalt  }
0x54: {  	_ =	shalt  }
0x55: {  	_ =	shalt  }
0x56: {  	_ =	shalt  }
0x57: {  	_ =	shalt  }
0x58: {  	_ =	shalt  }
0x59: {  	_ =	shalt  }
0x5a: {  	_ =	shalt  }
0x5b: {  	_ =	shalt  }
0x5c: {  	_ =	shalt  }
0x5d: {  	_ =	shalt  }
0x5e: {  	_ =	shalt  }
0x5f: {  	_ =	shalt  }
0x60: {  	_ =	shalt  }
0x61: {  	_ =	shalt  }
0x62: {  	_ =	shalt  }
0x63: {  	_ =	shalt  }
0x64: {  	_ =	shalt  }
0x65: {  	_ =	shalt  }
0x66: {  	_ =	shalt  }
0x67: {  	_ =	shalt  }
0x68: {  	_ =	shalt  }
0x69: {  	_ =	shalt  }
0x6a: {  	_ =	shalt  }
0x6b: {  	_ =	shalt  }
0x6c: {  	_ =	shalt  }
0x6d: {  	_ =	shalt  }
0x6e: {  	_ =	shalt  }
0x6f: {  	_ =	shalt  }
0x70: {  	_ =	shalt  }
0x71: {  	_ =	shalt  }
0x72: {  	_ =	shalt  }
0x73: {  	_ =	shalt  }
0x74: {  	_ =	shalt  }
0x75: {  	_ =	shalt  }
0x76: {  	_ =	shalt  }
0x77: {  	_ =	shalt  }
0x78: {  	_ =	shalt  }
0x79: {  	_ =	shalt  }
0x7a: {  	_ =	shalt  }
0x7b: {  	_ =	shalt  }
0x7c: {  	_ =	shalt  }
0x7d: {  	_ =	shalt  }
0x7e: {  	_ =	shalt  }
0x7f: {  	_ =	shalt  }
0x80: {  	_ =	shalt  }
0x81: {  	_ =	shalt  }
0x82: {  	_ =	shalt  }
0x83: {  	_ =	shalt  }
0x84: {  	_ =	shalt  }
0x85: {  	_ =	shalt  }
0x86: {  	_ =	shalt  }
0x87: {  	_ =	shalt  }
.Lfunc_end0:
.L_simem_size_0:
called_computation.4_lowered:
.L_overlay_start_0:
0x88: {  	s2 =	sld [smem:$0x3FD9]  }
0x89: {  	s3 =	sld [smem:$0x3FFE];
	_ =	sdelay $0x1  }
0x8a: {  	s1 =	srdreg.scid  }
0x8b: {  	s0 =	sand.u32 $0x1, s1  }
0x8c: {  	s17 =	sshll.u32 s0, $0xA;
	s2 =	sadd.s32 s3, s2  }
0x8d: {  	s2 =	sadd.s32 s2, s17  }
0x8e: {  	[smem:$0x3FC0] =	sst s2  }
0x8f: {  	_ = 	snop  }
0x90: {  	s18 =	sld [smem:$0x3FD0];
	(tm) =	ssettm $0x1  }
0x91: {  	s19 =	sld [smem:$0x3FFB];
	_ =	sdelay $0x3  }
0x92: {  	_ =	strace s19  }
0x93: {  	s2 =	sld [smem:$0x3FFC];
	_ =	sdelay $0x3  }
0x94: {  	_ =	strace s2  }
0x95: {  	s2 =	sld [smem:$0x3FFD];
	_ =	sdelay $0x3  }
0x96: {  	_ =	strace s2  }
0x97: {  	_ =	strace $0x8FFFFFFF  }
0x98: {  	s20 =	sld [smem:$0x3FDB];
	_ =	sdelay $0x1  }
0x99: {  	s4 =	simm.s32 $_scs_section_size  }
0x9a: {  	s5 =	simm.s32 $_size__tile_overlayer_lowered;
	s6 =	simm.s32 $_tile_overlayer_lowered  }
0x9b: {  	s7 =	simm.s32 $0x1BFF;
	s21 =	sshll.u32 s6, $0x1;
	s4 =	sadd.s32 s4, s20  }
0x9c: {  	s22 =	simm.s32 $0x0;
	s5 =	sshll.u32 s5, $0x1;
	s6 =	sadd.s32 s21, s4  }
0x9d: {  	[timem:s22], [sflag:s7] =	dma.local [hbm:s6], s5  }
0x9e: {  	_ =	swait.ge [sflag:s7], s5  }
0x9f: {  	s5 =	ssub.s32 $0x0, s5;
	[sflag:s7] =	ssyncset.done $0x0  }
0xa0: {  	[sflag:s7] =	ssyncadd.s32 s5;
	_ =	sdelay $0x1  }
0xa1: {  	s23 =	simm.s32 $0x1B8B  }
0xa2: {  	_ =	swait.ge [sflag:s23], $0x1  }
0xa3: {  	[sflag:s23] =	ssyncset.done $0x0  }
0xa4: {  	[sflag:s23] =	ssyncadd.s32 $0xFFFFFFFF  }
0xa5: {  	s5 =	sld [smem:$0x0]  }
0xa6: {  	s6 =	sand.u32 $0xFFFFFFFE, s1  }
0xa7: {  	p0 =	sne.s32 s1, s6  }
0xa8: {  	s6 =	sshll.u32 @p0 s6, $0xE  }
0xa9: {  	s6 =	sadd.s32 @p0 $0x11B8D, s6;
	s7 =	sshll.u32 @p0 s5, $0x11  }
0xaa: {  	s6 =	sor.u32 @p0 s7, s6  }
0xab: {  	[sflag:s6] =	ssyncadd.remote.s32 @p0 $0x1;
	_ =	sdelay $0x1  }
0xac: {  	s6 =	simm.s32 @p0 $0x1B8D  }
0xad: {  	_ =	swait.eq @p0 [sflag:s6], $0x1  }
0xae: {  	[sflag:s6] =	ssyncadd.s32 @p0 $0xFFFFFFFF  }
0xaf: {  	s7 =	sshll.u32 @!p0 s1, $0xE  }
0xb0: {  	s7 =	sor.u32 @!p0 $0x4000, s7;
	s6 =	simm.s32 @!p0 $0x1B8D  }
0xb1: {  	s5 =	sshll.u32 @!p0 s5, $0x11;
	s7 =	sadd.s32 @!p0 $0x11B8D, s7;
	_ =	swait.eq @!p0 [sflag:s6], $0x1  }
0xb2: {  	s5 =	sor.u32 @!p0 s5, s7;
	[sflag:s6] =	ssyncadd.s32 @!p0 $0xFFFFFFFF  }
0xb3: {  	s25 =	simm.s32 $0x1B8E;
	s24 =	sld [smem:$0x3FFE];
	[sflag:s5] =	ssyncadd.remote.s32 @!p0 $0x1  }
0xb4: {  	s26 =	simm.s32 $execute0_lowered;
	[smem:$0x3FD2] =	sst s25  }
0xb5: {  	s6 =	sshll.u32 s26, $0x1;
	_ =	strace $0x80000055;
	[dreg:$0x1] =	wrdreg $0xFFFFFFFF  }
0xb6: {  	s28 =	simm.s32 $_size_execute0_lowered;
	s4 =	sadd.s32 s4, s6;
	[dreg:$0x0] =	wrdreg $0x0  }
0xb7: {  	s6 =	sshll.u32 s28, $0x1;
	[dreg:$0x2] =	wrdreg s4  }
0xb8: {  	[dreg:$0x3] =	wrdreg s6  }
0xb9: {  	[dreg:$0x4] =	wrdreg $0xC0  }
0xba: {  	_ =	task [dreg:s22], $0x5FFFF  }
0xbb: {  	[dreg:$0x1] =	wrdreg $0xFFFFFFFF  }
0xbc: {  	[dreg:$0x0] =	wrdreg $0x60  }
0xbd: {  	[dreg:$0x2] =	wrdreg s18  }
0xbe: {  	[dreg:$0x3] =	wrdreg s24  }
0xbf: {  	[dreg:$0x4] =	wrdreg $0xD0000  }
0xc0: {  	[dreg:$0x5] =	wrdreg $0x9  }
0xc1: {  	_ =	task.clear_ibuf [dreg:s22], $0x6FFFF;
	_ =	strace $0x90000055  }
0xc2: {  	s29 =	simm.s32 $0x9;
	_ =	strace $0x80000057  }
0xc3: {  	_ =	swait.ge [sflag:s29], $0x1  }
0xc4: {  	[sflag:s29] =	ssyncadd.s32 $0xFFFFFFFF  }
0xc5: {  	_ =	strace $0x90000057  }
0xc6: {  	_ =	sfence  }
0xc7: {  	s30 =	sld [smem:$0x0];
	_ =	sdelay $0x2  }
0xc8: {  	s31 =	sshll.u32 s1, $0xD;
	s1 =	sshrl.u32 s1, $0x2  }
0xc9: {  	s4 =	sand.u32 $0x4000, s31;
	s1 =	sadd.s32 s1, s30  }
0xca: {  	s0 =	sor.u32 s4, s0;
	s1 =	sshll.u32 s1, $0x11  }
0xcb: {  	s0 =	sor.u32 s1, s0  }
0xcc: {  	s0 =	sadd.s32 $0x8F2B, s0  }
0xcd: {  	[sflag:s0] =	ssyncadd.remote.s32 $0x1  }
0xce: {  	_ =	sfence.sel $0xFFFF  }
0xcf: {  	[dreg:$0x0] =	wrdreg $0xFFFFFFFF;
	(pc) =	sbr.abs _section_cstart, $3  }
0xd0: {  	[dreg:$0x1] =	wrdreg $0xFFFFFFFF  }
0xd1: {  	_ =	task.clear_ibuf [dreg:s22], $0x2FFFF;
	_ =	strace $0x9FFFFFFF  }
0xd2: {  	(tm) =	ssettm $0x7FFFFFFF  }
0xd3: {  	_ =	shalt  }
tec
execute0_lowered:
.L_overlay_start_1:
0x0: {  	(tag) =	ssettag $0x1  }
0x1: {  	s2 =	rddreg [dreg:$0x0]  }
0x2: {  	s0 =	srdreg.scid;
	s5 =	rddreg [dreg:$0x1]  }
0x3: {  	s14 =	stileid.u32;
	s3 =	rddreg [dreg:$0x2]  }
0x4: {  	s4 =	simm.s32 $0x0;
	s10 =	simm.s32 $0x9;
	s11 =	simm.s32 $0x2800  }
0x5: {  	s12 =	simm.s32 $0x80;
	s13 =	simm.s32 $0x5000;
	s17 =	simm.s32 $0x1  }
0x6: {  	s19 =	simm.s32 $0x9000;
	s20 =	simm.s32 $0x2;
	s23 =	simm.s32 $0xB000  }
0x7: {  	s24 =	simm.s32 $0x3;
	s29 =	simm.s32 $0x4;
	s31 =	simm.s32 $0x6  }
0x8: {  	s18 =	simm.s32 $0x8;
	s30 =	simm.s32 $0x4F00;
	s21 =	simm.s32 $0x0  }
0x9: {  	s0 =	sand.u32 $0x1, s0;
	s7 =	smul.u32 $0xA000, s14;
	[smem:$0x7FF] =	sst s4  }
0xa: {  	s28 =	sshll.u32 s14, $0x6;
	s1 =	sshll.u32 s0, $0x4;
	s6 =	smul.u32 $0xA0000, s0  }
0xb: {  	_ =	strace $0x80000056;
	s0 =	ssub.s32 $0x2, s0;
	s15 =	sor.u32 $0x1C09, s28  }
0xc: {  	s1 =	sor.u32 s14, s1;
	s8 =	sshrl.u32 s7, $0x3;
	s25 =	sshrl.u32 s0, $0x1  }
0xd: {  	s26 =	sadd.s32 s7, s3;
	s14 =	simm.s32 $0x7000;
	s1 =	smul.u32 $0x500, s1  }
0xe: {  	s6 =	sadd.s32 s7, s6;
	s8 =	sadd.s32 s8, s5;
	s0 =	ssub.s32 s0, s25  }
0xf: {  	s16 =	sshrl.u32 s26, $0x3;
	s26 =	simm.s32 $0x5;
	s6 =	sshrl.u32 s6, $0x3  }
0x10: {  	s7 =	sadd.s32 $0xA9000, s8;
	s1 =	sadd.s32 s1, s5;
	s9 =	sadd.s32 s6, s5  }
0x11: {  	s5 =	sadd.s32 $0x3B000, s1;
	s6 =	sadd.s32 $0x3E00, s1;
	s8 =	sadd.s32 $0xE5000, s9  }
0x12: {  	s9 =	smax.u32 s0, $0x1;
	s0 =	simm.s32 $0x7;
	s1 =	simm.s32 $0x4F80  }
.LBB2_1:
0x13: {  	[tilespmem:s4], [sflag:$0x9] =	stream.linear.gather [hbm4b:s5+s4], $0x2800, $0x38;
	[tilespmem:$0x17000] =	vst v63  }
0x14: {  	_ =	swait.ge [sflag:s10], $0x2800  }
0x15: {  	[sflag:s10] =	ssyncset.done $0x0  }
0x16: {  	[sflag:s10] =	ssyncadd.s32 $0xFFFFD800  }
0x17: {  	[tilespmem:s11], [sflag:$0x9] =	stream.linear.gather [hbm4b:s6+s4], $0x2800, $0x38;
	[tilespmem:$0x17000] =	vst v63  }
0x18: {  	_ =	swait.ge [sflag:s10], $0x2800  }
0x19: {  	[sflag:s10] =	ssyncset.done $0x0  }
0x1a: {  	[sflag:s10] =	ssyncadd.s32 $0xFFFFD800  }
0x1b: {  	[tilespmem:s13], [sflag:$0x1] =	stream.indirect.gather [hbm4b:s2+s12], $0x40, s4, s12, $0xb8;
	[tilespmem:$0x17000] =	vst v63  }
0x1c: {  	_ = 	snop  }
0x1d: {  	[tilespmem:s14], [sflag:$0x2] =	stream.indirect.gather [hbm4b:s2+s12], $0x40, s12, s12, $0xb8;
	[tilespmem:$0x17000] =	vst v63  }
0x1e: {  	[spmem:s16], [sflag:s15] =	dma.local [hbm:s7], $0x1400  }
0x1f: {  	_ =	swait.ge [sflag:s10], $0x1400  }
0x20: {  	[sflag:s10] =	ssyncset.done $0x0  }
0x21: {  	[sflag:s10] =	ssyncadd.s32 $0xFFFFEC00  }
0x22: {  	[bflag:$0x0] =	sbarrier.arrive $0xFFFF  }
0x23: {  	_ =	swait.ge [sflag:s17], $0x2000  }
0x24: {  	[sflag:s17] =	ssyncset.done $0x0  }
0x25: {  	[sflag:s17] =	ssyncadd.s32 $0xFFFFE000  }
0x26: {  	[spmem:s3] =	stream.indirect.scatter.add.f32 [tilespmem:s13], [sflag:$0x5], $0x40, s11, s12, $0xb8;
	[tilespmem:$0x17000] =	vst v63  }
0x27: {  	s22 =	simm.s32 $0x100  }
0x28: {  	[tilespmem:s19], [sflag:$0x3] =	stream.indirect.gather [hbm4b:s2+s12], $0x40, s22, s12, $0xb8;
	[tilespmem:$0x17000] =	vst v63  }
0x29: {  	_ =	swait.ge [sflag:s20], $0x2000  }
0x2a: {  	[sflag:s20] =	ssyncset.done $0x0  }
0x2b: {  	s28 =	simm.s32 $0x2880;
	[sflag:s20] =	ssyncadd.s32 $0xFFFFE000  }
0x2c: {  	[spmem:s3] =	stream.indirect.scatter.add.f32 [tilespmem:s14], [sflag:$0x6], $0x40, s28, s12, $0xb8;
	[tilespmem:$0x17000] =	vst v63  }
0x2d: {  	s25 =	simm.s32 $0x180  }
0x2e: {  	[tilespmem:s23], [sflag:$0x4] =	stream.indirect.gather [hbm4b:s2+s12], $0x40, s25, s12, $0xb8;
	[tilespmem:$0x17000] =	vst v63  }
0x2f: {  	_ =	swait.ge [sflag:s24], $0x2000  }
0x30: {  	[sflag:s24] =	ssyncset.done $0x0  }
0x31: {  	s28 =	simm.s32 $0x2900;
	[sflag:s24] =	ssyncadd.s32 $0xFFFFE000  }
0x32: {  	[spmem:s3] =	stream.indirect.scatter.add.f32 [tilespmem:s19], [sflag:$0x7], $0x40, s28, s12, $0xb8;
	[tilespmem:$0x17000] =	vst v63  }
0x33: {  	_ =	swait.ge [sflag:s26], $0x2000  }
0x34: {  	[sflag:s26] =	ssyncset.done $0x0  }
0x35: {  	s25 =	simm.s32 $0x200;
	[sflag:s26] =	ssyncadd.s32 $0xFFFFE000  }
0x36: {  	[tilespmem:s13], [sflag:$0x1] =	stream.indirect.gather [hbm4b:s2+s12], $0x40, s25, s12, $0xb8;
	[tilespmem:$0x17000] =	vst v63  }
0x37: {  	_ =	swait.ge [sflag:s29], $0x2000  }
0x38: {  	[sflag:s29] =	ssyncset.done $0x0  }
0x39: {  	s28 =	simm.s32 $0x2980;
	[sflag:s29] =	ssyncadd.s32 $0xFFFFE000  }
0x3a: {  	[spmem:s3] =	stream.indirect.scatter.add.f32 [tilespmem:s23], [sflag:$0x8], $0x40, s28, s12, $0xb8;
	[tilespmem:$0x17000] =	vst v63  }
0x3b: {  	_ =	swait.ge [sflag:s31], $0x2000  }
0x3c: {  	[sflag:s31] =	ssyncset.done $0x0  }
0x3d: {  	s25 =	simm.s32 $0x280;
	[sflag:s31] =	ssyncadd.s32 $0xFFFFE000  }
0x3e: {  	[tilespmem:s14], [sflag:$0x2] =	stream.indirect.gather [hbm4b:s2+s12], $0x40, s25, s12, $0xb8;
	[tilespmem:$0x17000] =	vst v63  }
0x3f: {  	_ =	swait.ge [sflag:s17], $0x2000  }
0x40: {  	[sflag:s17] =	ssyncset.done $0x0  }
0x41: {  	s28 =	simm.s32 $0x2A00;
	[sflag:s17] =	ssyncadd.s32 $0xFFFFE000  }
0x42: {  	[spmem:s3] =	stream.indirect.scatter.add.f32 [tilespmem:s13], [sflag:$0x5], $0x40, s28, s12, $0xb8;
	[tilespmem:$0x17000] =	vst v63  }
0x43: {  	_ =	swait.ge [sflag:s0], $0x2000  }
0x44: {  	[sflag:s0] =	ssyncset.done $0x0  }
0x45: {  	s25 =	simm.s32 $0x300;
	[sflag:s0] =	ssyncadd.s32 $0xFFFFE000  }
0x46: {  	[tilespmem:s19], [sflag:$0x3] =	stream.indirect.gather [hbm4b:s2+s12], $0x40, s25, s12, $0xb8;
	[tilespmem:$0x17000] =	vst v63  }
0x47: {  	_ =	swait.ge [sflag:s20], $0x2000  }
0x48: {  	[sflag:s20] =	ssyncset.done $0x0  }
0x49: {  	s28 =	simm.s32 $0x2A80;
	[sflag:s20] =	ssyncadd.s32 $0xFFFFE000  }
0x4a: {  	[spmem:s3] =	stream.indirect.scatter.add.f32 [tilespmem:s14], [sflag:$0x6], $0x40, s28, s12, $0xb8;
	[tilespmem:$0x17000] =	vst v63  }
0x4b: {  	_ =	swait.ge [sflag:s18], $0x2000  }
0x4c: {  	[sflag:s18] =	ssyncset.done $0x0  }
0x4d: {  	s25 =	simm.s32 $0x380;
	[sflag:s18] =	ssyncadd.s32 $0xFFFFE000  }
0x4e: {  	[tilespmem:s23], [sflag:$0x4] =	stream.indirect.gather [hbm4b:s2+s12], $0x40, s25, s12, $0xb8;
	[tilespmem:$0x17000] =	vst v63  }
0x4f: {  	_ =	swait.ge [sflag:s24], $0x2000  }
0x50: {  	[sflag:s24] =	ssyncset.done $0x0  }
0x51: {  	s28 =	simm.s32 $0x2B00;
	[sflag:s24] =	ssyncadd.s32 $0xFFFFE000  }
0x52: {  	[spmem:s3] =	stream.indirect.scatter.add.f32 [tilespmem:s19], [sflag:$0x7], $0x40, s28, s12, $0xb8;
	[tilespmem:$0x17000] =	vst v63  }
0x53: {  	_ =	swait.ge [sflag:s26], $0x2000  }
0x54: {  	[sflag:s26] =	ssyncset.done $0x0  }
0x55: {  	s25 =	simm.s32 $0x400;
	[sflag:s26] =	ssyncadd.s32 $0xFFFFE000  }
0x56: {  	[tilespmem:s13], [sflag:$0x1] =	stream.indirect.gather [hbm4b:s2+s12], $0x40, s25, s12, $0xb8;
	[tilespmem:$0x17000] =	vst v63  }
0x57: {  	_ =	swait.ge [sflag:s29], $0x2000  }
0x58: {  	[sflag:s29] =	ssyncset.done $0x0  }
0x59: {  	s28 =	simm.s32 $0x2B80;
	[sflag:s29] =	ssyncadd.s32 $0xFFFFE000  }
0x5a: {  	[spmem:s3] =	stream.indirect.scatter.add.f32 [tilespmem:s23], [sflag:$0x8], $0x40, s28, s12, $0xb8;
	[tilespmem:$0x17000] =	vst v63  }
0x5b: {  	_ =	swait.ge [sflag:s31], $0x2000  }
0x5c: {  	[sflag:s31] =	ssyncset.done $0x0  }
0x5d: {  	s22 =	simm.s32 $0x800;
	s25 =	simm.s32 $0x480;
	[sflag:s31] =	ssyncadd.s32 $0xFFFFE000  }
.LBB2_2:
0x5e: {  	[tilespmem:s14], [sflag:$0x2] =	stream.indirect.gather [hbm4b:s2+s12], $0x40, s25, s12, $0xb8;
	[tilespmem:$0x17000] =	vst v63  }
0x5f: {  	s25 =	smov.u32 s22  }
0x60: {  	p0 =	sne.s32 s22, $0x8800;
	s22 =	sadd.s32 $0x800, s22;
	_ =	swait.ge [sflag:s17], $0x2000  }
0x61: {  	s25 =	sshra.s32 s25, $0x2;
	[sflag:s17] =	ssyncset.done $0x0  }
0x62: {  	s28 =	sadd.s32 $0x2A00, s25;
	[sflag:s17] =	ssyncadd.s32 $0xFFFFE000  }
0x63: {  	[spmem:s3] =	stream.indirect.scatter.add.f32 [tilespmem:s13], [sflag:$0x5], $0x40, s28, s12, $0xb8;
	[tilespmem:$0x17000] =	vst v63  }
0x64: {  	_ =	swait.ge [sflag:s0], $0x2000  }
0x65: {  	[sflag:s0] =	ssyncset.done $0x0  }
0x66: {  	s28 =	sadd.s32 $0x300, s25;
	[sflag:s0] =	ssyncadd.s32 $0xFFFFE000  }
0x67: {  	[tilespmem:s19], [sflag:$0x3] =	stream.indirect.gather [hbm4b:s2+s12], $0x40, s28, s12, $0xb8;
	[tilespmem:$0x17000] =	vst v63  }
0x68: {  	_ =	swait.ge [sflag:s20], $0x2000  }
0x69: {  	[sflag:s20] =	ssyncset.done $0x0  }
0x6a: {  	s28 =	sadd.s32 $0x2A80, s25;
	[sflag:s20] =	ssyncadd.s32 $0xFFFFE000  }
0x6b: {  	[spmem:s3] =	stream.indirect.scatter.add.f32 [tilespmem:s14], [sflag:$0x6], $0x40, s28, s12, $0xb8;
	[tilespmem:$0x17000] =	vst v63  }
0x6c: {  	_ =	swait.ge [sflag:s18], $0x2000  }
0x6d: {  	[sflag:s18] =	ssyncset.done $0x0  }
0x6e: {  	s28 =	sadd.s32 $0x380, s25;
	[sflag:s18] =	ssyncadd.s32 $0xFFFFE000  }
0x6f: {  	[tilespmem:s23], [sflag:$0x4] =	stream.indirect.gather [hbm4b:s2+s12], $0x40, s28, s12, $0xb8;
	[tilespmem:$0x17000] =	vst v63  }
0x70: {  	_ =	swait.ge [sflag:s24], $0x2000  }
0x71: {  	[sflag:s24] =	ssyncset.done $0x0  }
0x72: {  	s28 =	sadd.s32 $0x2B00, s25;
	[sflag:s24] =	ssyncadd.s32 $0xFFFFE000  }
0x73: {  	[spmem:s3] =	stream.indirect.scatter.add.f32 [tilespmem:s19], [sflag:$0x7], $0x40, s28, s12, $0xb8;
	[tilespmem:$0x17000] =	vst v63  }
0x74: {  	_ =	swait.ge [sflag:s26], $0x2000  }
0x75: {  	[sflag:s26] =	ssyncset.done $0x0  }
0x76: {  	s28 =	sadd.s32 $0x400, s25;
	[sflag:s26] =	ssyncadd.s32 $0xFFFFE000  }
0x77: {  	[tilespmem:s13], [sflag:$0x1] =	stream.indirect.gather [hbm4b:s2+s12], $0x40, s28, s12, $0xb8;
	[tilespmem:$0x17000] =	vst v63  }
0x78: {  	_ =	swait.ge [sflag:s29], $0x2000  }
0x79: {  	[sflag:s29] =	ssyncset.done $0x0  }
.Ltmp0:
0x7a: {  	s28 =	sadd.s32 $0x2B80, s25;
	[sflag:s29] =	ssyncadd.s32 $0xFFFFE000;
	(pc) =	sbr.rel @p0 .LBB2_2-.Ltmp0, $4  }
0x7b: {  	[spmem:s3] =	stream.indirect.scatter.add.f32 [tilespmem:s23], [sflag:$0x8], $0x40, s28, s12, $0xb8;
	[tilespmem:$0x17000] =	vst v63  }
0x7c: {  	_ =	swait.ge [sflag:s31], $0x2000  }
0x7d: {  	[sflag:s31] =	ssyncset.done $0x0  }
0x7e: {  	s25 =	sadd.s32 $0x480, s25;
	[sflag:s31] =	ssyncadd.s32 $0xFFFFE000  }
0x7f: {  	[tilespmem:s14], [sflag:$0x2] =	stream.indirect.gather [hbm4b:s2+s12], $0x40, s25, s12, $0xb8;
	[tilespmem:$0x17000] =	vst v63  }
0x80: {  	_ =	swait.ge [sflag:s17], $0x2000  }
0x81: {  	[sflag:s17] =	ssyncset.done $0x0  }
0x82: {  	s22 =	simm.s32 $0x4E00;
	[sflag:s17] =	ssyncadd.s32 $0xFFFFE000  }
0x83: {  	[spmem:s3] =	stream.indirect.scatter.add.f32 [tilespmem:s13], [sflag:$0x5], $0x40, s22, s12, $0xb8;
	[tilespmem:$0x17000] =	vst v63  }
0x84: {  	_ =	swait.ge [sflag:s0], $0x2000  }
0x85: {  	[sflag:s0] =	ssyncset.done $0x0  }
0x86: {  	s28 =	simm.s32 $0x2700;
	[sflag:s0] =	ssyncadd.s32 $0xFFFFE000  }
0x87: {  	[tilespmem:s19], [sflag:$0x3] =	stream.indirect.gather [hbm4b:s2+s12], $0x40, s28, s12, $0xb8;
	[tilespmem:$0x17000] =	vst v63  }
0x88: {  	_ =	swait.ge [sflag:s20], $0x2000  }
0x89: {  	[sflag:s20] =	ssyncset.done $0x0  }
0x8a: {  	s25 =	simm.s32 $0x4E80;
	[sflag:s20] =	ssyncadd.s32 $0xFFFFE000  }
0x8b: {  	[spmem:s3] =	stream.indirect.scatter.add.f32 [tilespmem:s14], [sflag:$0x6], $0x40, s25, s12, $0xb8;
	[tilespmem:$0x17000] =	vst v63  }
0x8c: {  	_ =	swait.ge [sflag:s18], $0x2000  }
0x8d: {  	[sflag:s18] =	ssyncset.done $0x0  }
0x8e: {  	s28 =	simm.s32 $0x2780;
	[sflag:s18] =	ssyncadd.s32 $0xFFFFE000  }
0x8f: {  	[tilespmem:s23], [sflag:$0x4] =	stream.indirect.gather [hbm4b:s2+s12], $0x40, s28, s12, $0xb8;
	[tilespmem:$0x17000] =	vst v63  }
0x90: {  	_ =	swait.ge [sflag:s24], $0x2000  }
0x91: {  	[sflag:s24] =	ssyncset.done $0x0  }
0x92: {  	[sflag:s24] =	ssyncadd.s32 $0xFFFFE000  }
0x93: {  	[spmem:s3] =	stream.indirect.scatter.add.f32 [tilespmem:s19], [sflag:$0x7], $0x40, s30, s12, $0xb8;
	[tilespmem:$0x17000] =	vst v63  }
0x94: {  	_ =	swait.ge [sflag:s29], $0x2000  }
0x95: {  	[sflag:s29] =	ssyncset.done $0x0  }
0x96: {  	[sflag:s29] =	ssyncadd.s32 $0xFFFFE000  }
0x97: {  	[spmem:s3] =	stream.indirect.scatter.add.f32 [tilespmem:s23], [sflag:$0x8], $0x40, s1, s12, $0xb8;
	[tilespmem:$0x17000] =	vst v63  }
0x98: {  	_ =	swait.ge [sflag:s26], $0x2000  }
0x99: {  	[sflag:s26] =	ssyncset.done $0x0  }
0x9a: {  	[sflag:s26] =	ssyncadd.s32 $0xFFFFE000  }
0x9b: {  	_ =	swait.ge [sflag:s31], $0x2000  }
0x9c: {  	[sflag:s31] =	ssyncset.done $0x0  }
0x9d: {  	[sflag:s31] =	ssyncadd.s32 $0xFFFFE000  }
0x9e: {  	_ =	swait.ge [sflag:s0], $0x2000  }
0x9f: {  	[sflag:s0] =	ssyncset.done $0x0  }
0xa0: {  	[sflag:s0] =	ssyncadd.s32 $0xFFFFE000  }
0xa1: {  	_ =	swait.ge [sflag:s18], $0x2000  }
0xa2: {  	s21 =	sadd.s32 $0x1, s21;
	[sflag:s18] =	ssyncset.done $0x0  }
0xa3: {  	p0 =	sne.s32 s21, s9;
	[sflag:s18] =	ssyncadd.s32 $0xFFFFE000  }
.Ltmp1:
0xa4: {  	[bflag:$0x0] =	sbarrier.arrive $0xFFFF;
	(pc) =	sbr.rel @p0 .LBB2_1-.Ltmp1, $4  }
0xa5: {  	[hbm:s8], [sflag:s15] =	dma.local [spmem:s16], $0x1400  }
0xa6: {  	_ =	swait.ge [sflag:s10], $0x1400  }
0xa7: {  	[sflag:s10] =	ssyncset.done $0x0  }
0xa8: {  	[sflag:s10] =	ssyncadd.s32 $0xFFFFEC00  }
0xa9: {  	_ =	sfence.sel $0x180000  }
0xaa: {  	[bflag:$0x0] =	sbarrier.arrive $0xFFFF  }
0xab: {  	_ =	strace $0x90000056  }
0xac: {  	s0 =	stileid.u32;
	[bflag:$0x2] =	sbarrier.arrive $0xFFFF  }
0xad: {  	p0 =	sne.s32 s0, $0x0;
	s0 =	rddreg [dreg:$0x3]  }
0xae: {  	s0 =	sadd.s32 @!p0 $0x100000, s0  }
0xaf: {  	[sflag:s0] =	ssyncadd.tile.s32 @!p0 $0x1;
	_ =	shalt  }
.Lfunc_end2:
_tile_overlayer_lowered:
.L_overlay_start_2:
0xb0: {  	(tag) =	ssettag $0x2  }
0xb1: {  	s0 =	rddreg [dreg:$0x0];
	s2 =	stileid.u32  }
0xb2: {  	s1 =	rddreg [dreg:$0x1];
	p0 =	sne.s32 s2, $0x0  }
0xb3: {  	s3 =	rddreg [dreg:$0x2];
	[bflag:$0x3] =	sbarrier.arrive $0xFFFF;
	s2 =	simm.s32 @!p0 $0x1C09  }
0xb4: {  	[timem:s3], [sflag:s2] =	dma.local @!p0 [hbm:s0], s1  }
0xb5: {  	s0 =	simm.s32 @!p0 $0x9  }
0xb6: {  	_ =	swait.ge @!p0 [sflag:s0], s1  }
0xb7: {  	s1 =	ssub.s32 @!p0 $0x0, s1;
	[sflag:s0] =	ssyncset.done @!p0 $0x0  }
0xb8: {  	[sflag:s0] =	ssyncadd.s32 @!p0 s1  }
0xb9: {  	[bflag:$0x3] =	sbarrier.arrive $0xFFFF  }
0xba: {  	_ =	shalt  }

// kernel: kernel.27.cloned.1.call-start
scs
__scs_entry_jumppad:
0x0: {  	(pc) =	sbr.rel $0x88, $3  }
0x1: {  	(tag) =	ssettag $0x0;
	lr =	simm.s32 $0x1  }
0x2: {  	[smem:$0x3F99] =	sst lr;
	_ =	strace $0xD0000000  }
0x3: {  	_ = 	snop  }
0x4: {  	_ = 	snop  }
0x5: {  	_ = 	snop  }
0x6: {  	_ = 	snop  }
0x7: {  	_ = 	snop  }
__scs_overlays_trampoline_lowered:
0x8: {  	[smem:$0x3FA8] =	sst s0  }
0x9: {  	[smem:$0x3FA9] =	sst s1  }
0xa: {  	[smem:$0x3FAA] =	sst s2  }
0xb: {  	[smem:$0x3FAB] =	sst s3  }
0xc: {  	[smem:$0x3FAC] =	sst s4  }
0xd: {  	[smem:$0x3FAD] =	sst s5  }
0xe: {  	[smem:$0x3FAE] =	sst s6  }
0xf: {  	[smem:$0x3FAF] =	sst s7  }
0x10: {  	[smem:$0x3FB0] =	sst s8  }
0x11: {  	[smem:$0x3FB1] =	sst s9;
	s0 =	simm.s32 @!p0 $0x0  }
0x12: {  	s1 =	sld [smem:$0x3F97];
	s0 =	simm.s32 @p0 $0x1  }
0x13: {  	[smem:$0x3FB2] =	sst s0;
	s0 =	simm.s32 @!p1 $0x0  }
0x14: {  	s2 =	sld [smem:$0x3F96];
	s0 =	simm.s32 @p1 $0x1  }
0x15: {  	[smem:$0x3FB3] =	sst s0;
	s0 =	simm.s32 @!p2 $0x0  }
0x16: {  	s3 =	sld [smem:$0x3FDB];
	s0 =	simm.s32 @p2 $0x1  }
0x17: {  	s4 =	simm.s32 $0x1BF5;
	[smem:$0x3FB5] =	sst s0  }
0x18: {  	s0 =	sld [smem:$0x3F98];
	_ =	swait.ge [sflag:s4], $0x0  }
0x19: {  	s7 =	sld [smem:$0x3F99]  }
0x1a: {  	s8 =	sadd.s32 $0xFFFFE003, lr  }
0x1b: {  	s9 =	sadd.s32 $0xFFFFFEF7, lr;
	s5 =	simm.s32 $0xFFFFFFFF;
	p2 =	slt.u32 s8, $0xFFFFF086  }
0x1c: {  	p1 =	slt.u32 s9, $0xF7A;
	s5 =	simm.s32 @!p2 $0x0  }
0x1d: {  	s5 =	simm.s32 @p1 $0x1;
	p0 =	seq.s32 s7, s2  }
0x1e: {  	s7 =	smul.u32 @!p0 $0xF7A, s2;
	p2 =	seq.s32 @!p0 s5, $0x0  }
0x1f: {  	s9 =	smul.u32 $0xF7A, s1;
	s8 =	simm.s32 @!p0 $0x1BF5;
	p2 =	por !p2, p0  }
0x20: {  	[sflag:s8] =	ssyncset.s32 @!p0 $0xFFFFF086;
	s6 =	sadd.s32 @!p0 s3, s7;
	s7 =	simm.s32 @!p0 $0x108  }
0x21: {  	s3 =	sadd.s32 s3, s9;
	s6 =	sadd.s32 @!p0 $0x88, s6;
	s7 =	simm.s32 @p2 $0x1082  }
0x22: {  	[simem:s7], [sflag:s8] =	dma.local @!p0 [hbm:s6], $0xF7A  }
0x23: {  	s9 =	sor.u32 $0xD0000000, s2;
	s6 =	simm.s32 $0x108;
	_ =	swait.ge @!p0 [sflag:s8], $0x0  }
0x24: {  	s3 =	sadd.s32 $0x88, s3;
	s6 =	simm.s32 @!p1 $0x1082;
	[sflag:s4] =	ssyncset.s32 $0xFFFFF086  }
0x25: {  	[simem:s6], [sflag:s4] =	dma.local [hbm:s3], $0xF7A  }
0x26: {  	[smem:$0x3F99] =	sst s1;
	(tag) =	ssettag s2;
	_ =	strace s9  }
0x27: {  	s1 =	sld [smem:$0x3FA9]  }
0x28: {  	s2 =	sld [smem:$0x3FAA]  }
0x29: {  	s4 =	sld [smem:$0x3FAC]  }
0x2a: {  	p0 =	seq.s32 s5, $0x0;
	s5 =	sld [smem:$0x3FAD]  }
0x2b: {  	s6 =	sld [smem:$0x3FAE]  }
0x2c: {  	s7 =	sld [smem:$0x3FAF]  }
0x2d: {  	s3 =	simm.s32 $0x108;
	s8 =	sld [smem:$0x3FB0]  }
0x2e: {  	s3 =	simm.s32 @!p0 $0x1082;
	s9 =	sld [smem:$0x3FB1]  }
0x2f: {  	lr =	sadd.s32 s0, s3;
	s0 =	sld [smem:$0x3FA8]  }
0x30: {  	s3 =	sld [smem:$0x3FAB]  }
0x31: {  	[smem:$0x3FB4] =	sst s10  }
0x32: {  	s10 =	sld [smem:$0x3FB2];
	_ =	sdelay $0x3  }
0x33: {  	p0 =	seq.s32 s10, $0x1;
	s10 =	sld [smem:$0x3FB4];
	_ =	sdelay $0x3  }
0x34: {  	[smem:$0x3FB4] =	sst s10  }
0x35: {  	s10 =	sld [smem:$0x3FB3];
	_ =	sdelay $0x3  }
0x36: {  	p1 =	seq.s32 s10, $0x1;
	s10 =	sld [smem:$0x3FB4];
	_ =	sdelay $0x3  }
0x37: {  	[smem:$0x3FB4] =	sst s10  }
0x38: {  	s10 =	sld [smem:$0x3FB5]  }
0x39: {  	_ = 	snop;
	(pc) =	sbr.ind lr, $3  }
0x3a: {  	_ = 	snop  }
0x3b: {  	_ = 	snop  }
0x3c: {  	p2 =	seq.s32 s10, $0x1;
	s10 =	sld [smem:$0x3FB4]  }
0x3d: {  	_ =	shalt  }
0x3e: {  	_ =	shalt  }
0x3f: {  	_ =	shalt  }
0x40: {  	_ =	shalt  }
0x41: {  	_ =	shalt  }
0x42: {  	_ =	shalt  }
0x43: {  	_ =	shalt  }
0x44: {  	_ =	shalt  }
0x45: {  	_ =	shalt  }
0x46: {  	_ =	shalt  }
0x47: {  	_ =	shalt  }
0x48: {  	_ =	shalt  }
0x49: {  	_ =	shalt  }
0x4a: {  	_ =	shalt  }
0x4b: {  	_ =	shalt  }
0x4c: {  	_ =	shalt  }
0x4d: {  	_ =	shalt  }
0x4e: {  	_ =	shalt  }
0x4f: {  	_ =	shalt  }
0x50: {  	_ =	shalt  }
0x51: {  	_ =	shalt  }
0x52: {  	_ =	shalt  }
0x53: {  	_ =	shalt  }
0x54: {  	_ =	shalt  }
0x55: {  	_ =	shalt  }
0x56: {  	_ =	shalt  }
0x57: {  	_ =	shalt  }
0x58: {  	_ =	shalt  }
0x59: {  	_ =	shalt  }
0x5a: {  	_ =	shalt  }
0x5b: {  	_ =	shalt  }
0x5c: {  	_ =	shalt  }
0x5d: {  	_ =	shalt  }
0x5e: {  	_ =	shalt  }
0x5f: {  	_ =	shalt  }
0x60: {  	_ =	shalt  }
0x61: {  	_ =	shalt  }
0x62: {  	_ =	shalt  }
0x63: {  	_ =	shalt  }
0x64: {  	_ =	shalt  }
0x65: {  	_ =	shalt  }
0x66: {  	_ =	shalt  }
0x67: {  	_ =	shalt  }
0x68: {  	_ =	shalt  }
0x69: {  	_ =	shalt  }
0x6a: {  	_ =	shalt  }
0x6b: {  	_ =	shalt  }
0x6c: {  	_ =	shalt  }
0x6d: {  	_ =	shalt  }
0x6e: {  	_ =	shalt  }
0x6f: {  	_ =	shalt  }
0x70: {  	_ =	shalt  }
0x71: {  	_ =	shalt  }
0x72: {  	_ =	shalt  }
0x73: {  	_ =	shalt  }
0x74: {  	_ =	shalt  }
0x75: {  	_ =	shalt  }
0x76: {  	_ =	shalt  }
0x77: {  	_ =	shalt  }
0x78: {  	_ =	shalt  }
0x79: {  	_ =	shalt  }
0x7a: {  	_ =	shalt  }
0x7b: {  	_ =	shalt  }
0x7c: {  	_ =	shalt  }
0x7d: {  	_ =	shalt  }
0x7e: {  	_ =	shalt  }
0x7f: {  	_ =	shalt  }
0x80: {  	_ =	shalt  }
0x81: {  	_ =	shalt  }
0x82: {  	_ =	shalt  }
0x83: {  	_ =	shalt  }
0x84: {  	_ =	shalt  }
0x85: {  	_ =	shalt  }
0x86: {  	_ =	shalt  }
0x87: {  	_ =	shalt  }
.Lfunc_end0:
.L_simem_size_0:
called_computation.5_lowered:
.L_overlay_start_0:
0x88: {  	s2 =	sld [smem:$0x3FD9]  }
0x89: {  	s3 =	sld [smem:$0x3FFE];
	_ =	sdelay $0x1  }
0x8a: {  	s1 =	srdreg.scid  }
0x8b: {  	s0 =	sand.u32 $0x1, s1  }
0x8c: {  	s16 =	sshll.u32 s0, $0xA;
	s2 =	sadd.s32 s3, s2  }
0x8d: {  	s2 =	sadd.s32 s2, s16  }
0x8e: {  	[smem:$0x3FC0] =	sst s2  }
0x8f: {  	_ = 	snop  }
0x90: {  	(tm) =	ssettm $0x1  }
0x91: {  	s17 =	sld [smem:$0x3FFB];
	_ =	sdelay $0x3  }
0x92: {  	_ =	strace s17  }
0x93: {  	s2 =	sld [smem:$0x3FFC];
	_ =	sdelay $0x3  }
0x94: {  	_ =	strace s2  }
0x95: {  	s2 =	sld [smem:$0x3FFD];
	_ =	sdelay $0x3  }
0x96: {  	_ =	strace s2  }
0x97: {  	_ =	strace $0x8FFFFFFF  }
0x98: {  	s18 =	sld [smem:$0x3FDB];
	_ =	sdelay $0x1  }
0x99: {  	s19 =	simm.s32 $_scs_section_size  }
0x9a: {  	s4 =	simm.s32 $_size__tile_overlayer_lowered;
	s5 =	simm.s32 $_tile_overlayer_lowered  }
0x9b: {  	s22 =	simm.s32 $0x1BFF;
	s21 =	sshll.u32 s5, $0x1;
	s2 =	sadd.s32 s19, s18  }
0x9c: {  	s6 =	simm.s32 $0x0;
	s20 =	sshll.u32 s4, $0x1;
	s4 =	sadd.s32 s21, s2  }
0x9d: {  	[timem:s6], [sflag:s22] =	dma.local [hbm:s4], s20  }
0x9e: {  	_ =	swait.ge [sflag:s22], s20  }
0x9f: {  	s3 =	ssub.s32 $0x0, s20;
	[sflag:s22] =	ssyncset.done $0x0  }
0xa0: {  	[sflag:s22] =	ssyncadd.s32 s3;
	_ =	sdelay $0x1  }
0xa1: {  	s23 =	simm.s32 $0x1B8B  }
0xa2: {  	_ =	swait.ge [sflag:s23], $0x1  }
0xa3: {  	[sflag:s23] =	ssyncset.done $0x0  }
0xa4: {  	s25 =	simm.s32 $0x1B8E;
	s24 =	sld [smem:$0x3FFE];
	[sflag:s23] =	ssyncadd.s32 $0xFFFFFFFF  }
0xa5: {  	s26 =	simm.s32 $execute0_lowered;
	[smem:$0x3FD2] =	sst s25  }
0xa6: {  	s4 =	sshll.u32 s26, $0x1;
	_ =	strace $0x80000052;
	[dreg:$0x1] =	wrdreg $0xFFFFFFFF  }
0xa7: {  	s28 =	simm.s32 $_size_execute0_lowered;
	s2 =	sadd.s32 s2, s4;
	[dreg:$0x0] =	wrdreg $0x0  }
0xa8: {  	s4 =	sshll.u32 s28, $0x1;
	[dreg:$0x2] =	wrdreg s2  }
0xa9: {  	[dreg:$0x3] =	wrdreg s4  }
0xaa: {  	[dreg:$0x4] =	wrdreg $0xC0  }
0xab: {  	_ =	task [dreg:s6], $0x5FFFF  }
0xac: {  	[dreg:$0x1] =	wrdreg $0xFFFFFFFF  }
0xad: {  	[dreg:$0x0] =	wrdreg $0x60  }
0xae: {  	[dreg:$0x2] =	wrdreg s24  }
0xaf: {  	[dreg:$0x3] =	wrdreg $0xD0000  }
0xb0: {  	[dreg:$0x4] =	wrdreg $0xA  }
0xb1: {  	_ =	task.clear_ibuf [dreg:s6], $0x5FFFF;
	_ =	strace $0x90000052  }
0xb2: {  	s29 =	simm.s32 $0xA;
	_ =	strace $0x80000054  }
0xb3: {  	_ =	swait.ge [sflag:s29], $0x1  }
0xb4: {  	[sflag:s29] =	ssyncadd.s32 $0xFFFFFFFF  }
0xb5: {  	_ =	strace $0x90000054  }
0xb6: {  	_ =	sfence  }
0xb7: {  	s30 =	sld [smem:$0x0];
	_ =	sdelay $0x2  }
0xb8: {  	s31 =	sshll.u32 s1, $0xD;
	s1 =	sshrl.u32 s1, $0x2  }
0xb9: {  	s3 =	sand.u32 $0x4000, s31;
	s1 =	sadd.s32 s1, s30  }
0xba: {  	s0 =	sor.u32 s3, s0;
	s1 =	sshll.u32 s1, $0x11  }
0xbb: {  	s0 =	sor.u32 s1, s0  }
0xbc: {  	s0 =	sadd.s32 $0x8F2B, s0  }
0xbd: {  	[sflag:s0] =	ssyncadd.remote.s32 $0x1  }
0xbe: {  	_ =	sfence.sel $0xFFFF  }
0xbf: {  	[dreg:$0x0] =	wrdreg $0xFFFFFFFF;
	(pc) =	sbr.abs _section_cstart, $3  }
0xc0: {  	[dreg:$0x1] =	wrdreg $0xFFFFFFFF  }
0xc1: {  	_ =	task.clear_ibuf [dreg:s6], $0x2FFFF;
	_ =	strace $0x9FFFFFFF  }
0xc2: {  	(tm) =	ssettm $0x7FFFFFFF  }
0xc3: {  	_ =	shalt  }
tec
execute0_lowered:
.L_overlay_start_1:
0x0: {  	(tag) =	ssettag $0x1  }
0x1: {  	s0 =	srdreg.scid;
	s5 =	rddreg [dreg:$0x0]  }
0x2: {  	s14 =	stileid.u32;
	s2 =	rddreg [dreg:$0x1];
	s3 =	simm.s32 $0x0  }
0x3: {  	s10 =	simm.s32 $0x9;
	s11 =	simm.s32 $0x2800;
	s12 =	simm.s32 $0x80  }
0x4: {  	s13 =	simm.s32 $0x5000;
	s17 =	simm.s32 $0x1;
	s19 =	simm.s32 $0x9000  }
0x5: {  	s20 =	simm.s32 $0x2;
	s23 =	simm.s32 $0xB000;
	s24 =	simm.s32 $0x3  }
0x6: {  	s29 =	simm.s32 $0x4;
	s31 =	simm.s32 $0x6;
	s18 =	simm.s32 $0x8  }
0x7: {  	s30 =	simm.s32 $0x4F00;
	s21 =	simm.s32 $0x0;
	s0 =	sand.u32 $0x1, s0  }
0x8: {  	s7 =	smul.u32 $0xA000, s14;
	[smem:$0x7FF] =	sst s3;
	s4 =	sadd.s32 $0x95000, s5  }
0x9: {  	s28 =	sshll.u32 s14, $0x6;
	s1 =	sshll.u32 s0, $0x4;
	s6 =	smul.u32 $0xA0000, s0  }
0xa: {  	_ =	strace $0x80000053;
	s0 =	ssub.s32 $0x2, s0;
	s15 =	sor.u32 $0x1C09, s28  }
0xb: {  	s1 =	sor.u32 s14, s1;
	s8 =	sshrl.u32 s7, $0x3;
	s25 =	sshrl.u32 s0, $0x1  }
0xc: {  	s26 =	sadd.s32 s7, s2;
	s14 =	simm.s32 $0x7000;
	s1 =	smul.u32 $0x500, s1  }
0xd: {  	s6 =	sadd.s32 s7, s6;
	s8 =	sadd.s32 s8, s5;
	s0 =	ssub.s32 s0, s25  }
0xe: {  	s16 =	sshrl.u32 s26, $0x3;
	s26 =	simm.s32 $0x5;
	s6 =	sshrl.u32 s6, $0x3  }
0xf: {  	s7 =	sadd.s32 $0xA9000, s8;
	s1 =	sadd.s32 s1, s5;
	s9 =	sadd.s32 s6, s5  }
0x10: {  	s5 =	sadd.s32 $0x3B000, s1;
	s6 =	sadd.s32 $0x3E00, s1;
	s8 =	sadd.s32 $0xBD000, s9  }
0x11: {  	s9 =	smax.u32 s0, $0x1;
	s0 =	simm.s32 $0x7;
	s1 =	simm.s32 $0x4F80  }
.LBB2_1:
0x12: {  	[tilespmem:s3], [sflag:$0x9] =	stream.linear.gather [hbm4b:s5+s3], $0x2800, $0x38;
	[tilespmem:$0x17000] =	vst v63  }
0x13: {  	_ =	swait.ge [sflag:s10], $0x2800  }
0x14: {  	[sflag:s10] =	ssyncset.done $0x0  }
0x15: {  	[sflag:s10] =	ssyncadd.s32 $0xFFFFD800  }
0x16: {  	[tilespmem:s11], [sflag:$0x9] =	stream.linear.gather [hbm4b:s6+s3], $0x2800, $0x38;
	[tilespmem:$0x17000] =	vst v63  }
0x17: {  	_ =	swait.ge [sflag:s10], $0x2800  }
0x18: {  	[sflag:s10] =	ssyncset.done $0x0  }
0x19: {  	[sflag:s10] =	ssyncadd.s32 $0xFFFFD800  }
0x1a: {  	[tilespmem:s13], [sflag:$0x1] =	stream.indirect.gather [hbm4b:s4+s12], $0x40, s3, s12, $0xb8;
	[tilespmem:$0x17000] =	vst v63  }
0x1b: {  	_ = 	snop  }
0x1c: {  	[tilespmem:s14], [sflag:$0x2] =	stream.indirect.gather [hbm4b:s4+s12], $0x40, s12, s12, $0xb8;
	[tilespmem:$0x17000] =	vst v63  }
0x1d: {  	[spmem:s16], [sflag:s15] =	dma.local [hbm:s7], $0x1400  }
0x1e: {  	_ =	swait.ge [sflag:s10], $0x1400  }
0x1f: {  	[sflag:s10] =	ssyncset.done $0x0  }
0x20: {  	[sflag:s10] =	ssyncadd.s32 $0xFFFFEC00  }
0x21: {  	[bflag:$0x0] =	sbarrier.arrive $0xFFFF  }
0x22: {  	_ =	swait.ge [sflag:s17], $0x2000  }
0x23: {  	[sflag:s17] =	ssyncset.done $0x0  }
0x24: {  	[sflag:s17] =	ssyncadd.s32 $0xFFFFE000  }
0x25: {  	[spmem:s2] =	stream.indirect.scatter.add.f32 [tilespmem:s13], [sflag:$0x5], $0x40, s11, s12, $0xb8;
	[tilespmem:$0x17000] =	vst v63  }
0x26: {  	s22 =	simm.s32 $0x100  }
0x27: {  	[tilespmem:s19], [sflag:$0x3] =	stream.indirect.gather [hbm4b:s4+s12], $0x40, s22, s12, $0xb8;
	[tilespmem:$0x17000] =	vst v63  }
0x28: {  	_ =	swait.ge [sflag:s20], $0x2000  }
0x29: {  	[sflag:s20] =	ssyncset.done $0x0  }
0x2a: {  	s28 =	simm.s32 $0x2880;
	[sflag:s20] =	ssyncadd.s32 $0xFFFFE000  }
0x2b: {  	[spmem:s2] =	stream.indirect.scatter.add.f32 [tilespmem:s14], [sflag:$0x6], $0x40, s28, s12, $0xb8;
	[tilespmem:$0x17000] =	vst v63  }
0x2c: {  	s25 =	simm.s32 $0x180  }
0x2d: {  	[tilespmem:s23], [sflag:$0x4] =	stream.indirect.gather [hbm4b:s4+s12], $0x40, s25, s12, $0xb8;
	[tilespmem:$0x17000] =	vst v63  }
0x2e: {  	_ =	swait.ge [sflag:s24], $0x2000  }
0x2f: {  	[sflag:s24] =	ssyncset.done $0x0  }
0x30: {  	s28 =	simm.s32 $0x2900;
	[sflag:s24] =	ssyncadd.s32 $0xFFFFE000  }
0x31: {  	[spmem:s2] =	stream.indirect.scatter.add.f32 [tilespmem:s19], [sflag:$0x7], $0x40, s28, s12, $0xb8;
	[tilespmem:$0x17000] =	vst v63  }
0x32: {  	_ =	swait.ge [sflag:s26], $0x2000  }
0x33: {  	[sflag:s26] =	ssyncset.done $0x0  }
0x34: {  	s25 =	simm.s32 $0x200;
	[sflag:s26] =	ssyncadd.s32 $0xFFFFE000  }
0x35: {  	[tilespmem:s13], [sflag:$0x1] =	stream.indirect.gather [hbm4b:s4+s12], $0x40, s25, s12, $0xb8;
	[tilespmem:$0x17000] =	vst v63  }
0x36: {  	_ =	swait.ge [sflag:s29], $0x2000  }
0x37: {  	[sflag:s29] =	ssyncset.done $0x0  }
0x38: {  	s28 =	simm.s32 $0x2980;
	[sflag:s29] =	ssyncadd.s32 $0xFFFFE000  }
0x39: {  	[spmem:s2] =	stream.indirect.scatter.add.f32 [tilespmem:s23], [sflag:$0x8], $0x40, s28, s12, $0xb8;
	[tilespmem:$0x17000] =	vst v63  }
0x3a: {  	_ =	swait.ge [sflag:s31], $0x2000  }
0x3b: {  	[sflag:s31] =	ssyncset.done $0x0  }
0x3c: {  	s25 =	simm.s32 $0x280;
	[sflag:s31] =	ssyncadd.s32 $0xFFFFE000  }
0x3d: {  	[tilespmem:s14], [sflag:$0x2] =	stream.indirect.gather [hbm4b:s4+s12], $0x40, s25, s12, $0xb8;
	[tilespmem:$0x17000] =	vst v63  }
0x3e: {  	_ =	swait.ge [sflag:s17], $0x2000  }
0x3f: {  	[sflag:s17] =	ssyncset.done $0x0  }
0x40: {  	s28 =	simm.s32 $0x2A00;
	[sflag:s17] =	ssyncadd.s32 $0xFFFFE000  }
0x41: {  	[spmem:s2] =	stream.indirect.scatter.add.f32 [tilespmem:s13], [sflag:$0x5], $0x40, s28, s12, $0xb8;
	[tilespmem:$0x17000] =	vst v63  }
0x42: {  	_ =	swait.ge [sflag:s0], $0x2000  }
0x43: {  	[sflag:s0] =	ssyncset.done $0x0  }
0x44: {  	s25 =	simm.s32 $0x300;
	[sflag:s0] =	ssyncadd.s32 $0xFFFFE000  }
0x45: {  	[tilespmem:s19], [sflag:$0x3] =	stream.indirect.gather [hbm4b:s4+s12], $0x40, s25, s12, $0xb8;
	[tilespmem:$0x17000] =	vst v63  }
0x46: {  	_ =	swait.ge [sflag:s20], $0x2000  }
0x47: {  	[sflag:s20] =	ssyncset.done $0x0  }
0x48: {  	s28 =	simm.s32 $0x2A80;
	[sflag:s20] =	ssyncadd.s32 $0xFFFFE000  }
0x49: {  	[spmem:s2] =	stream.indirect.scatter.add.f32 [tilespmem:s14], [sflag:$0x6], $0x40, s28, s12, $0xb8;
	[tilespmem:$0x17000] =	vst v63  }
0x4a: {  	_ =	swait.ge [sflag:s18], $0x2000  }
0x4b: {  	[sflag:s18] =	ssyncset.done $0x0  }
0x4c: {  	s25 =	simm.s32 $0x380;
	[sflag:s18] =	ssyncadd.s32 $0xFFFFE000  }
0x4d: {  	[tilespmem:s23], [sflag:$0x4] =	stream.indirect.gather [hbm4b:s4+s12], $0x40, s25, s12, $0xb8;
	[tilespmem:$0x17000] =	vst v63  }
0x4e: {  	_ =	swait.ge [sflag:s24], $0x2000  }
0x4f: {  	[sflag:s24] =	ssyncset.done $0x0  }
0x50: {  	s28 =	simm.s32 $0x2B00;
	[sflag:s24] =	ssyncadd.s32 $0xFFFFE000  }
0x51: {  	[spmem:s2] =	stream.indirect.scatter.add.f32 [tilespmem:s19], [sflag:$0x7], $0x40, s28, s12, $0xb8;
	[tilespmem:$0x17000] =	vst v63  }
0x52: {  	_ =	swait.ge [sflag:s26], $0x2000  }
0x53: {  	[sflag:s26] =	ssyncset.done $0x0  }
0x54: {  	s25 =	simm.s32 $0x400;
	[sflag:s26] =	ssyncadd.s32 $0xFFFFE000  }
0x55: {  	[tilespmem:s13], [sflag:$0x1] =	stream.indirect.gather [hbm4b:s4+s12], $0x40, s25, s12, $0xb8;
	[tilespmem:$0x17000] =	vst v63  }
0x56: {  	_ =	swait.ge [sflag:s29], $0x2000  }
0x57: {  	[sflag:s29] =	ssyncset.done $0x0  }
0x58: {  	s28 =	simm.s32 $0x2B80;
	[sflag:s29] =	ssyncadd.s32 $0xFFFFE000  }
0x59: {  	[spmem:s2] =	stream.indirect.scatter.add.f32 [tilespmem:s23], [sflag:$0x8], $0x40, s28, s12, $0xb8;
	[tilespmem:$0x17000] =	vst v63  }
0x5a: {  	_ =	swait.ge [sflag:s31], $0x2000  }
0x5b: {  	[sflag:s31] =	ssyncset.done $0x0  }
0x5c: {  	s22 =	simm.s32 $0x800;
	s25 =	simm.s32 $0x480;
	[sflag:s31] =	ssyncadd.s32 $0xFFFFE000  }
.LBB2_2:
0x5d: {  	[tilespmem:s14], [sflag:$0x2] =	stream.indirect.gather [hbm4b:s4+s12], $0x40, s25, s12, $0xb8;
	[tilespmem:$0x17000] =	vst v63  }
0x5e: {  	s25 =	smov.u32 s22  }
0x5f: {  	p0 =	sne.s32 s22, $0x8800;
	s22 =	sadd.s32 $0x800, s22;
	_ =	swait.ge [sflag:s17], $0x2000  }
0x60: {  	s25 =	sshra.s32 s25, $0x2;
	[sflag:s17] =	ssyncset.done $0x0  }
0x61: {  	s28 =	sadd.s32 $0x2A00, s25;
	[sflag:s17] =	ssyncadd.s32 $0xFFFFE000  }
0x62: {  	[spmem:s2] =	stream.indirect.scatter.add.f32 [tilespmem:s13], [sflag:$0x5], $0x40, s28, s12, $0xb8;
	[tilespmem:$0x17000] =	vst v63  }
0x63: {  	_ =	swait.ge [sflag:s0], $0x2000  }
0x64: {  	[sflag:s0] =	ssyncset.done $0x0  }
0x65: {  	s28 =	sadd.s32 $0x300, s25;
	[sflag:s0] =	ssyncadd.s32 $0xFFFFE000  }
0x66: {  	[tilespmem:s19], [sflag:$0x3] =	stream.indirect.gather [hbm4b:s4+s12], $0x40, s28, s12, $0xb8;
	[tilespmem:$0x17000] =	vst v63  }
0x67: {  	_ =	swait.ge [sflag:s20], $0x2000  }
0x68: {  	[sflag:s20] =	ssyncset.done $0x0  }
0x69: {  	s28 =	sadd.s32 $0x2A80, s25;
	[sflag:s20] =	ssyncadd.s32 $0xFFFFE000  }
0x6a: {  	[spmem:s2] =	stream.indirect.scatter.add.f32 [tilespmem:s14], [sflag:$0x6], $0x40, s28, s12, $0xb8;
	[tilespmem:$0x17000] =	vst v63  }
0x6b: {  	_ =	swait.ge [sflag:s18], $0x2000  }
0x6c: {  	[sflag:s18] =	ssyncset.done $0x0  }
0x6d: {  	s28 =	sadd.s32 $0x380, s25;
	[sflag:s18] =	ssyncadd.s32 $0xFFFFE000  }
0x6e: {  	[tilespmem:s23], [sflag:$0x4] =	stream.indirect.gather [hbm4b:s4+s12], $0x40, s28, s12, $0xb8;
	[tilespmem:$0x17000] =	vst v63  }
0x6f: {  	_ =	swait.ge [sflag:s24], $0x2000  }
0x70: {  	[sflag:s24] =	ssyncset.done $0x0  }
0x71: {  	s28 =	sadd.s32 $0x2B00, s25;
	[sflag:s24] =	ssyncadd.s32 $0xFFFFE000  }
0x72: {  	[spmem:s2] =	stream.indirect.scatter.add.f32 [tilespmem:s19], [sflag:$0x7], $0x40, s28, s12, $0xb8;
	[tilespmem:$0x17000] =	vst v63  }
0x73: {  	_ =	swait.ge [sflag:s26], $0x2000  }
0x74: {  	[sflag:s26] =	ssyncset.done $0x0  }
0x75: {  	s28 =	sadd.s32 $0x400, s25;
	[sflag:s26] =	ssyncadd.s32 $0xFFFFE000  }
0x76: {  	[tilespmem:s13], [sflag:$0x1] =	stream.indirect.gather [hbm4b:s4+s12], $0x40, s28, s12, $0xb8;
	[tilespmem:$0x17000] =	vst v63  }
0x77: {  	_ =	swait.ge [sflag:s29], $0x2000  }
0x78: {  	[sflag:s29] =	ssyncset.done $0x0  }
.Ltmp0:
0x79: {  	s28 =	sadd.s32 $0x2B80, s25;
	[sflag:s29] =	ssyncadd.s32 $0xFFFFE000;
	(pc) =	sbr.rel @p0 .LBB2_2-.Ltmp0, $4  }
0x7a: {  	[spmem:s2] =	stream.indirect.scatter.add.f32 [tilespmem:s23], [sflag:$0x8], $0x40, s28, s12, $0xb8;
	[tilespmem:$0x17000] =	vst v63  }
0x7b: {  	_ =	swait.ge [sflag:s31], $0x2000  }
0x7c: {  	[sflag:s31] =	ssyncset.done $0x0  }
0x7d: {  	s25 =	sadd.s32 $0x480, s25;
	[sflag:s31] =	ssyncadd.s32 $0xFFFFE000  }
0x7e: {  	[tilespmem:s14], [sflag:$0x2] =	stream.indirect.gather [hbm4b:s4+s12], $0x40, s25, s12, $0xb8;
	[tilespmem:$0x17000] =	vst v63  }
0x7f: {  	_ =	swait.ge [sflag:s17], $0x2000  }
0x80: {  	[sflag:s17] =	ssyncset.done $0x0  }
0x81: {  	s22 =	simm.s32 $0x4E00;
	[sflag:s17] =	ssyncadd.s32 $0xFFFFE000  }
0x82: {  	[spmem:s2] =	stream.indirect.scatter.add.f32 [tilespmem:s13], [sflag:$0x5], $0x40, s22, s12, $0xb8;
	[tilespmem:$0x17000] =	vst v63  }
0x83: {  	_ =	swait.ge [sflag:s0], $0x2000  }
0x84: {  	[sflag:s0] =	ssyncset.done $0x0  }
0x85: {  	s28 =	simm.s32 $0x2700;
	[sflag:s0] =	ssyncadd.s32 $0xFFFFE000  }
0x86: {  	[tilespmem:s19], [sflag:$0x3] =	stream.indirect.gather [hbm4b:s4+s12], $0x40, s28, s12, $0xb8;
	[tilespmem:$0x17000] =	vst v63  }
0x87: {  	_ =	swait.ge [sflag:s20], $0x2000  }
0x88: {  	[sflag:s20] =	ssyncset.done $0x0  }
0x89: {  	s25 =	simm.s32 $0x4E80;
	[sflag:s20] =	ssyncadd.s32 $0xFFFFE000  }
0x8a: {  	[spmem:s2] =	stream.indirect.scatter.add.f32 [tilespmem:s14], [sflag:$0x6], $0x40, s25, s12, $0xb8;
	[tilespmem:$0x17000] =	vst v63  }
0x8b: {  	_ =	swait.ge [sflag:s18], $0x2000  }
0x8c: {  	[sflag:s18] =	ssyncset.done $0x0  }
0x8d: {  	s28 =	simm.s32 $0x2780;
	[sflag:s18] =	ssyncadd.s32 $0xFFFFE000  }
0x8e: {  	[tilespmem:s23], [sflag:$0x4] =	stream.indirect.gather [hbm4b:s4+s12], $0x40, s28, s12, $0xb8;
	[tilespmem:$0x17000] =	vst v63  }
0x8f: {  	_ =	swait.ge [sflag:s24], $0x2000  }
0x90: {  	[sflag:s24] =	ssyncset.done $0x0  }
0x91: {  	[sflag:s24] =	ssyncadd.s32 $0xFFFFE000  }
0x92: {  	[spmem:s2] =	stream.indirect.scatter.add.f32 [tilespmem:s19], [sflag:$0x7], $0x40, s30, s12, $0xb8;
	[tilespmem:$0x17000] =	vst v63  }
0x93: {  	_ =	swait.ge [sflag:s29], $0x2000  }
0x94: {  	[sflag:s29] =	ssyncset.done $0x0  }
0x95: {  	[sflag:s29] =	ssyncadd.s32 $0xFFFFE000  }
0x96: {  	[spmem:s2] =	stream.indirect.scatter.add.f32 [tilespmem:s23], [sflag:$0x8], $0x40, s1, s12, $0xb8;
	[tilespmem:$0x17000] =	vst v63  }
0x97: {  	_ =	swait.ge [sflag:s26], $0x2000  }
0x98: {  	[sflag:s26] =	ssyncset.done $0x0  }
0x99: {  	[sflag:s26] =	ssyncadd.s32 $0xFFFFE000  }
0x9a: {  	_ =	swait.ge [sflag:s31], $0x2000  }
0x9b: {  	[sflag:s31] =	ssyncset.done $0x0  }
0x9c: {  	[sflag:s31] =	ssyncadd.s32 $0xFFFFE000  }
0x9d: {  	_ =	swait.ge [sflag:s0], $0x2000  }
0x9e: {  	[sflag:s0] =	ssyncset.done $0x0  }
0x9f: {  	[sflag:s0] =	ssyncadd.s32 $0xFFFFE000  }
0xa0: {  	_ =	swait.ge [sflag:s18], $0x2000  }
0xa1: {  	s21 =	sadd.s32 $0x1, s21;
	[sflag:s18] =	ssyncset.done $0x0  }
0xa2: {  	p0 =	sne.s32 s21, s9;
	[sflag:s18] =	ssyncadd.s32 $0xFFFFE000  }
.Ltmp1:
0xa3: {  	[bflag:$0x0] =	sbarrier.arrive $0xFFFF;
	(pc) =	sbr.rel @p0 .LBB2_1-.Ltmp1, $4  }
0xa4: {  	[hbm:s8], [sflag:s15] =	dma.local [spmem:s16], $0x1400  }
0xa5: {  	_ =	swait.ge [sflag:s10], $0x1400  }
0xa6: {  	[sflag:s10] =	ssyncset.done $0x0  }
0xa7: {  	[sflag:s10] =	ssyncadd.s32 $0xFFFFEC00  }
0xa8: {  	_ =	sfence.sel $0x180000  }
0xa9: {  	[bflag:$0x0] =	sbarrier.arrive $0xFFFF  }
0xaa: {  	_ =	strace $0x90000053  }
0xab: {  	s0 =	stileid.u32;
	[bflag:$0x2] =	sbarrier.arrive $0xFFFF  }
0xac: {  	p0 =	sne.s32 s0, $0x0;
	s0 =	rddreg [dreg:$0x2]  }
0xad: {  	s0 =	sadd.s32 @!p0 $0x100000, s0  }
0xae: {  	[sflag:s0] =	ssyncadd.tile.s32 @!p0 $0x1;
	_ =	shalt  }
.Lfunc_end2:
_tile_overlayer_lowered:
.L_overlay_start_2:
0xaf: {  	(tag) =	ssettag $0x2  }
0xb0: {  	s0 =	rddreg [dreg:$0x0];
	s2 =	stileid.u32  }
0xb1: {  	s1 =	rddreg [dreg:$0x1];
	p0 =	sne.s32 s2, $0x0  }
0xb2: {  	s3 =	rddreg [dreg:$0x2];
	[bflag:$0x3] =	sbarrier.arrive $0xFFFF;
	s2 =	simm.s32 @!p0 $0x1C09  }
0xb3: {  	[timem:s3], [sflag:s2] =	dma.local @!p0 [hbm:s0], s1  }
0xb4: {  	s0 =	simm.s32 @!p0 $0x9  }
0xb5: {  	_ =	swait.ge @!p0 [sflag:s0], s1  }
0xb6: {  	s1 =	ssub.s32 @!p0 $0x0, s1;
	[sflag:s0] =	ssyncset.done @!p0 $0x0  }
0xb7: {  	[sflag:s0] =	ssyncadd.s32 @!p0 s1  }
0xb8: {  	[bflag:$0x3] =	sbarrier.arrive $0xFFFF  }
0xb9: {  	_ =	shalt  }

</sc_bundles>
